<compile_context>
chip_gen: v7x
topology: tpu7x:2x2x1
jax: 0.10.2.dev20260603
libtpu: 0.0.44.dev20260713+nightly
codegen_flags: <defaults>
</compile_context>

<pallas_src>
import functools

import jax
import jax.numpy as jnp
from jax import lax
from jax.experimental import pallas as pl
from jax.experimental.pallas import tpu as pltpu
from jax.experimental.pallas import tpu_sc as plsc

NC = 2
NS = 16
L = 16
NW = NC * NS

BN_EPS = 1e-5


def _tc_idx(xt, off_step, B, F, CH):

    def body(xt_ref, out_ref):
        for h in range(2):
            for f in range(F):
                out_ref[pl.ds(h * F * CH + f * CH, CH)] = (
                    xt_ref[f, pl.ds(h * CH, CH)] + (off_step * f))

    return pl.pallas_call(
        body,
        grid=(B // (2 * CH),),
        in_specs=[pl.BlockSpec((F, 2 * CH), lambda c: (0, c))],
        out_specs=pl.BlockSpec((2 * F * CH,), lambda c: (c,)),
        out_shape=jax.ShapeDtypeStruct((B * F,), jnp.int32),
    )(xt)


def _sc_relayout(emb_t, tail2d, V, D):
    BV = 1024
    NB = V // BV
    TAIL = V - NB * BV
    R = V * D // 128

    mesh = plsc.VectorSubcoreMesh(core_axis_name="c", subcore_axis_name="s")

    @functools.partial(
        pl.kernel,
        out_type=jax.ShapeDtypeStruct((R, 128), jnp.float32),
        mesh=mesh,
        scratch_types=[
            pltpu.VMEM((D, BV), jnp.float32),
            pltpu.VMEM((D, BV), jnp.float32),
            pltpu.VMEM((BV * D // 128, 128), jnp.float32),
            pltpu.VMEM((BV * D // 128, 128), jnp.float32),
            pltpu.SemaphoreType.DMA,
            pltpu.SemaphoreType.DMA,
            pltpu.SemaphoreType.DMA,
            pltpu.SemaphoreType.DMA,
        ],
        compiler_params=pltpu.CompilerParams(use_tc_tiling_on_sc=True,
                                            needs_layout_passes=False),
    )
    def k(src, tail, dst, in_v0, in_v1, out_v0, out_v1,
          sem0, sem1, osem0, osem1):
        wid = lax.axis_index("s") * NC + lax.axis_index("c")
        lane = lax.iota(jnp.int32, L)
        nblk = (NB - wid + NW - 1) // NW
        lanepk = [(lane + k) & 15 for k in range(L)]
        cok = [((p & 7) << 4) + lane for p in lanepk]
        ins = (in_v0, in_v1)
        sems = (sem0, sem1)
        outs = (out_v0, out_v1)
        osems = (osem0, osem1)
        RB = BV * D // 128

        def start_in(j, buf):
            @pl.when(j < nblk)
            def _():
                b = wid + j * NW
                pltpu.async_copy(src.at[:, pl.ds(b * BV, BV)], ins[buf],
                                 sems[buf])

        def phase(j, buf):
            @pl.when(j < nblk)
            def _():
                b = wid + j * NW
                pltpu.make_async_copy(src.at[:, pl.ds(b * BV, BV)],
                                      ins[buf], sems[buf]).wait()

                @pl.when(j >= 2)
                def _wait_out():
                    bo = wid + (j - 2) * NW
                    pltpu.make_async_copy(
                        outs[buf], dst.at[pl.ds(bo * RB, RB)],
                        osems[buf]).wait()

                def grp_body(g, _):
                    vbase = jnp.broadcast_to(g * L, (L,))
                    for k in range(L):
                        vv = vbase + lanepk[k]
                        val = plsc.load_gather(ins[buf], [lane, vv])
                        plsc.store_scatter(outs[buf], [vv >> 3, cok[k]],
                                           val)
                    return 0

                lax.fori_loop(0, BV // L, grp_body, 0, unroll=4)
                pltpu.async_copy(outs[buf], dst.at[pl.ds(b * RB, RB)],
                                 osems[buf])

        start_in(0, 0)

        def blk2(j2, _):
            j = j2 * 2
            start_in(j + 1, 1)
            phase(j, 0)
            start_in(j + 2, 0)
            phase(j + 1, 1)
            return 0

        lax.fori_loop(0, (NB + NW - 1) // NW // 2 + 1, blk2, 0,
                      unroll=False)

        for bfs in range(2):
            @pl.when(nblk > bfs)
            def _drain(bfs=bfs):
                jl = ((nblk - 1 - bfs) // 2) * 2 + bfs
                bo = wid + jl * NW
                pltpu.make_async_copy(outs[bfs],
                                      dst.at[pl.ds(bo * RB, RB)],
                                      osems[bfs]).wait()

        if TAIL:
            @pl.when(wid == 0)
            def _tail():
                pltpu.sync_copy(tail, dst.at[pl.ds(NB * (BV * D // 128),
                                                   TAIL * D // 128)])

    return k(emb_t, tail2d)


def _sc_pool(idx_flat, emb_table, lin_flat, B, F, D, CH):
    b_per_w = B // NW
    n_chunks = b_per_w // CH
    GF = CH * F

    mesh = plsc.VectorSubcoreMesh(core_axis_name="c", subcore_axis_name="s")

    @functools.partial(
        pl.kernel,
        out_type=[
            jax.ShapeDtypeStruct((B, D), jnp.float32),
            jax.ShapeDtypeStruct((B,), jnp.float32),
        ],
        mesh=mesh,
        scratch_types=[
            pltpu.VMEM((GF,), jnp.int32),
            pltpu.VMEM((GF, D), jnp.float32),
            pltpu.VMEM((GF,), jnp.float32),
            pltpu.VMEM((CH, D), jnp.float32),
            pltpu.VMEM((CH,), jnp.float32),
            pltpu.SemaphoreType.DMA,
            pltpu.SemaphoreType.DMA,
        ],
        compiler_params=pltpu.CompilerParams(use_tc_tiling_on_sc=False),
    )
    def k(idx_hbm, emb_hbm, lin_hbm, cross_out, lin_out,
          idx_v, rows_v, lin_v, cross_v, linsum_v, sem_e, sem_l):
        wid = lax.axis_index("s") * NC + lax.axis_index("c")
        base = wid * b_per_w

        def chunk_body(c, _):
            row0 = base + c * CH
            pltpu.sync_copy(idx_hbm.at[pl.ds(row0 * F, GF)], idx_v)
            ce = pltpu.async_copy(emb_hbm.at[idx_v], rows_v, sem_e)
            cl = pltpu.async_copy(lin_hbm.at[idx_v], lin_v, sem_l)
            ce.wait()

            def row_body(i, _):
                s = rows_v[i]
                q = s * s
                for f in range(1, F):
                    r = rows_v[f * CH + i]
                    s = s + r
                    q = q + r * r
                cross_v[i] = 0.5 * (s * s - q)
                return 0

            lax.fori_loop(0, CH, row_body, 0, unroll=False)
            cl.wait()

            def grp_body(g, _):
                acc = lin_v[pl.ds(g * L, L)]
                for f in range(1, F):
                    acc = acc + lin_v[pl.ds(f * CH + g * L, L)]
                linsum_v[pl.ds(g * L, L)] = acc
                return 0

            lax.fori_loop(0, CH // L, grp_body, 0, unroll=False)

            pltpu.sync_copy(cross_v, cross_out.at[pl.ds(row0, CH)])
            pltpu.sync_copy(linsum_v, lin_out.at[pl.ds(row0, CH)])
            return 0

        lax.fori_loop(0, n_chunks, chunk_body, 0, unroll=False)

    return k(idx_flat, emb_table, lin_flat)


def _tc_mlp(cross, lin, W1f, b1f, W2t, c0, B, D, H):
    BS = 2048

    def body(cross_ref, lin_ref, w1_ref, b1_ref, w2_ref, c_ref, out_ref):
        h = jnp.dot(cross_ref[...], w1_ref[...],
                    preferred_element_type=jnp.float32) + b1_ref[...]
        h = jnp.maximum(h, 0.0)
        o = jnp.sum(h * w2_ref[...], axis=1)
        out_ref[...] = o + lin_ref[...] + c_ref[0]

    return pl.pallas_call(
        body,
        grid=(B // BS,),
        in_specs=[
            pl.BlockSpec((BS, D), lambda i: (i, 0)),
            pl.BlockSpec((BS,), lambda i: (i,)),
            pl.BlockSpec((D, H), lambda i: (0, 0)),
            pl.BlockSpec((1, H), lambda i: (0, 0)),
            pl.BlockSpec((1, H), lambda i: (0, 0)),
            pl.BlockSpec(memory_space=pltpu.SMEM),
        ],
        out_specs=pl.BlockSpec((BS,), lambda i: (i,)),
        out_shape=jax.ShapeDtypeStruct((B,), jnp.float32),
    )(cross, lin, W1f, b1f, W2t, c0)


def kernel(x, emb_table, lin_table, lin_bias, bn_fm_gamma, bn_fm_beta,
           W1, b1, bn1_gamma, bn1_beta, W2, b2):
    B, F = x.shape
    V, D = emb_table.shape
    H = W1.shape[1]

    idx_flat = _tc_idx(x.T, V // F, B, F, CH=256)

    ntail = V % 1024
    tail2d = emb_table[V - ntail:, :].reshape(ntail * D // 128, 128)
    emb_lin = _sc_relayout(emb_table.T, tail2d, V, D).reshape(V, D)

    cross, lin = _sc_pool(idx_flat, emb_lin, lin_table.reshape(-1), B, F, D,
                          CH=256)

    inv = 1.0 / jnp.sqrt(1.0 + BN_EPS)
    g0 = bn_fm_gamma * inv
    g1 = bn1_gamma * inv
    W1f = (g0[:, None] * W1) * g1[None, :]
    b1f = ((bn_fm_beta @ W1 + b1) * g1 + bn1_beta)[None, :]
    W2t = W2.reshape(1, H)
    c0 = (b2 + lin_bias).reshape(1)

    return _tc_mlp(cross, lin, W1f, b1f, W2t, c0, B, D, H)

# --- scband reference (transcript-rebuilt; emitter-appended) ---
"""Pipeline reference for scband-nfm-40759239639139 (READ-ONLY COPY).

The authoritative reference and input builder live on the scoring server;
editing this copy changes nothing except your own understanding.
"""

import jax, jax.numpy as jnp
import numpy as np

FIELD_DIMS = [100000] * 26
EMBED_DIM = 16
MLP_DIM = 64
BATCH = 16384
BN_EPS = 1e-5


def setup_inputs(seed: int = 0) -> dict:
    key = jax.random.key(seed)
    ks = jax.random.split(key, 12)
    total = sum(FIELD_DIMS)
    x = jax.random.randint(ks[0], (BATCH, len(FIELD_DIMS)), 0, 100000, dtype=jnp.int32)
    emb_table = jax.random.normal(ks[1], (total, EMBED_DIM), dtype=jnp.float32) * 0.01
    lin_table = jax.random.normal(ks[2], (total, 1), dtype=jnp.float32) * 0.01
    lin_bias = jnp.zeros((1,), dtype=jnp.float32)
    bn_fm_gamma = jnp.ones((EMBED_DIM,), dtype=jnp.float32)
    bn_fm_beta = jnp.zeros((EMBED_DIM,), dtype=jnp.float32)
    W1 = jax.random.normal(ks[3], (EMBED_DIM, MLP_DIM), dtype=jnp.float32) * (1.0 / np.sqrt(EMBED_DIM))
    b1 = jnp.zeros((MLP_DIM,), dtype=jnp.float32)
    bn1_gamma = jnp.ones((MLP_DIM,), dtype=jnp.float32)
    bn1_beta = jnp.zeros((MLP_DIM,), dtype=jnp.float32)
    W2 = jax.random.normal(ks[4], (MLP_DIM, 1), dtype=jnp.float32) * (1.0 / np.sqrt(MLP_DIM))
    b2 = jnp.zeros((1,), dtype=jnp.float32)
    return {
        "x": x,
        "emb_table": emb_table,
        "lin_table": lin_table,
        "lin_bias": lin_bias,
        "bn_fm_gamma": bn_fm_gamma,
        "bn_fm_beta": bn_fm_beta,
        "W1": W1,
        "b1": b1,
        "bn1_gamma": bn1_gamma,
        "bn1_beta": bn1_beta,
        "W2": W2,
        "b2": b2,
    }


def reference(x, emb_table, lin_table, lin_bias, bn_fm_gamma, bn_fm_beta, W1, b1, bn1_gamma, bn1_beta, W2, b2):
    # FeaturesEmbedding: per-field offsets into a single concatenated table
    offsets = jnp.asarray(np.concatenate(([0], np.cumsum(FIELD_DIMS)[:-1])), dtype=x.dtype)
    idx = x + offsets[None, :]
    emb = jnp.take(emb_table, idx, axis=0)  # (B, F, D) -- SparseCore gather
    # FactorizationMachine(reduce_sum=False): 0.5 * ((sum e)^2 - sum e^2)
    sum_emb = jnp.sum(emb, axis=1)
    sum_sq = jnp.sum(emb * emb, axis=1)
    cross = 0.5 * (sum_emb * sum_emb - sum_sq)  # (B, D)
    # BatchNorm1d (eval mode: running_mean=0, running_var=1) + Dropout (identity in eval)
    cross = cross / jnp.sqrt(1.0 + BN_EPS) * bn_fm_gamma + bn_fm_beta
    # MLP: Linear -> BN -> ReLU -> Dropout -> Linear(.,1)
    h = cross @ W1 + b1
    h = h / jnp.sqrt(1.0 + BN_EPS) * bn1_gamma + bn1_beta
    h = jnp.maximum(h, 0.0)
    mlp_out = h @ W2 + b2  # (B, 1)
    # FeaturesLinear: sum of 1-d embeddings + bias
    lin = jnp.sum(jnp.take(lin_table, idx, axis=0), axis=1) + lin_bias  # (B, 1)
    out = lin + mlp_out
    return jnp.squeeze(out, axis=1)

if __name__ == "__main__":
    import jax
    _d = setup_inputs()
    print(jax.jit(kernel)(*tuple(_d.values())))

</pallas_src>

<mosaic_0001>
#map = affine_map<(d0, d1) -> (0)>
#map1 = affine_map<(d0, d1) -> (0, 0)>
module attributes {stable_mosaic.version = 14 : i64} {
  func.func @k(%arg0: i32, %arg1: i32, %arg2: memref<425984xi32, #tpu.memory_space<hbm>>, %arg3: memref<2600000x16xf32, #tpu.memory_space<hbm>>, %arg4: memref<2600000xf32, #tpu.memory_space<hbm>>, %arg5: memref<16384x16xf32, #tpu.memory_space<hbm>>, %arg6: memref<16384xf32, #tpu.memory_space<hbm>>, %arg7: memref<6656xi32, #tpu.memory_space<vmem>>, %arg8: memref<6656x16xf32, #tpu.memory_space<vmem>>, %arg9: memref<6656xf32, #tpu.memory_space<vmem>>, %arg10: memref<256x16xf32, #tpu.memory_space<vmem>>, %arg11: memref<256xf32, #tpu.memory_space<vmem>>, %arg12: memref<!tpu.dma_semaphore, #tpu.memory_space<semaphore_mem>>, %arg13: memref<!tpu.dma_semaphore, #tpu.memory_space<semaphore_mem>>) attributes {dimension_semantics = [#tpu.dimension_semantics<core_parallel>, #tpu.dimension_semantics<subcore_parallel>], iteration_bounds = array<i64: 2, 16>, scalar_prefetch = 0 : i64, scratch_operands = 7 : i64, tpu.core_type = #tpu.core_type<sc_vector_subcore>, window_params = [{transform_indices = #map}, {transform_indices = #map1}, {transform_indices = #map}, {transform_indices = #map1}, {transform_indices = #map}]} {
    %mul3A = arith.constant 2 : i32
    %mul3A_0 = arith.muli %arg1, %mul3A : i32
    %add3A = arith.addi %mul3A_0, %arg0 : i32
    %mul3A_1 = arith.constant 512 : i32
    %mul3A_2 = arith.muli %add3A, %mul3A_1 : i32
    %scan3A = arith.constant 0 : i32
    %scan3A_3 = arith.constant 0 : i32
    %scan3A_4 = arith.constant 2 : i32
    %scan3A_5 = arith.addi %scan3A_3, %scan3A_4 : i32
    %scan3A_6 = arith.constant 1 : i32
    %scan3A_7 = scf.for %scan3A_9 = %scan3A_3 to %scan3A_5 step %scan3A_6 iter_args(%scan3A_10 = %scan3A) -> (i32)  : i32 {
      %mul3A_11 = arith.constant 256 : i32
      %mul3A_12 = arith.muli %scan3A_9, %mul3A_11 : i32
      %add3A_13 = arith.addi %mul3A_2, %mul3A_12 : i32
      %mul3A_14 = arith.constant 26 : i32
      %mul3A_15 = arith.muli %add3A_13, %mul3A_14 : i32
      "tpu.region"() ({
        %run_scoped3A = tpu.sem_alloc : memref<!tpu.dma_semaphore, #tpu.memory_space<semaphore_mem>>
        %dma_start3A_39 = tpu.memref_slice %arg2[%mul3A_15] : memref<425984xi32, #tpu.memory_space<hbm>> -> memref<6656xi32, #tpu.memory_space<hbm>>
        %dma_start3A_40 = tpu.memref_slice %arg2[%mul3A_15] : memref<425984xi32, #tpu.memory_space<hbm>> -> memref<6656xi32, #tpu.memory_space<hbm>>
        tpu.enqueue_dma source(%dma_start3A_40 : memref<6656xi32, #tpu.memory_space<hbm>>) target(%arg7 : memref<6656xi32, #tpu.memory_space<vmem>>) target_semaphore(%run_scoped3A : memref<!tpu.dma_semaphore, #tpu.memory_space<semaphore_mem>>)
        %dma_wait3A_41 = tpu.memref_slice %arg2[%mul3A_15] : memref<425984xi32, #tpu.memory_space<hbm>> -> memref<6656xi32, #tpu.memory_space<hbm>>
        %dma_wait3A_42 = tpu.memref_slice %arg2[%mul3A_15] : memref<425984xi32, #tpu.memory_space<hbm>> -> memref<6656xi32, #tpu.memory_space<hbm>>
        tpu.wait_dma2 semaphore(%run_scoped3A : memref<!tpu.dma_semaphore, #tpu.memory_space<semaphore_mem>>) src(%dma_wait3A_42 : memref<6656xi32, #tpu.memory_space<hbm>>) dst(%arg7 : memref<6656xi32, #tpu.memory_space<vmem>>)
        tpu.yield
      }) : () -> ()
      %dma_start3A = arith.constant 0 : i32
      %dma_start3A_16 = arith.constant 0 : i32
      %dma_start3A_17 = tpu.memref_slice %arg3[%dma_start3A, %dma_start3A_16] : memref<2600000x16xf32, #tpu.memory_space<hbm>> -> memref<2600000x16xf32, #tpu.memory_space<hbm>>
      tpu.enqueue_indirect_dma source(%dma_start3A_17 : memref<2600000x16xf32, #tpu.memory_space<hbm>>) target(%arg8 : memref<6656x16xf32, #tpu.memory_space<vmem>>) offsets(%arg7 : memref<6656xi32, #tpu.memory_space<vmem>>) semaphore(%arg12 : memref<!tpu.dma_semaphore, #tpu.memory_space<semaphore_mem>>)
      %dma_start3A_18 = arith.constant 0 : i32
      %dma_start3A_19 = tpu.memref_slice %arg4[%dma_start3A_18] : memref<2600000xf32, #tpu.memory_space<hbm>> -> memref<2600000xf32, #tpu.memory_space<hbm>>
      tpu.enqueue_indirect_dma source(%dma_start3A_19 : memref<2600000xf32, #tpu.memory_space<hbm>>) target(%arg9 : memref<6656xf32, #tpu.memory_space<vmem>>) offsets(%arg7 : memref<6656xi32, #tpu.memory_space<vmem>>) semaphore(%arg13 : memref<!tpu.dma_semaphore, #tpu.memory_space<semaphore_mem>>)
      %dma_wait3A = arith.constant 0 : i32
      %dma_wait3A_20 = arith.constant 0 : i32
      %dma_wait3A_21 = tpu.memref_slice %arg3[%dma_wait3A, %dma_wait3A_20] : memref<2600000x16xf32, #tpu.memory_space<hbm>> -> memref<2600000x16xf32, #tpu.memory_space<hbm>>
      tpu.wait_indirect_dma semaphore(%arg12 : memref<!tpu.dma_semaphore, #tpu.memory_space<semaphore_mem>>) src(%dma_wait3A_21 : memref<2600000x16xf32, #tpu.memory_space<hbm>>) dst(%arg8 : memref<6656x16xf32, #tpu.memory_space<vmem>>)
      %scan3A_22 = arith.constant 0 : i32
      %scan3A_23 = arith.constant 0 : i32
      %scan3A_24 = arith.constant 256 : i32
      %scan3A_25 = arith.addi %scan3A_23, %scan3A_24 : i32
      %scan3A_26 = arith.constant 1 : i32
      %scan3A_27 = scf.for %scan3A_39 = %scan3A_23 to %scan3A_25 step %scan3A_26 iter_args(%scan3A_40 = %scan3A_22) -> (i32)  : i32 {
        %get3A = arith.index_cast %scan3A_39 : i32 to index
        %get3A_41 = arith.constant 0 : index
        %get3A_42 = tpu.vector_load %arg8[%get3A, %get3A_41] {strides = array<i32>} : memref<6656x16xf32, #tpu.memory_space<vmem>>, vector<1x16xf32>,
        %get3A_43 = vector.shape_cast %get3A_42 : vector<1x16xf32> to vector<16xf32>
        %mul3A_44 = arith.mulf %get3A_43, %get3A_43 : vector<16xf32>
        %add3A_45 = arith.constant 256 : i32
        %add3A_46 = arith.addi %add3A_45, %scan3A_39 : i32
        %get3A_47 = arith.index_cast %add3A_46 : i32 to index
        %get3A_48 = arith.constant 0 : index
        %get3A_49 = tpu.vector_load %arg8[%get3A_47, %get3A_48] {strides = array<i32>} : memref<6656x16xf32, #tpu.memory_space<vmem>>, vector<1x16xf32>,
        %get3A_50 = vector.shape_cast %get3A_49 : vector<1x16xf32> to vector<16xf32>
        %add3A_51 = arith.addf %get3A_43, %get3A_50 : vector<16xf32>
        %mul3A_52 = arith.mulf %get3A_50, %get3A_50 : vector<16xf32>
        %add3A_53 = arith.addf %mul3A_44, %mul3A_52 : vector<16xf32>
        %add3A_54 = arith.constant 512 : i32
        %add3A_55 = arith.addi %add3A_54, %scan3A_39 : i32
        %get3A_56 = arith.index_cast %add3A_55 : i32 to index
        %get3A_57 = arith.constant 0 : index
        %get3A_58 = tpu.vector_load %arg8[%get3A_56, %get3A_57] {strides = array<i32>} : memref<6656x16xf32, #tpu.memory_space<vmem>>, vector<1x16xf32>,
        %get3A_59 = vector.shape_cast %get3A_58 : vector<1x16xf32> to vector<16xf32>
        %add3A_60 = arith.addf %add3A_51, %get3A_59 : vector<16xf32>
        %mul3A_61 = arith.mulf %get3A_59, %get3A_59 : vector<16xf32>
        %add3A_62 = arith.addf %add3A_53, %mul3A_61 : vector<16xf32>
        %add3A_63 = arith.constant 768 : i32
        %add3A_64 = arith.addi %add3A_63, %scan3A_39 : i32
        %get3A_65 = arith.index_cast %add3A_64 : i32 to index
        %get3A_66 = arith.constant 0 : index
        %get3A_67 = tpu.vector_load %arg8[%get3A_65, %get3A_66] {strides = array<i32>} : memref<6656x16xf32, #tpu.memory_space<vmem>>, vector<1x16xf32>,
        %get3A_68 = vector.shape_cast %get3A_67 : vector<1x16xf32> to vector<16xf32>
        %add3A_69 = arith.addf %add3A_60, %get3A_68 : vector<16xf32>
        %mul3A_70 = arith.mulf %get3A_68, %get3A_68 : vector<16xf32>
        %add3A_71 = arith.addf %add3A_62, %mul3A_70 : vector<16xf32>
        %add3A_72 = arith.constant 1024 : i32
        %add3A_73 = arith.addi %add3A_72, %scan3A_39 : i32
        %get3A_74 = arith.index_cast %add3A_73 : i32 to index
        %get3A_75 = arith.constant 0 : index
        %get3A_76 = tpu.vector_load %arg8[%get3A_74, %get3A_75] {strides = array<i32>} : memref<6656x16xf32, #tpu.memory_space<vmem>>, vector<1x16xf32>,
        %get3A_77 = vector.shape_cast %get3A_76 : vector<1x16xf32> to vector<16xf32>
        %add3A_78 = arith.addf %add3A_69, %get3A_77 : vector<16xf32>
        %mul3A_79 = arith.mulf %get3A_77, %get3A_77 : vector<16xf32>
        %add3A_80 = arith.addf %add3A_71, %mul3A_79 : vector<16xf32>
        %add3A_81 = arith.constant 1280 : i32
        %add3A_82 = arith.addi %add3A_81, %scan3A_39 : i32
        %get3A_83 = arith.index_cast %add3A_82 : i32 to index
        %get3A_84 = arith.constant 0 : index
        %get3A_85 = tpu.vector_load %arg8[%get3A_83, %get3A_84] {strides = array<i32>} : memref<6656x16xf32, #tpu.memory_space<vmem>>, vector<1x16xf32>,
        %get3A_86 = vector.shape_cast %get3A_85 : vector<1x16xf32> to vector<16xf32>
        %add3A_87 = arith.addf %add3A_78, %get3A_86 : vector<16xf32>
        %mul3A_88 = arith.mulf %get3A_86, %get3A_86 : vector<16xf32>
        %add3A_89 = arith.addf %add3A_80, %mul3A_88 : vector<16xf32>
        %add3A_90 = arith.constant 1536 : i32
        %add3A_91 = arith.addi %add3A_90, %scan3A_39 : i32
        %get3A_92 = arith.index_cast %add3A_91 : i32 to index
        %get3A_93 = arith.constant 0 : index
        %get3A_94 = tpu.vector_load %arg8[%get3A_92, %get3A_93] {strides = array<i32>} : memref<6656x16xf32, #tpu.memory_space<vmem>>, vector<1x16xf32>,
        %get3A_95 = vector.shape_cast %get3A_94 : vector<1x16xf32> to vector<16xf32>
        %add3A_96 = arith.addf %add3A_87, %get3A_95 : vector<16xf32>
        %mul3A_97 = arith.mulf %get3A_95, %get3A_95 : vector<16xf32>
        %add3A_98 = arith.addf %add3A_89, %mul3A_97 : vector<16xf32>
        %add3A_99 = arith.constant 1792 : i32
        %add3A_100 = arith.addi %add3A_99, %scan3A_39 : i32
        %get3A_101 = arith.index_cast %add3A_100 : i32 to index
        %get3A_102 = arith.constant 0 : index
        %get3A_103 = tpu.vector_load %arg8[%get3A_101, %get3A_102] {strides = array<i32>} : memref<6656x16xf32, #tpu.memory_space<vmem>>, vector<1x16xf32>,
        %get3A_104 = vector.shape_cast %get3A_103 : vector<1x16xf32> to vector<16xf32>
        %add3A_105 = arith.addf %add3A_96, %get3A_104 : vector<16xf32>
        %mul3A_106 = arith.mulf %get3A_104, %get3A_104 : vector<16xf32>
        %add3A_107 = arith.addf %add3A_98, %mul3A_106 : vector<16xf32>
        %add3A_108 = arith.constant 2048 : i32
        %add3A_109 = arith.addi %add3A_108, %scan3A_39 : i32
        %get3A_110 = arith.index_cast %add3A_109 : i32 to index
        %get3A_111 = arith.constant 0 : index
        %get3A_112 = tpu.vector_load %arg8[%get3A_110, %get3A_111] {strides = array<i32>} : memref<6656x16xf32, #tpu.memory_space<vmem>>, vector<1x16xf32>,
        %get3A_113 = vector.shape_cast %get3A_112 : vector<1x16xf32> to vector<16xf32>
        %add3A_114 = arith.addf %add3A_105, %get3A_113 : vector<16xf32>
        %mul3A_115 = arith.mulf %get3A_113, %get3A_113 : vector<16xf32>
        %add3A_116 = arith.addf %add3A_107, %mul3A_115 : vector<16xf32>
        %add3A_117 = arith.constant 2304 : i32
        %add3A_118 = arith.addi %add3A_117, %scan3A_39 : i32
        %get3A_119 = arith.index_cast %add3A_118 : i32 to index
        %get3A_120 = arith.constant 0 : index
        %get3A_121 = tpu.vector_load %arg8[%get3A_119, %get3A_120] {strides = array<i32>} : memref<6656x16xf32, #tpu.memory_space<vmem>>, vector<1x16xf32>,
        %get3A_122 = vector.shape_cast %get3A_121 : vector<1x16xf32> to vector<16xf32>
        %add3A_123 = arith.addf %add3A_114, %get3A_122 : vector<16xf32>
        %mul3A_124 = arith.mulf %get3A_122, %get3A_122 : vector<16xf32>
        %add3A_125 = arith.addf %add3A_116, %mul3A_124 : vector<16xf32>
        %add3A_126 = arith.constant 2560 : i32
        %add3A_127 = arith.addi %add3A_126, %scan3A_39 : i32
        %get3A_128 = arith.index_cast %add3A_127 : i32 to index
        %get3A_129 = arith.constant 0 : index
        %get3A_130 = tpu.vector_load %arg8[%get3A_128, %get3A_129] {strides = array<i32>} : memref<6656x16xf32, #tpu.memory_space<vmem>>, vector<1x16xf32>,
        %get3A_131 = vector.shape_cast %get3A_130 : vector<1x16xf32> to vector<16xf32>
        %add3A_132 = arith.addf %add3A_123, %get3A_131 : vector<16xf32>
        %mul3A_133 = arith.mulf %get3A_131, %get3A_131 : vector<16xf32>
        %add3A_134 = arith.addf %add3A_125, %mul3A_133 : vector<16xf32>
        %add3A_135 = arith.constant 2816 : i32
        %add3A_136 = arith.addi %add3A_135, %scan3A_39 : i32
        %get3A_137 = arith.index_cast %add3A_136 : i32 to index
        %get3A_138 = arith.constant 0 : index
        %get3A_139 = tpu.vector_load %arg8[%get3A_137, %get3A_138] {strides = array<i32>} : memref<6656x16xf32, #tpu.memory_space<vmem>>, vector<1x16xf32>,
        %get3A_140 = vector.shape_cast %get3A_139 : vector<1x16xf32> to vector<16xf32>
        %add3A_141 = arith.addf %add3A_132, %get3A_140 : vector<16xf32>
        %mul3A_142 = arith.mulf %get3A_140, %get3A_140 : vector<16xf32>
        %add3A_143 = arith.addf %add3A_134, %mul3A_142 : vector<16xf32>
        %add3A_144 = arith.constant 3072 : i32
        %add3A_145 = arith.addi %add3A_144, %scan3A_39 : i32
        %get3A_146 = arith.index_cast %add3A_145 : i32 to index
        %get3A_147 = arith.constant 0 : index
        %get3A_148 = tpu.vector_load %arg8[%get3A_146, %get3A_147] {strides = array<i32>} : memref<6656x16xf32, #tpu.memory_space<vmem>>, vector<1x16xf32>,
        %get3A_149 = vector.shape_cast %get3A_148 : vector<1x16xf32> to vector<16xf32>
        %add3A_150 = arith.addf %add3A_141, %get3A_149 : vector<16xf32>
        %mul3A_151 = arith.mulf %get3A_149, %get3A_149 : vector<16xf32>
        %add3A_152 = arith.addf %add3A_143, %mul3A_151 : vector<16xf32>
        %add3A_153 = arith.constant 3328 : i32
        %add3A_154 = arith.addi %add3A_153, %scan3A_39 : i32
        %get3A_155 = arith.index_cast %add3A_154 : i32 to index
        %get3A_156 = arith.constant 0 : index
        %get3A_157 = tpu.vector_load %arg8[%get3A_155, %get3A_156] {strides = array<i32>} : memref<6656x16xf32, #tpu.memory_space<vmem>>, vector<1x16xf32>,
        %get3A_158 = vector.shape_cast %get3A_157 : vector<1x16xf32> to vector<16xf32>
        %add3A_159 = arith.addf %add3A_150, %get3A_158 : vector<16xf32>
        %mul3A_160 = arith.mulf %get3A_158, %get3A_158 : vector<16xf32>
        %add3A_161 = arith.addf %add3A_152, %mul3A_160 : vector<16xf32>
        %add3A_162 = arith.constant 3584 : i32
        %add3A_163 = arith.addi %add3A_162, %scan3A_39 : i32
        %get3A_164 = arith.index_cast %add3A_163 : i32 to index
        %get3A_165 = arith.constant 0 : index
        %get3A_166 = tpu.vector_load %arg8[%get3A_164, %get3A_165] {strides = array<i32>} : memref<6656x16xf32, #tpu.memory_space<vmem>>, vector<1x16xf32>,
        %get3A_167 = vector.shape_cast %get3A_166 : vector<1x16xf32> to vector<16xf32>
        %add3A_168 = arith.addf %add3A_159, %get3A_167 : vector<16xf32>
        %mul3A_169 = arith.mulf %get3A_167, %get3A_167 : vector<16xf32>
        %add3A_170 = arith.addf %add3A_161, %mul3A_169 : vector<16xf32>
        %add3A_171 = arith.constant 3840 : i32
        %add3A_172 = arith.addi %add3A_171, %scan3A_39 : i32
        %get3A_173 = arith.index_cast %add3A_172 : i32 to index
        %get3A_174 = arith.constant 0 : index
        %get3A_175 = tpu.vector_load %arg8[%get3A_173, %get3A_174] {strides = array<i32>} : memref<6656x16xf32, #tpu.memory_space<vmem>>, vector<1x16xf32>,
        %get3A_176 = vector.shape_cast %get3A_175 : vector<1x16xf32> to vector<16xf32>
        %add3A_177 = arith.addf %add3A_168, %get3A_176 : vector<16xf32>
        %mul3A_178 = arith.mulf %get3A_176, %get3A_176 : vector<16xf32>
        %add3A_179 = arith.addf %add3A_170, %mul3A_178 : vector<16xf32>
        %add3A_180 = arith.constant 4096 : i32
        %add3A_181 = arith.addi %add3A_180, %scan3A_39 : i32
        %get3A_182 = arith.index_cast %add3A_181 : i32 to index
        %get3A_183 = arith.constant 0 : index
        %get3A_184 = tpu.vector_load %arg8[%get3A_182, %get3A_183] {strides = array<i32>} : memref<6656x16xf32, #tpu.memory_space<vmem>>, vector<1x16xf32>,
        %get3A_185 = vector.shape_cast %get3A_184 : vector<1x16xf32> to vector<16xf32>
        %add3A_186 = arith.addf %add3A_177, %get3A_185 : vector<16xf32>
        %mul3A_187 = arith.mulf %get3A_185, %get3A_185 : vector<16xf32>
        %add3A_188 = arith.addf %add3A_179, %mul3A_187 : vector<16xf32>
        %add3A_189 = arith.constant 4352 : i32
        %add3A_190 = arith.addi %add3A_189, %scan3A_39 : i32
        %get3A_191 = arith.index_cast %add3A_190 : i32 to index
        %get3A_192 = arith.constant 0 : index
        %get3A_193 = tpu.vector_load %arg8[%get3A_191, %get3A_192] {strides = array<i32>} : memref<6656x16xf32, #tpu.memory_space<vmem>>, vector<1x16xf32>,
        %get3A_194 = vector.shape_cast %get3A_193 : vector<1x16xf32> to vector<16xf32>
        %add3A_195 = arith.addf %add3A_186, %get3A_194 : vector<16xf32>
        %mul3A_196 = arith.mulf %get3A_194, %get3A_194 : vector<16xf32>
        %add3A_197 = arith.addf %add3A_188, %mul3A_196 : vector<16xf32>
        %add3A_198 = arith.constant 4608 : i32
        %add3A_199 = arith.addi %add3A_198, %scan3A_39 : i32
        %get3A_200 = arith.index_cast %add3A_199 : i32 to index
        %get3A_201 = arith.constant 0 : index
        %get3A_202 = tpu.vector_load %arg8[%get3A_200, %get3A_201] {strides = array<i32>} : memref<6656x16xf32, #tpu.memory_space<vmem>>, vector<1x16xf32>,
        %get3A_203 = vector.shape_cast %get3A_202 : vector<1x16xf32> to vector<16xf32>
        %add3A_204 = arith.addf %add3A_195, %get3A_203 : vector<16xf32>
        %mul3A_205 = arith.mulf %get3A_203, %get3A_203 : vector<16xf32>
        %add3A_206 = arith.addf %add3A_197, %mul3A_205 : vector<16xf32>
        %add3A_207 = arith.constant 4864 : i32
        %add3A_208 = arith.addi %add3A_207, %scan3A_39 : i32
        %get3A_209 = arith.index_cast %add3A_208 : i32 to index
        %get3A_210 = arith.constant 0 : index
        %get3A_211 = tpu.vector_load %arg8[%get3A_209, %get3A_210] {strides = array<i32>} : memref<6656x16xf32, #tpu.memory_space<vmem>>, vector<1x16xf32>,
        %get3A_212 = vector.shape_cast %get3A_211 : vector<1x16xf32> to vector<16xf32>
        %add3A_213 = arith.addf %add3A_204, %get3A_212 : vector<16xf32>
        %mul3A_214 = arith.mulf %get3A_212, %get3A_212 : vector<16xf32>
        %add3A_215 = arith.addf %add3A_206, %mul3A_214 : vector<16xf32>
        %add3A_216 = arith.constant 5120 : i32
        %add3A_217 = arith.addi %add3A_216, %scan3A_39 : i32
        %get3A_218 = arith.index_cast %add3A_217 : i32 to index
        %get3A_219 = arith.constant 0 : index
        %get3A_220 = tpu.vector_load %arg8[%get3A_218, %get3A_219] {strides = array<i32>} : memref<6656x16xf32, #tpu.memory_space<vmem>>, vector<1x16xf32>,
        %get3A_221 = vector.shape_cast %get3A_220 : vector<1x16xf32> to vector<16xf32>
        %add3A_222 = arith.addf %add3A_213, %get3A_221 : vector<16xf32>
        %mul3A_223 = arith.mulf %get3A_221, %get3A_221 : vector<16xf32>
        %add3A_224 = arith.addf %add3A_215, %mul3A_223 : vector<16xf32>
        %add3A_225 = arith.constant 5376 : i32
        %add3A_226 = arith.addi %add3A_225, %scan3A_39 : i32
        %get3A_227 = arith.index_cast %add3A_226 : i32 to index
        %get3A_228 = arith.constant 0 : index
        %get3A_229 = tpu.vector_load %arg8[%get3A_227, %get3A_228] {strides = array<i32>} : memref<6656x16xf32, #tpu.memory_space<vmem>>, vector<1x16xf32>,
        %get3A_230 = vector.shape_cast %get3A_229 : vector<1x16xf32> to vector<16xf32>
        %add3A_231 = arith.addf %add3A_222, %get3A_230 : vector<16xf32>
        %mul3A_232 = arith.mulf %get3A_230, %get3A_230 : vector<16xf32>
        %add3A_233 = arith.addf %add3A_224, %mul3A_232 : vector<16xf32>
        %add3A_234 = arith.constant 5632 : i32
        %add3A_235 = arith.addi %add3A_234, %scan3A_39 : i32
        %get3A_236 = arith.index_cast %add3A_235 : i32 to index
        %get3A_237 = arith.constant 0 : index
        %get3A_238 = tpu.vector_load %arg8[%get3A_236, %get3A_237] {strides = array<i32>} : memref<6656x16xf32, #tpu.memory_space<vmem>>, vector<1x16xf32>,
        %get3A_239 = vector.shape_cast %get3A_238 : vector<1x16xf32> to vector<16xf32>
        %add3A_240 = arith.addf %add3A_231, %get3A_239 : vector<16xf32>
        %mul3A_241 = arith.mulf %get3A_239, %get3A_239 : vector<16xf32>
        %add3A_242 = arith.addf %add3A_233, %mul3A_241 : vector<16xf32>
        %add3A_243 = arith.constant 5888 : i32
        %add3A_244 = arith.addi %add3A_243, %scan3A_39 : i32
        %get3A_245 = arith.index_cast %add3A_244 : i32 to index
        %get3A_246 = arith.constant 0 : index
        %get3A_247 = tpu.vector_load %arg8[%get3A_245, %get3A_246] {strides = array<i32>} : memref<6656x16xf32, #tpu.memory_space<vmem>>, vector<1x16xf32>,
        %get3A_248 = vector.shape_cast %get3A_247 : vector<1x16xf32> to vector<16xf32>
        %add3A_249 = arith.addf %add3A_240, %get3A_248 : vector<16xf32>
        %mul3A_250 = arith.mulf %get3A_248, %get3A_248 : vector<16xf32>
        %add3A_251 = arith.addf %add3A_242, %mul3A_250 : vector<16xf32>
        %add3A_252 = arith.constant 6144 : i32
        %add3A_253 = arith.addi %add3A_252, %scan3A_39 : i32
        %get3A_254 = arith.index_cast %add3A_253 : i32 to index
        %get3A_255 = arith.constant 0 : index
        %get3A_256 = tpu.vector_load %arg8[%get3A_254, %get3A_255] {strides = array<i32>} : memref<6656x16xf32, #tpu.memory_space<vmem>>, vector<1x16xf32>,
        %get3A_257 = vector.shape_cast %get3A_256 : vector<1x16xf32> to vector<16xf32>
        %add3A_258 = arith.addf %add3A_249, %get3A_257 : vector<16xf32>
        %mul3A_259 = arith.mulf %get3A_257, %get3A_257 : vector<16xf32>
        %add3A_260 = arith.addf %add3A_251, %mul3A_259 : vector<16xf32>
        %add3A_261 = arith.constant 6400 : i32
        %add3A_262 = arith.addi %add3A_261, %scan3A_39 : i32
        %get3A_263 = arith.index_cast %add3A_262 : i32 to index
        %get3A_264 = arith.constant 0 : index
        %get3A_265 = tpu.vector_load %arg8[%get3A_263, %get3A_264] {strides = array<i32>} : memref<6656x16xf32, #tpu.memory_space<vmem>>, vector<1x16xf32>,
        %get3A_266 = vector.shape_cast %get3A_265 : vector<1x16xf32> to vector<16xf32>
        %add3A_267 = arith.addf %add3A_258, %get3A_266 : vector<16xf32>
        %mul3A_268 = arith.mulf %get3A_266, %get3A_266 : vector<16xf32>
        %add3A_269 = arith.addf %add3A_260, %mul3A_268 : vector<16xf32>
        %mul3A_270 = arith.mulf %add3A_267, %add3A_267 : vector<16xf32>
        %sub3A = arith.subf %mul3A_270, %add3A_269 : vector<16xf32>
        %mul3A_271 = arith.constant 5.000000e-01 : f32
        %mul3A_272 = vector.broadcast %mul3A_271 : f32 to vector<16xf32>
        %mul3A_273 = arith.mulf %mul3A_272, %sub3A : vector<16xf32>
        %swap3A = arith.index_cast %scan3A_39 : i32 to index
        %swap3A_274 = arith.constant 0 : index
        %swap3A_275 = tpu.vector_load %arg10[%swap3A, %swap3A_274] {strides = array<i32>} : memref<256x16xf32, #tpu.memory_space<vmem>>, vector<1x16xf32>,
        %swap3A_276 = vector.shape_cast %swap3A_275 : vector<1x16xf32> to vector<16xf32>
        %swap3A_277 = vector.shape_cast %mul3A_273 : vector<16xf32> to vector<1x16xf32>
        tpu.vector_store %arg10[%swap3A, %swap3A_274], %swap3A_277 {strides = array<i32>} : memref<256x16xf32, #tpu.memory_space<vmem>>, vector<1x16xf32>,
        %scan3A_278 = arith.constant 0 : i32
        scf.yield %scan3A_278 : i32
      }
      %scan3A_28 = arith.constant 256 : i32
      %dma_wait3A_29 = arith.constant 0 : i32
      %dma_wait3A_30 = tpu.memref_slice %arg4[%dma_wait3A_29] : memref<2600000xf32, #tpu.memory_space<hbm>> -> memref<2600000xf32, #tpu.memory_space<hbm>>
      tpu.wait_indirect_dma semaphore(%arg13 : memref<!tpu.dma_semaphore, #tpu.memory_space<semaphore_mem>>) src(%dma_wait3A_30 : memref<2600000xf32, #tpu.memory_space<hbm>>) dst(%arg9 : memref<6656xf32, #tpu.memory_space<vmem>>)
      %scan3A_31 = arith.constant 0 : i32
      %scan3A_32 = arith.constant 0 : i32
      %scan3A_33 = arith.constant 16 : i32
      %scan3A_34 = arith.addi %scan3A_32, %scan3A_33 : i32
      %scan3A_35 = arith.constant 1 : i32
      %scan3A_36 = scf.for %scan3A_39 = %scan3A_32 to %scan3A_34 step %scan3A_35 iter_args(%scan3A_40 = %scan3A_31) -> (i32)  : i32 {
        %mul3A_41 = arith.constant 16 : i32
        %mul3A_42 = arith.muli %scan3A_39, %mul3A_41 : i32
        %get3A = arith.index_cast %mul3A_42 : i32 to index
        %get3A_43 = tpu.vector_load %arg9[%get3A] {strides = array<i32>} : memref<6656xf32, #tpu.memory_space<vmem>>, vector<16xf32>,
        %get3A_44 = vector.shape_cast %get3A_43 : vector<16xf32> to vector<16xf32>
        %mul3A_45 = arith.constant 16 : i32
        %mul3A_46 = arith.muli %scan3A_39, %mul3A_45 : i32
        %add3A_47 = arith.constant 256 : i32
        %add3A_48 = arith.addi %add3A_47, %mul3A_46 : i32
        %get3A_49 = arith.index_cast %add3A_48 : i32 to index
        %get3A_50 = tpu.vector_load %arg9[%get3A_49] {strides = array<i32>} : memref<6656xf32, #tpu.memory_space<vmem>>, vector<16xf32>,
        %get3A_51 = vector.shape_cast %get3A_50 : vector<16xf32> to vector<16xf32>
        %add3A_52 = arith.addf %get3A_44, %get3A_51 : vector<16xf32>
        %mul3A_53 = arith.constant 16 : i32
        %mul3A_54 = arith.muli %scan3A_39, %mul3A_53 : i32
        %add3A_55 = arith.constant 512 : i32
        %add3A_56 = arith.addi %add3A_55, %mul3A_54 : i32
        %get3A_57 = arith.index_cast %add3A_56 : i32 to index
        %get3A_58 = tpu.vector_load %arg9[%get3A_57] {strides = array<i32>} : memref<6656xf32, #tpu.memory_space<vmem>>, vector<16xf32>,
        %get3A_59 = vector.shape_cast %get3A_58 : vector<16xf32> to vector<16xf32>
        %add3A_60 = arith.addf %add3A_52, %get3A_59 : vector<16xf32>
        %mul3A_61 = arith.constant 16 : i32
        %mul3A_62 = arith.muli %scan3A_39, %mul3A_61 : i32
        %add3A_63 = arith.constant 768 : i32
        %add3A_64 = arith.addi %add3A_63, %mul3A_62 : i32
        %get3A_65 = arith.index_cast %add3A_64 : i32 to index
        %get3A_66 = tpu.vector_load %arg9[%get3A_65] {strides = array<i32>} : memref<6656xf32, #tpu.memory_space<vmem>>, vector<16xf32>,
        %get3A_67 = vector.shape_cast %get3A_66 : vector<16xf32> to vector<16xf32>
        %add3A_68 = arith.addf %add3A_60, %get3A_67 : vector<16xf32>
        %mul3A_69 = arith.constant 16 : i32
        %mul3A_70 = arith.muli %scan3A_39, %mul3A_69 : i32
        %add3A_71 = arith.constant 1024 : i32
        %add3A_72 = arith.addi %add3A_71, %mul3A_70 : i32
        %get3A_73 = arith.index_cast %add3A_72 : i32 to index
        %get3A_74 = tpu.vector_load %arg9[%get3A_73] {strides = array<i32>} : memref<6656xf32, #tpu.memory_space<vmem>>, vector<16xf32>,
        %get3A_75 = vector.shape_cast %get3A_74 : vector<16xf32> to vector<16xf32>
        %add3A_76 = arith.addf %add3A_68, %get3A_75 : vector<16xf32>
        %mul3A_77 = arith.constant 16 : i32
        %mul3A_78 = arith.muli %scan3A_39, %mul3A_77 : i32
        %add3A_79 = arith.constant 1280 : i32
        %add3A_80 = arith.addi %add3A_79, %mul3A_78 : i32
        %get3A_81 = arith.index_cast %add3A_80 : i32 to index
        %get3A_82 = tpu.vector_load %arg9[%get3A_81] {strides = array<i32>} : memref<6656xf32, #tpu.memory_space<vmem>>, vector<16xf32>,
        %get3A_83 = vector.shape_cast %get3A_82 : vector<16xf32> to vector<16xf32>
        %add3A_84 = arith.addf %add3A_76, %get3A_83 : vector<16xf32>
        %mul3A_85 = arith.constant 16 : i32
        %mul3A_86 = arith.muli %scan3A_39, %mul3A_85 : i32
        %add3A_87 = arith.constant 1536 : i32
        %add3A_88 = arith.addi %add3A_87, %mul3A_86 : i32
        %get3A_89 = arith.index_cast %add3A_88 : i32 to index
        %get3A_90 = tpu.vector_load %arg9[%get3A_89] {strides = array<i32>} : memref<6656xf32, #tpu.memory_space<vmem>>, vector<16xf32>,
        %get3A_91 = vector.shape_cast %get3A_90 : vector<16xf32> to vector<16xf32>
        %add3A_92 = arith.addf %add3A_84, %get3A_91 : vector<16xf32>
        %mul3A_93 = arith.constant 16 : i32
        %mul3A_94 = arith.muli %scan3A_39, %mul3A_93 : i32
        %add3A_95 = arith.constant 1792 : i32
        %add3A_96 = arith.addi %add3A_95, %mul3A_94 : i32
        %get3A_97 = arith.index_cast %add3A_96 : i32 to index
        %get3A_98 = tpu.vector_load %arg9[%get3A_97] {strides = array<i32>} : memref<6656xf32, #tpu.memory_space<vmem>>, vector<16xf32>,
        %get3A_99 = vector.shape_cast %get3A_98 : vector<16xf32> to vector<16xf32>
        %add3A_100 = arith.addf %add3A_92, %get3A_99 : vector<16xf32>
        %mul3A_101 = arith.constant 16 : i32
        %mul3A_102 = arith.muli %scan3A_39, %mul3A_101 : i32
        %add3A_103 = arith.constant 2048 : i32
        %add3A_104 = arith.addi %add3A_103, %mul3A_102 : i32
        %get3A_105 = arith.index_cast %add3A_104 : i32 to index
        %get3A_106 = tpu.vector_load %arg9[%get3A_105] {strides = array<i32>} : memref<6656xf32, #tpu.memory_space<vmem>>, vector<16xf32>,
        %get3A_107 = vector.shape_cast %get3A_106 : vector<16xf32> to vector<16xf32>
        %add3A_108 = arith.addf %add3A_100, %get3A_107 : vector<16xf32>
        %mul3A_109 = arith.constant 16 : i32
        %mul3A_110 = arith.muli %scan3A_39, %mul3A_109 : i32
        %add3A_111 = arith.constant 2304 : i32
        %add3A_112 = arith.addi %add3A_111, %mul3A_110 : i32
        %get3A_113 = arith.index_cast %add3A_112 : i32 to index
        %get3A_114 = tpu.vector_load %arg9[%get3A_113] {strides = array<i32>} : memref<6656xf32, #tpu.memory_space<vmem>>, vector<16xf32>,
        %get3A_115 = vector.shape_cast %get3A_114 : vector<16xf32> to vector<16xf32>
        %add3A_116 = arith.addf %add3A_108, %get3A_115 : vector<16xf32>
        %mul3A_117 = arith.constant 16 : i32
        %mul3A_118 = arith.muli %scan3A_39, %mul3A_117 : i32
        %add3A_119 = arith.constant 2560 : i32
        %add3A_120 = arith.addi %add3A_119, %mul3A_118 : i32
        %get3A_121 = arith.index_cast %add3A_120 : i32 to index
        %get3A_122 = tpu.vector_load %arg9[%get3A_121] {strides = array<i32>} : memref<6656xf32, #tpu.memory_space<vmem>>, vector<16xf32>,
        %get3A_123 = vector.shape_cast %get3A_122 : vector<16xf32> to vector<16xf32>
        %add3A_124 = arith.addf %add3A_116, %get3A_123 : vector<16xf32>
        %mul3A_125 = arith.constant 16 : i32
        %mul3A_126 = arith.muli %scan3A_39, %mul3A_125 : i32
        %add3A_127 = arith.constant 2816 : i32
        %add3A_128 = arith.addi %add3A_127, %mul3A_126 : i32
        %get3A_129 = arith.index_cast %add3A_128 : i32 to index
        %get3A_130 = tpu.vector_load %arg9[%get3A_129] {strides = array<i32>} : memref<6656xf32, #tpu.memory_space<vmem>>, vector<16xf32>,
        %get3A_131 = vector.shape_cast %get3A_130 : vector<16xf32> to vector<16xf32>
        %add3A_132 = arith.addf %add3A_124, %get3A_131 : vector<16xf32>
        %mul3A_133 = arith.constant 16 : i32
        %mul3A_134 = arith.muli %scan3A_39, %mul3A_133 : i32
        %add3A_135 = arith.constant 3072 : i32
        %add3A_136 = arith.addi %add3A_135, %mul3A_134 : i32
        %get3A_137 = arith.index_cast %add3A_136 : i32 to index
        %get3A_138 = tpu.vector_load %arg9[%get3A_137] {strides = array<i32>} : memref<6656xf32, #tpu.memory_space<vmem>>, vector<16xf32>,
        %get3A_139 = vector.shape_cast %get3A_138 : vector<16xf32> to vector<16xf32>
        %add3A_140 = arith.addf %add3A_132, %get3A_139 : vector<16xf32>
        %mul3A_141 = arith.constant 16 : i32
        %mul3A_142 = arith.muli %scan3A_39, %mul3A_141 : i32
        %add3A_143 = arith.constant 3328 : i32
        %add3A_144 = arith.addi %add3A_143, %mul3A_142 : i32
        %get3A_145 = arith.index_cast %add3A_144 : i32 to index
        %get3A_146 = tpu.vector_load %arg9[%get3A_145] {strides = array<i32>} : memref<6656xf32, #tpu.memory_space<vmem>>, vector<16xf32>,
        %get3A_147 = vector.shape_cast %get3A_146 : vector<16xf32> to vector<16xf32>
        %add3A_148 = arith.addf %add3A_140, %get3A_147 : vector<16xf32>
        %mul3A_149 = arith.constant 16 : i32
        %mul3A_150 = arith.muli %scan3A_39, %mul3A_149 : i32
        %add3A_151 = arith.constant 3584 : i32
        %add3A_152 = arith.addi %add3A_151, %mul3A_150 : i32
        %get3A_153 = arith.index_cast %add3A_152 : i32 to index
        %get3A_154 = tpu.vector_load %arg9[%get3A_153] {strides = array<i32>} : memref<6656xf32, #tpu.memory_space<vmem>>, vector<16xf32>,
        %get3A_155 = vector.shape_cast %get3A_154 : vector<16xf32> to vector<16xf32>
        %add3A_156 = arith.addf %add3A_148, %get3A_155 : vector<16xf32>
        %mul3A_157 = arith.constant 16 : i32
        %mul3A_158 = arith.muli %scan3A_39, %mul3A_157 : i32
        %add3A_159 = arith.constant 3840 : i32
        %add3A_160 = arith.addi %add3A_159, %mul3A_158 : i32
        %get3A_161 = arith.index_cast %add3A_160 : i32 to index
        %get3A_162 = tpu.vector_load %arg9[%get3A_161] {strides = array<i32>} : memref<6656xf32, #tpu.memory_space<vmem>>, vector<16xf32>,
        %get3A_163 = vector.shape_cast %get3A_162 : vector<16xf32> to vector<16xf32>
        %add3A_164 = arith.addf %add3A_156, %get3A_163 : vector<16xf32>
        %mul3A_165 = arith.constant 16 : i32
        %mul3A_166 = arith.muli %scan3A_39, %mul3A_165 : i32
        %add3A_167 = arith.constant 4096 : i32
        %add3A_168 = arith.addi %add3A_167, %mul3A_166 : i32
        %get3A_169 = arith.index_cast %add3A_168 : i32 to index
        %get3A_170 = tpu.vector_load %arg9[%get3A_169] {strides = array<i32>} : memref<6656xf32, #tpu.memory_space<vmem>>, vector<16xf32>,
        %get3A_171 = vector.shape_cast %get3A_170 : vector<16xf32> to vector<16xf32>
        %add3A_172 = arith.addf %add3A_164, %get3A_171 : vector<16xf32>
        %mul3A_173 = arith.constant 16 : i32
        %mul3A_174 = arith.muli %scan3A_39, %mul3A_173 : i32
        %add3A_175 = arith.constant 4352 : i32
        %add3A_176 = arith.addi %add3A_175, %mul3A_174 : i32
        %get3A_177 = arith.index_cast %add3A_176 : i32 to index
        %get3A_178 = tpu.vector_load %arg9[%get3A_177] {strides = array<i32>} : memref<6656xf32, #tpu.memory_space<vmem>>, vector<16xf32>,
        %get3A_179 = vector.shape_cast %get3A_178 : vector<16xf32> to vector<16xf32>
        %add3A_180 = arith.addf %add3A_172, %get3A_179 : vector<16xf32>
        %mul3A_181 = arith.constant 16 : i32
        %mul3A_182 = arith.muli %scan3A_39, %mul3A_181 : i32
        %add3A_183 = arith.constant 4608 : i32
        %add3A_184 = arith.addi %add3A_183, %mul3A_182 : i32
        %get3A_185 = arith.index_cast %add3A_184 : i32 to index
        %get3A_186 = tpu.vector_load %arg9[%get3A_185] {strides = array<i32>} : memref<6656xf32, #tpu.memory_space<vmem>>, vector<16xf32>,
        %get3A_187 = vector.shape_cast %get3A_186 : vector<16xf32> to vector<16xf32>
        %add3A_188 = arith.addf %add3A_180, %get3A_187 : vector<16xf32>
        %mul3A_189 = arith.constant 16 : i32
        %mul3A_190 = arith.muli %scan3A_39, %mul3A_189 : i32
        %add3A_191 = arith.constant 4864 : i32
        %add3A_192 = arith.addi %add3A_191, %mul3A_190 : i32
        %get3A_193 = arith.index_cast %add3A_192 : i32 to index
        %get3A_194 = tpu.vector_load %arg9[%get3A_193] {strides = array<i32>} : memref<6656xf32, #tpu.memory_space<vmem>>, vector<16xf32>,
        %get3A_195 = vector.shape_cast %get3A_194 : vector<16xf32> to vector<16xf32>
        %add3A_196 = arith.addf %add3A_188, %get3A_195 : vector<16xf32>
        %mul3A_197 = arith.constant 16 : i32
        %mul3A_198 = arith.muli %scan3A_39, %mul3A_197 : i32
        %add3A_199 = arith.constant 5120 : i32
        %add3A_200 = arith.addi %add3A_199, %mul3A_198 : i32
        %get3A_201 = arith.index_cast %add3A_200 : i32 to index
        %get3A_202 = tpu.vector_load %arg9[%get3A_201] {strides = array<i32>} : memref<6656xf32, #tpu.memory_space<vmem>>, vector<16xf32>,
        %get3A_203 = vector.shape_cast %get3A_202 : vector<16xf32> to vector<16xf32>
        %add3A_204 = arith.addf %add3A_196, %get3A_203 : vector<16xf32>
        %mul3A_205 = arith.constant 16 : i32
        %mul3A_206 = arith.muli %scan3A_39, %mul3A_205 : i32
        %add3A_207 = arith.constant 5376 : i32
        %add3A_208 = arith.addi %add3A_207, %mul3A_206 : i32
        %get3A_209 = arith.index_cast %add3A_208 : i32 to index
        %get3A_210 = tpu.vector_load %arg9[%get3A_209] {strides = array<i32>} : memref<6656xf32, #tpu.memory_space<vmem>>, vector<16xf32>,
        %get3A_211 = vector.shape_cast %get3A_210 : vector<16xf32> to vector<16xf32>
        %add3A_212 = arith.addf %add3A_204, %get3A_211 : vector<16xf32>
        %mul3A_213 = arith.constant 16 : i32
        %mul3A_214 = arith.muli %scan3A_39, %mul3A_213 : i32
        %add3A_215 = arith.constant 5632 : i32
        %add3A_216 = arith.addi %add3A_215, %mul3A_214 : i32
        %get3A_217 = arith.index_cast %add3A_216 : i32 to index
        %get3A_218 = tpu.vector_load %arg9[%get3A_217] {strides = array<i32>} : memref<6656xf32, #tpu.memory_space<vmem>>, vector<16xf32>,
        %get3A_219 = vector.shape_cast %get3A_218 : vector<16xf32> to vector<16xf32>
        %add3A_220 = arith.addf %add3A_212, %get3A_219 : vector<16xf32>
        %mul3A_221 = arith.constant 16 : i32
        %mul3A_222 = arith.muli %scan3A_39, %mul3A_221 : i32
        %add3A_223 = arith.constant 5888 : i32
        %add3A_224 = arith.addi %add3A_223, %mul3A_222 : i32
        %get3A_225 = arith.index_cast %add3A_224 : i32 to index
        %get3A_226 = tpu.vector_load %arg9[%get3A_225] {strides = array<i32>} : memref<6656xf32, #tpu.memory_space<vmem>>, vector<16xf32>,
        %get3A_227 = vector.shape_cast %get3A_226 : vector<16xf32> to vector<16xf32>
        %add3A_228 = arith.addf %add3A_220, %get3A_227 : vector<16xf32>
        %mul3A_229 = arith.constant 16 : i32
        %mul3A_230 = arith.muli %scan3A_39, %mul3A_229 : i32
        %add3A_231 = arith.constant 6144 : i32
        %add3A_232 = arith.addi %add3A_231, %mul3A_230 : i32
        %get3A_233 = arith.index_cast %add3A_232 : i32 to index
        %get3A_234 = tpu.vector_load %arg9[%get3A_233] {strides = array<i32>} : memref<6656xf32, #tpu.memory_space<vmem>>, vector<16xf32>,
        %get3A_235 = vector.shape_cast %get3A_234 : vector<16xf32> to vector<16xf32>
        %add3A_236 = arith.addf %add3A_228, %get3A_235 : vector<16xf32>
        %mul3A_237 = arith.constant 16 : i32
        %mul3A_238 = arith.muli %scan3A_39, %mul3A_237 : i32
        %add3A_239 = arith.constant 6400 : i32
        %add3A_240 = arith.addi %add3A_239, %mul3A_238 : i32
        %get3A_241 = arith.index_cast %add3A_240 : i32 to index
        %get3A_242 = tpu.vector_load %arg9[%get3A_241] {strides = array<i32>} : memref<6656xf32, #tpu.memory_space<vmem>>, vector<16xf32>,
        %get3A_243 = vector.shape_cast %get3A_242 : vector<16xf32> to vector<16xf32>
        %add3A_244 = arith.addf %add3A_236, %get3A_243 : vector<16xf32>
        %mul3A_245 = arith.constant 16 : i32
        %mul3A_246 = arith.muli %scan3A_39, %mul3A_245 : i32
        %swap3A = arith.index_cast %mul3A_246 : i32 to index
        %swap3A_247 = tpu.vector_load %arg11[%swap3A] {strides = array<i32>} : memref<256xf32, #tpu.memory_space<vmem>>, vector<16xf32>,
        %swap3A_248 = vector.shape_cast %swap3A_247 : vector<16xf32> to vector<16xf32>
        %swap3A_249 = vector.shape_cast %add3A_244 : vector<16xf32> to vector<16xf32>
        tpu.vector_store %arg11[%swap3A], %swap3A_249 {strides = array<i32>} : memref<256xf32, #tpu.memory_space<vmem>>, vector<16xf32>,
        %scan3A_250 = arith.constant 0 : i32
        scf.yield %scan3A_250 : i32
      }
      %scan3A_37 = arith.constant 16 : i32
      "tpu.region"() ({
        %run_scoped3A = tpu.sem_alloc : memref<!tpu.dma_semaphore, #tpu.memory_space<semaphore_mem>>
        %dma_start3A_39 = arith.constant 0 : i32
        %dma_start3A_40 = tpu.memref_slice %arg5[%add3A_13, %dma_start3A_39] : memref<16384x16xf32, #tpu.memory_space<hbm>> -> memref<256x16xf32, #tpu.memory_space<hbm>>
        %dma_start3A_41 = arith.constant 0 : i32
        %dma_start3A_42 = tpu.memref_slice %arg5[%add3A_13, %dma_start3A_41] : memref<16384x16xf32, #tpu.memory_space<hbm>> -> memref<256x16xf32, #tpu.memory_space<hbm>>
        tpu.enqueue_dma source(%arg10 : memref<256x16xf32, #tpu.memory_space<vmem>>) target(%dma_start3A_42 : memref<256x16xf32, #tpu.memory_space<hbm>>) target_semaphore(%run_scoped3A : memref<!tpu.dma_semaphore, #tpu.memory_space<semaphore_mem>>)
        %dma_wait3A_43 = arith.constant 0 : i32
        %dma_wait3A_44 = tpu.memref_slice %arg5[%add3A_13, %dma_wait3A_43] : memref<16384x16xf32, #tpu.memory_space<hbm>> -> memref<256x16xf32, #tpu.memory_space<hbm>>
        %dma_wait3A_45 = arith.constant 0 : i32
        %dma_wait3A_46 = tpu.memref_slice %arg5[%add3A_13, %dma_wait3A_45] : memref<16384x16xf32, #tpu.memory_space<hbm>> -> memref<256x16xf32, #tpu.memory_space<hbm>>
        tpu.wait_dma2 semaphore(%run_scoped3A : memref<!tpu.dma_semaphore, #tpu.memory_space<semaphore_mem>>) src(%arg10 : memref<256x16xf32, #tpu.memory_space<vmem>>) dst(%dma_wait3A_46 : memref<256x16xf32, #tpu.memory_space<hbm>>)
        tpu.yield
      }) : () -> ()
      "tpu.region"() ({
        %run_scoped3A = tpu.sem_alloc : memref<!tpu.dma_semaphore, #tpu.memory_space<semaphore_mem>>
        %dma_start3A_39 = tpu.memref_slice %arg6[%add3A_13] : memref<16384xf32, #tpu.memory_space<hbm>> -> memref<256xf32, #tpu.memory_space<hbm>>
        %dma_start3A_40 = tpu.memref_slice %arg6[%add3A_13] : memref<16384xf32, #tpu.memory_space<hbm>> -> memref<256xf32, #tpu.memory_space<hbm>>
        tpu.enqueue_dma source(%arg11 : memref<256xf32, #tpu.memory_space<vmem>>) target(%dma_start3A_40 : memref<256xf32, #tpu.memory_space<hbm>>) target_semaphore(%run_scoped3A : memref<!tpu.dma_semaphore, #tpu.memory_space<semaphore_mem>>)
        %dma_wait3A_41 = tpu.memref_slice %arg6[%add3A_13] : memref<16384xf32, #tpu.memory_space<hbm>> -> memref<256xf32, #tpu.memory_space<hbm>>
        %dma_wait3A_42 = tpu.memref_slice %arg6[%add3A_13] : memref<16384xf32, #tpu.memory_space<hbm>> -> memref<256xf32, #tpu.memory_space<hbm>>
        tpu.wait_dma2 semaphore(%run_scoped3A : memref<!tpu.dma_semaphore, #tpu.memory_space<semaphore_mem>>) src(%arg11 : memref<256xf32, #tpu.memory_space<vmem>>) dst(%dma_wait3A_42 : memref<256xf32, #tpu.memory_space<hbm>>)
        tpu.yield
      }) : () -> ()
      %scan3A_38 = arith.constant 0 : i32
      scf.yield %scan3A_38 : i32
    }
    %scan3A_8 = arith.constant 2 : i32
    return
  }
}

#map = affine_map<(d0, d1) -> (0, 0)>
module attributes {stable_mosaic.version = 14 : i64} {
  func.func @k(%arg0: i32, %arg1: i32, %arg2: memref<16x2600000xf32, #tpu.memory_space<hbm>>, %arg3: memref<8x128xf32, #tpu.memory_space<hbm>>, %arg4: memref<325000x128xf32, #tpu.memory_space<hbm>>, %arg5: memref<16x1024xf32, #tpu.memory_space<vmem>>, %arg6: memref<16x1024xf32, #tpu.memory_space<vmem>>, %arg7: memref<128x128xf32, #tpu.memory_space<vmem>>, %arg8: memref<128x128xf32, #tpu.memory_space<vmem>>, %arg9: memref<!tpu.dma_semaphore, #tpu.memory_space<semaphore_mem>>, %arg10: memref<!tpu.dma_semaphore, #tpu.memory_space<semaphore_mem>>, %arg11: memref<!tpu.dma_semaphore, #tpu.memory_space<semaphore_mem>>, %arg12: memref<!tpu.dma_semaphore, #tpu.memory_space<semaphore_mem>>) attributes {dimension_semantics = [#tpu.dimension_semantics<core_parallel>, #tpu.dimension_semantics<subcore_parallel>], iteration_bounds = array<i64: 2, 16>, scalar_prefetch = 0 : i64, scratch_operands = 8 : i64, tpu.core_type = #tpu.core_type<sc_vector_subcore>, window_params = [{transform_indices = #map}, {transform_indices = #map}, {transform_indices = #map}]} {
    %mul3A = arith.constant 2 : i32
    %mul3A_0 = arith.muli %arg1, %mul3A : i32
    %add3A = arith.addi %mul3A_0, %arg0 : i32
    %iota3A = tpu.iota {dimensions = array<i32: 0>} : vector<16xi32>
    %sub3A = arith.constant 2539 : i32
    %sub3A_1 = arith.subi %sub3A, %add3A : i32
    %add3A_2 = arith.constant 32 : i32
    %add3A_3 = arith.addi %sub3A_1, %add3A_2 : i32
    %sub3A_4 = arith.constant 1 : i32
    %sub3A_5 = arith.subi %add3A_3, %sub3A_4 : i32
    %jit3A = arith.constant 32 : i32
    %div3A = arith.divsi %sub3A_5, %jit3A : i32
    %sign3A = arith.constant 0 : i32
    %sign3A_6 = arith.cmpi sgt, %sub3A_5, %sign3A : i32
    %sign3A_7 = arith.extui %sign3A_6 : i1 to i32
    %sign3A_8 = arith.constant 0 : i32
    %sign3A_9 = arith.cmpi slt, %sub3A_5, %sign3A_8 : i32
    %sign3A_10 = arith.extui %sign3A_9 : i1 to i32
    %sign3A_11 = arith.subi %sign3A_7, %sign3A_10 : i32
    %sign3A_12 = arith.constant 0 : i32
    %sign3A_13 = arith.cmpi sgt, %jit3A, %sign3A_12 : i32
    %sign3A_14 = arith.extui %sign3A_13 : i1 to i32
    %sign3A_15 = arith.constant 0 : i32
    %sign3A_16 = arith.cmpi slt, %jit3A, %sign3A_15 : i32
    %sign3A_17 = arith.extui %sign3A_16 : i1 to i32
    %sign3A_18 = arith.subi %sign3A_14, %sign3A_17 : i32
    %ne3A = arith.cmpi ne, %sign3A_11, %sign3A_18 : i32
    %rem3A = arith.remsi %sub3A_5, %jit3A : i32
    %ne3A_19 = arith.constant 0 : i32
    %ne3A_20 = arith.cmpi ne, %rem3A, %ne3A_19 : i32
    %and3A = arith.andi %ne3A, %ne3A_20 : i1
    %sub3A_21 = arith.constant 1 : i32
    %sub3A_22 = arith.subi %div3A, %sub3A_21 : i32
    %select_n3A = arith.select %and3A, %sub3A_22, %div3A : i32
    %add3A_23 = arith.constant 0 : i32
    %add3A_24 = vector.broadcast %add3A_23 : i32 to vector<16xi32>
    %add3A_25 = arith.addi %iota3A, %add3A_24 : vector<16xi32>
    %and3A_26 = arith.constant 15 : i32
    %and3A_27 = vector.broadcast %and3A_26 : i32 to vector<16xi32>
    %and3A_28 = arith.andi %add3A_25, %and3A_27 : vector<16xi32>
    %add3A_29 = arith.constant 1 : i32
    %add3A_30 = vector.broadcast %add3A_29 : i32 to vector<16xi32>
    %add3A_31 = arith.addi %iota3A, %add3A_30 : vector<16xi32>
    %and3A_32 = arith.constant 15 : i32
    %and3A_33 = vector.broadcast %and3A_32 : i32 to vector<16xi32>
    %and3A_34 = arith.andi %add3A_31, %and3A_33 : vector<16xi32>
    %add3A_35 = arith.constant 2 : i32
    %add3A_36 = vector.broadcast %add3A_35 : i32 to vector<16xi32>
    %add3A_37 = arith.addi %iota3A, %add3A_36 : vector<16xi32>
    %and3A_38 = arith.constant 15 : i32
    %and3A_39 = vector.broadcast %and3A_38 : i32 to vector<16xi32>
    %and3A_40 = arith.andi %add3A_37, %and3A_39 : vector<16xi32>
    %add3A_41 = arith.constant 3 : i32
    %add3A_42 = vector.broadcast %add3A_41 : i32 to vector<16xi32>
    %add3A_43 = arith.addi %iota3A, %add3A_42 : vector<16xi32>
    %and3A_44 = arith.constant 15 : i32
    %and3A_45 = vector.broadcast %and3A_44 : i32 to vector<16xi32>
    %and3A_46 = arith.andi %add3A_43, %and3A_45 : vector<16xi32>
    %add3A_47 = arith.constant 4 : i32
    %add3A_48 = vector.broadcast %add3A_47 : i32 to vector<16xi32>
    %add3A_49 = arith.addi %iota3A, %add3A_48 : vector<16xi32>
    %and3A_50 = arith.constant 15 : i32
    %and3A_51 = vector.broadcast %and3A_50 : i32 to vector<16xi32>
    %and3A_52 = arith.andi %add3A_49, %and3A_51 : vector<16xi32>
    %add3A_53 = arith.constant 5 : i32
    %add3A_54 = vector.broadcast %add3A_53 : i32 to vector<16xi32>
    %add3A_55 = arith.addi %iota3A, %add3A_54 : vector<16xi32>
    %and3A_56 = arith.constant 15 : i32
    %and3A_57 = vector.broadcast %and3A_56 : i32 to vector<16xi32>
    %and3A_58 = arith.andi %add3A_55, %and3A_57 : vector<16xi32>
    %add3A_59 = arith.constant 6 : i32
    %add3A_60 = vector.broadcast %add3A_59 : i32 to vector<16xi32>
    %add3A_61 = arith.addi %iota3A, %add3A_60 : vector<16xi32>
    %and3A_62 = arith.constant 15 : i32
    %and3A_63 = vector.broadcast %and3A_62 : i32 to vector<16xi32>
    %and3A_64 = arith.andi %add3A_61, %and3A_63 : vector<16xi32>
    %add3A_65 = arith.constant 7 : i32
    %add3A_66 = vector.broadcast %add3A_65 : i32 to vector<16xi32>
    %add3A_67 = arith.addi %iota3A, %add3A_66 : vector<16xi32>
    %and3A_68 = arith.constant 15 : i32
    %and3A_69 = vector.broadcast %and3A_68 : i32 to vector<16xi32>
    %and3A_70 = arith.andi %add3A_67, %and3A_69 : vector<16xi32>
    %add3A_71 = arith.constant 8 : i32
    %add3A_72 = vector.broadcast %add3A_71 : i32 to vector<16xi32>
    %add3A_73 = arith.addi %iota3A, %add3A_72 : vector<16xi32>
    %and3A_74 = arith.constant 15 : i32
    %and3A_75 = vector.broadcast %and3A_74 : i32 to vector<16xi32>
    %and3A_76 = arith.andi %add3A_73, %and3A_75 : vector<16xi32>
    %add3A_77 = arith.constant 9 : i32
    %add3A_78 = vector.broadcast %add3A_77 : i32 to vector<16xi32>
    %add3A_79 = arith.addi %iota3A, %add3A_78 : vector<16xi32>
    %and3A_80 = arith.constant 15 : i32
    %and3A_81 = vector.broadcast %and3A_80 : i32 to vector<16xi32>
    %and3A_82 = arith.andi %add3A_79, %and3A_81 : vector<16xi32>
    %add3A_83 = arith.constant 10 : i32
    %add3A_84 = vector.broadcast %add3A_83 : i32 to vector<16xi32>
    %add3A_85 = arith.addi %iota3A, %add3A_84 : vector<16xi32>
    %and3A_86 = arith.constant 15 : i32
    %and3A_87 = vector.broadcast %and3A_86 : i32 to vector<16xi32>
    %and3A_88 = arith.andi %add3A_85, %and3A_87 : vector<16xi32>
    %add3A_89 = arith.constant 11 : i32
    %add3A_90 = vector.broadcast %add3A_89 : i32 to vector<16xi32>
    %add3A_91 = arith.addi %iota3A, %add3A_90 : vector<16xi32>
    %and3A_92 = arith.constant 15 : i32
    %and3A_93 = vector.broadcast %and3A_92 : i32 to vector<16xi32>
    %and3A_94 = arith.andi %add3A_91, %and3A_93 : vector<16xi32>
    %add3A_95 = arith.constant 12 : i32
    %add3A_96 = vector.broadcast %add3A_95 : i32 to vector<16xi32>
    %add3A_97 = arith.addi %iota3A, %add3A_96 : vector<16xi32>
    %and3A_98 = arith.constant 15 : i32
    %and3A_99 = vector.broadcast %and3A_98 : i32 to vector<16xi32>
    %and3A_100 = arith.andi %add3A_97, %and3A_99 : vector<16xi32>
    %add3A_101 = arith.constant 13 : i32
    %add3A_102 = vector.broadcast %add3A_101 : i32 to vector<16xi32>
    %add3A_103 = arith.addi %iota3A, %add3A_102 : vector<16xi32>
    %and3A_104 = arith.constant 15 : i32
    %and3A_105 = vector.broadcast %and3A_104 : i32 to vector<16xi32>
    %and3A_106 = arith.andi %add3A_103, %and3A_105 : vector<16xi32>
    %add3A_107 = arith.constant 14 : i32
    %add3A_108 = vector.broadcast %add3A_107 : i32 to vector<16xi32>
    %add3A_109 = arith.addi %iota3A, %add3A_108 : vector<16xi32>
    %and3A_110 = arith.constant 15 : i32
    %and3A_111 = vector.broadcast %and3A_110 : i32 to vector<16xi32>
    %and3A_112 = arith.andi %add3A_109, %and3A_111 : vector<16xi32>
    %add3A_113 = arith.constant 15 : i32
    %add3A_114 = vector.broadcast %add3A_113 : i32 to vector<16xi32>
    %add3A_115 = arith.addi %iota3A, %add3A_114 : vector<16xi32>
    %and3A_116 = arith.constant 15 : i32
    %and3A_117 = vector.broadcast %and3A_116 : i32 to vector<16xi32>
    %and3A_118 = arith.andi %add3A_115, %and3A_117 : vector<16xi32>
    %and3A_119 = arith.constant 7 : i32
    %and3A_120 = vector.broadcast %and3A_119 : i32 to vector<16xi32>
    %and3A_121 = arith.andi %and3A_28, %and3A_120 : vector<16xi32>
    %shift_left3A = arith.constant 4 : i32
    %shift_left3A_122 = vector.broadcast %shift_left3A : i32 to vector<16xi32>
    %shift_left3A_123 = arith.shli %and3A_121, %shift_left3A_122 : vector<16xi32>
    %add3A_124 = arith.addi %shift_left3A_123, %iota3A : vector<16xi32>
    %and3A_125 = arith.constant 7 : i32
    %and3A_126 = vector.broadcast %and3A_125 : i32 to vector<16xi32>
    %and3A_127 = arith.andi %and3A_34, %and3A_126 : vector<16xi32>
    %shift_left3A_128 = arith.constant 4 : i32
    %shift_left3A_129 = vector.broadcast %shift_left3A_128 : i32 to vector<16xi32>
    %shift_left3A_130 = arith.shli %and3A_127, %shift_left3A_129 : vector<16xi32>
    %add3A_131 = arith.addi %shift_left3A_130, %iota3A : vector<16xi32>
    %and3A_132 = arith.constant 7 : i32
    %and3A_133 = vector.broadcast %and3A_132 : i32 to vector<16xi32>
    %and3A_134 = arith.andi %and3A_40, %and3A_133 : vector<16xi32>
    %shift_left3A_135 = arith.constant 4 : i32
    %shift_left3A_136 = vector.broadcast %shift_left3A_135 : i32 to vector<16xi32>
    %shift_left3A_137 = arith.shli %and3A_134, %shift_left3A_136 : vector<16xi32>
    %add3A_138 = arith.addi %shift_left3A_137, %iota3A : vector<16xi32>
    %and3A_139 = arith.constant 7 : i32
    %and3A_140 = vector.broadcast %and3A_139 : i32 to vector<16xi32>
    %and3A_141 = arith.andi %and3A_46, %and3A_140 : vector<16xi32>
    %shift_left3A_142 = arith.constant 4 : i32
    %shift_left3A_143 = vector.broadcast %shift_left3A_142 : i32 to vector<16xi32>
    %shift_left3A_144 = arith.shli %and3A_141, %shift_left3A_143 : vector<16xi32>
    %add3A_145 = arith.addi %shift_left3A_144, %iota3A : vector<16xi32>
    %and3A_146 = arith.constant 7 : i32
    %and3A_147 = vector.broadcast %and3A_146 : i32 to vector<16xi32>
    %and3A_148 = arith.andi %and3A_52, %and3A_147 : vector<16xi32>
    %shift_left3A_149 = arith.constant 4 : i32
    %shift_left3A_150 = vector.broadcast %shift_left3A_149 : i32 to vector<16xi32>
    %shift_left3A_151 = arith.shli %and3A_148, %shift_left3A_150 : vector<16xi32>
    %add3A_152 = arith.addi %shift_left3A_151, %iota3A : vector<16xi32>
    %and3A_153 = arith.constant 7 : i32
    %and3A_154 = vector.broadcast %and3A_153 : i32 to vector<16xi32>
    %and3A_155 = arith.andi %and3A_58, %and3A_154 : vector<16xi32>
    %shift_left3A_156 = arith.constant 4 : i32
    %shift_left3A_157 = vector.broadcast %shift_left3A_156 : i32 to vector<16xi32>
    %shift_left3A_158 = arith.shli %and3A_155, %shift_left3A_157 : vector<16xi32>
    %add3A_159 = arith.addi %shift_left3A_158, %iota3A : vector<16xi32>
    %and3A_160 = arith.constant 7 : i32
    %and3A_161 = vector.broadcast %and3A_160 : i32 to vector<16xi32>
    %and3A_162 = arith.andi %and3A_64, %and3A_161 : vector<16xi32>
    %shift_left3A_163 = arith.constant 4 : i32
    %shift_left3A_164 = vector.broadcast %shift_left3A_163 : i32 to vector<16xi32>
    %shift_left3A_165 = arith.shli %and3A_162, %shift_left3A_164 : vector<16xi32>
    %add3A_166 = arith.addi %shift_left3A_165, %iota3A : vector<16xi32>
    %and3A_167 = arith.constant 7 : i32
    %and3A_168 = vector.broadcast %and3A_167 : i32 to vector<16xi32>
    %and3A_169 = arith.andi %and3A_70, %and3A_168 : vector<16xi32>
    %shift_left3A_170 = arith.constant 4 : i32
    %shift_left3A_171 = vector.broadcast %shift_left3A_170 : i32 to vector<16xi32>
    %shift_left3A_172 = arith.shli %and3A_169, %shift_left3A_171 : vector<16xi32>
    %add3A_173 = arith.addi %shift_left3A_172, %iota3A : vector<16xi32>
    %and3A_174 = arith.constant 7 : i32
    %and3A_175 = vector.broadcast %and3A_174 : i32 to vector<16xi32>
    %and3A_176 = arith.andi %and3A_76, %and3A_175 : vector<16xi32>
    %shift_left3A_177 = arith.constant 4 : i32
    %shift_left3A_178 = vector.broadcast %shift_left3A_177 : i32 to vector<16xi32>
    %shift_left3A_179 = arith.shli %and3A_176, %shift_left3A_178 : vector<16xi32>
    %add3A_180 = arith.addi %shift_left3A_179, %iota3A : vector<16xi32>
    %and3A_181 = arith.constant 7 : i32
    %and3A_182 = vector.broadcast %and3A_181 : i32 to vector<16xi32>
    %and3A_183 = arith.andi %and3A_82, %and3A_182 : vector<16xi32>
    %shift_left3A_184 = arith.constant 4 : i32
    %shift_left3A_185 = vector.broadcast %shift_left3A_184 : i32 to vector<16xi32>
    %shift_left3A_186 = arith.shli %and3A_183, %shift_left3A_185 : vector<16xi32>
    %add3A_187 = arith.addi %shift_left3A_186, %iota3A : vector<16xi32>
    %and3A_188 = arith.constant 7 : i32
    %and3A_189 = vector.broadcast %and3A_188 : i32 to vector<16xi32>
    %and3A_190 = arith.andi %and3A_88, %and3A_189 : vector<16xi32>
    %shift_left3A_191 = arith.constant 4 : i32
    %shift_left3A_192 = vector.broadcast %shift_left3A_191 : i32 to vector<16xi32>
    %shift_left3A_193 = arith.shli %and3A_190, %shift_left3A_192 : vector<16xi32>
    %add3A_194 = arith.addi %shift_left3A_193, %iota3A : vector<16xi32>
    %and3A_195 = arith.constant 7 : i32
    %and3A_196 = vector.broadcast %and3A_195 : i32 to vector<16xi32>
    %and3A_197 = arith.andi %and3A_94, %and3A_196 : vector<16xi32>
    %shift_left3A_198 = arith.constant 4 : i32
    %shift_left3A_199 = vector.broadcast %shift_left3A_198 : i32 to vector<16xi32>
    %shift_left3A_200 = arith.shli %and3A_197, %shift_left3A_199 : vector<16xi32>
    %add3A_201 = arith.addi %shift_left3A_200, %iota3A : vector<16xi32>
    %and3A_202 = arith.constant 7 : i32
    %and3A_203 = vector.broadcast %and3A_202 : i32 to vector<16xi32>
    %and3A_204 = arith.andi %and3A_100, %and3A_203 : vector<16xi32>
    %shift_left3A_205 = arith.constant 4 : i32
    %shift_left3A_206 = vector.broadcast %shift_left3A_205 : i32 to vector<16xi32>
    %shift_left3A_207 = arith.shli %and3A_204, %shift_left3A_206 : vector<16xi32>
    %add3A_208 = arith.addi %shift_left3A_207, %iota3A : vector<16xi32>
    %and3A_209 = arith.constant 7 : i32
    %and3A_210 = vector.broadcast %and3A_209 : i32 to vector<16xi32>
    %and3A_211 = arith.andi %and3A_106, %and3A_210 : vector<16xi32>
    %shift_left3A_212 = arith.constant 4 : i32
    %shift_left3A_213 = vector.broadcast %shift_left3A_212 : i32 to vector<16xi32>
    %shift_left3A_214 = arith.shli %and3A_211, %shift_left3A_213 : vector<16xi32>
    %add3A_215 = arith.addi %shift_left3A_214, %iota3A : vector<16xi32>
    %and3A_216 = arith.constant 7 : i32
    %and3A_217 = vector.broadcast %and3A_216 : i32 to vector<16xi32>
    %and3A_218 = arith.andi %and3A_112, %and3A_217 : vector<16xi32>
    %shift_left3A_219 = arith.constant 4 : i32
    %shift_left3A_220 = vector.broadcast %shift_left3A_219 : i32 to vector<16xi32>
    %shift_left3A_221 = arith.shli %and3A_218, %shift_left3A_220 : vector<16xi32>
    %add3A_222 = arith.addi %shift_left3A_221, %iota3A : vector<16xi32>
    %and3A_223 = arith.constant 7 : i32
    %and3A_224 = vector.broadcast %and3A_223 : i32 to vector<16xi32>
    %and3A_225 = arith.andi %and3A_118, %and3A_224 : vector<16xi32>
    %shift_left3A_226 = arith.constant 4 : i32
    %shift_left3A_227 = vector.broadcast %shift_left3A_226 : i32 to vector<16xi32>
    %shift_left3A_228 = arith.shli %and3A_225, %shift_left3A_227 : vector<16xi32>
    %add3A_229 = arith.addi %shift_left3A_228, %iota3A : vector<16xi32>
    %gt3A = arith.constant 0 : i32
    %gt3A_230 = arith.cmpi sgt, %select_n3A, %gt3A : i32
    %convert_element_type3A = arith.extui %gt3A_230 : i1 to i32
    %cond3A = arith.constant 0 : i32
    %cond3A_231 = arith.cmpi ne, %convert_element_type3A, %cond3A : i32
    scf.if %cond3A_231 {
      %add3A_252 = arith.constant 0 : i32
      %add3A_253 = arith.addi %add3A, %add3A_252 : i32
      %mul3A_254 = arith.constant 1024 : i32
      %mul3A_255 = arith.muli %add3A_253, %mul3A_254 : i32
      %dma_start3A = arith.constant 0 : i32
      %dma_start3A_256 = tpu.memref_slice %arg2[%dma_start3A, %mul3A_255] : memref<16x2600000xf32, #tpu.memory_space<hbm>> -> memref<16x1024xf32, #tpu.memory_space<hbm>>
      %dma_start3A_257 = arith.constant 0 : i32
      %dma_start3A_258 = tpu.memref_slice %arg2[%dma_start3A_257, %mul3A_255] : memref<16x2600000xf32, #tpu.memory_space<hbm>> -> memref<16x1024xf32, #tpu.memory_space<hbm>>
      tpu.enqueue_dma source(%dma_start3A_258 : memref<16x1024xf32, #tpu.memory_space<hbm>>) target(%arg5 : memref<16x1024xf32, #tpu.memory_space<vmem>>) target_semaphore(%arg9 : memref<!tpu.dma_semaphore, #tpu.memory_space<semaphore_mem>>)
    } else {
    }
    %scan3A = arith.constant 0 : i32
    %scan3A_232 = arith.constant 0 : i32
    %scan3A_233 = arith.constant 41 : i32
    %scan3A_234 = arith.addi %scan3A_232, %scan3A_233 : i32
    %scan3A_235 = arith.constant 1 : i32
    %scan3A_236 = scf.for %scan3A_252 = %scan3A_232 to %scan3A_234 step %scan3A_235 iter_args(%scan3A_253 = %scan3A) -> (i32)  : i32 {
      %mul3A_254 = arith.constant 2 : i32
      %mul3A_255 = arith.muli %scan3A_252, %mul3A_254 : i32
      %add3A_256 = arith.constant 1 : i32
      %add3A_257 = arith.addi %mul3A_255, %add3A_256 : i32
      %lt3A = arith.cmpi slt, %add3A_257, %select_n3A : i32
      %convert_element_type3A_258 = arith.extui %lt3A : i1 to i32
      %cond3A_259 = arith.constant 0 : i32
      %cond3A_260 = arith.cmpi ne, %convert_element_type3A_258, %cond3A_259 : i32
      scf.if %cond3A_260 {
        %mul3A_278 = arith.constant 32 : i32
        %mul3A_279 = arith.muli %add3A_257, %mul3A_278 : i32
        %add3A_280 = arith.addi %add3A, %mul3A_279 : i32
        %mul3A_281 = arith.constant 1024 : i32
        %mul3A_282 = arith.muli %add3A_280, %mul3A_281 : i32
        %dma_start3A = arith.constant 0 : i32
        %dma_start3A_283 = tpu.memref_slice %arg2[%dma_start3A, %mul3A_282] : memref<16x2600000xf32, #tpu.memory_space<hbm>> -> memref<16x1024xf32, #tpu.memory_space<hbm>>
        %dma_start3A_284 = arith.constant 0 : i32
        %dma_start3A_285 = tpu.memref_slice %arg2[%dma_start3A_284, %mul3A_282] : memref<16x2600000xf32, #tpu.memory_space<hbm>> -> memref<16x1024xf32, #tpu.memory_space<hbm>>
        tpu.enqueue_dma source(%dma_start3A_285 : memref<16x1024xf32, #tpu.memory_space<hbm>>) target(%arg6 : memref<16x1024xf32, #tpu.memory_space<vmem>>) target_semaphore(%arg10 : memref<!tpu.dma_semaphore, #tpu.memory_space<semaphore_mem>>)
      } else {
      }
      %lt3A_261 = arith.cmpi slt, %mul3A_255, %select_n3A : i32
      %convert_element_type3A_262 = arith.extui %lt3A_261 : i1 to i32
      %cond3A_263 = arith.constant 0 : i32
      %cond3A_264 = arith.cmpi ne, %convert_element_type3A_262, %cond3A_263 : i32
      scf.if %cond3A_264 {
        %mul3A_278 = arith.constant 32 : i32
        %mul3A_279 = arith.muli %mul3A_255, %mul3A_278 : i32
        %add3A_280 = arith.addi %add3A, %mul3A_279 : i32
        %mul3A_281 = arith.constant 1024 : i32
        %mul3A_282 = arith.muli %add3A_280, %mul3A_281 : i32
        %dma_wait3A = arith.constant 0 : i32
        %dma_wait3A_283 = tpu.memref_slice %arg2[%dma_wait3A, %mul3A_282] : memref<16x2600000xf32, #tpu.memory_space<hbm>> -> memref<16x1024xf32, #tpu.memory_space<hbm>>
        %dma_wait3A_284 = arith.constant 0 : i32
        %dma_wait3A_285 = tpu.memref_slice %arg2[%dma_wait3A_284, %mul3A_282] : memref<16x2600000xf32, #tpu.memory_space<hbm>> -> memref<16x1024xf32, #tpu.memory_space<hbm>>
        tpu.wait_dma2 semaphore(%arg9 : memref<!tpu.dma_semaphore, #tpu.memory_space<semaphore_mem>>) src(%dma_wait3A_285 : memref<16x1024xf32, #tpu.memory_space<hbm>>) dst(%arg5 : memref<16x1024xf32, #tpu.memory_space<vmem>>)
        %ge3A = arith.constant 2 : i32
        %ge3A_286 = arith.cmpi sge, %mul3A_255, %ge3A : i32
        %convert_element_type3A_287 = arith.extui %ge3A_286 : i1 to i32
        %cond3A_288 = arith.constant 0 : i32
        %cond3A_289 = arith.cmpi ne, %convert_element_type3A_287, %cond3A_288 : i32
        scf.if %cond3A_289 {
          %sub3A_302 = arith.constant 2 : i32
          %sub3A_303 = arith.subi %mul3A_255, %sub3A_302 : i32
          %mul3A_304 = arith.constant 32 : i32
          %mul3A_305 = arith.muli %sub3A_303, %mul3A_304 : i32
          %add3A_306 = arith.addi %add3A, %mul3A_305 : i32
          %mul3A_307 = arith.constant 128 : i32
          %mul3A_308 = arith.muli %add3A_306, %mul3A_307 : i32
          %dma_wait3A_309 = arith.constant 0 : i32
          %dma_wait3A_310 = tpu.memref_slice %arg4[%mul3A_308, %dma_wait3A_309] : memref<325000x128xf32, #tpu.memory_space<hbm>> -> memref<128x128xf32, #tpu.memory_space<hbm>>
          %dma_wait3A_311 = arith.constant 0 : i32
          %dma_wait3A_312 = tpu.memref_slice %arg4[%mul3A_308, %dma_wait3A_311] : memref<325000x128xf32, #tpu.memory_space<hbm>> -> memref<128x128xf32, #tpu.memory_space<hbm>>
          tpu.wait_dma2 semaphore(%arg11 : memref<!tpu.dma_semaphore, #tpu.memory_space<semaphore_mem>>) src(%arg7 : memref<128x128xf32, #tpu.memory_space<vmem>>) dst(%dma_wait3A_312 : memref<128x128xf32, #tpu.memory_space<hbm>>)
        } else {
        }
        %scan3A_290 = arith.constant 0 : i32
        %scan3A_291 = arith.constant 0 : i32
        %scan3A_292 = arith.constant 64 : i32
        %scan3A_293 = arith.addi %scan3A_291, %scan3A_292 : i32
        %scan3A_294 = arith.constant 4 : i32
        %scan3A_295 = scf.for %scan3A_302 = %scan3A_291 to %scan3A_293 step %scan3A_294 iter_args(%scan3A_303 = %scan3A_290) -> (i32)  : i32 {
          %mul3A_304 = arith.constant 16 : i32
          %mul3A_305 = arith.muli %scan3A_302, %mul3A_304 : i32
          %broadcast_in_dim3A = vector.broadcast %mul3A_305 : i32 to vector<16xi32>
          %add3A_306 = arith.addi %broadcast_in_dim3A, %and3A_28 : vector<16xi32>
          %gather3A = tpu.vector_load_idx %arg5[%iota3A, %add3A_306] : memref<16x1024xf32, #tpu.memory_space<vmem>>[vector<16xi32>, vector<16xi32>], vector<16xf32>,
          %shift_right_arithmetic3A = arith.constant 3 : i32
          %shift_right_arithmetic3A_307 = vector.broadcast %shift_right_arithmetic3A : i32 to vector<16xi32>
          %shift_right_arithmetic3A_308 = arith.shrsi %add3A_306, %shift_right_arithmetic3A_307 : vector<16xi32>
          tpu.vector_store_idx %arg7[%shift_right_arithmetic3A_308, %add3A_124], %gather3A : memref<128x128xf32, #tpu.memory_space<vmem>>[vector<16xi32>, vector<16xi32>], vector<16xf32>,
          %add3A_309 = arith.addi %broadcast_in_dim3A, %and3A_34 : vector<16xi32>
          %gather3A_310 = tpu.vector_load_idx %arg5[%iota3A, %add3A_309] : memref<16x1024xf32, #tpu.memory_space<vmem>>[vector<16xi32>, vector<16xi32>], vector<16xf32>,
          %shift_right_arithmetic3A_311 = arith.constant 3 : i32
          %shift_right_arithmetic3A_312 = vector.broadcast %shift_right_arithmetic3A_311 : i32 to vector<16xi32>
          %shift_right_arithmetic3A_313 = arith.shrsi %add3A_309, %shift_right_arithmetic3A_312 : vector<16xi32>
          tpu.vector_store_idx %arg7[%shift_right_arithmetic3A_313, %add3A_131], %gather3A_310 : memref<128x128xf32, #tpu.memory_space<vmem>>[vector<16xi32>, vector<16xi32>], vector<16xf32>,
          %add3A_314 = arith.addi %broadcast_in_dim3A, %and3A_40 : vector<16xi32>
          %gather3A_315 = tpu.vector_load_idx %arg5[%iota3A, %add3A_314] : memref<16x1024xf32, #tpu.memory_space<vmem>>[vector<16xi32>, vector<16xi32>], vector<16xf32>,
          %shift_right_arithmetic3A_316 = arith.constant 3 : i32
          %shift_right_arithmetic3A_317 = vector.broadcast %shift_right_arithmetic3A_316 : i32 to vector<16xi32>
          %shift_right_arithmetic3A_318 = arith.shrsi %add3A_314, %shift_right_arithmetic3A_317 : vector<16xi32>
          tpu.vector_store_idx %arg7[%shift_right_arithmetic3A_318, %add3A_138], %gather3A_315 : memref<128x128xf32, #tpu.memory_space<vmem>>[vector<16xi32>, vector<16xi32>], vector<16xf32>,
          %add3A_319 = arith.addi %broadcast_in_dim3A, %and3A_46 : vector<16xi32>
          %gather3A_320 = tpu.vector_load_idx %arg5[%iota3A, %add3A_319] : memref<16x1024xf32, #tpu.memory_space<vmem>>[vector<16xi32>, vector<16xi32>], vector<16xf32>,
          %shift_right_arithmetic3A_321 = arith.constant 3 : i32
          %shift_right_arithmetic3A_322 = vector.broadcast %shift_right_arithmetic3A_321 : i32 to vector<16xi32>
          %shift_right_arithmetic3A_323 = arith.shrsi %add3A_319, %shift_right_arithmetic3A_322 : vector<16xi32>
          tpu.vector_store_idx %arg7[%shift_right_arithmetic3A_323, %add3A_145], %gather3A_320 : memref<128x128xf32, #tpu.memory_space<vmem>>[vector<16xi32>, vector<16xi32>], vector<16xf32>,
          %add3A_324 = arith.addi %broadcast_in_dim3A, %and3A_52 : vector<16xi32>
          %gather3A_325 = tpu.vector_load_idx %arg5[%iota3A, %add3A_324] : memref<16x1024xf32, #tpu.memory_space<vmem>>[vector<16xi32>, vector<16xi32>], vector<16xf32>,
          %shift_right_arithmetic3A_326 = arith.constant 3 : i32
          %shift_right_arithmetic3A_327 = vector.broadcast %shift_right_arithmetic3A_326 : i32 to vector<16xi32>
          %shift_right_arithmetic3A_328 = arith.shrsi %add3A_324, %shift_right_arithmetic3A_327 : vector<16xi32>
          tpu.vector_store_idx %arg7[%shift_right_arithmetic3A_328, %add3A_152], %gather3A_325 : memref<128x128xf32, #tpu.memory_space<vmem>>[vector<16xi32>, vector<16xi32>], vector<16xf32>,
          %add3A_329 = arith.addi %broadcast_in_dim3A, %and3A_58 : vector<16xi32>
          %gather3A_330 = tpu.vector_load_idx %arg5[%iota3A, %add3A_329] : memref<16x1024xf32, #tpu.memory_space<vmem>>[vector<16xi32>, vector<16xi32>], vector<16xf32>,
          %shift_right_arithmetic3A_331 = arith.constant 3 : i32
          %shift_right_arithmetic3A_332 = vector.broadcast %shift_right_arithmetic3A_331 : i32 to vector<16xi32>
          %shift_right_arithmetic3A_333 = arith.shrsi %add3A_329, %shift_right_arithmetic3A_332 : vector<16xi32>
          tpu.vector_store_idx %arg7[%shift_right_arithmetic3A_333, %add3A_159], %gather3A_330 : memref<128x128xf32, #tpu.memory_space<vmem>>[vector<16xi32>, vector<16xi32>], vector<16xf32>,
          %add3A_334 = arith.addi %broadcast_in_dim3A, %and3A_64 : vector<16xi32>
          %gather3A_335 = tpu.vector_load_idx %arg5[%iota3A, %add3A_334] : memref<16x1024xf32, #tpu.memory_space<vmem>>[vector<16xi32>, vector<16xi32>], vector<16xf32>,
          %shift_right_arithmetic3A_336 = arith.constant 3 : i32
          %shift_right_arithmetic3A_337 = vector.broadcast %shift_right_arithmetic3A_336 : i32 to vector<16xi32>
          %shift_right_arithmetic3A_338 = arith.shrsi %add3A_334, %shift_right_arithmetic3A_337 : vector<16xi32>
          tpu.vector_store_idx %arg7[%shift_right_arithmetic3A_338, %add3A_166], %gather3A_335 : memref<128x128xf32, #tpu.memory_space<vmem>>[vector<16xi32>, vector<16xi32>], vector<16xf32>,
          %add3A_339 = arith.addi %broadcast_in_dim3A, %and3A_70 : vector<16xi32>
          %gather3A_340 = tpu.vector_load_idx %arg5[%iota3A, %add3A_339] : memref<16x1024xf32, #tpu.memory_space<vmem>>[vector<16xi32>, vector<16xi32>], vector<16xf32>,
          %shift_right_arithmetic3A_341 = arith.constant 3 : i32
          %shift_right_arithmetic3A_342 = vector.broadcast %shift_right_arithmetic3A_341 : i32 to vector<16xi32>
          %shift_right_arithmetic3A_343 = arith.shrsi %add3A_339, %shift_right_arithmetic3A_342 : vector<16xi32>
          tpu.vector_store_idx %arg7[%shift_right_arithmetic3A_343, %add3A_173], %gather3A_340 : memref<128x128xf32, #tpu.memory_space<vmem>>[vector<16xi32>, vector<16xi32>], vector<16xf32>,
          %add3A_344 = arith.addi %broadcast_in_dim3A, %and3A_76 : vector<16xi32>
          %gather3A_345 = tpu.vector_load_idx %arg5[%iota3A, %add3A_344] : memref<16x1024xf32, #tpu.memory_space<vmem>>[vector<16xi32>, vector<16xi32>], vector<16xf32>,
          %shift_right_arithmetic3A_346 = arith.constant 3 : i32
          %shift_right_arithmetic3A_347 = vector.broadcast %shift_right_arithmetic3A_346 : i32 to vector<16xi32>
          %shift_right_arithmetic3A_348 = arith.shrsi %add3A_344, %shift_right_arithmetic3A_347 : vector<16xi32>
          tpu.vector_store_idx %arg7[%shift_right_arithmetic3A_348, %add3A_180], %gather3A_345 : memref<128x128xf32, #tpu.memory_space<vmem>>[vector<16xi32>, vector<16xi32>], vector<16xf32>,
          %add3A_349 = arith.addi %broadcast_in_dim3A, %and3A_82 : vector<16xi32>
          %gather3A_350 = tpu.vector_load_idx %arg5[%iota3A, %add3A_349] : memref<16x1024xf32, #tpu.memory_space<vmem>>[vector<16xi32>, vector<16xi32>], vector<16xf32>,
          %shift_right_arithmetic3A_351 = arith.constant 3 : i32
          %shift_right_arithmetic3A_352 = vector.broadcast %shift_right_arithmetic3A_351 : i32 to vector<16xi32>
          %shift_right_arithmetic3A_353 = arith.shrsi %add3A_349, %shift_right_arithmetic3A_352 : vector<16xi32>
          tpu.vector_store_idx %arg7[%shift_right_arithmetic3A_353, %add3A_187], %gather3A_350 : memref<128x128xf32, #tpu.memory_space<vmem>>[vector<16xi32>, vector<16xi32>], vector<16xf32>,
          %add3A_354 = arith.addi %broadcast_in_dim3A, %and3A_88 : vector<16xi32>
          %gather3A_355 = tpu.vector_load_idx %arg5[%iota3A, %add3A_354] : memref<16x1024xf32, #tpu.memory_space<vmem>>[vector<16xi32>, vector<16xi32>], vector<16xf32>,
          %shift_right_arithmetic3A_356 = arith.constant 3 : i32
          %shift_right_arithmetic3A_357 = vector.broadcast %shift_right_arithmetic3A_356 : i32 to vector<16xi32>
          %shift_right_arithmetic3A_358 = arith.shrsi %add3A_354, %shift_right_arithmetic3A_357 : vector<16xi32>
          tpu.vector_store_idx %arg7[%shift_right_arithmetic3A_358, %add3A_194], %gather3A_355 : memref<128x128xf32, #tpu.memory_space<vmem>>[vector<16xi32>, vector<16xi32>], vector<16xf32>,
          %add3A_359 = arith.addi %broadcast_in_dim3A, %and3A_94 : vector<16xi32>
          %gather3A_360 = tpu.vector_load_idx %arg5[%iota3A, %add3A_359] : memref<16x1024xf32, #tpu.memory_space<vmem>>[vector<16xi32>, vector<16xi32>], vector<16xf32>,
          %shift_right_arithmetic3A_361 = arith.constant 3 : i32
          %shift_right_arithmetic3A_362 = vector.broadcast %shift_right_arithmetic3A_361 : i32 to vector<16xi32>
          %shift_right_arithmetic3A_363 = arith.shrsi %add3A_359, %shift_right_arithmetic3A_362 : vector<16xi32>
          tpu.vector_store_idx %arg7[%shift_right_arithmetic3A_363, %add3A_201], %gather3A_360 : memref<128x128xf32, #tpu.memory_space<vmem>>[vector<16xi32>, vector<16xi32>], vector<16xf32>,
          %add3A_364 = arith.addi %broadcast_in_dim3A, %and3A_100 : vector<16xi32>
          %gather3A_365 = tpu.vector_load_idx %arg5[%iota3A, %add3A_364] : memref<16x1024xf32, #tpu.memory_space<vmem>>[vector<16xi32>, vector<16xi32>], vector<16xf32>,
          %shift_right_arithmetic3A_366 = arith.constant 3 : i32
          %shift_right_arithmetic3A_367 = vector.broadcast %shift_right_arithmetic3A_366 : i32 to vector<16xi32>
          %shift_right_arithmetic3A_368 = arith.shrsi %add3A_364, %shift_right_arithmetic3A_367 : vector<16xi32>
          tpu.vector_store_idx %arg7[%shift_right_arithmetic3A_368, %add3A_208], %gather3A_365 : memref<128x128xf32, #tpu.memory_space<vmem>>[vector<16xi32>, vector<16xi32>], vector<16xf32>,
          %add3A_369 = arith.addi %broadcast_in_dim3A, %and3A_106 : vector<16xi32>
          %gather3A_370 = tpu.vector_load_idx %arg5[%iota3A, %add3A_369] : memref<16x1024xf32, #tpu.memory_space<vmem>>[vector<16xi32>, vector<16xi32>], vector<16xf32>,
          %shift_right_arithmetic3A_371 = arith.constant 3 : i32
          %shift_right_arithmetic3A_372 = vector.broadcast %shift_right_arithmetic3A_371 : i32 to vector<16xi32>
          %shift_right_arithmetic3A_373 = arith.shrsi %add3A_369, %shift_right_arithmetic3A_372 : vector<16xi32>
          tpu.vector_store_idx %arg7[%shift_right_arithmetic3A_373, %add3A_215], %gather3A_370 : memref<128x128xf32, #tpu.memory_space<vmem>>[vector<16xi32>, vector<16xi32>], vector<16xf32>,
          %add3A_374 = arith.addi %broadcast_in_dim3A, %and3A_112 : vector<16xi32>
          %gather3A_375 = tpu.vector_load_idx %arg5[%iota3A, %add3A_374] : memref<16x1024xf32, #tpu.memory_space<vmem>>[vector<16xi32>, vector<16xi32>], vector<16xf32>,
          %shift_right_arithmetic3A_376 = arith.constant 3 : i32
          %shift_right_arithmetic3A_377 = vector.broadcast %shift_right_arithmetic3A_376 : i32 to vector<16xi32>
          %shift_right_arithmetic3A_378 = arith.shrsi %add3A_374, %shift_right_arithmetic3A_377 : vector<16xi32>
          tpu.vector_store_idx %arg7[%shift_right_arithmetic3A_378, %add3A_222], %gather3A_375 : memref<128x128xf32, #tpu.memory_space<vmem>>[vector<16xi32>, vector<16xi32>], vector<16xf32>,
          %add3A_379 = arith.addi %broadcast_in_dim3A, %and3A_118 : vector<16xi32>
          %gather3A_380 = tpu.vector_load_idx %arg5[%iota3A, %add3A_379] : memref<16x1024xf32, #tpu.memory_space<vmem>>[vector<16xi32>, vector<16xi32>], vector<16xf32>,
          %shift_right_arithmetic3A_381 = arith.constant 3 : i32
          %shift_right_arithmetic3A_382 = vector.broadcast %shift_right_arithmetic3A_381 : i32 to vector<16xi32>
          %shift_right_arithmetic3A_383 = arith.shrsi %add3A_379, %shift_right_arithmetic3A_382 : vector<16xi32>
          tpu.vector_store_idx %arg7[%shift_right_arithmetic3A_383, %add3A_229], %gather3A_380 : memref<128x128xf32, #tpu.memory_space<vmem>>[vector<16xi32>, vector<16xi32>], vector<16xf32>,
          %scan3A_384 = arith.constant 0 : i32
          %scan3A_385 = arith.constant 1 : i32
          %scan3A_386 = arith.addi %scan3A_302, %scan3A_385 : i32
          %mul3A_387 = arith.constant 16 : i32
          %mul3A_388 = arith.muli %scan3A_386, %mul3A_387 : i32
          %broadcast_in_dim3A_389 = vector.broadcast %mul3A_388 : i32 to vector<16xi32>
          %add3A_390 = arith.addi %broadcast_in_dim3A_389, %and3A_28 : vector<16xi32>
          %gather3A_391 = tpu.vector_load_idx %arg5[%iota3A, %add3A_390] : memref<16x1024xf32, #tpu.memory_space<vmem>>[vector<16xi32>, vector<16xi32>], vector<16xf32>,
          %shift_right_arithmetic3A_392 = arith.constant 3 : i32
          %shift_right_arithmetic3A_393 = vector.broadcast %shift_right_arithmetic3A_392 : i32 to vector<16xi32>
          %shift_right_arithmetic3A_394 = arith.shrsi %add3A_390, %shift_right_arithmetic3A_393 : vector<16xi32>
          tpu.vector_store_idx %arg7[%shift_right_arithmetic3A_394, %add3A_124], %gather3A_391 : memref<128x128xf32, #tpu.memory_space<vmem>>[vector<16xi32>, vector<16xi32>], vector<16xf32>,
          %add3A_395 = arith.addi %broadcast_in_dim3A_389, %and3A_34 : vector<16xi32>
          %gather3A_396 = tpu.vector_load_idx %arg5[%iota3A, %add3A_395] : memref<16x1024xf32, #tpu.memory_space<vmem>>[vector<16xi32>, vector<16xi32>], vector<16xf32>,
          %shift_right_arithmetic3A_397 = arith.constant 3 : i32
          %shift_right_arithmetic3A_398 = vector.broadcast %shift_right_arithmetic3A_397 : i32 to vector<16xi32>
          %shift_right_arithmetic3A_399 = arith.shrsi %add3A_395, %shift_right_arithmetic3A_398 : vector<16xi32>
          tpu.vector_store_idx %arg7[%shift_right_arithmetic3A_399, %add3A_131], %gather3A_396 : memref<128x128xf32, #tpu.memory_space<vmem>>[vector<16xi32>, vector<16xi32>], vector<16xf32>,
          %add3A_400 = arith.addi %broadcast_in_dim3A_389, %and3A_40 : vector<16xi32>
          %gather3A_401 = tpu.vector_load_idx %arg5[%iota3A, %add3A_400] : memref<16x1024xf32, #tpu.memory_space<vmem>>[vector<16xi32>, vector<16xi32>], vector<16xf32>,
          %shift_right_arithmetic3A_402 = arith.constant 3 : i32
          %shift_right_arithmetic3A_403 = vector.broadcast %shift_right_arithmetic3A_402 : i32 to vector<16xi32>
          %shift_right_arithmetic3A_404 = arith.shrsi %add3A_400, %shift_right_arithmetic3A_403 : vector<16xi32>
          tpu.vector_store_idx %arg7[%shift_right_arithmetic3A_404, %add3A_138], %gather3A_401 : memref<128x128xf32, #tpu.memory_space<vmem>>[vector<16xi32>, vector<16xi32>], vector<16xf32>,
          %add3A_405 = arith.addi %broadcast_in_dim3A_389, %and3A_46 : vector<16xi32>
          %gather3A_406 = tpu.vector_load_idx %arg5[%iota3A, %add3A_405] : memref<16x1024xf32, #tpu.memory_space<vmem>>[vector<16xi32>, vector<16xi32>], vector<16xf32>,
          %shift_right_arithmetic3A_407 = arith.constant 3 : i32
          %shift_right_arithmetic3A_408 = vector.broadcast %shift_right_arithmetic3A_407 : i32 to vector<16xi32>
          %shift_right_arithmetic3A_409 = arith.shrsi %add3A_405, %shift_right_arithmetic3A_408 : vector<16xi32>
          tpu.vector_store_idx %arg7[%shift_right_arithmetic3A_409, %add3A_145], %gather3A_406 : memref<128x128xf32, #tpu.memory_space<vmem>>[vector<16xi32>, vector<16xi32>], vector<16xf32>,
          %add3A_410 = arith.addi %broadcast_in_dim3A_389, %and3A_52 : vector<16xi32>
          %gather3A_411 = tpu.vector_load_idx %arg5[%iota3A, %add3A_410] : memref<16x1024xf32, #tpu.memory_space<vmem>>[vector<16xi32>, vector<16xi32>], vector<16xf32>,
          %shift_right_arithmetic3A_412 = arith.constant 3 : i32
          %shift_right_arithmetic3A_413 = vector.broadcast %shift_right_arithmetic3A_412 : i32 to vector<16xi32>
          %shift_right_arithmetic3A_414 = arith.shrsi %add3A_410, %shift_right_arithmetic3A_413 : vector<16xi32>
          tpu.vector_store_idx %arg7[%shift_right_arithmetic3A_414, %add3A_152], %gather3A_411 : memref<128x128xf32, #tpu.memory_space<vmem>>[vector<16xi32>, vector<16xi32>], vector<16xf32>,
          %add3A_415 = arith.addi %broadcast_in_dim3A_389, %and3A_58 : vector<16xi32>
          %gather3A_416 = tpu.vector_load_idx %arg5[%iota3A, %add3A_415] : memref<16x1024xf32, #tpu.memory_space<vmem>>[vector<16xi32>, vector<16xi32>], vector<16xf32>,
          %shift_right_arithmetic3A_417 = arith.constant 3 : i32
          %shift_right_arithmetic3A_418 = vector.broadcast %shift_right_arithmetic3A_417 : i32 to vector<16xi32>
          %shift_right_arithmetic3A_419 = arith.shrsi %add3A_415, %shift_right_arithmetic3A_418 : vector<16xi32>
          tpu.vector_store_idx %arg7[%shift_right_arithmetic3A_419, %add3A_159], %gather3A_416 : memref<128x128xf32, #tpu.memory_space<vmem>>[vector<16xi32>, vector<16xi32>], vector<16xf32>,
          %add3A_420 = arith.addi %broadcast_in_dim3A_389, %and3A_64 : vector<16xi32>
          %gather3A_421 = tpu.vector_load_idx %arg5[%iota3A, %add3A_420] : memref<16x1024xf32, #tpu.memory_space<vmem>>[vector<16xi32>, vector<16xi32>], vector<16xf32>,
          %shift_right_arithmetic3A_422 = arith.constant 3 : i32
          %shift_right_arithmetic3A_423 = vector.broadcast %shift_right_arithmetic3A_422 : i32 to vector<16xi32>
          %shift_right_arithmetic3A_424 = arith.shrsi %add3A_420, %shift_right_arithmetic3A_423 : vector<16xi32>
          tpu.vector_store_idx %arg7[%shift_right_arithmetic3A_424, %add3A_166], %gather3A_421 : memref<128x128xf32, #tpu.memory_space<vmem>>[vector<16xi32>, vector<16xi32>], vector<16xf32>,
          %add3A_425 = arith.addi %broadcast_in_dim3A_389, %and3A_70 : vector<16xi32>
          %gather3A_426 = tpu.vector_load_idx %arg5[%iota3A, %add3A_425] : memref<16x1024xf32, #tpu.memory_space<vmem>>[vector<16xi32>, vector<16xi32>], vector<16xf32>,
          %shift_right_arithmetic3A_427 = arith.constant 3 : i32
          %shift_right_arithmetic3A_428 = vector.broadcast %shift_right_arithmetic3A_427 : i32 to vector<16xi32>
          %shift_right_arithmetic3A_429 = arith.shrsi %add3A_425, %shift_right_arithmetic3A_428 : vector<16xi32>
          tpu.vector_store_idx %arg7[%shift_right_arithmetic3A_429, %add3A_173], %gather3A_426 : memref<128x128xf32, #tpu.memory_space<vmem>>[vector<16xi32>, vector<16xi32>], vector<16xf32>,
          %add3A_430 = arith.addi %broadcast_in_dim3A_389, %and3A_76 : vector<16xi32>
          %gather3A_431 = tpu.vector_load_idx %arg5[%iota3A, %add3A_430] : memref<16x1024xf32, #tpu.memory_space<vmem>>[vector<16xi32>, vector<16xi32>], vector<16xf32>,
          %shift_right_arithmetic3A_432 = arith.constant 3 : i32
          %shift_right_arithmetic3A_433 = vector.broadcast %shift_right_arithmetic3A_432 : i32 to vector<16xi32>
          %shift_right_arithmetic3A_434 = arith.shrsi %add3A_430, %shift_right_arithmetic3A_433 : vector<16xi32>
          tpu.vector_store_idx %arg7[%shift_right_arithmetic3A_434, %add3A_180], %gather3A_431 : memref<128x128xf32, #tpu.memory_space<vmem>>[vector<16xi32>, vector<16xi32>], vector<16xf32>,
          %add3A_435 = arith.addi %broadcast_in_dim3A_389, %and3A_82 : vector<16xi32>
          %gather3A_436 = tpu.vector_load_idx %arg5[%iota3A, %add3A_435] : memref<16x1024xf32, #tpu.memory_space<vmem>>[vector<16xi32>, vector<16xi32>], vector<16xf32>,
          %shift_right_arithmetic3A_437 = arith.constant 3 : i32
          %shift_right_arithmetic3A_438 = vector.broadcast %shift_right_arithmetic3A_437 : i32 to vector<16xi32>
          %shift_right_arithmetic3A_439 = arith.shrsi %add3A_435, %shift_right_arithmetic3A_438 : vector<16xi32>
          tpu.vector_store_idx %arg7[%shift_right_arithmetic3A_439, %add3A_187], %gather3A_436 : memref<128x128xf32, #tpu.memory_space<vmem>>[vector<16xi32>, vector<16xi32>], vector<16xf32>,
          %add3A_440 = arith.addi %broadcast_in_dim3A_389, %and3A_88 : vector<16xi32>
          %gather3A_441 = tpu.vector_load_idx %arg5[%iota3A, %add3A_440] : memref<16x1024xf32, #tpu.memory_space<vmem>>[vector<16xi32>, vector<16xi32>], vector<16xf32>,
          %shift_right_arithmetic3A_442 = arith.constant 3 : i32
          %shift_right_arithmetic3A_443 = vector.broadcast %shift_right_arithmetic3A_442 : i32 to vector<16xi32>
          %shift_right_arithmetic3A_444 = arith.shrsi %add3A_440, %shift_right_arithmetic3A_443 : vector<16xi32>
          tpu.vector_store_idx %arg7[%shift_right_arithmetic3A_444, %add3A_194], %gather3A_441 : memref<128x128xf32, #tpu.memory_space<vmem>>[vector<16xi32>, vector<16xi32>], vector<16xf32>,
          %add3A_445 = arith.addi %broadcast_in_dim3A_389, %and3A_94 : vector<16xi32>
          %gather3A_446 = tpu.vector_load_idx %arg5[%iota3A, %add3A_445] : memref<16x1024xf32, #tpu.memory_space<vmem>>[vector<16xi32>, vector<16xi32>], vector<16xf32>,
          %shift_right_arithmetic3A_447 = arith.constant 3 : i32
          %shift_right_arithmetic3A_448 = vector.broadcast %shift_right_arithmetic3A_447 : i32 to vector<16xi32>
          %shift_right_arithmetic3A_449 = arith.shrsi %add3A_445, %shift_right_arithmetic3A_448 : vector<16xi32>
          tpu.vector_store_idx %arg7[%shift_right_arithmetic3A_449, %add3A_201], %gather3A_446 : memref<128x128xf32, #tpu.memory_space<vmem>>[vector<16xi32>, vector<16xi32>], vector<16xf32>,
          %add3A_450 = arith.addi %broadcast_in_dim3A_389, %and3A_100 : vector<16xi32>
          %gather3A_451 = tpu.vector_load_idx %arg5[%iota3A, %add3A_450] : memref<16x1024xf32, #tpu.memory_space<vmem>>[vector<16xi32>, vector<16xi32>], vector<16xf32>,
          %shift_right_arithmetic3A_452 = arith.constant 3 : i32
          %shift_right_arithmetic3A_453 = vector.broadcast %shift_right_arithmetic3A_452 : i32 to vector<16xi32>
          %shift_right_arithmetic3A_454 = arith.shrsi %add3A_450, %shift_right_arithmetic3A_453 : vector<16xi32>
          tpu.vector_store_idx %arg7[%shift_right_arithmetic3A_454, %add3A_208], %gather3A_451 : memref<128x128xf32, #tpu.memory_space<vmem>>[vector<16xi32>, vector<16xi32>], vector<16xf32>,
          %add3A_455 = arith.addi %broadcast_in_dim3A_389, %and3A_106 : vector<16xi32>
          %gather3A_456 = tpu.vector_load_idx %arg5[%iota3A, %add3A_455] : memref<16x1024xf32, #tpu.memory_space<vmem>>[vector<16xi32>, vector<16xi32>], vector<16xf32>,
          %shift_right_arithmetic3A_457 = arith.constant 3 : i32
          %shift_right_arithmetic3A_458 = vector.broadcast %shift_right_arithmetic3A_457 : i32 to vector<16xi32>
          %shift_right_arithmetic3A_459 = arith.shrsi %add3A_455, %shift_right_arithmetic3A_458 : vector<16xi32>
          tpu.vector_store_idx %arg7[%shift_right_arithmetic3A_459, %add3A_215], %gather3A_456 : memref<128x128xf32, #tpu.memory_space<vmem>>[vector<16xi32>, vector<16xi32>], vector<16xf32>,
          %add3A_460 = arith.addi %broadcast_in_dim3A_389, %and3A_112 : vector<16xi32>
          %gather3A_461 = tpu.vector_load_idx %arg5[%iota3A, %add3A_460] : memref<16x1024xf32, #tpu.memory_space<vmem>>[vector<16xi32>, vector<16xi32>], vector<16xf32>,
          %shift_right_arithmetic3A_462 = arith.constant 3 : i32
          %shift_right_arithmetic3A_463 = vector.broadcast %shift_right_arithmetic3A_462 : i32 to vector<16xi32>
          %shift_right_arithmetic3A_464 = arith.shrsi %add3A_460, %shift_right_arithmetic3A_463 : vector<16xi32>
          tpu.vector_store_idx %arg7[%shift_right_arithmetic3A_464, %add3A_222], %gather3A_461 : memref<128x128xf32, #tpu.memory_space<vmem>>[vector<16xi32>, vector<16xi32>], vector<16xf32>,
          %add3A_465 = arith.addi %broadcast_in_dim3A_389, %and3A_118 : vector<16xi32>
          %gather3A_466 = tpu.vector_load_idx %arg5[%iota3A, %add3A_465] : memref<16x1024xf32, #tpu.memory_space<vmem>>[vector<16xi32>, vector<16xi32>], vector<16xf32>,
          %shift_right_arithmetic3A_467 = arith.constant 3 : i32
          %shift_right_arithmetic3A_468 = vector.broadcast %shift_right_arithmetic3A_467 : i32 to vector<16xi32>
          %shift_right_arithmetic3A_469 = arith.shrsi %add3A_465, %shift_right_arithmetic3A_468 : vector<16xi32>
          tpu.vector_store_idx %arg7[%shift_right_arithmetic3A_469, %add3A_229], %gather3A_466 : memref<128x128xf32, #tpu.memory_space<vmem>>[vector<16xi32>, vector<16xi32>], vector<16xf32>,
          %scan3A_470 = arith.constant 0 : i32
          %scan3A_471 = arith.constant 2 : i32
          %scan3A_472 = arith.addi %scan3A_302, %scan3A_471 : i32
          %mul3A_473 = arith.constant 16 : i32
          %mul3A_474 = arith.muli %scan3A_472, %mul3A_473 : i32
          %broadcast_in_dim3A_475 = vector.broadcast %mul3A_474 : i32 to vector<16xi32>
          %add3A_476 = arith.addi %broadcast_in_dim3A_475, %and3A_28 : vector<16xi32>
          %gather3A_477 = tpu.vector_load_idx %arg5[%iota3A, %add3A_476] : memref<16x1024xf32, #tpu.memory_space<vmem>>[vector<16xi32>, vector<16xi32>], vector<16xf32>,
          %shift_right_arithmetic3A_478 = arith.constant 3 : i32
          %shift_right_arithmetic3A_479 = vector.broadcast %shift_right_arithmetic3A_478 : i32 to vector<16xi32>
          %shift_right_arithmetic3A_480 = arith.shrsi %add3A_476, %shift_right_arithmetic3A_479 : vector<16xi32>
          tpu.vector_store_idx %arg7[%shift_right_arithmetic3A_480, %add3A_124], %gather3A_477 : memref<128x128xf32, #tpu.memory_space<vmem>>[vector<16xi32>, vector<16xi32>], vector<16xf32>,
          %add3A_481 = arith.addi %broadcast_in_dim3A_475, %and3A_34 : vector<16xi32>
          %gather3A_482 = tpu.vector_load_idx %arg5[%iota3A, %add3A_481] : memref<16x1024xf32, #tpu.memory_space<vmem>>[vector<16xi32>, vector<16xi32>], vector<16xf32>,
          %shift_right_arithmetic3A_483 = arith.constant 3 : i32
          %shift_right_arithmetic3A_484 = vector.broadcast %shift_right_arithmetic3A_483 : i32 to vector<16xi32>
          %shift_right_arithmetic3A_485 = arith.shrsi %add3A_481, %shift_right_arithmetic3A_484 : vector<16xi32>
          tpu.vector_store_idx %arg7[%shift_right_arithmetic3A_485, %add3A_131], %gather3A_482 : memref<128x128xf32, #tpu.memory_space<vmem>>[vector<16xi32>, vector<16xi32>], vector<16xf32>,
          %add3A_486 = arith.addi %broadcast_in_dim3A_475, %and3A_40 : vector<16xi32>
          %gather3A_487 = tpu.vector_load_idx %arg5[%iota3A, %add3A_486] : memref<16x1024xf32, #tpu.memory_space<vmem>>[vector<16xi32>, vector<16xi32>], vector<16xf32>,
          %shift_right_arithmetic3A_488 = arith.constant 3 : i32
          %shift_right_arithmetic3A_489 = vector.broadcast %shift_right_arithmetic3A_488 : i32 to vector<16xi32>
          %shift_right_arithmetic3A_490 = arith.shrsi %add3A_486, %shift_right_arithmetic3A_489 : vector<16xi32>
          tpu.vector_store_idx %arg7[%shift_right_arithmetic3A_490, %add3A_138], %gather3A_487 : memref<128x128xf32, #tpu.memory_space<vmem>>[vector<16xi32>, vector<16xi32>], vector<16xf32>,
          %add3A_491 = arith.addi %broadcast_in_dim3A_475, %and3A_46 : vector<16xi32>
          %gather3A_492 = tpu.vector_load_idx %arg5[%iota3A, %add3A_491] : memref<16x1024xf32, #tpu.memory_space<vmem>>[vector<16xi32>, vector<16xi32>], vector<16xf32>,
          %shift_right_arithmetic3A_493 = arith.constant 3 : i32
          %shift_right_arithmetic3A_494 = vector.broadcast %shift_right_arithmetic3A_493 : i32 to vector<16xi32>
          %shift_right_arithmetic3A_495 = arith.shrsi %add3A_491, %shift_right_arithmetic3A_494 : vector<16xi32>
          tpu.vector_store_idx %arg7[%shift_right_arithmetic3A_495, %add3A_145], %gather3A_492 : memref<128x128xf32, #tpu.memory_space<vmem>>[vector<16xi32>, vector<16xi32>], vector<16xf32>,
          %add3A_496 = arith.addi %broadcast_in_dim3A_475, %and3A_52 : vector<16xi32>
          %gather3A_497 = tpu.vector_load_idx %arg5[%iota3A, %add3A_496] : memref<16x1024xf32, #tpu.memory_space<vmem>>[vector<16xi32>, vector<16xi32>], vector<16xf32>,
          %shift_right_arithmetic3A_498 = arith.constant 3 : i32
          %shift_right_arithmetic3A_499 = vector.broadcast %shift_right_arithmetic3A_498 : i32 to vector<16xi32>
          %shift_right_arithmetic3A_500 = arith.shrsi %add3A_496, %shift_right_arithmetic3A_499 : vector<16xi32>
          tpu.vector_store_idx %arg7[%shift_right_arithmetic3A_500, %add3A_152], %gather3A_497 : memref<128x128xf32, #tpu.memory_space<vmem>>[vector<16xi32>, vector<16xi32>], vector<16xf32>,
          %add3A_501 = arith.addi %broadcast_in_dim3A_475, %and3A_58 : vector<16xi32>
          %gather3A_502 = tpu.vector_load_idx %arg5[%iota3A, %add3A_501] : memref<16x1024xf32, #tpu.memory_space<vmem>>[vector<16xi32>, vector<16xi32>], vector<16xf32>,
          %shift_right_arithmetic3A_503 = arith.constant 3 : i32
          %shift_right_arithmetic3A_504 = vector.broadcast %shift_right_arithmetic3A_503 : i32 to vector<16xi32>
          %shift_right_arithmetic3A_505 = arith.shrsi %add3A_501, %shift_right_arithmetic3A_504 : vector<16xi32>
          tpu.vector_store_idx %arg7[%shift_right_arithmetic3A_505, %add3A_159], %gather3A_502 : memref<128x128xf32, #tpu.memory_space<vmem>>[vector<16xi32>, vector<16xi32>], vector<16xf32>,
          %add3A_506 = arith.addi %broadcast_in_dim3A_475, %and3A_64 : vector<16xi32>
          %gather3A_507 = tpu.vector_load_idx %arg5[%iota3A, %add3A_506] : memref<16x1024xf32, #tpu.memory_space<vmem>>[vector<16xi32>, vector<16xi32>], vector<16xf32>,
          %shift_right_arithmetic3A_508 = arith.constant 3 : i32
          %shift_right_arithmetic3A_509 = vector.broadcast %shift_right_arithmetic3A_508 : i32 to vector<16xi32>
          %shift_right_arithmetic3A_510 = arith.shrsi %add3A_506, %shift_right_arithmetic3A_509 : vector<16xi32>
          tpu.vector_store_idx %arg7[%shift_right_arithmetic3A_510, %add3A_166], %gather3A_507 : memref<128x128xf32, #tpu.memory_space<vmem>>[vector<16xi32>, vector<16xi32>], vector<16xf32>,
          %add3A_511 = arith.addi %broadcast_in_dim3A_475, %and3A_70 : vector<16xi32>
          %gather3A_512 = tpu.vector_load_idx %arg5[%iota3A, %add3A_511] : memref<16x1024xf32, #tpu.memory_space<vmem>>[vector<16xi32>, vector<16xi32>], vector<16xf32>,
          %shift_right_arithmetic3A_513 = arith.constant 3 : i32
          %shift_right_arithmetic3A_514 = vector.broadcast %shift_right_arithmetic3A_513 : i32 to vector<16xi32>
          %shift_right_arithmetic3A_515 = arith.shrsi %add3A_511, %shift_right_arithmetic3A_514 : vector<16xi32>
          tpu.vector_store_idx %arg7[%shift_right_arithmetic3A_515, %add3A_173], %gather3A_512 : memref<128x128xf32, #tpu.memory_space<vmem>>[vector<16xi32>, vector<16xi32>], vector<16xf32>,
          %add3A_516 = arith.addi %broadcast_in_dim3A_475, %and3A_76 : vector<16xi32>
          %gather3A_517 = tpu.vector_load_idx %arg5[%iota3A, %add3A_516] : memref<16x1024xf32, #tpu.memory_space<vmem>>[vector<16xi32>, vector<16xi32>], vector<16xf32>,
          %shift_right_arithmetic3A_518 = arith.constant 3 : i32
          %shift_right_arithmetic3A_519 = vector.broadcast %shift_right_arithmetic3A_518 : i32 to vector<16xi32>
          %shift_right_arithmetic3A_520 = arith.shrsi %add3A_516, %shift_right_arithmetic3A_519 : vector<16xi32>
          tpu.vector_store_idx %arg7[%shift_right_arithmetic3A_520, %add3A_180], %gather3A_517 : memref<128x128xf32, #tpu.memory_space<vmem>>[vector<16xi32>, vector<16xi32>], vector<16xf32>,
          %add3A_521 = arith.addi %broadcast_in_dim3A_475, %and3A_82 : vector<16xi32>
          %gather3A_522 = tpu.vector_load_idx %arg5[%iota3A, %add3A_521] : memref<16x1024xf32, #tpu.memory_space<vmem>>[vector<16xi32>, vector<16xi32>], vector<16xf32>,
          %shift_right_arithmetic3A_523 = arith.constant 3 : i32
          %shift_right_arithmetic3A_524 = vector.broadcast %shift_right_arithmetic3A_523 : i32 to vector<16xi32>
          %shift_right_arithmetic3A_525 = arith.shrsi %add3A_521, %shift_right_arithmetic3A_524 : vector<16xi32>
          tpu.vector_store_idx %arg7[%shift_right_arithmetic3A_525, %add3A_187], %gather3A_522 : memref<128x128xf32, #tpu.memory_space<vmem>>[vector<16xi32>, vector<16xi32>], vector<16xf32>,
          %add3A_526 = arith.addi %broadcast_in_dim3A_475, %and3A_88 : vector<16xi32>
          %gather3A_527 = tpu.vector_load_idx %arg5[%iota3A, %add3A_526] : memref<16x1024xf32, #tpu.memory_space<vmem>>[vector<16xi32>, vector<16xi32>], vector<16xf32>,
          %shift_right_arithmetic3A_528 = arith.constant 3 : i32
          %shift_right_arithmetic3A_529 = vector.broadcast %shift_right_arithmetic3A_528 : i32 to vector<16xi32>
          %shift_right_arithmetic3A_530 = arith.shrsi %add3A_526, %shift_right_arithmetic3A_529 : vector<16xi32>
          tpu.vector_store_idx %arg7[%shift_right_arithmetic3A_530, %add3A_194], %gather3A_527 : memref<128x128xf32, #tpu.memory_space<vmem>>[vector<16xi32>, vector<16xi32>], vector<16xf32>,
          %add3A_531 = arith.addi %broadcast_in_dim3A_475, %and3A_94 : vector<16xi32>
          %gather3A_532 = tpu.vector_load_idx %arg5[%iota3A, %add3A_531] : memref<16x1024xf32, #tpu.memory_space<vmem>>[vector<16xi32>, vector<16xi32>], vector<16xf32>,
          %shift_right_arithmetic3A_533 = arith.constant 3 : i32
          %shift_right_arithmetic3A_534 = vector.broadcast %shift_right_arithmetic3A_533 : i32 to vector<16xi32>
          %shift_right_arithmetic3A_535 = arith.shrsi %add3A_531, %shift_right_arithmetic3A_534 : vector<16xi32>
          tpu.vector_store_idx %arg7[%shift_right_arithmetic3A_535, %add3A_201], %gather3A_532 : memref<128x128xf32, #tpu.memory_space<vmem>>[vector<16xi32>, vector<16xi32>], vector<16xf32>,
          %add3A_536 = arith.addi %broadcast_in_dim3A_475, %and3A_100 : vector<16xi32>
          %gather3A_537 = tpu.vector_load_idx %arg5[%iota3A, %add3A_536] : memref<16x1024xf32, #tpu.memory_space<vmem>>[vector<16xi32>, vector<16xi32>], vector<16xf32>,
          %shift_right_arithmetic3A_538 = arith.constant 3 : i32
          %shift_right_arithmetic3A_539 = vector.broadcast %shift_right_arithmetic3A_538 : i32 to vector<16xi32>
          %shift_right_arithmetic3A_540 = arith.shrsi %add3A_536, %shift_right_arithmetic3A_539 : vector<16xi32>
          tpu.vector_store_idx %arg7[%shift_right_arithmetic3A_540, %add3A_208], %gather3A_537 : memref<128x128xf32, #tpu.memory_space<vmem>>[vector<16xi32>, vector<16xi32>], vector<16xf32>,
          %add3A_541 = arith.addi %broadcast_in_dim3A_475, %and3A_106 : vector<16xi32>
          %gather3A_542 = tpu.vector_load_idx %arg5[%iota3A, %add3A_541] : memref<16x1024xf32, #tpu.memory_space<vmem>>[vector<16xi32>, vector<16xi32>], vector<16xf32>,
          %shift_right_arithmetic3A_543 = arith.constant 3 : i32
          %shift_right_arithmetic3A_544 = vector.broadcast %shift_right_arithmetic3A_543 : i32 to vector<16xi32>
          %shift_right_arithmetic3A_545 = arith.shrsi %add3A_541, %shift_right_arithmetic3A_544 : vector<16xi32>
          tpu.vector_store_idx %arg7[%shift_right_arithmetic3A_545, %add3A_215], %gather3A_542 : memref<128x128xf32, #tpu.memory_space<vmem>>[vector<16xi32>, vector<16xi32>], vector<16xf32>,
          %add3A_546 = arith.addi %broadcast_in_dim3A_475, %and3A_112 : vector<16xi32>
          %gather3A_547 = tpu.vector_load_idx %arg5[%iota3A, %add3A_546] : memref<16x1024xf32, #tpu.memory_space<vmem>>[vector<16xi32>, vector<16xi32>], vector<16xf32>,
          %shift_right_arithmetic3A_548 = arith.constant 3 : i32
          %shift_right_arithmetic3A_549 = vector.broadcast %shift_right_arithmetic3A_548 : i32 to vector<16xi32>
          %shift_right_arithmetic3A_550 = arith.shrsi %add3A_546, %shift_right_arithmetic3A_549 : vector<16xi32>
          tpu.vector_store_idx %arg7[%shift_right_arithmetic3A_550, %add3A_222], %gather3A_547 : memref<128x128xf32, #tpu.memory_space<vmem>>[vector<16xi32>, vector<16xi32>], vector<16xf32>,
          %add3A_551 = arith.addi %broadcast_in_dim3A_475, %and3A_118 : vector<16xi32>
          %gather3A_552 = tpu.vector_load_idx %arg5[%iota3A, %add3A_551] : memref<16x1024xf32, #tpu.memory_space<vmem>>[vector<16xi32>, vector<16xi32>], vector<16xf32>,
          %shift_right_arithmetic3A_553 = arith.constant 3 : i32
          %shift_right_arithmetic3A_554 = vector.broadcast %shift_right_arithmetic3A_553 : i32 to vector<16xi32>
          %shift_right_arithmetic3A_555 = arith.shrsi %add3A_551, %shift_right_arithmetic3A_554 : vector<16xi32>
          tpu.vector_store_idx %arg7[%shift_right_arithmetic3A_555, %add3A_229], %gather3A_552 : memref<128x128xf32, #tpu.memory_space<vmem>>[vector<16xi32>, vector<16xi32>], vector<16xf32>,
          %scan3A_556 = arith.constant 0 : i32
          %scan3A_557 = arith.constant 3 : i32
          %scan3A_558 = arith.addi %scan3A_302, %scan3A_557 : i32
          %mul3A_559 = arith.constant 16 : i32
          %mul3A_560 = arith.muli %scan3A_558, %mul3A_559 : i32
          %broadcast_in_dim3A_561 = vector.broadcast %mul3A_560 : i32 to vector<16xi32>
          %add3A_562 = arith.addi %broadcast_in_dim3A_561, %and3A_28 : vector<16xi32>
          %gather3A_563 = tpu.vector_load_idx %arg5[%iota3A, %add3A_562] : memref<16x1024xf32, #tpu.memory_space<vmem>>[vector<16xi32>, vector<16xi32>], vector<16xf32>,
          %shift_right_arithmetic3A_564 = arith.constant 3 : i32
          %shift_right_arithmetic3A_565 = vector.broadcast %shift_right_arithmetic3A_564 : i32 to vector<16xi32>
          %shift_right_arithmetic3A_566 = arith.shrsi %add3A_562, %shift_right_arithmetic3A_565 : vector<16xi32>
          tpu.vector_store_idx %arg7[%shift_right_arithmetic3A_566, %add3A_124], %gather3A_563 : memref<128x128xf32, #tpu.memory_space<vmem>>[vector<16xi32>, vector<16xi32>], vector<16xf32>,
          %add3A_567 = arith.addi %broadcast_in_dim3A_561, %and3A_34 : vector<16xi32>
          %gather3A_568 = tpu.vector_load_idx %arg5[%iota3A, %add3A_567] : memref<16x1024xf32, #tpu.memory_space<vmem>>[vector<16xi32>, vector<16xi32>], vector<16xf32>,
          %shift_right_arithmetic3A_569 = arith.constant 3 : i32
          %shift_right_arithmetic3A_570 = vector.broadcast %shift_right_arithmetic3A_569 : i32 to vector<16xi32>
          %shift_right_arithmetic3A_571 = arith.shrsi %add3A_567, %shift_right_arithmetic3A_570 : vector<16xi32>
          tpu.vector_store_idx %arg7[%shift_right_arithmetic3A_571, %add3A_131], %gather3A_568 : memref<128x128xf32, #tpu.memory_space<vmem>>[vector<16xi32>, vector<16xi32>], vector<16xf32>,
          %add3A_572 = arith.addi %broadcast_in_dim3A_561, %and3A_40 : vector<16xi32>
          %gather3A_573 = tpu.vector_load_idx %arg5[%iota3A, %add3A_572] : memref<16x1024xf32, #tpu.memory_space<vmem>>[vector<16xi32>, vector<16xi32>], vector<16xf32>,
          %shift_right_arithmetic3A_574 = arith.constant 3 : i32
          %shift_right_arithmetic3A_575 = vector.broadcast %shift_right_arithmetic3A_574 : i32 to vector<16xi32>
          %shift_right_arithmetic3A_576 = arith.shrsi %add3A_572, %shift_right_arithmetic3A_575 : vector<16xi32>
          tpu.vector_store_idx %arg7[%shift_right_arithmetic3A_576, %add3A_138], %gather3A_573 : memref<128x128xf32, #tpu.memory_space<vmem>>[vector<16xi32>, vector<16xi32>], vector<16xf32>,
          %add3A_577 = arith.addi %broadcast_in_dim3A_561, %and3A_46 : vector<16xi32>
          %gather3A_578 = tpu.vector_load_idx %arg5[%iota3A, %add3A_577] : memref<16x1024xf32, #tpu.memory_space<vmem>>[vector<16xi32>, vector<16xi32>], vector<16xf32>,
          %shift_right_arithmetic3A_579 = arith.constant 3 : i32
          %shift_right_arithmetic3A_580 = vector.broadcast %shift_right_arithmetic3A_579 : i32 to vector<16xi32>
          %shift_right_arithmetic3A_581 = arith.shrsi %add3A_577, %shift_right_arithmetic3A_580 : vector<16xi32>
          tpu.vector_store_idx %arg7[%shift_right_arithmetic3A_581, %add3A_145], %gather3A_578 : memref<128x128xf32, #tpu.memory_space<vmem>>[vector<16xi32>, vector<16xi32>], vector<16xf32>,
          %add3A_582 = arith.addi %broadcast_in_dim3A_561, %and3A_52 : vector<16xi32>
          %gather3A_583 = tpu.vector_load_idx %arg5[%iota3A, %add3A_582] : memref<16x1024xf32, #tpu.memory_space<vmem>>[vector<16xi32>, vector<16xi32>], vector<16xf32>,
          %shift_right_arithmetic3A_584 = arith.constant 3 : i32
          %shift_right_arithmetic3A_585 = vector.broadcast %shift_right_arithmetic3A_584 : i32 to vector<16xi32>
          %shift_right_arithmetic3A_586 = arith.shrsi %add3A_582, %shift_right_arithmetic3A_585 : vector<16xi32>
          tpu.vector_store_idx %arg7[%shift_right_arithmetic3A_586, %add3A_152], %gather3A_583 : memref<128x128xf32, #tpu.memory_space<vmem>>[vector<16xi32>, vector<16xi32>], vector<16xf32>,
          %add3A_587 = arith.addi %broadcast_in_dim3A_561, %and3A_58 : vector<16xi32>
          %gather3A_588 = tpu.vector_load_idx %arg5[%iota3A, %add3A_587] : memref<16x1024xf32, #tpu.memory_space<vmem>>[vector<16xi32>, vector<16xi32>], vector<16xf32>,
          %shift_right_arithmetic3A_589 = arith.constant 3 : i32
          %shift_right_arithmetic3A_590 = vector.broadcast %shift_right_arithmetic3A_589 : i32 to vector<16xi32>
          %shift_right_arithmetic3A_591 = arith.shrsi %add3A_587, %shift_right_arithmetic3A_590 : vector<16xi32>
          tpu.vector_store_idx %arg7[%shift_right_arithmetic3A_591, %add3A_159], %gather3A_588 : memref<128x128xf32, #tpu.memory_space<vmem>>[vector<16xi32>, vector<16xi32>], vector<16xf32>,
          %add3A_592 = arith.addi %broadcast_in_dim3A_561, %and3A_64 : vector<16xi32>
          %gather3A_593 = tpu.vector_load_idx %arg5[%iota3A, %add3A_592] : memref<16x1024xf32, #tpu.memory_space<vmem>>[vector<16xi32>, vector<16xi32>], vector<16xf32>,
          %shift_right_arithmetic3A_594 = arith.constant 3 : i32
          %shift_right_arithmetic3A_595 = vector.broadcast %shift_right_arithmetic3A_594 : i32 to vector<16xi32>
          %shift_right_arithmetic3A_596 = arith.shrsi %add3A_592, %shift_right_arithmetic3A_595 : vector<16xi32>
          tpu.vector_store_idx %arg7[%shift_right_arithmetic3A_596, %add3A_166], %gather3A_593 : memref<128x128xf32, #tpu.memory_space<vmem>>[vector<16xi32>, vector<16xi32>], vector<16xf32>,
          %add3A_597 = arith.addi %broadcast_in_dim3A_561, %and3A_70 : vector<16xi32>
          %gather3A_598 = tpu.vector_load_idx %arg5[%iota3A, %add3A_597] : memref<16x1024xf32, #tpu.memory_space<vmem>>[vector<16xi32>, vector<16xi32>], vector<16xf32>,
          %shift_right_arithmetic3A_599 = arith.constant 3 : i32
          %shift_right_arithmetic3A_600 = vector.broadcast %shift_right_arithmetic3A_599 : i32 to vector<16xi32>
          %shift_right_arithmetic3A_601 = arith.shrsi %add3A_597, %shift_right_arithmetic3A_600 : vector<16xi32>
          tpu.vector_store_idx %arg7[%shift_right_arithmetic3A_601, %add3A_173], %gather3A_598 : memref<128x128xf32, #tpu.memory_space<vmem>>[vector<16xi32>, vector<16xi32>], vector<16xf32>,
          %add3A_602 = arith.addi %broadcast_in_dim3A_561, %and3A_76 : vector<16xi32>
          %gather3A_603 = tpu.vector_load_idx %arg5[%iota3A, %add3A_602] : memref<16x1024xf32, #tpu.memory_space<vmem>>[vector<16xi32>, vector<16xi32>], vector<16xf32>,
          %shift_right_arithmetic3A_604 = arith.constant 3 : i32
          %shift_right_arithmetic3A_605 = vector.broadcast %shift_right_arithmetic3A_604 : i32 to vector<16xi32>
          %shift_right_arithmetic3A_606 = arith.shrsi %add3A_602, %shift_right_arithmetic3A_605 : vector<16xi32>
          tpu.vector_store_idx %arg7[%shift_right_arithmetic3A_606, %add3A_180], %gather3A_603 : memref<128x128xf32, #tpu.memory_space<vmem>>[vector<16xi32>, vector<16xi32>], vector<16xf32>,
          %add3A_607 = arith.addi %broadcast_in_dim3A_561, %and3A_82 : vector<16xi32>
          %gather3A_608 = tpu.vector_load_idx %arg5[%iota3A, %add3A_607] : memref<16x1024xf32, #tpu.memory_space<vmem>>[vector<16xi32>, vector<16xi32>], vector<16xf32>,
          %shift_right_arithmetic3A_609 = arith.constant 3 : i32
          %shift_right_arithmetic3A_610 = vector.broadcast %shift_right_arithmetic3A_609 : i32 to vector<16xi32>
          %shift_right_arithmetic3A_611 = arith.shrsi %add3A_607, %shift_right_arithmetic3A_610 : vector<16xi32>
          tpu.vector_store_idx %arg7[%shift_right_arithmetic3A_611, %add3A_187], %gather3A_608 : memref<128x128xf32, #tpu.memory_space<vmem>>[vector<16xi32>, vector<16xi32>], vector<16xf32>,
          %add3A_612 = arith.addi %broadcast_in_dim3A_561, %and3A_88 : vector<16xi32>
          %gather3A_613 = tpu.vector_load_idx %arg5[%iota3A, %add3A_612] : memref<16x1024xf32, #tpu.memory_space<vmem>>[vector<16xi32>, vector<16xi32>], vector<16xf32>,
          %shift_right_arithmetic3A_614 = arith.constant 3 : i32
          %shift_right_arithmetic3A_615 = vector.broadcast %shift_right_arithmetic3A_614 : i32 to vector<16xi32>
          %shift_right_arithmetic3A_616 = arith.shrsi %add3A_612, %shift_right_arithmetic3A_615 : vector<16xi32>
          tpu.vector_store_idx %arg7[%shift_right_arithmetic3A_616, %add3A_194], %gather3A_613 : memref<128x128xf32, #tpu.memory_space<vmem>>[vector<16xi32>, vector<16xi32>], vector<16xf32>,
          %add3A_617 = arith.addi %broadcast_in_dim3A_561, %and3A_94 : vector<16xi32>
          %gather3A_618 = tpu.vector_load_idx %arg5[%iota3A, %add3A_617] : memref<16x1024xf32, #tpu.memory_space<vmem>>[vector<16xi32>, vector<16xi32>], vector<16xf32>,
          %shift_right_arithmetic3A_619 = arith.constant 3 : i32
          %shift_right_arithmetic3A_620 = vector.broadcast %shift_right_arithmetic3A_619 : i32 to vector<16xi32>
          %shift_right_arithmetic3A_621 = arith.shrsi %add3A_617, %shift_right_arithmetic3A_620 : vector<16xi32>
          tpu.vector_store_idx %arg7[%shift_right_arithmetic3A_621, %add3A_201], %gather3A_618 : memref<128x128xf32, #tpu.memory_space<vmem>>[vector<16xi32>, vector<16xi32>], vector<16xf32>,
          %add3A_622 = arith.addi %broadcast_in_dim3A_561, %and3A_100 : vector<16xi32>
          %gather3A_623 = tpu.vector_load_idx %arg5[%iota3A, %add3A_622] : memref<16x1024xf32, #tpu.memory_space<vmem>>[vector<16xi32>, vector<16xi32>], vector<16xf32>,
          %shift_right_arithmetic3A_624 = arith.constant 3 : i32
          %shift_right_arithmetic3A_625 = vector.broadcast %shift_right_arithmetic3A_624 : i32 to vector<16xi32>
          %shift_right_arithmetic3A_626 = arith.shrsi %add3A_622, %shift_right_arithmetic3A_625 : vector<16xi32>
          tpu.vector_store_idx %arg7[%shift_right_arithmetic3A_626, %add3A_208], %gather3A_623 : memref<128x128xf32, #tpu.memory_space<vmem>>[vector<16xi32>, vector<16xi32>], vector<16xf32>,
          %add3A_627 = arith.addi %broadcast_in_dim3A_561, %and3A_106 : vector<16xi32>
          %gather3A_628 = tpu.vector_load_idx %arg5[%iota3A, %add3A_627] : memref<16x1024xf32, #tpu.memory_space<vmem>>[vector<16xi32>, vector<16xi32>], vector<16xf32>,
          %shift_right_arithmetic3A_629 = arith.constant 3 : i32
          %shift_right_arithmetic3A_630 = vector.broadcast %shift_right_arithmetic3A_629 : i32 to vector<16xi32>
          %shift_right_arithmetic3A_631 = arith.shrsi %add3A_627, %shift_right_arithmetic3A_630 : vector<16xi32>
          tpu.vector_store_idx %arg7[%shift_right_arithmetic3A_631, %add3A_215], %gather3A_628 : memref<128x128xf32, #tpu.memory_space<vmem>>[vector<16xi32>, vector<16xi32>], vector<16xf32>,
          %add3A_632 = arith.addi %broadcast_in_dim3A_561, %and3A_112 : vector<16xi32>
          %gather3A_633 = tpu.vector_load_idx %arg5[%iota3A, %add3A_632] : memref<16x1024xf32, #tpu.memory_space<vmem>>[vector<16xi32>, vector<16xi32>], vector<16xf32>,
          %shift_right_arithmetic3A_634 = arith.constant 3 : i32
          %shift_right_arithmetic3A_635 = vector.broadcast %shift_right_arithmetic3A_634 : i32 to vector<16xi32>
          %shift_right_arithmetic3A_636 = arith.shrsi %add3A_632, %shift_right_arithmetic3A_635 : vector<16xi32>
          tpu.vector_store_idx %arg7[%shift_right_arithmetic3A_636, %add3A_222], %gather3A_633 : memref<128x128xf32, #tpu.memory_space<vmem>>[vector<16xi32>, vector<16xi32>], vector<16xf32>,
          %add3A_637 = arith.addi %broadcast_in_dim3A_561, %and3A_118 : vector<16xi32>
          %gather3A_638 = tpu.vector_load_idx %arg5[%iota3A, %add3A_637] : memref<16x1024xf32, #tpu.memory_space<vmem>>[vector<16xi32>, vector<16xi32>], vector<16xf32>,
          %shift_right_arithmetic3A_639 = arith.constant 3 : i32
          %shift_right_arithmetic3A_640 = vector.broadcast %shift_right_arithmetic3A_639 : i32 to vector<16xi32>
          %shift_right_arithmetic3A_641 = arith.shrsi %add3A_637, %shift_right_arithmetic3A_640 : vector<16xi32>
          tpu.vector_store_idx %arg7[%shift_right_arithmetic3A_641, %add3A_229], %gather3A_638 : memref<128x128xf32, #tpu.memory_space<vmem>>[vector<16xi32>, vector<16xi32>], vector<16xf32>,
          %scan3A_642 = arith.constant 0 : i32
          scf.yield %scan3A_642 : i32
        }
        %scan3A_296 = arith.constant 64 : i32
        %mul3A_297 = arith.constant 128 : i32
        %mul3A_298 = arith.muli %add3A_280, %mul3A_297 : i32
        %dma_start3A = arith.constant 0 : i32
        %dma_start3A_299 = tpu.memref_slice %arg4[%mul3A_298, %dma_start3A] : memref<325000x128xf32, #tpu.memory_space<hbm>> -> memref<128x128xf32, #tpu.memory_space<hbm>>
        %dma_start3A_300 = arith.constant 0 : i32
        %dma_start3A_301 = tpu.memref_slice %arg4[%mul3A_298, %dma_start3A_300] : memref<325000x128xf32, #tpu.memory_space<hbm>> -> memref<128x128xf32, #tpu.memory_space<hbm>>
        tpu.enqueue_dma source(%arg7 : memref<128x128xf32, #tpu.memory_space<vmem>>) target(%dma_start3A_301 : memref<128x128xf32, #tpu.memory_space<hbm>>) target_semaphore(%arg11 : memref<!tpu.dma_semaphore, #tpu.memory_space<semaphore_mem>>)
      } else {
      }
      %add3A_265 = arith.constant 2 : i32
      %add3A_266 = arith.addi %mul3A_255, %add3A_265 : i32
      %lt3A_267 = arith.cmpi slt, %add3A_266, %select_n3A : i32
      %convert_element_type3A_268 = arith.extui %lt3A_267 : i1 to i32
      %cond3A_269 = arith.constant 0 : i32
      %cond3A_270 = arith.cmpi ne, %convert_element_type3A_268, %cond3A_269 : i32
      scf.if %cond3A_270 {
        %mul3A_278 = arith.constant 32 : i32
        %mul3A_279 = arith.muli %add3A_266, %mul3A_278 : i32
        %add3A_280 = arith.addi %add3A, %mul3A_279 : i32
        %mul3A_281 = arith.constant 1024 : i32
        %mul3A_282 = arith.muli %add3A_280, %mul3A_281 : i32
        %dma_start3A = arith.constant 0 : i32
        %dma_start3A_283 = tpu.memref_slice %arg2[%dma_start3A, %mul3A_282] : memref<16x2600000xf32, #tpu.memory_space<hbm>> -> memref<16x1024xf32, #tpu.memory_space<hbm>>
        %dma_start3A_284 = arith.constant 0 : i32
        %dma_start3A_285 = tpu.memref_slice %arg2[%dma_start3A_284, %mul3A_282] : memref<16x2600000xf32, #tpu.memory_space<hbm>> -> memref<16x1024xf32, #tpu.memory_space<hbm>>
        tpu.enqueue_dma source(%dma_start3A_285 : memref<16x1024xf32, #tpu.memory_space<hbm>>) target(%arg5 : memref<16x1024xf32, #tpu.memory_space<vmem>>) target_semaphore(%arg9 : memref<!tpu.dma_semaphore, #tpu.memory_space<semaphore_mem>>)
      } else {
      }
      %add3A_271 = arith.constant 1 : i32
      %add3A_272 = arith.addi %mul3A_255, %add3A_271 : i32
      %lt3A_273 = arith.cmpi slt, %add3A_272, %select_n3A : i32
      %convert_element_type3A_274 = arith.extui %lt3A_273 : i1 to i32
      %cond3A_275 = arith.constant 0 : i32
      %cond3A_276 = arith.cmpi ne, %convert_element_type3A_274, %cond3A_275 : i32
      scf.if %cond3A_276 {
        %mul3A_278 = arith.constant 32 : i32
        %mul3A_279 = arith.muli %add3A_272, %mul3A_278 : i32
        %add3A_280 = arith.addi %add3A, %mul3A_279 : i32
        %mul3A_281 = arith.constant 1024 : i32
        %mul3A_282 = arith.muli %add3A_280, %mul3A_281 : i32
        %dma_wait3A = arith.constant 0 : i32
        %dma_wait3A_283 = tpu.memref_slice %arg2[%dma_wait3A, %mul3A_282] : memref<16x2600000xf32, #tpu.memory_space<hbm>> -> memref<16x1024xf32, #tpu.memory_space<hbm>>
        %dma_wait3A_284 = arith.constant 0 : i32
        %dma_wait3A_285 = tpu.memref_slice %arg2[%dma_wait3A_284, %mul3A_282] : memref<16x2600000xf32, #tpu.memory_space<hbm>> -> memref<16x1024xf32, #tpu.memory_space<hbm>>
        tpu.wait_dma2 semaphore(%arg10 : memref<!tpu.dma_semaphore, #tpu.memory_space<semaphore_mem>>) src(%dma_wait3A_285 : memref<16x1024xf32, #tpu.memory_space<hbm>>) dst(%arg6 : memref<16x1024xf32, #tpu.memory_space<vmem>>)
        %ge3A = arith.constant 2 : i32
        %ge3A_286 = arith.cmpi sge, %add3A_272, %ge3A : i32
        %convert_element_type3A_287 = arith.extui %ge3A_286 : i1 to i32
        %cond3A_288 = arith.constant 0 : i32
        %cond3A_289 = arith.cmpi ne, %convert_element_type3A_287, %cond3A_288 : i32
        scf.if %cond3A_289 {
          %sub3A_302 = arith.constant 2 : i32
          %sub3A_303 = arith.subi %add3A_272, %sub3A_302 : i32
          %mul3A_304 = arith.constant 32 : i32
          %mul3A_305 = arith.muli %sub3A_303, %mul3A_304 : i32
          %add3A_306 = arith.addi %add3A, %mul3A_305 : i32
          %mul3A_307 = arith.constant 128 : i32
          %mul3A_308 = arith.muli %add3A_306, %mul3A_307 : i32
          %dma_wait3A_309 = arith.constant 0 : i32
          %dma_wait3A_310 = tpu.memref_slice %arg4[%mul3A_308, %dma_wait3A_309] : memref<325000x128xf32, #tpu.memory_space<hbm>> -> memref<128x128xf32, #tpu.memory_space<hbm>>
          %dma_wait3A_311 = arith.constant 0 : i32
          %dma_wait3A_312 = tpu.memref_slice %arg4[%mul3A_308, %dma_wait3A_311] : memref<325000x128xf32, #tpu.memory_space<hbm>> -> memref<128x128xf32, #tpu.memory_space<hbm>>
          tpu.wait_dma2 semaphore(%arg12 : memref<!tpu.dma_semaphore, #tpu.memory_space<semaphore_mem>>) src(%arg8 : memref<128x128xf32, #tpu.memory_space<vmem>>) dst(%dma_wait3A_312 : memref<128x128xf32, #tpu.memory_space<hbm>>)
        } else {
        }
        %scan3A_290 = arith.constant 0 : i32
        %scan3A_291 = arith.constant 0 : i32
        %scan3A_292 = arith.constant 64 : i32
        %scan3A_293 = arith.addi %scan3A_291, %scan3A_292 : i32
        %scan3A_294 = arith.constant 4 : i32
        %scan3A_295 = scf.for %scan3A_302 = %scan3A_291 to %scan3A_293 step %scan3A_294 iter_args(%scan3A_303 = %scan3A_290) -> (i32)  : i32 {
          %mul3A_304 = arith.constant 16 : i32
          %mul3A_305 = arith.muli %scan3A_302, %mul3A_304 : i32
          %broadcast_in_dim3A = vector.broadcast %mul3A_305 : i32 to vector<16xi32>
          %add3A_306 = arith.addi %broadcast_in_dim3A, %and3A_28 : vector<16xi32>
          %gather3A = tpu.vector_load_idx %arg6[%iota3A, %add3A_306] : memref<16x1024xf32, #tpu.memory_space<vmem>>[vector<16xi32>, vector<16xi32>], vector<16xf32>,
          %shift_right_arithmetic3A = arith.constant 3 : i32
          %shift_right_arithmetic3A_307 = vector.broadcast %shift_right_arithmetic3A : i32 to vector<16xi32>
          %shift_right_arithmetic3A_308 = arith.shrsi %add3A_306, %shift_right_arithmetic3A_307 : vector<16xi32>
          tpu.vector_store_idx %arg8[%shift_right_arithmetic3A_308, %add3A_124], %gather3A : memref<128x128xf32, #tpu.memory_space<vmem>>[vector<16xi32>, vector<16xi32>], vector<16xf32>,
          %add3A_309 = arith.addi %broadcast_in_dim3A, %and3A_34 : vector<16xi32>
          %gather3A_310 = tpu.vector_load_idx %arg6[%iota3A, %add3A_309] : memref<16x1024xf32, #tpu.memory_space<vmem>>[vector<16xi32>, vector<16xi32>], vector<16xf32>,
          %shift_right_arithmetic3A_311 = arith.constant 3 : i32
          %shift_right_arithmetic3A_312 = vector.broadcast %shift_right_arithmetic3A_311 : i32 to vector<16xi32>
          %shift_right_arithmetic3A_313 = arith.shrsi %add3A_309, %shift_right_arithmetic3A_312 : vector<16xi32>
          tpu.vector_store_idx %arg8[%shift_right_arithmetic3A_313, %add3A_131], %gather3A_310 : memref<128x128xf32, #tpu.memory_space<vmem>>[vector<16xi32>, vector<16xi32>], vector<16xf32>,
          %add3A_314 = arith.addi %broadcast_in_dim3A, %and3A_40 : vector<16xi32>
          %gather3A_315 = tpu.vector_load_idx %arg6[%iota3A, %add3A_314] : memref<16x1024xf32, #tpu.memory_space<vmem>>[vector<16xi32>, vector<16xi32>], vector<16xf32>,
          %shift_right_arithmetic3A_316 = arith.constant 3 : i32
          %shift_right_arithmetic3A_317 = vector.broadcast %shift_right_arithmetic3A_316 : i32 to vector<16xi32>
          %shift_right_arithmetic3A_318 = arith.shrsi %add3A_314, %shift_right_arithmetic3A_317 : vector<16xi32>
          tpu.vector_store_idx %arg8[%shift_right_arithmetic3A_318, %add3A_138], %gather3A_315 : memref<128x128xf32, #tpu.memory_space<vmem>>[vector<16xi32>, vector<16xi32>], vector<16xf32>,
          %add3A_319 = arith.addi %broadcast_in_dim3A, %and3A_46 : vector<16xi32>
          %gather3A_320 = tpu.vector_load_idx %arg6[%iota3A, %add3A_319] : memref<16x1024xf32, #tpu.memory_space<vmem>>[vector<16xi32>, vector<16xi32>], vector<16xf32>,
          %shift_right_arithmetic3A_321 = arith.constant 3 : i32
          %shift_right_arithmetic3A_322 = vector.broadcast %shift_right_arithmetic3A_321 : i32 to vector<16xi32>
          %shift_right_arithmetic3A_323 = arith.shrsi %add3A_319, %shift_right_arithmetic3A_322 : vector<16xi32>
          tpu.vector_store_idx %arg8[%shift_right_arithmetic3A_323, %add3A_145], %gather3A_320 : memref<128x128xf32, #tpu.memory_space<vmem>>[vector<16xi32>, vector<16xi32>], vector<16xf32>,
          %add3A_324 = arith.addi %broadcast_in_dim3A, %and3A_52 : vector<16xi32>
          %gather3A_325 = tpu.vector_load_idx %arg6[%iota3A, %add3A_324] : memref<16x1024xf32, #tpu.memory_space<vmem>>[vector<16xi32>, vector<16xi32>], vector<16xf32>,
          %shift_right_arithmetic3A_326 = arith.constant 3 : i32
          %shift_right_arithmetic3A_327 = vector.broadcast %shift_right_arithmetic3A_326 : i32 to vector<16xi32>
          %shift_right_arithmetic3A_328 = arith.shrsi %add3A_324, %shift_right_arithmetic3A_327 : vector<16xi32>
          tpu.vector_store_idx %arg8[%shift_right_arithmetic3A_328, %add3A_152], %gather3A_325 : memref<128x128xf32, #tpu.memory_space<vmem>>[vector<16xi32>, vector<16xi32>], vector<16xf32>,
          %add3A_329 = arith.addi %broadcast_in_dim3A, %and3A_58 : vector<16xi32>
          %gather3A_330 = tpu.vector_load_idx %arg6[%iota3A, %add3A_329] : memref<16x1024xf32, #tpu.memory_space<vmem>>[vector<16xi32>, vector<16xi32>], vector<16xf32>,
          %shift_right_arithmetic3A_331 = arith.constant 3 : i32
          %shift_right_arithmetic3A_332 = vector.broadcast %shift_right_arithmetic3A_331 : i32 to vector<16xi32>
          %shift_right_arithmetic3A_333 = arith.shrsi %add3A_329, %shift_right_arithmetic3A_332 : vector<16xi32>
          tpu.vector_store_idx %arg8[%shift_right_arithmetic3A_333, %add3A_159], %gather3A_330 : memref<128x128xf32, #tpu.memory_space<vmem>>[vector<16xi32>, vector<16xi32>], vector<16xf32>,
          %add3A_334 = arith.addi %broadcast_in_dim3A, %and3A_64 : vector<16xi32>
          %gather3A_335 = tpu.vector_load_idx %arg6[%iota3A, %add3A_334] : memref<16x1024xf32, #tpu.memory_space<vmem>>[vector<16xi32>, vector<16xi32>], vector<16xf32>,
          %shift_right_arithmetic3A_336 = arith.constant 3 : i32
          %shift_right_arithmetic3A_337 = vector.broadcast %shift_right_arithmetic3A_336 : i32 to vector<16xi32>
          %shift_right_arithmetic3A_338 = arith.shrsi %add3A_334, %shift_right_arithmetic3A_337 : vector<16xi32>
          tpu.vector_store_idx %arg8[%shift_right_arithmetic3A_338, %add3A_166], %gather3A_335 : memref<128x128xf32, #tpu.memory_space<vmem>>[vector<16xi32>, vector<16xi32>], vector<16xf32>,
          %add3A_339 = arith.addi %broadcast_in_dim3A, %and3A_70 : vector<16xi32>
          %gather3A_340 = tpu.vector_load_idx %arg6[%iota3A, %add3A_339] : memref<16x1024xf32, #tpu.memory_space<vmem>>[vector<16xi32>, vector<16xi32>], vector<16xf32>,
          %shift_right_arithmetic3A_341 = arith.constant 3 : i32
          %shift_right_arithmetic3A_342 = vector.broadcast %shift_right_arithmetic3A_341 : i32 to vector<16xi32>
          %shift_right_arithmetic3A_343 = arith.shrsi %add3A_339, %shift_right_arithmetic3A_342 : vector<16xi32>
          tpu.vector_store_idx %arg8[%shift_right_arithmetic3A_343, %add3A_173], %gather3A_340 : memref<128x128xf32, #tpu.memory_space<vmem>>[vector<16xi32>, vector<16xi32>], vector<16xf32>,
          %add3A_344 = arith.addi %broadcast_in_dim3A, %and3A_76 : vector<16xi32>
          %gather3A_345 = tpu.vector_load_idx %arg6[%iota3A, %add3A_344] : memref<16x1024xf32, #tpu.memory_space<vmem>>[vector<16xi32>, vector<16xi32>], vector<16xf32>,
          %shift_right_arithmetic3A_346 = arith.constant 3 : i32
          %shift_right_arithmetic3A_347 = vector.broadcast %shift_right_arithmetic3A_346 : i32 to vector<16xi32>
          %shift_right_arithmetic3A_348 = arith.shrsi %add3A_344, %shift_right_arithmetic3A_347 : vector<16xi32>
          tpu.vector_store_idx %arg8[%shift_right_arithmetic3A_348, %add3A_180], %gather3A_345 : memref<128x128xf32, #tpu.memory_space<vmem>>[vector<16xi32>, vector<16xi32>], vector<16xf32>,
          %add3A_349 = arith.addi %broadcast_in_dim3A, %and3A_82 : vector<16xi32>
          %gather3A_350 = tpu.vector_load_idx %arg6[%iota3A, %add3A_349] : memref<16x1024xf32, #tpu.memory_space<vmem>>[vector<16xi32>, vector<16xi32>], vector<16xf32>,
          %shift_right_arithmetic3A_351 = arith.constant 3 : i32
          %shift_right_arithmetic3A_352 = vector.broadcast %shift_right_arithmetic3A_351 : i32 to vector<16xi32>
          %shift_right_arithmetic3A_353 = arith.shrsi %add3A_349, %shift_right_arithmetic3A_352 : vector<16xi32>
          tpu.vector_store_idx %arg8[%shift_right_arithmetic3A_353, %add3A_187], %gather3A_350 : memref<128x128xf32, #tpu.memory_space<vmem>>[vector<16xi32>, vector<16xi32>], vector<16xf32>,
          %add3A_354 = arith.addi %broadcast_in_dim3A, %and3A_88 : vector<16xi32>
          %gather3A_355 = tpu.vector_load_idx %arg6[%iota3A, %add3A_354] : memref<16x1024xf32, #tpu.memory_space<vmem>>[vector<16xi32>, vector<16xi32>], vector<16xf32>,
          %shift_right_arithmetic3A_356 = arith.constant 3 : i32
          %shift_right_arithmetic3A_357 = vector.broadcast %shift_right_arithmetic3A_356 : i32 to vector<16xi32>
          %shift_right_arithmetic3A_358 = arith.shrsi %add3A_354, %shift_right_arithmetic3A_357 : vector<16xi32>
          tpu.vector_store_idx %arg8[%shift_right_arithmetic3A_358, %add3A_194], %gather3A_355 : memref<128x128xf32, #tpu.memory_space<vmem>>[vector<16xi32>, vector<16xi32>], vector<16xf32>,
          %add3A_359 = arith.addi %broadcast_in_dim3A, %and3A_94 : vector<16xi32>
          %gather3A_360 = tpu.vector_load_idx %arg6[%iota3A, %add3A_359] : memref<16x1024xf32, #tpu.memory_space<vmem>>[vector<16xi32>, vector<16xi32>], vector<16xf32>,
          %shift_right_arithmetic3A_361 = arith.constant 3 : i32
          %shift_right_arithmetic3A_362 = vector.broadcast %shift_right_arithmetic3A_361 : i32 to vector<16xi32>
          %shift_right_arithmetic3A_363 = arith.shrsi %add3A_359, %shift_right_arithmetic3A_362 : vector<16xi32>
          tpu.vector_store_idx %arg8[%shift_right_arithmetic3A_363, %add3A_201], %gather3A_360 : memref<128x128xf32, #tpu.memory_space<vmem>>[vector<16xi32>, vector<16xi32>], vector<16xf32>,
          %add3A_364 = arith.addi %broadcast_in_dim3A, %and3A_100 : vector<16xi32>
          %gather3A_365 = tpu.vector_load_idx %arg6[%iota3A, %add3A_364] : memref<16x1024xf32, #tpu.memory_space<vmem>>[vector<16xi32>, vector<16xi32>], vector<16xf32>,
          %shift_right_arithmetic3A_366 = arith.constant 3 : i32
          %shift_right_arithmetic3A_367 = vector.broadcast %shift_right_arithmetic3A_366 : i32 to vector<16xi32>
          %shift_right_arithmetic3A_368 = arith.shrsi %add3A_364, %shift_right_arithmetic3A_367 : vector<16xi32>
          tpu.vector_store_idx %arg8[%shift_right_arithmetic3A_368, %add3A_208], %gather3A_365 : memref<128x128xf32, #tpu.memory_space<vmem>>[vector<16xi32>, vector<16xi32>], vector<16xf32>,
          %add3A_369 = arith.addi %broadcast_in_dim3A, %and3A_106 : vector<16xi32>
          %gather3A_370 = tpu.vector_load_idx %arg6[%iota3A, %add3A_369] : memref<16x1024xf32, #tpu.memory_space<vmem>>[vector<16xi32>, vector<16xi32>], vector<16xf32>,
          %shift_right_arithmetic3A_371 = arith.constant 3 : i32
          %shift_right_arithmetic3A_372 = vector.broadcast %shift_right_arithmetic3A_371 : i32 to vector<16xi32>
          %shift_right_arithmetic3A_373 = arith.shrsi %add3A_369, %shift_right_arithmetic3A_372 : vector<16xi32>
          tpu.vector_store_idx %arg8[%shift_right_arithmetic3A_373, %add3A_215], %gather3A_370 : memref<128x128xf32, #tpu.memory_space<vmem>>[vector<16xi32>, vector<16xi32>], vector<16xf32>,
          %add3A_374 = arith.addi %broadcast_in_dim3A, %and3A_112 : vector<16xi32>
          %gather3A_375 = tpu.vector_load_idx %arg6[%iota3A, %add3A_374] : memref<16x1024xf32, #tpu.memory_space<vmem>>[vector<16xi32>, vector<16xi32>], vector<16xf32>,
          %shift_right_arithmetic3A_376 = arith.constant 3 : i32
          %shift_right_arithmetic3A_377 = vector.broadcast %shift_right_arithmetic3A_376 : i32 to vector<16xi32>
          %shift_right_arithmetic3A_378 = arith.shrsi %add3A_374, %shift_right_arithmetic3A_377 : vector<16xi32>
          tpu.vector_store_idx %arg8[%shift_right_arithmetic3A_378, %add3A_222], %gather3A_375 : memref<128x128xf32, #tpu.memory_space<vmem>>[vector<16xi32>, vector<16xi32>], vector<16xf32>,
          %add3A_379 = arith.addi %broadcast_in_dim3A, %and3A_118 : vector<16xi32>
          %gather3A_380 = tpu.vector_load_idx %arg6[%iota3A, %add3A_379] : memref<16x1024xf32, #tpu.memory_space<vmem>>[vector<16xi32>, vector<16xi32>], vector<16xf32>,
          %shift_right_arithmetic3A_381 = arith.constant 3 : i32
          %shift_right_arithmetic3A_382 = vector.broadcast %shift_right_arithmetic3A_381 : i32 to vector<16xi32>
          %shift_right_arithmetic3A_383 = arith.shrsi %add3A_379, %shift_right_arithmetic3A_382 : vector<16xi32>
          tpu.vector_store_idx %arg8[%shift_right_arithmetic3A_383, %add3A_229], %gather3A_380 : memref<128x128xf32, #tpu.memory_space<vmem>>[vector<16xi32>, vector<16xi32>], vector<16xf32>,
          %scan3A_384 = arith.constant 0 : i32
          %scan3A_385 = arith.constant 1 : i32
          %scan3A_386 = arith.addi %scan3A_302, %scan3A_385 : i32
          %mul3A_387 = arith.constant 16 : i32
          %mul3A_388 = arith.muli %scan3A_386, %mul3A_387 : i32
          %broadcast_in_dim3A_389 = vector.broadcast %mul3A_388 : i32 to vector<16xi32>
          %add3A_390 = arith.addi %broadcast_in_dim3A_389, %and3A_28 : vector<16xi32>
          %gather3A_391 = tpu.vector_load_idx %arg6[%iota3A, %add3A_390] : memref<16x1024xf32, #tpu.memory_space<vmem>>[vector<16xi32>, vector<16xi32>], vector<16xf32>,
          %shift_right_arithmetic3A_392 = arith.constant 3 : i32
          %shift_right_arithmetic3A_393 = vector.broadcast %shift_right_arithmetic3A_392 : i32 to vector<16xi32>
          %shift_right_arithmetic3A_394 = arith.shrsi %add3A_390, %shift_right_arithmetic3A_393 : vector<16xi32>
          tpu.vector_store_idx %arg8[%shift_right_arithmetic3A_394, %add3A_124], %gather3A_391 : memref<128x128xf32, #tpu.memory_space<vmem>>[vector<16xi32>, vector<16xi32>], vector<16xf32>,
          %add3A_395 = arith.addi %broadcast_in_dim3A_389, %and3A_34 : vector<16xi32>
          %gather3A_396 = tpu.vector_load_idx %arg6[%iota3A, %add3A_395] : memref<16x1024xf32, #tpu.memory_space<vmem>>[vector<16xi32>, vector<16xi32>], vector<16xf32>,
          %shift_right_arithmetic3A_397 = arith.constant 3 : i32
          %shift_right_arithmetic3A_398 = vector.broadcast %shift_right_arithmetic3A_397 : i32 to vector<16xi32>
          %shift_right_arithmetic3A_399 = arith.shrsi %add3A_395, %shift_right_arithmetic3A_398 : vector<16xi32>
          tpu.vector_store_idx %arg8[%shift_right_arithmetic3A_399, %add3A_131], %gather3A_396 : memref<128x128xf32, #tpu.memory_space<vmem>>[vector<16xi32>, vector<16xi32>], vector<16xf32>,
          %add3A_400 = arith.addi %broadcast_in_dim3A_389, %and3A_40 : vector<16xi32>
          %gather3A_401 = tpu.vector_load_idx %arg6[%iota3A, %add3A_400] : memref<16x1024xf32, #tpu.memory_space<vmem>>[vector<16xi32>, vector<16xi32>], vector<16xf32>,
          %shift_right_arithmetic3A_402 = arith.constant 3 : i32
          %shift_right_arithmetic3A_403 = vector.broadcast %shift_right_arithmetic3A_402 : i32 to vector<16xi32>
          %shift_right_arithmetic3A_404 = arith.shrsi %add3A_400, %shift_right_arithmetic3A_403 : vector<16xi32>
          tpu.vector_store_idx %arg8[%shift_right_arithmetic3A_404, %add3A_138], %gather3A_401 : memref<128x128xf32, #tpu.memory_space<vmem>>[vector<16xi32>, vector<16xi32>], vector<16xf32>,
          %add3A_405 = arith.addi %broadcast_in_dim3A_389, %and3A_46 : vector<16xi32>
          %gather3A_406 = tpu.vector_load_idx %arg6[%iota3A, %add3A_405] : memref<16x1024xf32, #tpu.memory_space<vmem>>[vector<16xi32>, vector<16xi32>], vector<16xf32>,
          %shift_right_arithmetic3A_407 = arith.constant 3 : i32
          %shift_right_arithmetic3A_408 = vector.broadcast %shift_right_arithmetic3A_407 : i32 to vector<16xi32>
          %shift_right_arithmetic3A_409 = arith.shrsi %add3A_405, %shift_right_arithmetic3A_408 : vector<16xi32>
          tpu.vector_store_idx %arg8[%shift_right_arithmetic3A_409, %add3A_145], %gather3A_406 : memref<128x128xf32, #tpu.memory_space<vmem>>[vector<16xi32>, vector<16xi32>], vector<16xf32>,
          %add3A_410 = arith.addi %broadcast_in_dim3A_389, %and3A_52 : vector<16xi32>
          %gather3A_411 = tpu.vector_load_idx %arg6[%iota3A, %add3A_410] : memref<16x1024xf32, #tpu.memory_space<vmem>>[vector<16xi32>, vector<16xi32>], vector<16xf32>,
          %shift_right_arithmetic3A_412 = arith.constant 3 : i32
          %shift_right_arithmetic3A_413 = vector.broadcast %shift_right_arithmetic3A_412 : i32 to vector<16xi32>
          %shift_right_arithmetic3A_414 = arith.shrsi %add3A_410, %shift_right_arithmetic3A_413 : vector<16xi32>
          tpu.vector_store_idx %arg8[%shift_right_arithmetic3A_414, %add3A_152], %gather3A_411 : memref<128x128xf32, #tpu.memory_space<vmem>>[vector<16xi32>, vector<16xi32>], vector<16xf32>,
          %add3A_415 = arith.addi %broadcast_in_dim3A_389, %and3A_58 : vector<16xi32>
          %gather3A_416 = tpu.vector_load_idx %arg6[%iota3A, %add3A_415] : memref<16x1024xf32, #tpu.memory_space<vmem>>[vector<16xi32>, vector<16xi32>], vector<16xf32>,
          %shift_right_arithmetic3A_417 = arith.constant 3 : i32
          %shift_right_arithmetic3A_418 = vector.broadcast %shift_right_arithmetic3A_417 : i32 to vector<16xi32>
          %shift_right_arithmetic3A_419 = arith.shrsi %add3A_415, %shift_right_arithmetic3A_418 : vector<16xi32>
          tpu.vector_store_idx %arg8[%shift_right_arithmetic3A_419, %add3A_159], %gather3A_416 : memref<128x128xf32, #tpu.memory_space<vmem>>[vector<16xi32>, vector<16xi32>], vector<16xf32>,
          %add3A_420 = arith.addi %broadcast_in_dim3A_389, %and3A_64 : vector<16xi32>
          %gather3A_421 = tpu.vector_load_idx %arg6[%iota3A, %add3A_420] : memref<16x1024xf32, #tpu.memory_space<vmem>>[vector<16xi32>, vector<16xi32>], vector<16xf32>,
          %shift_right_arithmetic3A_422 = arith.constant 3 : i32
          %shift_right_arithmetic3A_423 = vector.broadcast %shift_right_arithmetic3A_422 : i32 to vector<16xi32>
          %shift_right_arithmetic3A_424 = arith.shrsi %add3A_420, %shift_right_arithmetic3A_423 : vector<16xi32>
          tpu.vector_store_idx %arg8[%shift_right_arithmetic3A_424, %add3A_166], %gather3A_421 : memref<128x128xf32, #tpu.memory_space<vmem>>[vector<16xi32>, vector<16xi32>], vector<16xf32>,
          %add3A_425 = arith.addi %broadcast_in_dim3A_389, %and3A_70 : vector<16xi32>
          %gather3A_426 = tpu.vector_load_idx %arg6[%iota3A, %add3A_425] : memref<16x1024xf32, #tpu.memory_space<vmem>>[vector<16xi32>, vector<16xi32>], vector<16xf32>,
          %shift_right_arithmetic3A_427 = arith.constant 3 : i32
          %shift_right_arithmetic3A_428 = vector.broadcast %shift_right_arithmetic3A_427 : i32 to vector<16xi32>
          %shift_right_arithmetic3A_429 = arith.shrsi %add3A_425, %shift_right_arithmetic3A_428 : vector<16xi32>
          tpu.vector_store_idx %arg8[%shift_right_arithmetic3A_429, %add3A_173], %gather3A_426 : memref<128x128xf32, #tpu.memory_space<vmem>>[vector<16xi32>, vector<16xi32>], vector<16xf32>,
          %add3A_430 = arith.addi %broadcast_in_dim3A_389, %and3A_76 : vector<16xi32>
          %gather3A_431 = tpu.vector_load_idx %arg6[%iota3A, %add3A_430] : memref<16x1024xf32, #tpu.memory_space<vmem>>[vector<16xi32>, vector<16xi32>], vector<16xf32>,
          %shift_right_arithmetic3A_432 = arith.constant 3 : i32
          %shift_right_arithmetic3A_433 = vector.broadcast %shift_right_arithmetic3A_432 : i32 to vector<16xi32>
          %shift_right_arithmetic3A_434 = arith.shrsi %add3A_430, %shift_right_arithmetic3A_433 : vector<16xi32>
          tpu.vector_store_idx %arg8[%shift_right_arithmetic3A_434, %add3A_180], %gather3A_431 : memref<128x128xf32, #tpu.memory_space<vmem>>[vector<16xi32>, vector<16xi32>], vector<16xf32>,
          %add3A_435 = arith.addi %broadcast_in_dim3A_389, %and3A_82 : vector<16xi32>
          %gather3A_436 = tpu.vector_load_idx %arg6[%iota3A, %add3A_435] : memref<16x1024xf32, #tpu.memory_space<vmem>>[vector<16xi32>, vector<16xi32>], vector<16xf32>,
          %shift_right_arithmetic3A_437 = arith.constant 3 : i32
          %shift_right_arithmetic3A_438 = vector.broadcast %shift_right_arithmetic3A_437 : i32 to vector<16xi32>
          %shift_right_arithmetic3A_439 = arith.shrsi %add3A_435, %shift_right_arithmetic3A_438 : vector<16xi32>
          tpu.vector_store_idx %arg8[%shift_right_arithmetic3A_439, %add3A_187], %gather3A_436 : memref<128x128xf32, #tpu.memory_space<vmem>>[vector<16xi32>, vector<16xi32>], vector<16xf32>,
          %add3A_440 = arith.addi %broadcast_in_dim3A_389, %and3A_88 : vector<16xi32>
          %gather3A_441 = tpu.vector_load_idx %arg6[%iota3A, %add3A_440] : memref<16x1024xf32, #tpu.memory_space<vmem>>[vector<16xi32>, vector<16xi32>], vector<16xf32>,
          %shift_right_arithmetic3A_442 = arith.constant 3 : i32
          %shift_right_arithmetic3A_443 = vector.broadcast %shift_right_arithmetic3A_442 : i32 to vector<16xi32>
          %shift_right_arithmetic3A_444 = arith.shrsi %add3A_440, %shift_right_arithmetic3A_443 : vector<16xi32>
          tpu.vector_store_idx %arg8[%shift_right_arithmetic3A_444, %add3A_194], %gather3A_441 : memref<128x128xf32, #tpu.memory_space<vmem>>[vector<16xi32>, vector<16xi32>], vector<16xf32>,
          %add3A_445 = arith.addi %broadcast_in_dim3A_389, %and3A_94 : vector<16xi32>
          %gather3A_446 = tpu.vector_load_idx %arg6[%iota3A, %add3A_445] : memref<16x1024xf32, #tpu.memory_space<vmem>>[vector<16xi32>, vector<16xi32>], vector<16xf32>,
          %shift_right_arithmetic3A_447 = arith.constant 3 : i32
          %shift_right_arithmetic3A_448 = vector.broadcast %shift_right_arithmetic3A_447 : i32 to vector<16xi32>
          %shift_right_arithmetic3A_449 = arith.shrsi %add3A_445, %shift_right_arithmetic3A_448 : vector<16xi32>
          tpu.vector_store_idx %arg8[%shift_right_arithmetic3A_449, %add3A_201], %gather3A_446 : memref<128x128xf32, #tpu.memory_space<vmem>>[vector<16xi32>, vector<16xi32>], vector<16xf32>,
          %add3A_450 = arith.addi %broadcast_in_dim3A_389, %and3A_100 : vector<16xi32>
          %gather3A_451 = tpu.vector_load_idx %arg6[%iota3A, %add3A_450] : memref<16x1024xf32, #tpu.memory_space<vmem>>[vector<16xi32>, vector<16xi32>], vector<16xf32>,
          %shift_right_arithmetic3A_452 = arith.constant 3 : i32
          %shift_right_arithmetic3A_453 = vector.broadcast %shift_right_arithmetic3A_452 : i32 to vector<16xi32>
          %shift_right_arithmetic3A_454 = arith.shrsi %add3A_450, %shift_right_arithmetic3A_453 : vector<16xi32>
          tpu.vector_store_idx %arg8[%shift_right_arithmetic3A_454, %add3A_208], %gather3A_451 : memref<128x128xf32, #tpu.memory_space<vmem>>[vector<16xi32>, vector<16xi32>], vector<16xf32>,
          %add3A_455 = arith.addi %broadcast_in_dim3A_389, %and3A_106 : vector<16xi32>
          %gather3A_456 = tpu.vector_load_idx %arg6[%iota3A, %add3A_455] : memref<16x1024xf32, #tpu.memory_space<vmem>>[vector<16xi32>, vector<16xi32>], vector<16xf32>,
          %shift_right_arithmetic3A_457 = arith.constant 3 : i32
          %shift_right_arithmetic3A_458 = vector.broadcast %shift_right_arithmetic3A_457 : i32 to vector<16xi32>
          %shift_right_arithmetic3A_459 = arith.shrsi %add3A_455, %shift_right_arithmetic3A_458 : vector<16xi32>
          tpu.vector_store_idx %arg8[%shift_right_arithmetic3A_459, %add3A_215], %gather3A_456 : memref<128x128xf32, #tpu.memory_space<vmem>>[vector<16xi32>, vector<16xi32>], vector<16xf32>,
          %add3A_460 = arith.addi %broadcast_in_dim3A_389, %and3A_112 : vector<16xi32>
          %gather3A_461 = tpu.vector_load_idx %arg6[%iota3A, %add3A_460] : memref<16x1024xf32, #tpu.memory_space<vmem>>[vector<16xi32>, vector<16xi32>], vector<16xf32>,
          %shift_right_arithmetic3A_462 = arith.constant 3 : i32
          %shift_right_arithmetic3A_463 = vector.broadcast %shift_right_arithmetic3A_462 : i32 to vector<16xi32>
          %shift_right_arithmetic3A_464 = arith.shrsi %add3A_460, %shift_right_arithmetic3A_463 : vector<16xi32>
          tpu.vector_store_idx %arg8[%shift_right_arithmetic3A_464, %add3A_222], %gather3A_461 : memref<128x128xf32, #tpu.memory_space<vmem>>[vector<16xi32>, vector<16xi32>], vector<16xf32>,
          %add3A_465 = arith.addi %broadcast_in_dim3A_389, %and3A_118 : vector<16xi32>
          %gather3A_466 = tpu.vector_load_idx %arg6[%iota3A, %add3A_465] : memref<16x1024xf32, #tpu.memory_space<vmem>>[vector<16xi32>, vector<16xi32>], vector<16xf32>,
          %shift_right_arithmetic3A_467 = arith.constant 3 : i32
          %shift_right_arithmetic3A_468 = vector.broadcast %shift_right_arithmetic3A_467 : i32 to vector<16xi32>
          %shift_right_arithmetic3A_469 = arith.shrsi %add3A_465, %shift_right_arithmetic3A_468 : vector<16xi32>
          tpu.vector_store_idx %arg8[%shift_right_arithmetic3A_469, %add3A_229], %gather3A_466 : memref<128x128xf32, #tpu.memory_space<vmem>>[vector<16xi32>, vector<16xi32>], vector<16xf32>,
          %scan3A_470 = arith.constant 0 : i32
          %scan3A_471 = arith.constant 2 : i32
          %scan3A_472 = arith.addi %scan3A_302, %scan3A_471 : i32
          %mul3A_473 = arith.constant 16 : i32
          %mul3A_474 = arith.muli %scan3A_472, %mul3A_473 : i32
          %broadcast_in_dim3A_475 = vector.broadcast %mul3A_474 : i32 to vector<16xi32>
          %add3A_476 = arith.addi %broadcast_in_dim3A_475, %and3A_28 : vector<16xi32>
          %gather3A_477 = tpu.vector_load_idx %arg6[%iota3A, %add3A_476] : memref<16x1024xf32, #tpu.memory_space<vmem>>[vector<16xi32>, vector<16xi32>], vector<16xf32>,
          %shift_right_arithmetic3A_478 = arith.constant 3 : i32
          %shift_right_arithmetic3A_479 = vector.broadcast %shift_right_arithmetic3A_478 : i32 to vector<16xi32>
          %shift_right_arithmetic3A_480 = arith.shrsi %add3A_476, %shift_right_arithmetic3A_479 : vector<16xi32>
          tpu.vector_store_idx %arg8[%shift_right_arithmetic3A_480, %add3A_124], %gather3A_477 : memref<128x128xf32, #tpu.memory_space<vmem>>[vector<16xi32>, vector<16xi32>], vector<16xf32>,
          %add3A_481 = arith.addi %broadcast_in_dim3A_475, %and3A_34 : vector<16xi32>
          %gather3A_482 = tpu.vector_load_idx %arg6[%iota3A, %add3A_481] : memref<16x1024xf32, #tpu.memory_space<vmem>>[vector<16xi32>, vector<16xi32>], vector<16xf32>,
          %shift_right_arithmetic3A_483 = arith.constant 3 : i32
          %shift_right_arithmetic3A_484 = vector.broadcast %shift_right_arithmetic3A_483 : i32 to vector<16xi32>
          %shift_right_arithmetic3A_485 = arith.shrsi %add3A_481, %shift_right_arithmetic3A_484 : vector<16xi32>
          tpu.vector_store_idx %arg8[%shift_right_arithmetic3A_485, %add3A_131], %gather3A_482 : memref<128x128xf32, #tpu.memory_space<vmem>>[vector<16xi32>, vector<16xi32>], vector<16xf32>,
          %add3A_486 = arith.addi %broadcast_in_dim3A_475, %and3A_40 : vector<16xi32>
          %gather3A_487 = tpu.vector_load_idx %arg6[%iota3A, %add3A_486] : memref<16x1024xf32, #tpu.memory_space<vmem>>[vector<16xi32>, vector<16xi32>], vector<16xf32>,
          %shift_right_arithmetic3A_488 = arith.constant 3 : i32
          %shift_right_arithmetic3A_489 = vector.broadcast %shift_right_arithmetic3A_488 : i32 to vector<16xi32>
          %shift_right_arithmetic3A_490 = arith.shrsi %add3A_486, %shift_right_arithmetic3A_489 : vector<16xi32>
          tpu.vector_store_idx %arg8[%shift_right_arithmetic3A_490, %add3A_138], %gather3A_487 : memref<128x128xf32, #tpu.memory_space<vmem>>[vector<16xi32>, vector<16xi32>], vector<16xf32>,
          %add3A_491 = arith.addi %broadcast_in_dim3A_475, %and3A_46 : vector<16xi32>
          %gather3A_492 = tpu.vector_load_idx %arg6[%iota3A, %add3A_491] : memref<16x1024xf32, #tpu.memory_space<vmem>>[vector<16xi32>, vector<16xi32>], vector<16xf32>,
          %shift_right_arithmetic3A_493 = arith.constant 3 : i32
          %shift_right_arithmetic3A_494 = vector.broadcast %shift_right_arithmetic3A_493 : i32 to vector<16xi32>
          %shift_right_arithmetic3A_495 = arith.shrsi %add3A_491, %shift_right_arithmetic3A_494 : vector<16xi32>
          tpu.vector_store_idx %arg8[%shift_right_arithmetic3A_495, %add3A_145], %gather3A_492 : memref<128x128xf32, #tpu.memory_space<vmem>>[vector<16xi32>, vector<16xi32>], vector<16xf32>,
          %add3A_496 = arith.addi %broadcast_in_dim3A_475, %and3A_52 : vector<16xi32>
          %gather3A_497 = tpu.vector_load_idx %arg6[%iota3A, %add3A_496] : memref<16x1024xf32, #tpu.memory_space<vmem>>[vector<16xi32>, vector<16xi32>], vector<16xf32>,
          %shift_right_arithmetic3A_498 = arith.constant 3 : i32
          %shift_right_arithmetic3A_499 = vector.broadcast %shift_right_arithmetic3A_498 : i32 to vector<16xi32>
          %shift_right_arithmetic3A_500 = arith.shrsi %add3A_496, %shift_right_arithmetic3A_499 : vector<16xi32>
          tpu.vector_store_idx %arg8[%shift_right_arithmetic3A_500, %add3A_152], %gather3A_497 : memref<128x128xf32, #tpu.memory_space<vmem>>[vector<16xi32>, vector<16xi32>], vector<16xf32>,
          %add3A_501 = arith.addi %broadcast_in_dim3A_475, %and3A_58 : vector<16xi32>
          %gather3A_502 = tpu.vector_load_idx %arg6[%iota3A, %add3A_501] : memref<16x1024xf32, #tpu.memory_space<vmem>>[vector<16xi32>, vector<16xi32>], vector<16xf32>,
          %shift_right_arithmetic3A_503 = arith.constant 3 : i32
          %shift_right_arithmetic3A_504 = vector.broadcast %shift_right_arithmetic3A_503 : i32 to vector<16xi32>
          %shift_right_arithmetic3A_505 = arith.shrsi %add3A_501, %shift_right_arithmetic3A_504 : vector<16xi32>
          tpu.vector_store_idx %arg8[%shift_right_arithmetic3A_505, %add3A_159], %gather3A_502 : memref<128x128xf32, #tpu.memory_space<vmem>>[vector<16xi32>, vector<16xi32>], vector<16xf32>,
          %add3A_506 = arith.addi %broadcast_in_dim3A_475, %and3A_64 : vector<16xi32>
          %gather3A_507 = tpu.vector_load_idx %arg6[%iota3A, %add3A_506] : memref<16x1024xf32, #tpu.memory_space<vmem>>[vector<16xi32>, vector<16xi32>], vector<16xf32>,
          %shift_right_arithmetic3A_508 = arith.constant 3 : i32
          %shift_right_arithmetic3A_509 = vector.broadcast %shift_right_arithmetic3A_508 : i32 to vector<16xi32>
          %shift_right_arithmetic3A_510 = arith.shrsi %add3A_506, %shift_right_arithmetic3A_509 : vector<16xi32>
          tpu.vector_store_idx %arg8[%shift_right_arithmetic3A_510, %add3A_166], %gather3A_507 : memref<128x128xf32, #tpu.memory_space<vmem>>[vector<16xi32>, vector<16xi32>], vector<16xf32>,
          %add3A_511 = arith.addi %broadcast_in_dim3A_475, %and3A_70 : vector<16xi32>
          %gather3A_512 = tpu.vector_load_idx %arg6[%iota3A, %add3A_511] : memref<16x1024xf32, #tpu.memory_space<vmem>>[vector<16xi32>, vector<16xi32>], vector<16xf32>,
          %shift_right_arithmetic3A_513 = arith.constant 3 : i32
          %shift_right_arithmetic3A_514 = vector.broadcast %shift_right_arithmetic3A_513 : i32 to vector<16xi32>
          %shift_right_arithmetic3A_515 = arith.shrsi %add3A_511, %shift_right_arithmetic3A_514 : vector<16xi32>
          tpu.vector_store_idx %arg8[%shift_right_arithmetic3A_515, %add3A_173], %gather3A_512 : memref<128x128xf32, #tpu.memory_space<vmem>>[vector<16xi32>, vector<16xi32>], vector<16xf32>,
          %add3A_516 = arith.addi %broadcast_in_dim3A_475, %and3A_76 : vector<16xi32>
          %gather3A_517 = tpu.vector_load_idx %arg6[%iota3A, %add3A_516] : memref<16x1024xf32, #tpu.memory_space<vmem>>[vector<16xi32>, vector<16xi32>], vector<16xf32>,
          %shift_right_arithmetic3A_518 = arith.constant 3 : i32
          %shift_right_arithmetic3A_519 = vector.broadcast %shift_right_arithmetic3A_518 : i32 to vector<16xi32>
          %shift_right_arithmetic3A_520 = arith.shrsi %add3A_516, %shift_right_arithmetic3A_519 : vector<16xi32>
          tpu.vector_store_idx %arg8[%shift_right_arithmetic3A_520, %add3A_180], %gather3A_517 : memref<128x128xf32, #tpu.memory_space<vmem>>[vector<16xi32>, vector<16xi32>], vector<16xf32>,
          %add3A_521 = arith.addi %broadcast_in_dim3A_475, %and3A_82 : vector<16xi32>
          %gather3A_522 = tpu.vector_load_idx %arg6[%iota3A, %add3A_521] : memref<16x1024xf32, #tpu.memory_space<vmem>>[vector<16xi32>, vector<16xi32>], vector<16xf32>,
          %shift_right_arithmetic3A_523 = arith.constant 3 : i32
          %shift_right_arithmetic3A_524 = vector.broadcast %shift_right_arithmetic3A_523 : i32 to vector<16xi32>
          %shift_right_arithmetic3A_525 = arith.shrsi %add3A_521, %shift_right_arithmetic3A_524 : vector<16xi32>
          tpu.vector_store_idx %arg8[%shift_right_arithmetic3A_525, %add3A_187], %gather3A_522 : memref<128x128xf32, #tpu.memory_space<vmem>>[vector<16xi32>, vector<16xi32>], vector<16xf32>,
          %add3A_526 = arith.addi %broadcast_in_dim3A_475, %and3A_88 : vector<16xi32>
          %gather3A_527 = tpu.vector_load_idx %arg6[%iota3A, %add3A_526] : memref<16x1024xf32, #tpu.memory_space<vmem>>[vector<16xi32>, vector<16xi32>], vector<16xf32>,
          %shift_right_arithmetic3A_528 = arith.constant 3 : i32
          %shift_right_arithmetic3A_529 = vector.broadcast %shift_right_arithmetic3A_528 : i32 to vector<16xi32>
          %shift_right_arithmetic3A_530 = arith.shrsi %add3A_526, %shift_right_arithmetic3A_529 : vector<16xi32>
          tpu.vector_store_idx %arg8[%shift_right_arithmetic3A_530, %add3A_194], %gather3A_527 : memref<128x128xf32, #tpu.memory_space<vmem>>[vector<16xi32>, vector<16xi32>], vector<16xf32>,
          %add3A_531 = arith.addi %broadcast_in_dim3A_475, %and3A_94 : vector<16xi32>
          %gather3A_532 = tpu.vector_load_idx %arg6[%iota3A, %add3A_531] : memref<16x1024xf32, #tpu.memory_space<vmem>>[vector<16xi32>, vector<16xi32>], vector<16xf32>,
          %shift_right_arithmetic3A_533 = arith.constant 3 : i32
          %shift_right_arithmetic3A_534 = vector.broadcast %shift_right_arithmetic3A_533 : i32 to vector<16xi32>
          %shift_right_arithmetic3A_535 = arith.shrsi %add3A_531, %shift_right_arithmetic3A_534 : vector<16xi32>
          tpu.vector_store_idx %arg8[%shift_right_arithmetic3A_535, %add3A_201], %gather3A_532 : memref<128x128xf32, #tpu.memory_space<vmem>>[vector<16xi32>, vector<16xi32>], vector<16xf32>,
          %add3A_536 = arith.addi %broadcast_in_dim3A_475, %and3A_100 : vector<16xi32>
          %gather3A_537 = tpu.vector_load_idx %arg6[%iota3A, %add3A_536] : memref<16x1024xf32, #tpu.memory_space<vmem>>[vector<16xi32>, vector<16xi32>], vector<16xf32>,
          %shift_right_arithmetic3A_538 = arith.constant 3 : i32
          %shift_right_arithmetic3A_539 = vector.broadcast %shift_right_arithmetic3A_538 : i32 to vector<16xi32>
          %shift_right_arithmetic3A_540 = arith.shrsi %add3A_536, %shift_right_arithmetic3A_539 : vector<16xi32>
          tpu.vector_store_idx %arg8[%shift_right_arithmetic3A_540, %add3A_208], %gather3A_537 : memref<128x128xf32, #tpu.memory_space<vmem>>[vector<16xi32>, vector<16xi32>], vector<16xf32>,
          %add3A_541 = arith.addi %broadcast_in_dim3A_475, %and3A_106 : vector<16xi32>
          %gather3A_542 = tpu.vector_load_idx %arg6[%iota3A, %add3A_541] : memref<16x1024xf32, #tpu.memory_space<vmem>>[vector<16xi32>, vector<16xi32>], vector<16xf32>,
          %shift_right_arithmetic3A_543 = arith.constant 3 : i32
          %shift_right_arithmetic3A_544 = vector.broadcast %shift_right_arithmetic3A_543 : i32 to vector<16xi32>
          %shift_right_arithmetic3A_545 = arith.shrsi %add3A_541, %shift_right_arithmetic3A_544 : vector<16xi32>
          tpu.vector_store_idx %arg8[%shift_right_arithmetic3A_545, %add3A_215], %gather3A_542 : memref<128x128xf32, #tpu.memory_space<vmem>>[vector<16xi32>, vector<16xi32>], vector<16xf32>,
          %add3A_546 = arith.addi %broadcast_in_dim3A_475, %and3A_112 : vector<16xi32>
          %gather3A_547 = tpu.vector_load_idx %arg6[%iota3A, %add3A_546] : memref<16x1024xf32, #tpu.memory_space<vmem>>[vector<16xi32>, vector<16xi32>], vector<16xf32>,
          %shift_right_arithmetic3A_548 = arith.constant 3 : i32
          %shift_right_arithmetic3A_549 = vector.broadcast %shift_right_arithmetic3A_548 : i32 to vector<16xi32>
          %shift_right_arithmetic3A_550 = arith.shrsi %add3A_546, %shift_right_arithmetic3A_549 : vector<16xi32>
          tpu.vector_store_idx %arg8[%shift_right_arithmetic3A_550, %add3A_222], %gather3A_547 : memref<128x128xf32, #tpu.memory_space<vmem>>[vector<16xi32>, vector<16xi32>], vector<16xf32>,
          %add3A_551 = arith.addi %broadcast_in_dim3A_475, %and3A_118 : vector<16xi32>
          %gather3A_552 = tpu.vector_load_idx %arg6[%iota3A, %add3A_551] : memref<16x1024xf32, #tpu.memory_space<vmem>>[vector<16xi32>, vector<16xi32>], vector<16xf32>,
          %shift_right_arithmetic3A_553 = arith.constant 3 : i32
          %shift_right_arithmetic3A_554 = vector.broadcast %shift_right_arithmetic3A_553 : i32 to vector<16xi32>
          %shift_right_arithmetic3A_555 = arith.shrsi %add3A_551, %shift_right_arithmetic3A_554 : vector<16xi32>
          tpu.vector_store_idx %arg8[%shift_right_arithmetic3A_555, %add3A_229], %gather3A_552 : memref<128x128xf32, #tpu.memory_space<vmem>>[vector<16xi32>, vector<16xi32>], vector<16xf32>,
          %scan3A_556 = arith.constant 0 : i32
          %scan3A_557 = arith.constant 3 : i32
          %scan3A_558 = arith.addi %scan3A_302, %scan3A_557 : i32
          %mul3A_559 = arith.constant 16 : i32
          %mul3A_560 = arith.muli %scan3A_558, %mul3A_559 : i32
          %broadcast_in_dim3A_561 = vector.broadcast %mul3A_560 : i32 to vector<16xi32>
          %add3A_562 = arith.addi %broadcast_in_dim3A_561, %and3A_28 : vector<16xi32>
          %gather3A_563 = tpu.vector_load_idx %arg6[%iota3A, %add3A_562] : memref<16x1024xf32, #tpu.memory_space<vmem>>[vector<16xi32>, vector<16xi32>], vector<16xf32>,
          %shift_right_arithmetic3A_564 = arith.constant 3 : i32
          %shift_right_arithmetic3A_565 = vector.broadcast %shift_right_arithmetic3A_564 : i32 to vector<16xi32>
          %shift_right_arithmetic3A_566 = arith.shrsi %add3A_562, %shift_right_arithmetic3A_565 : vector<16xi32>
          tpu.vector_store_idx %arg8[%shift_right_arithmetic3A_566, %add3A_124], %gather3A_563 : memref<128x128xf32, #tpu.memory_space<vmem>>[vector<16xi32>, vector<16xi32>], vector<16xf32>,
          %add3A_567 = arith.addi %broadcast_in_dim3A_561, %and3A_34 : vector<16xi32>
          %gather3A_568 = tpu.vector_load_idx %arg6[%iota3A, %add3A_567] : memref<16x1024xf32, #tpu.memory_space<vmem>>[vector<16xi32>, vector<16xi32>], vector<16xf32>,
          %shift_right_arithmetic3A_569 = arith.constant 3 : i32
          %shift_right_arithmetic3A_570 = vector.broadcast %shift_right_arithmetic3A_569 : i32 to vector<16xi32>
          %shift_right_arithmetic3A_571 = arith.shrsi %add3A_567, %shift_right_arithmetic3A_570 : vector<16xi32>
          tpu.vector_store_idx %arg8[%shift_right_arithmetic3A_571, %add3A_131], %gather3A_568 : memref<128x128xf32, #tpu.memory_space<vmem>>[vector<16xi32>, vector<16xi32>], vector<16xf32>,
          %add3A_572 = arith.addi %broadcast_in_dim3A_561, %and3A_40 : vector<16xi32>
          %gather3A_573 = tpu.vector_load_idx %arg6[%iota3A, %add3A_572] : memref<16x1024xf32, #tpu.memory_space<vmem>>[vector<16xi32>, vector<16xi32>], vector<16xf32>,
          %shift_right_arithmetic3A_574 = arith.constant 3 : i32
          %shift_right_arithmetic3A_575 = vector.broadcast %shift_right_arithmetic3A_574 : i32 to vector<16xi32>
          %shift_right_arithmetic3A_576 = arith.shrsi %add3A_572, %shift_right_arithmetic3A_575 : vector<16xi32>
          tpu.vector_store_idx %arg8[%shift_right_arithmetic3A_576, %add3A_138], %gather3A_573 : memref<128x128xf32, #tpu.memory_space<vmem>>[vector<16xi32>, vector<16xi32>], vector<16xf32>,
          %add3A_577 = arith.addi %broadcast_in_dim3A_561, %and3A_46 : vector<16xi32>
          %gather3A_578 = tpu.vector_load_idx %arg6[%iota3A, %add3A_577] : memref<16x1024xf32, #tpu.memory_space<vmem>>[vector<16xi32>, vector<16xi32>], vector<16xf32>,
          %shift_right_arithmetic3A_579 = arith.constant 3 : i32
          %shift_right_arithmetic3A_580 = vector.broadcast %shift_right_arithmetic3A_579 : i32 to vector<16xi32>
          %shift_right_arithmetic3A_581 = arith.shrsi %add3A_577, %shift_right_arithmetic3A_580 : vector<16xi32>
          tpu.vector_store_idx %arg8[%shift_right_arithmetic3A_581, %add3A_145], %gather3A_578 : memref<128x128xf32, #tpu.memory_space<vmem>>[vector<16xi32>, vector<16xi32>], vector<16xf32>,
          %add3A_582 = arith.addi %broadcast_in_dim3A_561, %and3A_52 : vector<16xi32>
          %gather3A_583 = tpu.vector_load_idx %arg6[%iota3A, %add3A_582] : memref<16x1024xf32, #tpu.memory_space<vmem>>[vector<16xi32>, vector<16xi32>], vector<16xf32>,
          %shift_right_arithmetic3A_584 = arith.constant 3 : i32
          %shift_right_arithmetic3A_585 = vector.broadcast %shift_right_arithmetic3A_584 : i32 to vector<16xi32>
          %shift_right_arithmetic3A_586 = arith.shrsi %add3A_582, %shift_right_arithmetic3A_585 : vector<16xi32>
          tpu.vector_store_idx %arg8[%shift_right_arithmetic3A_586, %add3A_152], %gather3A_583 : memref<128x128xf32, #tpu.memory_space<vmem>>[vector<16xi32>, vector<16xi32>], vector<16xf32>,
          %add3A_587 = arith.addi %broadcast_in_dim3A_561, %and3A_58 : vector<16xi32>
          %gather3A_588 = tpu.vector_load_idx %arg6[%iota3A, %add3A_587] : memref<16x1024xf32, #tpu.memory_space<vmem>>[vector<16xi32>, vector<16xi32>], vector<16xf32>,
          %shift_right_arithmetic3A_589 = arith.constant 3 : i32
          %shift_right_arithmetic3A_590 = vector.broadcast %shift_right_arithmetic3A_589 : i32 to vector<16xi32>
          %shift_right_arithmetic3A_591 = arith.shrsi %add3A_587, %shift_right_arithmetic3A_590 : vector<16xi32>
          tpu.vector_store_idx %arg8[%shift_right_arithmetic3A_591, %add3A_159], %gather3A_588 : memref<128x128xf32, #tpu.memory_space<vmem>>[vector<16xi32>, vector<16xi32>], vector<16xf32>,
          %add3A_592 = arith.addi %broadcast_in_dim3A_561, %and3A_64 : vector<16xi32>
          %gather3A_593 = tpu.vector_load_idx %arg6[%iota3A, %add3A_592] : memref<16x1024xf32, #tpu.memory_space<vmem>>[vector<16xi32>, vector<16xi32>], vector<16xf32>,
          %shift_right_arithmetic3A_594 = arith.constant 3 : i32
          %shift_right_arithmetic3A_595 = vector.broadcast %shift_right_arithmetic3A_594 : i32 to vector<16xi32>
          %shift_right_arithmetic3A_596 = arith.shrsi %add3A_592, %shift_right_arithmetic3A_595 : vector<16xi32>
          tpu.vector_store_idx %arg8[%shift_right_arithmetic3A_596, %add3A_166], %gather3A_593 : memref<128x128xf32, #tpu.memory_space<vmem>>[vector<16xi32>, vector<16xi32>], vector<16xf32>,
          %add3A_597 = arith.addi %broadcast_in_dim3A_561, %and3A_70 : vector<16xi32>
          %gather3A_598 = tpu.vector_load_idx %arg6[%iota3A, %add3A_597] : memref<16x1024xf32, #tpu.memory_space<vmem>>[vector<16xi32>, vector<16xi32>], vector<16xf32>,
          %shift_right_arithmetic3A_599 = arith.constant 3 : i32
          %shift_right_arithmetic3A_600 = vector.broadcast %shift_right_arithmetic3A_599 : i32 to vector<16xi32>
          %shift_right_arithmetic3A_601 = arith.shrsi %add3A_597, %shift_right_arithmetic3A_600 : vector<16xi32>
          tpu.vector_store_idx %arg8[%shift_right_arithmetic3A_601, %add3A_173], %gather3A_598 : memref<128x128xf32, #tpu.memory_space<vmem>>[vector<16xi32>, vector<16xi32>], vector<16xf32>,
          %add3A_602 = arith.addi %broadcast_in_dim3A_561, %and3A_76 : vector<16xi32>
          %gather3A_603 = tpu.vector_load_idx %arg6[%iota3A, %add3A_602] : memref<16x1024xf32, #tpu.memory_space<vmem>>[vector<16xi32>, vector<16xi32>], vector<16xf32>,
          %shift_right_arithmetic3A_604 = arith.constant 3 : i32
          %shift_right_arithmetic3A_605 = vector.broadcast %shift_right_arithmetic3A_604 : i32 to vector<16xi32>
          %shift_right_arithmetic3A_606 = arith.shrsi %add3A_602, %shift_right_arithmetic3A_605 : vector<16xi32>
          tpu.vector_store_idx %arg8[%shift_right_arithmetic3A_606, %add3A_180], %gather3A_603 : memref<128x128xf32, #tpu.memory_space<vmem>>[vector<16xi32>, vector<16xi32>], vector<16xf32>,
          %add3A_607 = arith.addi %broadcast_in_dim3A_561, %and3A_82 : vector<16xi32>
          %gather3A_608 = tpu.vector_load_idx %arg6[%iota3A, %add3A_607] : memref<16x1024xf32, #tpu.memory_space<vmem>>[vector<16xi32>, vector<16xi32>], vector<16xf32>,
          %shift_right_arithmetic3A_609 = arith.constant 3 : i32
          %shift_right_arithmetic3A_610 = vector.broadcast %shift_right_arithmetic3A_609 : i32 to vector<16xi32>
          %shift_right_arithmetic3A_611 = arith.shrsi %add3A_607, %shift_right_arithmetic3A_610 : vector<16xi32>
          tpu.vector_store_idx %arg8[%shift_right_arithmetic3A_611, %add3A_187], %gather3A_608 : memref<128x128xf32, #tpu.memory_space<vmem>>[vector<16xi32>, vector<16xi32>], vector<16xf32>,
          %add3A_612 = arith.addi %broadcast_in_dim3A_561, %and3A_88 : vector<16xi32>
          %gather3A_613 = tpu.vector_load_idx %arg6[%iota3A, %add3A_612] : memref<16x1024xf32, #tpu.memory_space<vmem>>[vector<16xi32>, vector<16xi32>], vector<16xf32>,
          %shift_right_arithmetic3A_614 = arith.constant 3 : i32
          %shift_right_arithmetic3A_615 = vector.broadcast %shift_right_arithmetic3A_614 : i32 to vector<16xi32>
          %shift_right_arithmetic3A_616 = arith.shrsi %add3A_612, %shift_right_arithmetic3A_615 : vector<16xi32>
          tpu.vector_store_idx %arg8[%shift_right_arithmetic3A_616, %add3A_194], %gather3A_613 : memref<128x128xf32, #tpu.memory_space<vmem>>[vector<16xi32>, vector<16xi32>], vector<16xf32>,
          %add3A_617 = arith.addi %broadcast_in_dim3A_561, %and3A_94 : vector<16xi32>
          %gather3A_618 = tpu.vector_load_idx %arg6[%iota3A, %add3A_617] : memref<16x1024xf32, #tpu.memory_space<vmem>>[vector<16xi32>, vector<16xi32>], vector<16xf32>,
          %shift_right_arithmetic3A_619 = arith.constant 3 : i32
          %shift_right_arithmetic3A_620 = vector.broadcast %shift_right_arithmetic3A_619 : i32 to vector<16xi32>
          %shift_right_arithmetic3A_621 = arith.shrsi %add3A_617, %shift_right_arithmetic3A_620 : vector<16xi32>
          tpu.vector_store_idx %arg8[%shift_right_arithmetic3A_621, %add3A_201], %gather3A_618 : memref<128x128xf32, #tpu.memory_space<vmem>>[vector<16xi32>, vector<16xi32>], vector<16xf32>,
          %add3A_622 = arith.addi %broadcast_in_dim3A_561, %and3A_100 : vector<16xi32>
          %gather3A_623 = tpu.vector_load_idx %arg6[%iota3A, %add3A_622] : memref<16x1024xf32, #tpu.memory_space<vmem>>[vector<16xi32>, vector<16xi32>], vector<16xf32>,
          %shift_right_arithmetic3A_624 = arith.constant 3 : i32
          %shift_right_arithmetic3A_625 = vector.broadcast %shift_right_arithmetic3A_624 : i32 to vector<16xi32>
          %shift_right_arithmetic3A_626 = arith.shrsi %add3A_622, %shift_right_arithmetic3A_625 : vector<16xi32>
          tpu.vector_store_idx %arg8[%shift_right_arithmetic3A_626, %add3A_208], %gather3A_623 : memref<128x128xf32, #tpu.memory_space<vmem>>[vector<16xi32>, vector<16xi32>], vector<16xf32>,
          %add3A_627 = arith.addi %broadcast_in_dim3A_561, %and3A_106 : vector<16xi32>
          %gather3A_628 = tpu.vector_load_idx %arg6[%iota3A, %add3A_627] : memref<16x1024xf32, #tpu.memory_space<vmem>>[vector<16xi32>, vector<16xi32>], vector<16xf32>,
          %shift_right_arithmetic3A_629 = arith.constant 3 : i32
          %shift_right_arithmetic3A_630 = vector.broadcast %shift_right_arithmetic3A_629 : i32 to vector<16xi32>
          %shift_right_arithmetic3A_631 = arith.shrsi %add3A_627, %shift_right_arithmetic3A_630 : vector<16xi32>
          tpu.vector_store_idx %arg8[%shift_right_arithmetic3A_631, %add3A_215], %gather3A_628 : memref<128x128xf32, #tpu.memory_space<vmem>>[vector<16xi32>, vector<16xi32>], vector<16xf32>,
          %add3A_632 = arith.addi %broadcast_in_dim3A_561, %and3A_112 : vector<16xi32>
          %gather3A_633 = tpu.vector_load_idx %arg6[%iota3A, %add3A_632] : memref<16x1024xf32, #tpu.memory_space<vmem>>[vector<16xi32>, vector<16xi32>], vector<16xf32>,
          %shift_right_arithmetic3A_634 = arith.constant 3 : i32
          %shift_right_arithmetic3A_635 = vector.broadcast %shift_right_arithmetic3A_634 : i32 to vector<16xi32>
          %shift_right_arithmetic3A_636 = arith.shrsi %add3A_632, %shift_right_arithmetic3A_635 : vector<16xi32>
          tpu.vector_store_idx %arg8[%shift_right_arithmetic3A_636, %add3A_222], %gather3A_633 : memref<128x128xf32, #tpu.memory_space<vmem>>[vector<16xi32>, vector<16xi32>], vector<16xf32>,
          %add3A_637 = arith.addi %broadcast_in_dim3A_561, %and3A_118 : vector<16xi32>
          %gather3A_638 = tpu.vector_load_idx %arg6[%iota3A, %add3A_637] : memref<16x1024xf32, #tpu.memory_space<vmem>>[vector<16xi32>, vector<16xi32>], vector<16xf32>,
          %shift_right_arithmetic3A_639 = arith.constant 3 : i32
          %shift_right_arithmetic3A_640 = vector.broadcast %shift_right_arithmetic3A_639 : i32 to vector<16xi32>
          %shift_right_arithmetic3A_641 = arith.shrsi %add3A_637, %shift_right_arithmetic3A_640 : vector<16xi32>
          tpu.vector_store_idx %arg8[%shift_right_arithmetic3A_641, %add3A_229], %gather3A_638 : memref<128x128xf32, #tpu.memory_space<vmem>>[vector<16xi32>, vector<16xi32>], vector<16xf32>,
          %scan3A_642 = arith.constant 0 : i32
          scf.yield %scan3A_642 : i32
        }
        %scan3A_296 = arith.constant 64 : i32
        %mul3A_297 = arith.constant 128 : i32
        %mul3A_298 = arith.muli %add3A_280, %mul3A_297 : i32
        %dma_start3A = arith.constant 0 : i32
        %dma_start3A_299 = tpu.memref_slice %arg4[%mul3A_298, %dma_start3A] : memref<325000x128xf32, #tpu.memory_space<hbm>> -> memref<128x128xf32, #tpu.memory_space<hbm>>
        %dma_start3A_300 = arith.constant 0 : i32
        %dma_start3A_301 = tpu.memref_slice %arg4[%mul3A_298, %dma_start3A_300] : memref<325000x128xf32, #tpu.memory_space<hbm>> -> memref<128x128xf32, #tpu.memory_space<hbm>>
        tpu.enqueue_dma source(%arg8 : memref<128x128xf32, #tpu.memory_space<vmem>>) target(%dma_start3A_301 : memref<128x128xf32, #tpu.memory_space<hbm>>) target_semaphore(%arg12 : memref<!tpu.dma_semaphore, #tpu.memory_space<semaphore_mem>>)
      } else {
      }
      %scan3A_277 = arith.constant 0 : i32
      scf.yield %scan3A_277 : i32
    }
    %scan3A_237 = arith.constant 41 : i32
    %gt3A_238 = arith.constant 0 : i32
    %gt3A_239 = arith.cmpi sgt, %select_n3A, %gt3A_238 : i32
    %convert_element_type3A_240 = arith.extui %gt3A_239 : i1 to i32
    %cond3A_241 = arith.constant 0 : i32
    %cond3A_242 = arith.cmpi ne, %convert_element_type3A_240, %cond3A_241 : i32
    scf.if %cond3A_242 {
      %sub3A_252 = arith.constant 1 : i32
      %sub3A_253 = arith.subi %select_n3A, %sub3A_252 : i32
      %sub3A_254 = arith.constant 0 : i32
      %sub3A_255 = arith.subi %sub3A_253, %sub3A_254 : i32
      %jit3A_256 = arith.constant 2 : i32
      %div3A_257 = arith.divsi %sub3A_255, %jit3A_256 : i32
      %sign3A_258 = arith.constant 0 : i32
      %sign3A_259 = arith.cmpi sgt, %sub3A_255, %sign3A_258 : i32
      %sign3A_260 = arith.extui %sign3A_259 : i1 to i32
      %sign3A_261 = arith.constant 0 : i32
      %sign3A_262 = arith.cmpi slt, %sub3A_255, %sign3A_261 : i32
      %sign3A_263 = arith.extui %sign3A_262 : i1 to i32
      %sign3A_264 = arith.subi %sign3A_260, %sign3A_263 : i32
      %sign3A_265 = arith.constant 0 : i32
      %sign3A_266 = arith.cmpi sgt, %jit3A_256, %sign3A_265 : i32
      %sign3A_267 = arith.extui %sign3A_266 : i1 to i32
      %sign3A_268 = arith.constant 0 : i32
      %sign3A_269 = arith.cmpi slt, %jit3A_256, %sign3A_268 : i32
      %sign3A_270 = arith.extui %sign3A_269 : i1 to i32
      %sign3A_271 = arith.subi %sign3A_267, %sign3A_270 : i32
      %ne3A_272 = arith.cmpi ne, %sign3A_264, %sign3A_271 : i32
      %rem3A_273 = arith.remsi %sub3A_255, %jit3A_256 : i32
      %ne3A_274 = arith.constant 0 : i32
      %ne3A_275 = arith.cmpi ne, %rem3A_273, %ne3A_274 : i32
      %and3A_276 = arith.andi %ne3A_272, %ne3A_275 : i1
      %sub3A_277 = arith.constant 1 : i32
      %sub3A_278 = arith.subi %div3A_257, %sub3A_277 : i32
      %select_n3A_279 = arith.select %and3A_276, %sub3A_278, %div3A_257 : i32
      %mul3A_280 = arith.constant 2 : i32
      %mul3A_281 = arith.muli %select_n3A_279, %mul3A_280 : i32
      %add3A_282 = arith.constant 0 : i32
      %add3A_283 = arith.addi %mul3A_281, %add3A_282 : i32
      %mul3A_284 = arith.constant 32 : i32
      %mul3A_285 = arith.muli %add3A_283, %mul3A_284 : i32
      %add3A_286 = arith.addi %add3A, %mul3A_285 : i32
      %mul3A_287 = arith.constant 128 : i32
      %mul3A_288 = arith.muli %add3A_286, %mul3A_287 : i32
      %dma_wait3A = arith.constant 0 : i32
      %dma_wait3A_289 = tpu.memref_slice %arg4[%mul3A_288, %dma_wait3A] : memref<325000x128xf32, #tpu.memory_space<hbm>> -> memref<128x128xf32, #tpu.memory_space<hbm>>
      %dma_wait3A_290 = arith.constant 0 : i32
      %dma_wait3A_291 = tpu.memref_slice %arg4[%mul3A_288, %dma_wait3A_290] : memref<325000x128xf32, #tpu.memory_space<hbm>> -> memref<128x128xf32, #tpu.memory_space<hbm>>
      tpu.wait_dma2 semaphore(%arg11 : memref<!tpu.dma_semaphore, #tpu.memory_space<semaphore_mem>>) src(%arg7 : memref<128x128xf32, #tpu.memory_space<vmem>>) dst(%dma_wait3A_291 : memref<128x128xf32, #tpu.memory_space<hbm>>)
    } else {
    }
    %gt3A_243 = arith.constant 1 : i32
    %gt3A_244 = arith.cmpi sgt, %select_n3A, %gt3A_243 : i32
    %convert_element_type3A_245 = arith.extui %gt3A_244 : i1 to i32
    %cond3A_246 = arith.constant 0 : i32
    %cond3A_247 = arith.cmpi ne, %convert_element_type3A_245, %cond3A_246 : i32
    scf.if %cond3A_247 {
      %sub3A_252 = arith.constant 1 : i32
      %sub3A_253 = arith.subi %select_n3A, %sub3A_252 : i32
      %sub3A_254 = arith.constant 1 : i32
      %sub3A_255 = arith.subi %sub3A_253, %sub3A_254 : i32
      %jit3A_256 = arith.constant 2 : i32
      %div3A_257 = arith.divsi %sub3A_255, %jit3A_256 : i32
      %sign3A_258 = arith.constant 0 : i32
      %sign3A_259 = arith.cmpi sgt, %sub3A_255, %sign3A_258 : i32
      %sign3A_260 = arith.extui %sign3A_259 : i1 to i32
      %sign3A_261 = arith.constant 0 : i32
      %sign3A_262 = arith.cmpi slt, %sub3A_255, %sign3A_261 : i32
      %sign3A_263 = arith.extui %sign3A_262 : i1 to i32
      %sign3A_264 = arith.subi %sign3A_260, %sign3A_263 : i32
      %sign3A_265 = arith.constant 0 : i32
      %sign3A_266 = arith.cmpi sgt, %jit3A_256, %sign3A_265 : i32
      %sign3A_267 = arith.extui %sign3A_266 : i1 to i32
      %sign3A_268 = arith.constant 0 : i32
      %sign3A_269 = arith.cmpi slt, %jit3A_256, %sign3A_268 : i32
      %sign3A_270 = arith.extui %sign3A_269 : i1 to i32
      %sign3A_271 = arith.subi %sign3A_267, %sign3A_270 : i32
      %ne3A_272 = arith.cmpi ne, %sign3A_264, %sign3A_271 : i32
      %rem3A_273 = arith.remsi %sub3A_255, %jit3A_256 : i32
      %ne3A_274 = arith.constant 0 : i32
      %ne3A_275 = arith.cmpi ne, %rem3A_273, %ne3A_274 : i32
      %and3A_276 = arith.andi %ne3A_272, %ne3A_275 : i1
      %sub3A_277 = arith.constant 1 : i32
      %sub3A_278 = arith.subi %div3A_257, %sub3A_277 : i32
      %select_n3A_279 = arith.select %and3A_276, %sub3A_278, %div3A_257 : i32
      %mul3A_280 = arith.constant 2 : i32
      %mul3A_281 = arith.muli %select_n3A_279, %mul3A_280 : i32
      %add3A_282 = arith.constant 1 : i32
      %add3A_283 = arith.addi %mul3A_281, %add3A_282 : i32
      %mul3A_284 = arith.constant 32 : i32
      %mul3A_285 = arith.muli %add3A_283, %mul3A_284 : i32
      %add3A_286 = arith.addi %add3A, %mul3A_285 : i32
      %mul3A_287 = arith.constant 128 : i32
      %mul3A_288 = arith.muli %add3A_286, %mul3A_287 : i32
      %dma_wait3A = arith.constant 0 : i32
      %dma_wait3A_289 = tpu.memref_slice %arg4[%mul3A_288, %dma_wait3A] : memref<325000x128xf32, #tpu.memory_space<hbm>> -> memref<128x128xf32, #tpu.memory_space<hbm>>
      %dma_wait3A_290 = arith.constant 0 : i32
      %dma_wait3A_291 = tpu.memref_slice %arg4[%mul3A_288, %dma_wait3A_290] : memref<325000x128xf32, #tpu.memory_space<hbm>> -> memref<128x128xf32, #tpu.memory_space<hbm>>
      tpu.wait_dma2 semaphore(%arg12 : memref<!tpu.dma_semaphore, #tpu.memory_space<semaphore_mem>>) src(%arg8 : memref<128x128xf32, #tpu.memory_space<vmem>>) dst(%dma_wait3A_291 : memref<128x128xf32, #tpu.memory_space<hbm>>)
    } else {
    }
    %eq3A = arith.constant 0 : i32
    %eq3A_248 = arith.cmpi eq, %add3A, %eq3A : i32
    %convert_element_type3A_249 = arith.extui %eq3A_248 : i1 to i32
    %cond3A_250 = arith.constant 0 : i32
    %cond3A_251 = arith.cmpi ne, %convert_element_type3A_249, %cond3A_250 : i32
    scf.if %cond3A_251 {
      "tpu.region"() ({
        %run_scoped3A = tpu.sem_alloc : memref<!tpu.dma_semaphore, #tpu.memory_space<semaphore_mem>>
        %dma_start3A = arith.constant 324992 : i32
        %dma_start3A_252 = arith.constant 0 : i32
        %dma_start3A_253 = tpu.memref_slice %arg4[%dma_start3A, %dma_start3A_252] : memref<325000x128xf32, #tpu.memory_space<hbm>> -> memref<8x128xf32, #tpu.memory_space<hbm>>
        tpu.enqueue_dma source(%arg3 : memref<8x128xf32, #tpu.memory_space<hbm>>) target(%dma_start3A_253 : memref<8x128xf32, #tpu.memory_space<hbm>>) target_semaphore(%run_scoped3A : memref<!tpu.dma_semaphore, #tpu.memory_space<semaphore_mem>>)
        %dma_wait3A = arith.constant 324992 : i32
        %dma_wait3A_254 = arith.constant 0 : i32
        %dma_wait3A_255 = tpu.memref_slice %arg4[%dma_wait3A, %dma_wait3A_254] : memref<325000x128xf32, #tpu.memory_space<hbm>> -> memref<8x128xf32, #tpu.memory_space<hbm>>
        tpu.wait_dma2 semaphore(%run_scoped3A : memref<!tpu.dma_semaphore, #tpu.memory_space<semaphore_mem>>) src(%arg3 : memref<8x128xf32, #tpu.memory_space<hbm>>) dst(%dma_wait3A_255 : memref<8x128xf32, #tpu.memory_space<hbm>>)
        tpu.yield
      }) : () -> ()
    } else {
    }
    return
  }
}

module attributes {stable_mosaic.version = 14 : i64} {
  func.func @body(%arg0: i32, %arg1: memref<26x512xi32, #tpu.memory_space<vmem>>, %arg2: memref<13312xi32, #tpu.memory_space<vmem>>) attributes {dimension_semantics = [#tpu.dimension_semantics<arbitrary>], iteration_bounds = array<i64: 32>, scalar_prefetch = 0 : i64, scratch_operands = 0 : i64, tpu.core_type = #tpu.core_type<tc>, window_params = [{transform_indices = @transform_0, window_bounds = array<i64: 26, 512>}, {transform_indices = @transform_1, window_bounds = array<i64: 13312>}]} {
    %get3A = arith.constant 0 : index
    %get3A_0 = arith.constant 0 : index
    %get3A_1 = vector.load %arg1[%get3A, %get3A_0] : memref<26x512xi32, #tpu.memory_space<vmem>>, vector<1x256xi32>
    %get3A_2 = vector.shape_cast %get3A_1 : vector<1x256xi32> to vector<256xi32>
    %add3A = arith.constant 0 : i32
    %add3A_3 = vector.broadcast %add3A : i32 to vector<256xi32>
    %add3A_4 = arith.addi %get3A_2, %add3A_3 : vector<256xi32>
    %swap3A = arith.constant 0 : index
    %swap3A_5 = vector.load %arg2[%swap3A] : memref<13312xi32, #tpu.memory_space<vmem>>, vector<256xi32>
    tpu.vector_store %arg2[%swap3A], %add3A_4 {strides = array<i32>} : memref<13312xi32, #tpu.memory_space<vmem>>, vector<256xi32>,
    %get3A_6 = arith.constant 1 : index
    %get3A_7 = arith.constant 0 : index
    %get3A_8 = vector.load %arg1[%get3A_6, %get3A_7] : memref<26x512xi32, #tpu.memory_space<vmem>>, vector<1x256xi32>
    %get3A_9 = vector.shape_cast %get3A_8 : vector<1x256xi32> to vector<256xi32>
    %add3A_10 = arith.constant 100000 : i32
    %add3A_11 = vector.broadcast %add3A_10 : i32 to vector<256xi32>
    %add3A_12 = arith.addi %get3A_9, %add3A_11 : vector<256xi32>
    %swap3A_13 = arith.constant 256 : index
    %swap3A_14 = vector.load %arg2[%swap3A_13] : memref<13312xi32, #tpu.memory_space<vmem>>, vector<256xi32>
    tpu.vector_store %arg2[%swap3A_13], %add3A_12 {strides = array<i32>} : memref<13312xi32, #tpu.memory_space<vmem>>, vector<256xi32>,
    %get3A_15 = arith.constant 2 : index
    %get3A_16 = arith.constant 0 : index
    %get3A_17 = vector.load %arg1[%get3A_15, %get3A_16] : memref<26x512xi32, #tpu.memory_space<vmem>>, vector<1x256xi32>
    %get3A_18 = vector.shape_cast %get3A_17 : vector<1x256xi32> to vector<256xi32>
    %add3A_19 = arith.constant 200000 : i32
    %add3A_20 = vector.broadcast %add3A_19 : i32 to vector<256xi32>
    %add3A_21 = arith.addi %get3A_18, %add3A_20 : vector<256xi32>
    %swap3A_22 = arith.constant 512 : index
    %swap3A_23 = vector.load %arg2[%swap3A_22] : memref<13312xi32, #tpu.memory_space<vmem>>, vector<256xi32>
    tpu.vector_store %arg2[%swap3A_22], %add3A_21 {strides = array<i32>} : memref<13312xi32, #tpu.memory_space<vmem>>, vector<256xi32>,
    %get3A_24 = arith.constant 3 : index
    %get3A_25 = arith.constant 0 : index
    %get3A_26 = vector.load %arg1[%get3A_24, %get3A_25] : memref<26x512xi32, #tpu.memory_space<vmem>>, vector<1x256xi32>
    %get3A_27 = vector.shape_cast %get3A_26 : vector<1x256xi32> to vector<256xi32>
    %add3A_28 = arith.constant 300000 : i32
    %add3A_29 = vector.broadcast %add3A_28 : i32 to vector<256xi32>
    %add3A_30 = arith.addi %get3A_27, %add3A_29 : vector<256xi32>
    %swap3A_31 = arith.constant 768 : index
    %swap3A_32 = vector.load %arg2[%swap3A_31] : memref<13312xi32, #tpu.memory_space<vmem>>, vector<256xi32>
    tpu.vector_store %arg2[%swap3A_31], %add3A_30 {strides = array<i32>} : memref<13312xi32, #tpu.memory_space<vmem>>, vector<256xi32>,
    %get3A_33 = arith.constant 4 : index
    %get3A_34 = arith.constant 0 : index
    %get3A_35 = vector.load %arg1[%get3A_33, %get3A_34] : memref<26x512xi32, #tpu.memory_space<vmem>>, vector<1x256xi32>
    %get3A_36 = vector.shape_cast %get3A_35 : vector<1x256xi32> to vector<256xi32>
    %add3A_37 = arith.constant 400000 : i32
    %add3A_38 = vector.broadcast %add3A_37 : i32 to vector<256xi32>
    %add3A_39 = arith.addi %get3A_36, %add3A_38 : vector<256xi32>
    %swap3A_40 = arith.constant 1024 : index
    %swap3A_41 = vector.load %arg2[%swap3A_40] : memref<13312xi32, #tpu.memory_space<vmem>>, vector<256xi32>
    tpu.vector_store %arg2[%swap3A_40], %add3A_39 {strides = array<i32>} : memref<13312xi32, #tpu.memory_space<vmem>>, vector<256xi32>,
    %get3A_42 = arith.constant 5 : index
    %get3A_43 = arith.constant 0 : index
    %get3A_44 = vector.load %arg1[%get3A_42, %get3A_43] : memref<26x512xi32, #tpu.memory_space<vmem>>, vector<1x256xi32>
    %get3A_45 = vector.shape_cast %get3A_44 : vector<1x256xi32> to vector<256xi32>
    %add3A_46 = arith.constant 500000 : i32
    %add3A_47 = vector.broadcast %add3A_46 : i32 to vector<256xi32>
    %add3A_48 = arith.addi %get3A_45, %add3A_47 : vector<256xi32>
    %swap3A_49 = arith.constant 1280 : index
    %swap3A_50 = vector.load %arg2[%swap3A_49] : memref<13312xi32, #tpu.memory_space<vmem>>, vector<256xi32>
    tpu.vector_store %arg2[%swap3A_49], %add3A_48 {strides = array<i32>} : memref<13312xi32, #tpu.memory_space<vmem>>, vector<256xi32>,
    %get3A_51 = arith.constant 6 : index
    %get3A_52 = arith.constant 0 : index
    %get3A_53 = vector.load %arg1[%get3A_51, %get3A_52] : memref<26x512xi32, #tpu.memory_space<vmem>>, vector<1x256xi32>
    %get3A_54 = vector.shape_cast %get3A_53 : vector<1x256xi32> to vector<256xi32>
    %add3A_55 = arith.constant 600000 : i32
    %add3A_56 = vector.broadcast %add3A_55 : i32 to vector<256xi32>
    %add3A_57 = arith.addi %get3A_54, %add3A_56 : vector<256xi32>
    %swap3A_58 = arith.constant 1536 : index
    %swap3A_59 = vector.load %arg2[%swap3A_58] : memref<13312xi32, #tpu.memory_space<vmem>>, vector<256xi32>
    tpu.vector_store %arg2[%swap3A_58], %add3A_57 {strides = array<i32>} : memref<13312xi32, #tpu.memory_space<vmem>>, vector<256xi32>,
    %get3A_60 = arith.constant 7 : index
    %get3A_61 = arith.constant 0 : index
    %get3A_62 = vector.load %arg1[%get3A_60, %get3A_61] : memref<26x512xi32, #tpu.memory_space<vmem>>, vector<1x256xi32>
    %get3A_63 = vector.shape_cast %get3A_62 : vector<1x256xi32> to vector<256xi32>
    %add3A_64 = arith.constant 700000 : i32
    %add3A_65 = vector.broadcast %add3A_64 : i32 to vector<256xi32>
    %add3A_66 = arith.addi %get3A_63, %add3A_65 : vector<256xi32>
    %swap3A_67 = arith.constant 1792 : index
    %swap3A_68 = vector.load %arg2[%swap3A_67] : memref<13312xi32, #tpu.memory_space<vmem>>, vector<256xi32>
    tpu.vector_store %arg2[%swap3A_67], %add3A_66 {strides = array<i32>} : memref<13312xi32, #tpu.memory_space<vmem>>, vector<256xi32>,
    %get3A_69 = arith.constant 8 : index
    %get3A_70 = arith.constant 0 : index
    %get3A_71 = vector.load %arg1[%get3A_69, %get3A_70] : memref<26x512xi32, #tpu.memory_space<vmem>>, vector<1x256xi32>
    %get3A_72 = vector.shape_cast %get3A_71 : vector<1x256xi32> to vector<256xi32>
    %add3A_73 = arith.constant 800000 : i32
    %add3A_74 = vector.broadcast %add3A_73 : i32 to vector<256xi32>
    %add3A_75 = arith.addi %get3A_72, %add3A_74 : vector<256xi32>
    %swap3A_76 = arith.constant 2048 : index
    %swap3A_77 = vector.load %arg2[%swap3A_76] : memref<13312xi32, #tpu.memory_space<vmem>>, vector<256xi32>
    tpu.vector_store %arg2[%swap3A_76], %add3A_75 {strides = array<i32>} : memref<13312xi32, #tpu.memory_space<vmem>>, vector<256xi32>,
    %get3A_78 = arith.constant 9 : index
    %get3A_79 = arith.constant 0 : index
    %get3A_80 = vector.load %arg1[%get3A_78, %get3A_79] : memref<26x512xi32, #tpu.memory_space<vmem>>, vector<1x256xi32>
    %get3A_81 = vector.shape_cast %get3A_80 : vector<1x256xi32> to vector<256xi32>
    %add3A_82 = arith.constant 900000 : i32
    %add3A_83 = vector.broadcast %add3A_82 : i32 to vector<256xi32>
    %add3A_84 = arith.addi %get3A_81, %add3A_83 : vector<256xi32>
    %swap3A_85 = arith.constant 2304 : index
    %swap3A_86 = vector.load %arg2[%swap3A_85] : memref<13312xi32, #tpu.memory_space<vmem>>, vector<256xi32>
    tpu.vector_store %arg2[%swap3A_85], %add3A_84 {strides = array<i32>} : memref<13312xi32, #tpu.memory_space<vmem>>, vector<256xi32>,
    %get3A_87 = arith.constant 10 : index
    %get3A_88 = arith.constant 0 : index
    %get3A_89 = vector.load %arg1[%get3A_87, %get3A_88] : memref<26x512xi32, #tpu.memory_space<vmem>>, vector<1x256xi32>
    %get3A_90 = vector.shape_cast %get3A_89 : vector<1x256xi32> to vector<256xi32>
    %add3A_91 = arith.constant 1000000 : i32
    %add3A_92 = vector.broadcast %add3A_91 : i32 to vector<256xi32>
    %add3A_93 = arith.addi %get3A_90, %add3A_92 : vector<256xi32>
    %swap3A_94 = arith.constant 2560 : index
    %swap3A_95 = vector.load %arg2[%swap3A_94] : memref<13312xi32, #tpu.memory_space<vmem>>, vector<256xi32>
    tpu.vector_store %arg2[%swap3A_94], %add3A_93 {strides = array<i32>} : memref<13312xi32, #tpu.memory_space<vmem>>, vector<256xi32>,
    %get3A_96 = arith.constant 11 : index
    %get3A_97 = arith.constant 0 : index
    %get3A_98 = vector.load %arg1[%get3A_96, %get3A_97] : memref<26x512xi32, #tpu.memory_space<vmem>>, vector<1x256xi32>
    %get3A_99 = vector.shape_cast %get3A_98 : vector<1x256xi32> to vector<256xi32>
    %add3A_100 = arith.constant 1100000 : i32
    %add3A_101 = vector.broadcast %add3A_100 : i32 to vector<256xi32>
    %add3A_102 = arith.addi %get3A_99, %add3A_101 : vector<256xi32>
    %swap3A_103 = arith.constant 2816 : index
    %swap3A_104 = vector.load %arg2[%swap3A_103] : memref<13312xi32, #tpu.memory_space<vmem>>, vector<256xi32>
    tpu.vector_store %arg2[%swap3A_103], %add3A_102 {strides = array<i32>} : memref<13312xi32, #tpu.memory_space<vmem>>, vector<256xi32>,
    %get3A_105 = arith.constant 12 : index
    %get3A_106 = arith.constant 0 : index
    %get3A_107 = vector.load %arg1[%get3A_105, %get3A_106] : memref<26x512xi32, #tpu.memory_space<vmem>>, vector<1x256xi32>
    %get3A_108 = vector.shape_cast %get3A_107 : vector<1x256xi32> to vector<256xi32>
    %add3A_109 = arith.constant 1200000 : i32
    %add3A_110 = vector.broadcast %add3A_109 : i32 to vector<256xi32>
    %add3A_111 = arith.addi %get3A_108, %add3A_110 : vector<256xi32>
    %swap3A_112 = arith.constant 3072 : index
    %swap3A_113 = vector.load %arg2[%swap3A_112] : memref<13312xi32, #tpu.memory_space<vmem>>, vector<256xi32>
    tpu.vector_store %arg2[%swap3A_112], %add3A_111 {strides = array<i32>} : memref<13312xi32, #tpu.memory_space<vmem>>, vector<256xi32>,
    %get3A_114 = arith.constant 13 : index
    %get3A_115 = arith.constant 0 : index
    %get3A_116 = vector.load %arg1[%get3A_114, %get3A_115] : memref<26x512xi32, #tpu.memory_space<vmem>>, vector<1x256xi32>
    %get3A_117 = vector.shape_cast %get3A_116 : vector<1x256xi32> to vector<256xi32>
    %add3A_118 = arith.constant 1300000 : i32
    %add3A_119 = vector.broadcast %add3A_118 : i32 to vector<256xi32>
    %add3A_120 = arith.addi %get3A_117, %add3A_119 : vector<256xi32>
    %swap3A_121 = arith.constant 3328 : index
    %swap3A_122 = vector.load %arg2[%swap3A_121] : memref<13312xi32, #tpu.memory_space<vmem>>, vector<256xi32>
    tpu.vector_store %arg2[%swap3A_121], %add3A_120 {strides = array<i32>} : memref<13312xi32, #tpu.memory_space<vmem>>, vector<256xi32>,
    %get3A_123 = arith.constant 14 : index
    %get3A_124 = arith.constant 0 : index
    %get3A_125 = vector.load %arg1[%get3A_123, %get3A_124] : memref<26x512xi32, #tpu.memory_space<vmem>>, vector<1x256xi32>
    %get3A_126 = vector.shape_cast %get3A_125 : vector<1x256xi32> to vector<256xi32>
    %add3A_127 = arith.constant 1400000 : i32
    %add3A_128 = vector.broadcast %add3A_127 : i32 to vector<256xi32>
    %add3A_129 = arith.addi %get3A_126, %add3A_128 : vector<256xi32>
    %swap3A_130 = arith.constant 3584 : index
    %swap3A_131 = vector.load %arg2[%swap3A_130] : memref<13312xi32, #tpu.memory_space<vmem>>, vector<256xi32>
    tpu.vector_store %arg2[%swap3A_130], %add3A_129 {strides = array<i32>} : memref<13312xi32, #tpu.memory_space<vmem>>, vector<256xi32>,
    %get3A_132 = arith.constant 15 : index
    %get3A_133 = arith.constant 0 : index
    %get3A_134 = vector.load %arg1[%get3A_132, %get3A_133] : memref<26x512xi32, #tpu.memory_space<vmem>>, vector<1x256xi32>
    %get3A_135 = vector.shape_cast %get3A_134 : vector<1x256xi32> to vector<256xi32>
    %add3A_136 = arith.constant 1500000 : i32
    %add3A_137 = vector.broadcast %add3A_136 : i32 to vector<256xi32>
    %add3A_138 = arith.addi %get3A_135, %add3A_137 : vector<256xi32>
    %swap3A_139 = arith.constant 3840 : index
    %swap3A_140 = vector.load %arg2[%swap3A_139] : memref<13312xi32, #tpu.memory_space<vmem>>, vector<256xi32>
    tpu.vector_store %arg2[%swap3A_139], %add3A_138 {strides = array<i32>} : memref<13312xi32, #tpu.memory_space<vmem>>, vector<256xi32>,
    %get3A_141 = arith.constant 16 : index
    %get3A_142 = arith.constant 0 : index
    %get3A_143 = vector.load %arg1[%get3A_141, %get3A_142] : memref<26x512xi32, #tpu.memory_space<vmem>>, vector<1x256xi32>
    %get3A_144 = vector.shape_cast %get3A_143 : vector<1x256xi32> to vector<256xi32>
    %add3A_145 = arith.constant 1600000 : i32
    %add3A_146 = vector.broadcast %add3A_145 : i32 to vector<256xi32>
    %add3A_147 = arith.addi %get3A_144, %add3A_146 : vector<256xi32>
    %swap3A_148 = arith.constant 4096 : index
    %swap3A_149 = vector.load %arg2[%swap3A_148] : memref<13312xi32, #tpu.memory_space<vmem>>, vector<256xi32>
    tpu.vector_store %arg2[%swap3A_148], %add3A_147 {strides = array<i32>} : memref<13312xi32, #tpu.memory_space<vmem>>, vector<256xi32>,
    %get3A_150 = arith.constant 17 : index
    %get3A_151 = arith.constant 0 : index
    %get3A_152 = vector.load %arg1[%get3A_150, %get3A_151] : memref<26x512xi32, #tpu.memory_space<vmem>>, vector<1x256xi32>
    %get3A_153 = vector.shape_cast %get3A_152 : vector<1x256xi32> to vector<256xi32>
    %add3A_154 = arith.constant 1700000 : i32
    %add3A_155 = vector.broadcast %add3A_154 : i32 to vector<256xi32>
    %add3A_156 = arith.addi %get3A_153, %add3A_155 : vector<256xi32>
    %swap3A_157 = arith.constant 4352 : index
    %swap3A_158 = vector.load %arg2[%swap3A_157] : memref<13312xi32, #tpu.memory_space<vmem>>, vector<256xi32>
    tpu.vector_store %arg2[%swap3A_157], %add3A_156 {strides = array<i32>} : memref<13312xi32, #tpu.memory_space<vmem>>, vector<256xi32>,
    %get3A_159 = arith.constant 18 : index
    %get3A_160 = arith.constant 0 : index
    %get3A_161 = vector.load %arg1[%get3A_159, %get3A_160] : memref<26x512xi32, #tpu.memory_space<vmem>>, vector<1x256xi32>
    %get3A_162 = vector.shape_cast %get3A_161 : vector<1x256xi32> to vector<256xi32>
    %add3A_163 = arith.constant 1800000 : i32
    %add3A_164 = vector.broadcast %add3A_163 : i32 to vector<256xi32>
    %add3A_165 = arith.addi %get3A_162, %add3A_164 : vector<256xi32>
    %swap3A_166 = arith.constant 4608 : index
    %swap3A_167 = vector.load %arg2[%swap3A_166] : memref<13312xi32, #tpu.memory_space<vmem>>, vector<256xi32>
    tpu.vector_store %arg2[%swap3A_166], %add3A_165 {strides = array<i32>} : memref<13312xi32, #tpu.memory_space<vmem>>, vector<256xi32>,
    %get3A_168 = arith.constant 19 : index
    %get3A_169 = arith.constant 0 : index
    %get3A_170 = vector.load %arg1[%get3A_168, %get3A_169] : memref<26x512xi32, #tpu.memory_space<vmem>>, vector<1x256xi32>
    %get3A_171 = vector.shape_cast %get3A_170 : vector<1x256xi32> to vector<256xi32>
    %add3A_172 = arith.constant 1900000 : i32
    %add3A_173 = vector.broadcast %add3A_172 : i32 to vector<256xi32>
    %add3A_174 = arith.addi %get3A_171, %add3A_173 : vector<256xi32>
    %swap3A_175 = arith.constant 4864 : index
    %swap3A_176 = vector.load %arg2[%swap3A_175] : memref<13312xi32, #tpu.memory_space<vmem>>, vector<256xi32>
    tpu.vector_store %arg2[%swap3A_175], %add3A_174 {strides = array<i32>} : memref<13312xi32, #tpu.memory_space<vmem>>, vector<256xi32>,
    %get3A_177 = arith.constant 20 : index
    %get3A_178 = arith.constant 0 : index
    %get3A_179 = vector.load %arg1[%get3A_177, %get3A_178] : memref<26x512xi32, #tpu.memory_space<vmem>>, vector<1x256xi32>
    %get3A_180 = vector.shape_cast %get3A_179 : vector<1x256xi32> to vector<256xi32>
    %add3A_181 = arith.constant 2000000 : i32
    %add3A_182 = vector.broadcast %add3A_181 : i32 to vector<256xi32>
    %add3A_183 = arith.addi %get3A_180, %add3A_182 : vector<256xi32>
    %swap3A_184 = arith.constant 5120 : index
    %swap3A_185 = vector.load %arg2[%swap3A_184] : memref<13312xi32, #tpu.memory_space<vmem>>, vector<256xi32>
    tpu.vector_store %arg2[%swap3A_184], %add3A_183 {strides = array<i32>} : memref<13312xi32, #tpu.memory_space<vmem>>, vector<256xi32>,
    %get3A_186 = arith.constant 21 : index
    %get3A_187 = arith.constant 0 : index
    %get3A_188 = vector.load %arg1[%get3A_186, %get3A_187] : memref<26x512xi32, #tpu.memory_space<vmem>>, vector<1x256xi32>
    %get3A_189 = vector.shape_cast %get3A_188 : vector<1x256xi32> to vector<256xi32>
    %add3A_190 = arith.constant 2100000 : i32
    %add3A_191 = vector.broadcast %add3A_190 : i32 to vector<256xi32>
    %add3A_192 = arith.addi %get3A_189, %add3A_191 : vector<256xi32>
    %swap3A_193 = arith.constant 5376 : index
    %swap3A_194 = vector.load %arg2[%swap3A_193] : memref<13312xi32, #tpu.memory_space<vmem>>, vector<256xi32>
    tpu.vector_store %arg2[%swap3A_193], %add3A_192 {strides = array<i32>} : memref<13312xi32, #tpu.memory_space<vmem>>, vector<256xi32>,
    %get3A_195 = arith.constant 22 : index
    %get3A_196 = arith.constant 0 : index
    %get3A_197 = vector.load %arg1[%get3A_195, %get3A_196] : memref<26x512xi32, #tpu.memory_space<vmem>>, vector<1x256xi32>
    %get3A_198 = vector.shape_cast %get3A_197 : vector<1x256xi32> to vector<256xi32>
    %add3A_199 = arith.constant 2200000 : i32
    %add3A_200 = vector.broadcast %add3A_199 : i32 to vector<256xi32>
    %add3A_201 = arith.addi %get3A_198, %add3A_200 : vector<256xi32>
    %swap3A_202 = arith.constant 5632 : index
    %swap3A_203 = vector.load %arg2[%swap3A_202] : memref<13312xi32, #tpu.memory_space<vmem>>, vector<256xi32>
    tpu.vector_store %arg2[%swap3A_202], %add3A_201 {strides = array<i32>} : memref<13312xi32, #tpu.memory_space<vmem>>, vector<256xi32>,
    %get3A_204 = arith.constant 23 : index
    %get3A_205 = arith.constant 0 : index
    %get3A_206 = vector.load %arg1[%get3A_204, %get3A_205] : memref<26x512xi32, #tpu.memory_space<vmem>>, vector<1x256xi32>
    %get3A_207 = vector.shape_cast %get3A_206 : vector<1x256xi32> to vector<256xi32>
    %add3A_208 = arith.constant 2300000 : i32
    %add3A_209 = vector.broadcast %add3A_208 : i32 to vector<256xi32>
    %add3A_210 = arith.addi %get3A_207, %add3A_209 : vector<256xi32>
    %swap3A_211 = arith.constant 5888 : index
    %swap3A_212 = vector.load %arg2[%swap3A_211] : memref<13312xi32, #tpu.memory_space<vmem>>, vector<256xi32>
    tpu.vector_store %arg2[%swap3A_211], %add3A_210 {strides = array<i32>} : memref<13312xi32, #tpu.memory_space<vmem>>, vector<256xi32>,
    %get3A_213 = arith.constant 24 : index
    %get3A_214 = arith.constant 0 : index
    %get3A_215 = vector.load %arg1[%get3A_213, %get3A_214] : memref<26x512xi32, #tpu.memory_space<vmem>>, vector<1x256xi32>
    %get3A_216 = vector.shape_cast %get3A_215 : vector<1x256xi32> to vector<256xi32>
    %add3A_217 = arith.constant 2400000 : i32
    %add3A_218 = vector.broadcast %add3A_217 : i32 to vector<256xi32>
    %add3A_219 = arith.addi %get3A_216, %add3A_218 : vector<256xi32>
    %swap3A_220 = arith.constant 6144 : index
    %swap3A_221 = vector.load %arg2[%swap3A_220] : memref<13312xi32, #tpu.memory_space<vmem>>, vector<256xi32>
    tpu.vector_store %arg2[%swap3A_220], %add3A_219 {strides = array<i32>} : memref<13312xi32, #tpu.memory_space<vmem>>, vector<256xi32>,
    %get3A_222 = arith.constant 25 : index
    %get3A_223 = arith.constant 0 : index
    %get3A_224 = vector.load %arg1[%get3A_222, %get3A_223] : memref<26x512xi32, #tpu.memory_space<vmem>>, vector<1x256xi32>
    %get3A_225 = vector.shape_cast %get3A_224 : vector<1x256xi32> to vector<256xi32>
    %add3A_226 = arith.constant 2500000 : i32
    %add3A_227 = vector.broadcast %add3A_226 : i32 to vector<256xi32>
    %add3A_228 = arith.addi %get3A_225, %add3A_227 : vector<256xi32>
    %swap3A_229 = arith.constant 6400 : index
    %swap3A_230 = vector.load %arg2[%swap3A_229] : memref<13312xi32, #tpu.memory_space<vmem>>, vector<256xi32>
    tpu.vector_store %arg2[%swap3A_229], %add3A_228 {strides = array<i32>} : memref<13312xi32, #tpu.memory_space<vmem>>, vector<256xi32>,
    %get3A_231 = arith.constant 0 : index
    %get3A_232 = arith.constant 256 : index
    %get3A_233 = vector.load %arg1[%get3A_231, %get3A_232] : memref<26x512xi32, #tpu.memory_space<vmem>>, vector<1x256xi32>
    %get3A_234 = vector.shape_cast %get3A_233 : vector<1x256xi32> to vector<256xi32>
    %add3A_235 = arith.constant 0 : i32
    %add3A_236 = vector.broadcast %add3A_235 : i32 to vector<256xi32>
    %add3A_237 = arith.addi %get3A_234, %add3A_236 : vector<256xi32>
    %swap3A_238 = arith.constant 6656 : index
    %swap3A_239 = vector.load %arg2[%swap3A_238] : memref<13312xi32, #tpu.memory_space<vmem>>, vector<256xi32>
    tpu.vector_store %arg2[%swap3A_238], %add3A_237 {strides = array<i32>} : memref<13312xi32, #tpu.memory_space<vmem>>, vector<256xi32>,
    %get3A_240 = arith.constant 1 : index
    %get3A_241 = arith.constant 256 : index
    %get3A_242 = vector.load %arg1[%get3A_240, %get3A_241] : memref<26x512xi32, #tpu.memory_space<vmem>>, vector<1x256xi32>
    %get3A_243 = vector.shape_cast %get3A_242 : vector<1x256xi32> to vector<256xi32>
    %add3A_244 = arith.constant 100000 : i32
    %add3A_245 = vector.broadcast %add3A_244 : i32 to vector<256xi32>
    %add3A_246 = arith.addi %get3A_243, %add3A_245 : vector<256xi32>
    %swap3A_247 = arith.constant 6912 : index
    %swap3A_248 = vector.load %arg2[%swap3A_247] : memref<13312xi32, #tpu.memory_space<vmem>>, vector<256xi32>
    tpu.vector_store %arg2[%swap3A_247], %add3A_246 {strides = array<i32>} : memref<13312xi32, #tpu.memory_space<vmem>>, vector<256xi32>,
    %get3A_249 = arith.constant 2 : index
    %get3A_250 = arith.constant 256 : index
    %get3A_251 = vector.load %arg1[%get3A_249, %get3A_250] : memref<26x512xi32, #tpu.memory_space<vmem>>, vector<1x256xi32>
    %get3A_252 = vector.shape_cast %get3A_251 : vector<1x256xi32> to vector<256xi32>
    %add3A_253 = arith.constant 200000 : i32
    %add3A_254 = vector.broadcast %add3A_253 : i32 to vector<256xi32>
    %add3A_255 = arith.addi %get3A_252, %add3A_254 : vector<256xi32>
    %swap3A_256 = arith.constant 7168 : index
    %swap3A_257 = vector.load %arg2[%swap3A_256] : memref<13312xi32, #tpu.memory_space<vmem>>, vector<256xi32>
    tpu.vector_store %arg2[%swap3A_256], %add3A_255 {strides = array<i32>} : memref<13312xi32, #tpu.memory_space<vmem>>, vector<256xi32>,
    %get3A_258 = arith.constant 3 : index
    %get3A_259 = arith.constant 256 : index
    %get3A_260 = vector.load %arg1[%get3A_258, %get3A_259] : memref<26x512xi32, #tpu.memory_space<vmem>>, vector<1x256xi32>
    %get3A_261 = vector.shape_cast %get3A_260 : vector<1x256xi32> to vector<256xi32>
    %add3A_262 = arith.constant 300000 : i32
    %add3A_263 = vector.broadcast %add3A_262 : i32 to vector<256xi32>
    %add3A_264 = arith.addi %get3A_261, %add3A_263 : vector<256xi32>
    %swap3A_265 = arith.constant 7424 : index
    %swap3A_266 = vector.load %arg2[%swap3A_265] : memref<13312xi32, #tpu.memory_space<vmem>>, vector<256xi32>
    tpu.vector_store %arg2[%swap3A_265], %add3A_264 {strides = array<i32>} : memref<13312xi32, #tpu.memory_space<vmem>>, vector<256xi32>,
    %get3A_267 = arith.constant 4 : index
    %get3A_268 = arith.constant 256 : index
    %get3A_269 = vector.load %arg1[%get3A_267, %get3A_268] : memref<26x512xi32, #tpu.memory_space<vmem>>, vector<1x256xi32>
    %get3A_270 = vector.shape_cast %get3A_269 : vector<1x256xi32> to vector<256xi32>
    %add3A_271 = arith.constant 400000 : i32
    %add3A_272 = vector.broadcast %add3A_271 : i32 to vector<256xi32>
    %add3A_273 = arith.addi %get3A_270, %add3A_272 : vector<256xi32>
    %swap3A_274 = arith.constant 7680 : index
    %swap3A_275 = vector.load %arg2[%swap3A_274] : memref<13312xi32, #tpu.memory_space<vmem>>, vector<256xi32>
    tpu.vector_store %arg2[%swap3A_274], %add3A_273 {strides = array<i32>} : memref<13312xi32, #tpu.memory_space<vmem>>, vector<256xi32>,
    %get3A_276 = arith.constant 5 : index
    %get3A_277 = arith.constant 256 : index
    %get3A_278 = vector.load %arg1[%get3A_276, %get3A_277] : memref<26x512xi32, #tpu.memory_space<vmem>>, vector<1x256xi32>
    %get3A_279 = vector.shape_cast %get3A_278 : vector<1x256xi32> to vector<256xi32>
    %add3A_280 = arith.constant 500000 : i32
    %add3A_281 = vector.broadcast %add3A_280 : i32 to vector<256xi32>
    %add3A_282 = arith.addi %get3A_279, %add3A_281 : vector<256xi32>
    %swap3A_283 = arith.constant 7936 : index
    %swap3A_284 = vector.load %arg2[%swap3A_283] : memref<13312xi32, #tpu.memory_space<vmem>>, vector<256xi32>
    tpu.vector_store %arg2[%swap3A_283], %add3A_282 {strides = array<i32>} : memref<13312xi32, #tpu.memory_space<vmem>>, vector<256xi32>,
    %get3A_285 = arith.constant 6 : index
    %get3A_286 = arith.constant 256 : index
    %get3A_287 = vector.load %arg1[%get3A_285, %get3A_286] : memref<26x512xi32, #tpu.memory_space<vmem>>, vector<1x256xi32>
    %get3A_288 = vector.shape_cast %get3A_287 : vector<1x256xi32> to vector<256xi32>
    %add3A_289 = arith.constant 600000 : i32
    %add3A_290 = vector.broadcast %add3A_289 : i32 to vector<256xi32>
    %add3A_291 = arith.addi %get3A_288, %add3A_290 : vector<256xi32>
    %swap3A_292 = arith.constant 8192 : index
    %swap3A_293 = vector.load %arg2[%swap3A_292] : memref<13312xi32, #tpu.memory_space<vmem>>, vector<256xi32>
    tpu.vector_store %arg2[%swap3A_292], %add3A_291 {strides = array<i32>} : memref<13312xi32, #tpu.memory_space<vmem>>, vector<256xi32>,
    %get3A_294 = arith.constant 7 : index
    %get3A_295 = arith.constant 256 : index
    %get3A_296 = vector.load %arg1[%get3A_294, %get3A_295] : memref<26x512xi32, #tpu.memory_space<vmem>>, vector<1x256xi32>
    %get3A_297 = vector.shape_cast %get3A_296 : vector<1x256xi32> to vector<256xi32>
    %add3A_298 = arith.constant 700000 : i32
    %add3A_299 = vector.broadcast %add3A_298 : i32 to vector<256xi32>
    %add3A_300 = arith.addi %get3A_297, %add3A_299 : vector<256xi32>
    %swap3A_301 = arith.constant 8448 : index
    %swap3A_302 = vector.load %arg2[%swap3A_301] : memref<13312xi32, #tpu.memory_space<vmem>>, vector<256xi32>
    tpu.vector_store %arg2[%swap3A_301], %add3A_300 {strides = array<i32>} : memref<13312xi32, #tpu.memory_space<vmem>>, vector<256xi32>,
    %get3A_303 = arith.constant 8 : index
    %get3A_304 = arith.constant 256 : index
    %get3A_305 = vector.load %arg1[%get3A_303, %get3A_304] : memref<26x512xi32, #tpu.memory_space<vmem>>, vector<1x256xi32>
    %get3A_306 = vector.shape_cast %get3A_305 : vector<1x256xi32> to vector<256xi32>
    %add3A_307 = arith.constant 800000 : i32
    %add3A_308 = vector.broadcast %add3A_307 : i32 to vector<256xi32>
    %add3A_309 = arith.addi %get3A_306, %add3A_308 : vector<256xi32>
    %swap3A_310 = arith.constant 8704 : index
    %swap3A_311 = vector.load %arg2[%swap3A_310] : memref<13312xi32, #tpu.memory_space<vmem>>, vector<256xi32>
    tpu.vector_store %arg2[%swap3A_310], %add3A_309 {strides = array<i32>} : memref<13312xi32, #tpu.memory_space<vmem>>, vector<256xi32>,
    %get3A_312 = arith.constant 9 : index
    %get3A_313 = arith.constant 256 : index
    %get3A_314 = vector.load %arg1[%get3A_312, %get3A_313] : memref<26x512xi32, #tpu.memory_space<vmem>>, vector<1x256xi32>
    %get3A_315 = vector.shape_cast %get3A_314 : vector<1x256xi32> to vector<256xi32>
    %add3A_316 = arith.constant 900000 : i32
    %add3A_317 = vector.broadcast %add3A_316 : i32 to vector<256xi32>
    %add3A_318 = arith.addi %get3A_315, %add3A_317 : vector<256xi32>
    %swap3A_319 = arith.constant 8960 : index
    %swap3A_320 = vector.load %arg2[%swap3A_319] : memref<13312xi32, #tpu.memory_space<vmem>>, vector<256xi32>
    tpu.vector_store %arg2[%swap3A_319], %add3A_318 {strides = array<i32>} : memref<13312xi32, #tpu.memory_space<vmem>>, vector<256xi32>,
    %get3A_321 = arith.constant 10 : index
    %get3A_322 = arith.constant 256 : index
    %get3A_323 = vector.load %arg1[%get3A_321, %get3A_322] : memref<26x512xi32, #tpu.memory_space<vmem>>, vector<1x256xi32>
    %get3A_324 = vector.shape_cast %get3A_323 : vector<1x256xi32> to vector<256xi32>
    %add3A_325 = arith.constant 1000000 : i32
    %add3A_326 = vector.broadcast %add3A_325 : i32 to vector<256xi32>
    %add3A_327 = arith.addi %get3A_324, %add3A_326 : vector<256xi32>
    %swap3A_328 = arith.constant 9216 : index
    %swap3A_329 = vector.load %arg2[%swap3A_328] : memref<13312xi32, #tpu.memory_space<vmem>>, vector<256xi32>
    tpu.vector_store %arg2[%swap3A_328], %add3A_327 {strides = array<i32>} : memref<13312xi32, #tpu.memory_space<vmem>>, vector<256xi32>,
    %get3A_330 = arith.constant 11 : index
    %get3A_331 = arith.constant 256 : index
    %get3A_332 = vector.load %arg1[%get3A_330, %get3A_331] : memref<26x512xi32, #tpu.memory_space<vmem>>, vector<1x256xi32>
    %get3A_333 = vector.shape_cast %get3A_332 : vector<1x256xi32> to vector<256xi32>
    %add3A_334 = arith.constant 1100000 : i32
    %add3A_335 = vector.broadcast %add3A_334 : i32 to vector<256xi32>
    %add3A_336 = arith.addi %get3A_333, %add3A_335 : vector<256xi32>
    %swap3A_337 = arith.constant 9472 : index
    %swap3A_338 = vector.load %arg2[%swap3A_337] : memref<13312xi32, #tpu.memory_space<vmem>>, vector<256xi32>
    tpu.vector_store %arg2[%swap3A_337], %add3A_336 {strides = array<i32>} : memref<13312xi32, #tpu.memory_space<vmem>>, vector<256xi32>,
    %get3A_339 = arith.constant 12 : index
    %get3A_340 = arith.constant 256 : index
    %get3A_341 = vector.load %arg1[%get3A_339, %get3A_340] : memref<26x512xi32, #tpu.memory_space<vmem>>, vector<1x256xi32>
    %get3A_342 = vector.shape_cast %get3A_341 : vector<1x256xi32> to vector<256xi32>
    %add3A_343 = arith.constant 1200000 : i32
    %add3A_344 = vector.broadcast %add3A_343 : i32 to vector<256xi32>
    %add3A_345 = arith.addi %get3A_342, %add3A_344 : vector<256xi32>
    %swap3A_346 = arith.constant 9728 : index
    %swap3A_347 = vector.load %arg2[%swap3A_346] : memref<13312xi32, #tpu.memory_space<vmem>>, vector<256xi32>
    tpu.vector_store %arg2[%swap3A_346], %add3A_345 {strides = array<i32>} : memref<13312xi32, #tpu.memory_space<vmem>>, vector<256xi32>,
    %get3A_348 = arith.constant 13 : index
    %get3A_349 = arith.constant 256 : index
    %get3A_350 = vector.load %arg1[%get3A_348, %get3A_349] : memref<26x512xi32, #tpu.memory_space<vmem>>, vector<1x256xi32>
    %get3A_351 = vector.shape_cast %get3A_350 : vector<1x256xi32> to vector<256xi32>
    %add3A_352 = arith.constant 1300000 : i32
    %add3A_353 = vector.broadcast %add3A_352 : i32 to vector<256xi32>
    %add3A_354 = arith.addi %get3A_351, %add3A_353 : vector<256xi32>
    %swap3A_355 = arith.constant 9984 : index
    %swap3A_356 = vector.load %arg2[%swap3A_355] : memref<13312xi32, #tpu.memory_space<vmem>>, vector<256xi32>
    tpu.vector_store %arg2[%swap3A_355], %add3A_354 {strides = array<i32>} : memref<13312xi32, #tpu.memory_space<vmem>>, vector<256xi32>,
    %get3A_357 = arith.constant 14 : index
    %get3A_358 = arith.constant 256 : index
    %get3A_359 = vector.load %arg1[%get3A_357, %get3A_358] : memref<26x512xi32, #tpu.memory_space<vmem>>, vector<1x256xi32>
    %get3A_360 = vector.shape_cast %get3A_359 : vector<1x256xi32> to vector<256xi32>
    %add3A_361 = arith.constant 1400000 : i32
    %add3A_362 = vector.broadcast %add3A_361 : i32 to vector<256xi32>
    %add3A_363 = arith.addi %get3A_360, %add3A_362 : vector<256xi32>
    %swap3A_364 = arith.constant 10240 : index
    %swap3A_365 = vector.load %arg2[%swap3A_364] : memref<13312xi32, #tpu.memory_space<vmem>>, vector<256xi32>
    tpu.vector_store %arg2[%swap3A_364], %add3A_363 {strides = array<i32>} : memref<13312xi32, #tpu.memory_space<vmem>>, vector<256xi32>,
    %get3A_366 = arith.constant 15 : index
    %get3A_367 = arith.constant 256 : index
    %get3A_368 = vector.load %arg1[%get3A_366, %get3A_367] : memref<26x512xi32, #tpu.memory_space<vmem>>, vector<1x256xi32>
    %get3A_369 = vector.shape_cast %get3A_368 : vector<1x256xi32> to vector<256xi32>
    %add3A_370 = arith.constant 1500000 : i32
    %add3A_371 = vector.broadcast %add3A_370 : i32 to vector<256xi32>
    %add3A_372 = arith.addi %get3A_369, %add3A_371 : vector<256xi32>
    %swap3A_373 = arith.constant 10496 : index
    %swap3A_374 = vector.load %arg2[%swap3A_373] : memref<13312xi32, #tpu.memory_space<vmem>>, vector<256xi32>
    tpu.vector_store %arg2[%swap3A_373], %add3A_372 {strides = array<i32>} : memref<13312xi32, #tpu.memory_space<vmem>>, vector<256xi32>,
    %get3A_375 = arith.constant 16 : index
    %get3A_376 = arith.constant 256 : index
    %get3A_377 = vector.load %arg1[%get3A_375, %get3A_376] : memref<26x512xi32, #tpu.memory_space<vmem>>, vector<1x256xi32>
    %get3A_378 = vector.shape_cast %get3A_377 : vector<1x256xi32> to vector<256xi32>
    %add3A_379 = arith.constant 1600000 : i32
    %add3A_380 = vector.broadcast %add3A_379 : i32 to vector<256xi32>
    %add3A_381 = arith.addi %get3A_378, %add3A_380 : vector<256xi32>
    %swap3A_382 = arith.constant 10752 : index
    %swap3A_383 = vector.load %arg2[%swap3A_382] : memref<13312xi32, #tpu.memory_space<vmem>>, vector<256xi32>
    tpu.vector_store %arg2[%swap3A_382], %add3A_381 {strides = array<i32>} : memref<13312xi32, #tpu.memory_space<vmem>>, vector<256xi32>,
    %get3A_384 = arith.constant 17 : index
    %get3A_385 = arith.constant 256 : index
    %get3A_386 = vector.load %arg1[%get3A_384, %get3A_385] : memref<26x512xi32, #tpu.memory_space<vmem>>, vector<1x256xi32>
    %get3A_387 = vector.shape_cast %get3A_386 : vector<1x256xi32> to vector<256xi32>
    %add3A_388 = arith.constant 1700000 : i32
    %add3A_389 = vector.broadcast %add3A_388 : i32 to vector<256xi32>
    %add3A_390 = arith.addi %get3A_387, %add3A_389 : vector<256xi32>
    %swap3A_391 = arith.constant 11008 : index
    %swap3A_392 = vector.load %arg2[%swap3A_391] : memref<13312xi32, #tpu.memory_space<vmem>>, vector<256xi32>
    tpu.vector_store %arg2[%swap3A_391], %add3A_390 {strides = array<i32>} : memref<13312xi32, #tpu.memory_space<vmem>>, vector<256xi32>,
    %get3A_393 = arith.constant 18 : index
    %get3A_394 = arith.constant 256 : index
    %get3A_395 = vector.load %arg1[%get3A_393, %get3A_394] : memref<26x512xi32, #tpu.memory_space<vmem>>, vector<1x256xi32>
    %get3A_396 = vector.shape_cast %get3A_395 : vector<1x256xi32> to vector<256xi32>
    %add3A_397 = arith.constant 1800000 : i32
    %add3A_398 = vector.broadcast %add3A_397 : i32 to vector<256xi32>
    %add3A_399 = arith.addi %get3A_396, %add3A_398 : vector<256xi32>
    %swap3A_400 = arith.constant 11264 : index
    %swap3A_401 = vector.load %arg2[%swap3A_400] : memref<13312xi32, #tpu.memory_space<vmem>>, vector<256xi32>
    tpu.vector_store %arg2[%swap3A_400], %add3A_399 {strides = array<i32>} : memref<13312xi32, #tpu.memory_space<vmem>>, vector<256xi32>,
    %get3A_402 = arith.constant 19 : index
    %get3A_403 = arith.constant 256 : index
    %get3A_404 = vector.load %arg1[%get3A_402, %get3A_403] : memref<26x512xi32, #tpu.memory_space<vmem>>, vector<1x256xi32>
    %get3A_405 = vector.shape_cast %get3A_404 : vector<1x256xi32> to vector<256xi32>
    %add3A_406 = arith.constant 1900000 : i32
    %add3A_407 = vector.broadcast %add3A_406 : i32 to vector<256xi32>
    %add3A_408 = arith.addi %get3A_405, %add3A_407 : vector<256xi32>
    %swap3A_409 = arith.constant 11520 : index
    %swap3A_410 = vector.load %arg2[%swap3A_409] : memref<13312xi32, #tpu.memory_space<vmem>>, vector<256xi32>
    tpu.vector_store %arg2[%swap3A_409], %add3A_408 {strides = array<i32>} : memref<13312xi32, #tpu.memory_space<vmem>>, vector<256xi32>,
    %get3A_411 = arith.constant 20 : index
    %get3A_412 = arith.constant 256 : index
    %get3A_413 = vector.load %arg1[%get3A_411, %get3A_412] : memref<26x512xi32, #tpu.memory_space<vmem>>, vector<1x256xi32>
    %get3A_414 = vector.shape_cast %get3A_413 : vector<1x256xi32> to vector<256xi32>
    %add3A_415 = arith.constant 2000000 : i32
    %add3A_416 = vector.broadcast %add3A_415 : i32 to vector<256xi32>
    %add3A_417 = arith.addi %get3A_414, %add3A_416 : vector<256xi32>
    %swap3A_418 = arith.constant 11776 : index
    %swap3A_419 = vector.load %arg2[%swap3A_418] : memref<13312xi32, #tpu.memory_space<vmem>>, vector<256xi32>
    tpu.vector_store %arg2[%swap3A_418], %add3A_417 {strides = array<i32>} : memref<13312xi32, #tpu.memory_space<vmem>>, vector<256xi32>,
    %get3A_420 = arith.constant 21 : index
    %get3A_421 = arith.constant 256 : index
    %get3A_422 = vector.load %arg1[%get3A_420, %get3A_421] : memref<26x512xi32, #tpu.memory_space<vmem>>, vector<1x256xi32>
    %get3A_423 = vector.shape_cast %get3A_422 : vector<1x256xi32> to vector<256xi32>
    %add3A_424 = arith.constant 2100000 : i32
    %add3A_425 = vector.broadcast %add3A_424 : i32 to vector<256xi32>
    %add3A_426 = arith.addi %get3A_423, %add3A_425 : vector<256xi32>
    %swap3A_427 = arith.constant 12032 : index
    %swap3A_428 = vector.load %arg2[%swap3A_427] : memref<13312xi32, #tpu.memory_space<vmem>>, vector<256xi32>
    tpu.vector_store %arg2[%swap3A_427], %add3A_426 {strides = array<i32>} : memref<13312xi32, #tpu.memory_space<vmem>>, vector<256xi32>,
    %get3A_429 = arith.constant 22 : index
    %get3A_430 = arith.constant 256 : index
    %get3A_431 = vector.load %arg1[%get3A_429, %get3A_430] : memref<26x512xi32, #tpu.memory_space<vmem>>, vector<1x256xi32>
    %get3A_432 = vector.shape_cast %get3A_431 : vector<1x256xi32> to vector<256xi32>
    %add3A_433 = arith.constant 2200000 : i32
    %add3A_434 = vector.broadcast %add3A_433 : i32 to vector<256xi32>
    %add3A_435 = arith.addi %get3A_432, %add3A_434 : vector<256xi32>
    %swap3A_436 = arith.constant 12288 : index
    %swap3A_437 = vector.load %arg2[%swap3A_436] : memref<13312xi32, #tpu.memory_space<vmem>>, vector<256xi32>
    tpu.vector_store %arg2[%swap3A_436], %add3A_435 {strides = array<i32>} : memref<13312xi32, #tpu.memory_space<vmem>>, vector<256xi32>,
    %get3A_438 = arith.constant 23 : index
    %get3A_439 = arith.constant 256 : index
    %get3A_440 = vector.load %arg1[%get3A_438, %get3A_439] : memref<26x512xi32, #tpu.memory_space<vmem>>, vector<1x256xi32>
    %get3A_441 = vector.shape_cast %get3A_440 : vector<1x256xi32> to vector<256xi32>
    %add3A_442 = arith.constant 2300000 : i32
    %add3A_443 = vector.broadcast %add3A_442 : i32 to vector<256xi32>
    %add3A_444 = arith.addi %get3A_441, %add3A_443 : vector<256xi32>
    %swap3A_445 = arith.constant 12544 : index
    %swap3A_446 = vector.load %arg2[%swap3A_445] : memref<13312xi32, #tpu.memory_space<vmem>>, vector<256xi32>
    tpu.vector_store %arg2[%swap3A_445], %add3A_444 {strides = array<i32>} : memref<13312xi32, #tpu.memory_space<vmem>>, vector<256xi32>,
    %get3A_447 = arith.constant 24 : index
    %get3A_448 = arith.constant 256 : index
    %get3A_449 = vector.load %arg1[%get3A_447, %get3A_448] : memref<26x512xi32, #tpu.memory_space<vmem>>, vector<1x256xi32>
    %get3A_450 = vector.shape_cast %get3A_449 : vector<1x256xi32> to vector<256xi32>
    %add3A_451 = arith.constant 2400000 : i32
    %add3A_452 = vector.broadcast %add3A_451 : i32 to vector<256xi32>
    %add3A_453 = arith.addi %get3A_450, %add3A_452 : vector<256xi32>
    %swap3A_454 = arith.constant 12800 : index
    %swap3A_455 = vector.load %arg2[%swap3A_454] : memref<13312xi32, #tpu.memory_space<vmem>>, vector<256xi32>
    tpu.vector_store %arg2[%swap3A_454], %add3A_453 {strides = array<i32>} : memref<13312xi32, #tpu.memory_space<vmem>>, vector<256xi32>,
    %get3A_456 = arith.constant 25 : index
    %get3A_457 = arith.constant 256 : index
    %get3A_458 = vector.load %arg1[%get3A_456, %get3A_457] : memref<26x512xi32, #tpu.memory_space<vmem>>, vector<1x256xi32>
    %get3A_459 = vector.shape_cast %get3A_458 : vector<1x256xi32> to vector<256xi32>
    %add3A_460 = arith.constant 2500000 : i32
    %add3A_461 = vector.broadcast %add3A_460 : i32 to vector<256xi32>
    %add3A_462 = arith.addi %get3A_459, %add3A_461 : vector<256xi32>
    %swap3A_463 = arith.constant 13056 : index
    %swap3A_464 = vector.load %arg2[%swap3A_463] : memref<13312xi32, #tpu.memory_space<vmem>>, vector<256xi32>
    tpu.vector_store %arg2[%swap3A_463], %add3A_462 {strides = array<i32>} : memref<13312xi32, #tpu.memory_space<vmem>>, vector<256xi32>,
    return
  }
  func.func @transform_0(%arg0: i32) -> (i32, i32) {
    %c0_i32 = arith.constant 0 : i32
    %c0_i32_0 = arith.constant 0 : i32
    return %c0_i32, %arg0 : i32, i32
  }
  func.func @transform_1(%arg0: i32) -> i32 {
    %c0_i32 = arith.constant 0 : i32
    return %arg0 : i32
  }
}

module attributes {stable_mosaic.version = 14 : i64} {
  func.func @body(%arg0: i32, %arg1: memref<2048x16xf32, #tpu.memory_space<vmem>>, %arg2: memref<2048xf32, #tpu.memory_space<vmem>>, %arg3: memref<16x64xf32, #tpu.memory_space<vmem>>, %arg4: memref<1x64xf32, #tpu.memory_space<vmem>>, %arg5: memref<1x64xf32, #tpu.memory_space<vmem>>, %arg6: memref<1xf32, #tpu.memory_space<smem>>, %arg7: memref<2048xf32, #tpu.memory_space<vmem>>) attributes {dimension_semantics = [#tpu.dimension_semantics<arbitrary>], iteration_bounds = array<i64: 8>, scalar_prefetch = 0 : i64, scratch_operands = 0 : i64, tpu.core_type = #tpu.core_type<tc>, window_params = [{transform_indices = @transform_0, window_bounds = array<i64: 2048, 16>}, {transform_indices = @transform_1, window_bounds = array<i64: 2048>}, {pipeline_mode = #tpu.pipeline_mode<synchronous>, transform_indices = @transform_2, window_bounds = array<i64: 16, 64>}, {pipeline_mode = #tpu.pipeline_mode<synchronous>, transform_indices = @transform_3, window_bounds = array<i64: 1, 64>}, {pipeline_mode = #tpu.pipeline_mode<synchronous>, transform_indices = @transform_4, window_bounds = array<i64: 1, 64>}, {transform_indices = @transform_5, window_bounds = array<i64: 1>}, {transform_indices = @transform_6, window_bounds = array<i64: 2048>}]} {
    %get3A = arith.constant 0 : index
    %get3A_0 = arith.constant 0 : index
    %get3A_1 = vector.load %arg1[%get3A, %get3A_0] : memref<2048x16xf32, #tpu.memory_space<vmem>>, vector<2048x16xf32>
    %get3A_2 = arith.constant 0 : index
    %get3A_3 = arith.constant 0 : index
    %get3A_4 = vector.load %arg3[%get3A_2, %get3A_3] : memref<16x64xf32, #tpu.memory_space<vmem>>, vector<16x64xf32>
    %dot_general3A = arith.constant dense<0.000000e+00> : vector<2048x64xf32>
    %dot_general3A_5 = tpu.matmul %get3A_1, %get3A_4, %dot_general3A {dimension_numbers = #tpu.dot_dimension_numbers<[1], [0], [0], [1], [0, 0, 1, 1], [], []>, transpose_lhs_hint = false} : vector<2048x16xf32>, vector<16x64xf32>, vector<2048x64xf32> -> vector<2048x64xf32>
    %get3A_6 = arith.constant 0 : index
    %get3A_7 = arith.constant 0 : index
    %get3A_8 = vector.load %arg4[%get3A_6, %get3A_7] : memref<1x64xf32, #tpu.memory_space<vmem>>, vector<1x64xf32>
    %add3A = vector.broadcast %get3A_8 : vector<1x64xf32> to vector<2048x64xf32>
    %add3A_9 = arith.addf %dot_general3A_5, %add3A : vector<2048x64xf32>
    %max3A = arith.constant 0.000000e+00 : f32
    %max3A_10 = vector.broadcast %max3A : f32 to vector<2048x64xf32>
    %max3A_11 = arith.maximumf %add3A_9, %max3A_10 : vector<2048x64xf32>
    %get3A_12 = arith.constant 0 : index
    %get3A_13 = arith.constant 0 : index
    %get3A_14 = vector.load %arg5[%get3A_12, %get3A_13] : memref<1x64xf32, #tpu.memory_space<vmem>>, vector<1x64xf32>
    %mul3A = vector.broadcast %get3A_14 : vector<1x64xf32> to vector<2048x64xf32>
    %mul3A_15 = arith.mulf %max3A_11, %mul3A : vector<2048x64xf32>
    %reduce_sum3A = arith.constant dense<0.000000e+00> : vector<2048xf32>
    %reduce_sum3A_16 = vector.multi_reduction <add>, %mul3A_15, %reduce_sum3A [1] : vector<2048x64xf32> to vector<2048xf32>
    %get3A_17 = arith.constant 0 : index
    %get3A_18 = vector.load %arg2[%get3A_17] : memref<2048xf32, #tpu.memory_space<vmem>>, vector<2048xf32>
    %add3A_19 = arith.addf %reduce_sum3A_16, %get3A_18 : vector<2048xf32>
    %get3A_20 = arith.constant 0 : index
    %get3A_21 = memref.load %arg6[%get3A_20] : memref<1xf32, #tpu.memory_space<smem>>
    %add3A_22 = vector.broadcast %get3A_21 : f32 to vector<2048xf32>
    %add3A_23 = arith.addf %add3A_19, %add3A_22 : vector<2048xf32>
    %swap3A = arith.constant 0 : index
    %swap3A_24 = vector.load %arg7[%swap3A] : memref<2048xf32, #tpu.memory_space<vmem>>, vector<2048xf32>
    tpu.vector_store %arg7[%swap3A], %add3A_23 {strides = array<i32>} : memref<2048xf32, #tpu.memory_space<vmem>>, vector<2048xf32>,
    return
  }
  func.func @transform_0(%arg0: i32) -> (i32, i32) {
    %c0_i32 = arith.constant 0 : i32
    %c0_i32_0 = arith.constant 0 : i32
    return %arg0, %c0_i32 : i32, i32
  }
  func.func @transform_1(%arg0: i32) -> i32 {
    %c0_i32 = arith.constant 0 : i32
    return %arg0 : i32
  }
  func.func @transform_2(%arg0: i32) -> (i32, i32) {
    %c0_i32 = arith.constant 0 : i32
    %c0_i32_0 = arith.constant 0 : i32
    %c0_i32_1 = arith.constant 0 : i32
    return %c0_i32, %c0_i32_0 : i32, i32
  }
  func.func @transform_3(%arg0: i32) -> (i32, i32) {
    %c0_i32 = arith.constant 0 : i32
    %c0_i32_0 = arith.constant 0 : i32
    %c0_i32_1 = arith.constant 0 : i32
    return %c0_i32, %c0_i32_0 : i32, i32
  }
  func.func @transform_4(%arg0: i32) -> (i32, i32) {
    %c0_i32 = arith.constant 0 : i32
    %c0_i32_0 = arith.constant 0 : i32
    %c0_i32_1 = arith.constant 0 : i32
    return %c0_i32, %c0_i32_0 : i32, i32
  }
  func.func @transform_5(%arg0: i32) -> i32 {
    %c0_i32 = arith.constant 0 : i32
    %c0_i32_0 = arith.constant 0 : i32
    return %c0_i32 : i32
  }
  func.func @transform_6(%arg0: i32) -> i32 {
    %c0_i32 = arith.constant 0 : i32
    return %arg0 : i32
  }
}

</mosaic_0001>

<sc_bundles>
// kernel: kernel.6.cloned.1.call-start
scs
__scs_entry_jumppad:
0x0: {  	(pc) =	sbr.rel $0x88, $3  }
0x1: {  	(tag) =	ssettag $0x0;
	lr =	simm.s32 $0x1  }
0x2: {  	[smem:$0x3F95] =	sst lr;
	_ =	strace $0xD0000000  }
0x3: {  	_ = 	snop  }
0x4: {  	_ = 	snop  }
0x5: {  	_ = 	snop  }
0x6: {  	_ = 	snop  }
0x7: {  	_ = 	snop  }
__scs_overlays_trampoline_lowered:
0x8: {  	[smem:$0x3FA4] =	sst s0  }
0x9: {  	[smem:$0x3FA5] =	sst s1  }
0xa: {  	[smem:$0x3FA6] =	sst s2  }
0xb: {  	[smem:$0x3FA7] =	sst s3  }
0xc: {  	[smem:$0x3FA8] =	sst s4  }
0xd: {  	[smem:$0x3FA9] =	sst s5  }
0xe: {  	[smem:$0x3FAA] =	sst s6  }
0xf: {  	[smem:$0x3FAB] =	sst s7  }
0x10: {  	[smem:$0x3FAC] =	sst s8  }
0x11: {  	[smem:$0x3FAD] =	sst s9;
	s0 =	simm.s32 @!p0 $0x0  }
0x12: {  	s1 =	sld [smem:$0x3F93];
	s0 =	simm.s32 @p0 $0x1  }
0x13: {  	[smem:$0x3FAE] =	sst s0;
	s0 =	simm.s32 @!p1 $0x0  }
0x14: {  	s2 =	sld [smem:$0x3F92];
	s0 =	simm.s32 @p1 $0x1  }
0x15: {  	[smem:$0x3FAF] =	sst s0;
	s0 =	simm.s32 @!p2 $0x0  }
0x16: {  	s3 =	sld [smem:$0x3FDB];
	s0 =	simm.s32 @p2 $0x1  }
0x17: {  	s4 =	simm.s32 $0x1BF5;
	[smem:$0x3FB1] =	sst s0  }
0x18: {  	s0 =	sld [smem:$0x3F94];
	_ =	swait.ge [sflag:s4], $0x0  }
0x19: {  	s7 =	sld [smem:$0x3F95]  }
0x1a: {  	s8 =	sadd.s32 $0xFFFFE003, lr  }
0x1b: {  	s9 =	sadd.s32 $0xFFFFFEF7, lr;
	s5 =	simm.s32 $0xFFFFFFFF;
	p2 =	slt.u32 s8, $0xFFFFF086  }
0x1c: {  	p1 =	slt.u32 s9, $0xF7A;
	s5 =	simm.s32 @!p2 $0x0  }
0x1d: {  	s5 =	simm.s32 @p1 $0x1;
	p0 =	seq.s32 s7, s2  }
0x1e: {  	s7 =	smul.u32 @!p0 $0xF7A, s2;
	p2 =	seq.s32 @!p0 s5, $0x0  }
0x1f: {  	s9 =	smul.u32 $0xF7A, s1;
	s8 =	simm.s32 @!p0 $0x1BF5;
	p2 =	por !p2, p0  }
0x20: {  	[sflag:s8] =	ssyncset.s32 @!p0 $0xFFFFF086;
	s6 =	sadd.s32 @!p0 s3, s7;
	s7 =	simm.s32 @!p0 $0x108  }
0x21: {  	s3 =	sadd.s32 s3, s9;
	s6 =	sadd.s32 @!p0 $0x88, s6;
	s7 =	simm.s32 @p2 $0x1082  }
0x22: {  	[simem:s7], [sflag:s8] =	dma.local @!p0 [hbm:s6], $0xF7A  }
0x23: {  	s9 =	sor.u32 $0xD0000000, s2;
	s6 =	simm.s32 $0x108;
	_ =	swait.ge @!p0 [sflag:s8], $0x0  }
0x24: {  	s3 =	sadd.s32 $0x88, s3;
	s6 =	simm.s32 @!p1 $0x1082;
	[sflag:s4] =	ssyncset.s32 $0xFFFFF086  }
0x25: {  	[simem:s6], [sflag:s4] =	dma.local [hbm:s3], $0xF7A  }
0x26: {  	[smem:$0x3F95] =	sst s1;
	(tag) =	ssettag s2;
	_ =	strace s9  }
0x27: {  	s1 =	sld [smem:$0x3FA5]  }
0x28: {  	s2 =	sld [smem:$0x3FA6]  }
0x29: {  	s4 =	sld [smem:$0x3FA8]  }
0x2a: {  	p0 =	seq.s32 s5, $0x0;
	s5 =	sld [smem:$0x3FA9]  }
0x2b: {  	s6 =	sld [smem:$0x3FAA]  }
0x2c: {  	s7 =	sld [smem:$0x3FAB]  }
0x2d: {  	s3 =	simm.s32 $0x108;
	s8 =	sld [smem:$0x3FAC]  }
0x2e: {  	s3 =	simm.s32 @!p0 $0x1082;
	s9 =	sld [smem:$0x3FAD]  }
0x2f: {  	lr =	sadd.s32 s0, s3;
	s0 =	sld [smem:$0x3FA4]  }
0x30: {  	s3 =	sld [smem:$0x3FA7]  }
0x31: {  	[smem:$0x3FB0] =	sst s10  }
0x32: {  	s10 =	sld [smem:$0x3FAE];
	_ =	sdelay $0x3  }
0x33: {  	p0 =	seq.s32 s10, $0x1;
	s10 =	sld [smem:$0x3FB0];
	_ =	sdelay $0x3  }
0x34: {  	[smem:$0x3FB0] =	sst s10  }
0x35: {  	s10 =	sld [smem:$0x3FAF];
	_ =	sdelay $0x3  }
0x36: {  	p1 =	seq.s32 s10, $0x1;
	s10 =	sld [smem:$0x3FB0];
	_ =	sdelay $0x3  }
0x37: {  	[smem:$0x3FB0] =	sst s10  }
0x38: {  	s10 =	sld [smem:$0x3FB1]  }
0x39: {  	_ = 	snop;
	(pc) =	sbr.ind lr, $3  }
0x3a: {  	_ = 	snop  }
0x3b: {  	_ = 	snop  }
0x3c: {  	p2 =	seq.s32 s10, $0x1;
	s10 =	sld [smem:$0x3FB0]  }
0x3d: {  	_ =	shalt  }
0x3e: {  	_ =	shalt  }
0x3f: {  	_ =	shalt  }
0x40: {  	_ =	shalt  }
0x41: {  	_ =	shalt  }
0x42: {  	_ =	shalt  }
0x43: {  	_ =	shalt  }
0x44: {  	_ =	shalt  }
0x45: {  	_ =	shalt  }
0x46: {  	_ =	shalt  }
0x47: {  	_ =	shalt  }
0x48: {  	_ =	shalt  }
0x49: {  	_ =	shalt  }
0x4a: {  	_ =	shalt  }
0x4b: {  	_ =	shalt  }
0x4c: {  	_ =	shalt  }
0x4d: {  	_ =	shalt  }
0x4e: {  	_ =	shalt  }
0x4f: {  	_ =	shalt  }
0x50: {  	_ =	shalt  }
0x51: {  	_ =	shalt  }
0x52: {  	_ =	shalt  }
0x53: {  	_ =	shalt  }
0x54: {  	_ =	shalt  }
0x55: {  	_ =	shalt  }
0x56: {  	_ =	shalt  }
0x57: {  	_ =	shalt  }
0x58: {  	_ =	shalt  }
0x59: {  	_ =	shalt  }
0x5a: {  	_ =	shalt  }
0x5b: {  	_ =	shalt  }
0x5c: {  	_ =	shalt  }
0x5d: {  	_ =	shalt  }
0x5e: {  	_ =	shalt  }
0x5f: {  	_ =	shalt  }
0x60: {  	_ =	shalt  }
0x61: {  	_ =	shalt  }
0x62: {  	_ =	shalt  }
0x63: {  	_ =	shalt  }
0x64: {  	_ =	shalt  }
0x65: {  	_ =	shalt  }
0x66: {  	_ =	shalt  }
0x67: {  	_ =	shalt  }
0x68: {  	_ =	shalt  }
0x69: {  	_ =	shalt  }
0x6a: {  	_ =	shalt  }
0x6b: {  	_ =	shalt  }
0x6c: {  	_ =	shalt  }
0x6d: {  	_ =	shalt  }
0x6e: {  	_ =	shalt  }
0x6f: {  	_ =	shalt  }
0x70: {  	_ =	shalt  }
0x71: {  	_ =	shalt  }
0x72: {  	_ =	shalt  }
0x73: {  	_ =	shalt  }
0x74: {  	_ =	shalt  }
0x75: {  	_ =	shalt  }
0x76: {  	_ =	shalt  }
0x77: {  	_ =	shalt  }
0x78: {  	_ =	shalt  }
0x79: {  	_ =	shalt  }
0x7a: {  	_ =	shalt  }
0x7b: {  	_ =	shalt  }
0x7c: {  	_ =	shalt  }
0x7d: {  	_ =	shalt  }
0x7e: {  	_ =	shalt  }
0x7f: {  	_ =	shalt  }
0x80: {  	_ =	shalt  }
0x81: {  	_ =	shalt  }
0x82: {  	_ =	shalt  }
0x83: {  	_ =	shalt  }
0x84: {  	_ =	shalt  }
0x85: {  	_ =	shalt  }
0x86: {  	_ =	shalt  }
0x87: {  	_ =	shalt  }
.Lfunc_end0:
.L_simem_size_0:
called_computation_lowered:
.L_overlay_start_0:
0x88: {  	s2 =	sld [smem:$0x3FD9]  }
0x89: {  	s3 =	sld [smem:$0x3FFE];
	_ =	sdelay $0x1  }
0x8a: {  	s1 =	srdreg.scid  }
0x8b: {  	s0 =	sand.u32 $0x1, s1  }
0x8c: {  	s17 =	sshll.u32 s0, $0xA;
	s2 =	sadd.s32 s3, s2  }
0x8d: {  	s2 =	sadd.s32 s2, s17  }
0x8e: {  	[smem:$0x3FBC] =	sst s2  }
0x8f: {  	_ = 	snop  }
0x90: {  	s2 =	sld [smem:$0x3FC8]  }
0x91: {  	s18 =	sld [smem:$0x3FD0];
	(tm) =	ssettm $0x1  }
0x92: {  	s4 =	sld [smem:$0x3FFB];
	_ =	sdelay $0x3  }
0x93: {  	_ =	strace s4  }
0x94: {  	s4 =	sld [smem:$0x3FFC];
	_ =	sdelay $0x3  }
0x95: {  	_ =	strace s4  }
0x96: {  	s4 =	sld [smem:$0x3FFD];
	_ =	sdelay $0x3  }
0x97: {  	_ =	strace s4  }
0x98: {  	_ =	strace $0x8FFFFFFF  }
0x99: {  	s19 =	sld [smem:$0x3FDB];
	_ =	sdelay $0x1  }
0x9a: {  	s5 =	simm.s32 $_scs_section_size  }
0x9b: {  	s6 =	simm.s32 $_size__tile_overlayer_lowered;
	s7 =	simm.s32 $_tile_overlayer_lowered  }
0x9c: {  	s22 =	simm.s32 $0x1BFF;
	s21 =	sshll.u32 s7, $0x1;
	s4 =	sadd.s32 s5, s19  }
0x9d: {  	s8 =	simm.s32 $0x0;
	s20 =	sshll.u32 s6, $0x1;
	s6 =	sadd.s32 s21, s4  }
0x9e: {  	[timem:s8], [sflag:s22] =	dma.local [hbm:s6], s20  }
0x9f: {  	_ =	swait.ge [sflag:s22], s20  }
0xa0: {  	s5 =	ssub.s32 $0x0, s20;
	[sflag:s22] =	ssyncset.done $0x0  }
0xa1: {  	[sflag:s22] =	ssyncadd.s32 s5;
	_ =	sdelay $0x1  }
0xa2: {  	s23 =	simm.s32 $0x1B8B  }
0xa3: {  	_ =	swait.ge [sflag:s23], $0x1  }
0xa4: {  	[sflag:s23] =	ssyncset.done $0x0  }
0xa5: {  	s25 =	simm.s32 $0x1B8E;
	s24 =	sld [smem:$0x3FFE];
	[sflag:s23] =	ssyncadd.s32 $0xFFFFFFFF  }
0xa6: {  	s26 =	simm.s32 $execute0_lowered;
	[smem:$0x3FD2] =	sst s25  }
0xa7: {  	s6 =	sshll.u32 s26, $0x1;
	_ =	strace $0x80000046;
	[dreg:$0x1] =	wrdreg $0xFFFFFFFF  }
0xa8: {  	s28 =	simm.s32 $_size_execute0_lowered;
	s4 =	sadd.s32 s4, s6;
	[dreg:$0x0] =	wrdreg $0x0  }
0xa9: {  	s6 =	sshll.u32 s28, $0x1;
	[dreg:$0x2] =	wrdreg s4  }
0xaa: {  	[dreg:$0x3] =	wrdreg s6  }
0xab: {  	[dreg:$0x4] =	wrdreg $0xC0  }
0xac: {  	_ =	task [dreg:s8], $0x5FFFF  }
0xad: {  	[dreg:$0x1] =	wrdreg $0xFFFFFFFF  }
0xae: {  	[dreg:$0x0] =	wrdreg $0x60  }
0xaf: {  	[dreg:$0x2] =	wrdreg s2  }
0xb0: {  	[dreg:$0x3] =	wrdreg s18  }
0xb1: {  	[dreg:$0x4] =	wrdreg s24  }
0xb2: {  	[dreg:$0x5] =	wrdreg $0x9  }
0xb3: {  	_ =	task.clear_ibuf [dreg:s8], $0x6FFFF;
	_ =	strace $0x90000046  }
0xb4: {  	s29 =	simm.s32 $0x9;
	_ =	strace $0x80000048  }
0xb5: {  	_ =	swait.ge [sflag:s29], $0x1  }
0xb6: {  	[sflag:s29] =	ssyncadd.s32 $0xFFFFFFFF  }
0xb7: {  	_ =	strace $0x90000048  }
0xb8: {  	_ =	sfence  }
0xb9: {  	s30 =	sld [smem:$0x0];
	_ =	sdelay $0x2  }
0xba: {  	s31 =	sshll.u32 s1, $0xD;
	s1 =	sshrl.u32 s1, $0x2  }
0xbb: {  	s3 =	sand.u32 $0x4000, s31;
	s1 =	sadd.s32 s1, s30  }
0xbc: {  	s0 =	sor.u32 s3, s0;
	s1 =	sshll.u32 s1, $0x11  }
0xbd: {  	s0 =	sor.u32 s1, s0  }
0xbe: {  	s0 =	sadd.s32 $0x8F2B, s0  }
0xbf: {  	[sflag:s0] =	ssyncadd.remote.s32 $0x1  }
0xc0: {  	_ =	sfence.sel $0xFFFF  }
0xc1: {  	[dreg:$0x0] =	wrdreg $0xFFFFFFFF;
	(pc) =	sbr.abs _section_cstart, $3  }
0xc2: {  	[dreg:$0x1] =	wrdreg $0xFFFFFFFF  }
0xc3: {  	_ =	task.clear_ibuf [dreg:s8], $0x2FFFF;
	_ =	strace $0x9FFFFFFF  }
0xc4: {  	(tm) =	ssettm $0x7FFFFFFF  }
0xc5: {  	_ =	shalt  }
tec
execute0_lowered:
.L_overlay_start_1:
0x0: {  	(tag) =	ssettag $0x1  }
0x1: {  	v0 =	vimm.s32 $0x2380  }
0x2: {  	vm0 =	vcmask $0x300;
	vm13 =	vcmask $0x704;
	vm14 =	vcmask $0xB08  }
0x3: {  	vm15 =	vcmask $0xF0C;
	vm4 =	vcmask $0x1310;
	vm5 =	vcmask $0x1714  }
0x4: {  	vm6 =	vcmask $0x1B18;
	vm7 =	vcmask $0x1F1C;
	vm8 =	vcmask $0x2320  }
0x5: {  	vm9 =	vcmask $0x2724;
	vm10 =	vcmask $0x2B28;
	vm11 =	vcmask $0x2F2C  }
0x6: {  	vm12 =	vcmask $0x3330;
	v1 =	vimm.s32 $0x3B2A1908;
	v4 =	vimm.s32 $0x87654321  }
0x7: {  	v5 =	vimm.s32 $0x33221100;
	v6 =	vimm.s32 $0x77665544;
	v7 =	vimm.s32 $0x10FEDCBA  }
0x8: {  	v8 =	vimm.s32 $0x98765432;
	v9 =	vimm.s32 $0x43322110;
	v12 =	vimm.s32 $0xA9876543  }
0x9: {  	v13 =	vimm.s32 $0xBA987654;
	v15 =	vimm.s32 $0x4F3E2D1C;
	v24 =	vimm.s32 $0x3726150  }
0xa: {  	v25 =	vimm.s32 $0x47362514;
	v28 =	vimm.s32 $0x57463524;
	v62 =	vimm.s32 $0x67564534  }
0xb: {  	v32 =	vimm.s32 $0x76543210;
	v0 =	vsel vm0, $0x0, v0;
	v2 =	vunpack.c.0.s8.s32 v1  }
0xc: {  	v1 =	vimm.s32 $0x7F6E5D4C;
	v4 =	vunpack.c.l.s4.s8 v4;
	v5 =	vunpack.c.0.s8.s32 v5  }
0xd: {  	v6 =	vunpack.c.0.s8.s32 v6;
	v7 =	vunpack.c.l.s4.s8 v7;
	v8 =	vunpack.c.l.s4.s8 v8  }
0xe: {  	v9 =	vunpack.c.0.s8.s32 v9;
	v12 =	vunpack.c.l.s4.s8 v12;
	v13 =	vunpack.c.l.s4.s8 v13  }
0xf: {  	v15 =	vunpack.c.0.s8.s32 v15;
	v24 =	vunpack.c.0.s8.s32 v24;
	v25 =	vunpack.c.0.s8.s32 v25  }
0x10: {  	v28 =	vunpack.c.0.s8.s32 v28;
	v32 =	vunpack.c.l.s4.s8 v32;
	v0 =	vsel vm13, $0x80, v0  }
0x11: {  	vm13 =	vcmask $0x3734;
	v3 =	vunpack.c.0.s8.s32 v1;
	v1 =	vimm.s32 $0xFEDCBA9  }
0x12: {  	v0 =	vsel vm14, $0x100, v0;
	vm14 =	vcmask $0x3B38;
	v1 =	vunpack.c.l.s4.s8 v1  }
0x13: {  	v17 =	vunpack.c.0.s8.s32 v4;
	v18 =	vunpack.c.0.s8.s32 v7;
	v19 =	vunpack.c.0.s8.s32 v8  }
0x14: {  	v7 =	vimm.s32 $0x5B4A3928;
	v8 =	vimm.s32 $0x1F0E7D6C;
	v21 =	vunpack.c.0.s8.s32 v12  }
0x15: {  	v12 =	vimm.s32 $0x3210FEDC;
	v23 =	vunpack.c.0.s8.s32 v13;
	v13 =	vimm.s32 $0x37261504  }
0x16: {  	v0 =	vsel vm15, $0x180, v0;
	vm15 =	vcmask $0x1F10;
	v7 =	vunpack.c.0.s8.s32 v7  }
0x17: {  	v8 =	vunpack.c.0.s8.s32 v8;
	v12 =	vunpack.c.l.s4.s8 v12;
	v13 =	vunpack.c.0.s8.s32 v13  }
0x18: {  	v0 =	vsel vm4, $0x200, v0;
	v16 =	vunpack.c.0.s8.s32 v1;
	v1 =	vlaneseq.u32  }
0x19: {  	v2 =	vsel vm15, v3, v2;
	v3 =	vimm.s32 $0x4B3A2918;
	v4 =	vsel vm15, v6, v5  }
0x1a: {  	v0 =	vsel vm5, $0x280, v0;
	v6 =	vunpack.c.0.s8.s32 v3;
	v3 =	vimm.s32 $0xF7E6D5C  }
0x1b: {  	v2 =	vcombine.low v4, v2;
	v22 =	vunpack.c.0.s8.s32 v12;
	v12 =	vimm.s32 $0x73625140  }
0x1c: {  	v0 =	vsel vm6, $0x300, v0;
	v5 =	vcombine.low v17, v16;
	v10 =	vunpack.c.0.s8.s32 v3  }
0x1d: {  	v3 =	vimm.s32 $0x7766554;
	v12 =	vunpack.c.0.s8.s32 v12;
	v0 =	vsel vm7, $0x380, v0  }
0x1e: {  	v11 =	vunpack.c.0.s8.s32 v3;
	v0 =	vsel vm8, $0x2000, v0;
	v3 =	vand.u32 $0xF, v5  }
0x1f: {  	v4 =	vsel vm15, v10, v6;
	v6 =	vcombine.low v19, v18;
	v10 =	vimm.s32 $0x17067564  }
0x20: {  	v19 =	vcombine.low v18, v19;
	v0 =	vsel vm9, $0x2080, v0;
	v5 =	vsel vm15, v11, v9  }
0x21: {  	v9 =	vimm.s32 $0x53423120;
	v10 =	vunpack.c.0.s8.s32 v10;
	v11 =	vimm.s32 $0x210FEDCB  }
0x22: {  	v0 =	vsel vm10, $0x2100, v0;
	v9 =	vunpack.c.0.s8.s32 v9;
	v4 =	vcombine.low v5, v4  }
0x23: {  	v11 =	vunpack.c.l.s4.s8 v11;
	v5 =	vand.u32 $0xF, v6;
	v6 =	vsel vm15, v8, v7  }
0x24: {  	v8 =	vimm.s32 $0x6B5A4938;
	v19 =	vand.u32 $0xF, v19;
	v0 =	vsel vm11, $0x2180, v0  }
0x25: {  	v8 =	vunpack.c.0.s8.s32 v8;
	v0 =	vsel vm12, $0x2200, v0;
	v7 =	vsel vm15, v10, v9  }
0x26: {  	v20 =	vunpack.c.0.s8.s32 v11;
	v9 =	vimm.s32 $0x2F1E0D7C;
	v10 =	vimm.s32 $0x63524130  }
0x27: {  	v11 =	vimm.s32 $0x27160574;
	v0 =	vsel vm13, $0x2280, v0;
	v9 =	vunpack.c.0.s8.s32 v9  }
0x28: {  	v10 =	vunpack.c.0.s8.s32 v10;
	v11 =	vunpack.c.0.s8.s32 v11;
	v6 =	vcombine.low v7, v6  }
0x29: {  	v0 =	vsel vm14, $0x2300, v0;
	v14 =	vcombine.low v21, v20;
	v20 =	vcombine.low v20, v21  }
0x2a: {  	v8 =	vsel vm15, v9, v8;
	v9 =	vsel vm15, v11, v10;
	v10 =	vimm.s32 $0x7B6A5948  }
0x2b: {  	v21 =	vcombine.low v22, v23;
	v11 =	vimm.s32 $0x3F2E1D0C;
	v10 =	vunpack.c.0.s8.s32 v10  }
0x2c: {  	v11 =	vunpack.c.0.s8.s32 v11;
	v7 =	vand.u32 $0xF, v14;
	v8 =	vcombine.low v9, v8  }
0x2d: {  	v9 =	vcombine.low v23, v22;
	v14 =	vimm.s32 $0xB7A6958;
	v20 =	vand.u32 $0xF, v20  }
0x2e: {  	v21 =	vand.u32 $0xF, v21;
	v14 =	vunpack.c.0.s8.s32 v14;
	v10 =	vsel vm15, v11, v10  }
0x2f: {  	v11 =	vsel vm15, v13, v12;
	v12 =	vimm.s32 $0x43210FED;
	v13 =	vimm.s32 $0xCBA98765  }
0x30: {  	v12 =	vunpack.c.l.s4.s8 v12;
	v13 =	vunpack.c.l.s4.s8 v13;
	v10 =	vcombine.low v11, v10  }
0x31: {  	v11 =	vsel vm15, v15, v14;
	v14 =	vimm.s32 $0xDCBA9876;
	v15 =	vimm.s32 $0x1B0A7968  }
0x32: {  	v14 =	vunpack.c.l.s4.s8 v14;
	v15 =	vunpack.c.0.s8.s32 v15;
	v26 =	vunpack.c.0.s8.s32 v12  }
0x33: {  	v27 =	vunpack.c.0.s8.s32 v13;
	v12 =	vsel vm15, v25, v24;
	v13 =	vimm.s32 $0x543210FE  }
0x34: {  	v24 =	vimm.s32 $0x5F4E3D2C;
	v25 =	vimm.s32 $0x13027160;
	v13 =	vunpack.c.l.s4.s8 v13  }
0x35: {  	s5 =	rddreg [dreg:$0x0];
	v24 =	vunpack.c.0.s8.s32 v24;
	v25 =	vunpack.c.0.s8.s32 v25;
	v11 =	vcombine.low v12, v11  }
0x36: {  	s0 =	rddreg [dreg:$0x1];
	v31 =	vunpack.c.0.s8.s32 v14;
	v14 =	vimm.s32 $0x6543210F;
	v29 =	vcombine.low v27, v26  }
0x37: {  	s7 =	rddreg [dreg:$0x2];
	v30 =	vunpack.c.0.s8.s32 v13;
	v12 =	vsel vm15, v24, v15;
	v13 =	vsel vm15, v28, v25  }
0x38: {  	s1 =	rddreg [dreg:$0x3];
	v15 =	vimm.s32 $0x2B1A0978;
	v24 =	vimm.s32 $0x6F5E4D3C;
	v25 =	vimm.s32 $0xEDCBA987  }
0x39: {  	s4 =	srdreg.scid;
	s2 =	stileid.u32;
	v15 =	vunpack.c.0.s8.s32 v15;
	v24 =	vunpack.c.0.s8.s32 v24;
	v12 =	vcombine.low v13, v12  }
0x3a: {  	s3 =	simm.s32 $0x0;
	s10 =	simm.s32 $0x13D6400;
	s11 =	simm.s32 $0x1;
	v13 =	vunpack.c.l.s4.s8 v14;
	v14 =	vunpack.c.l.s4.s8 v25;
	v25 =	vimm.s32 $0xFEDCBA98  }
0x3b: {  	s12 =	simm.s32 $0x8000;
	s13 =	simm.s32 $0x2;
	s14 =	simm.s32 $0x4000;
	v25 =	vunpack.c.l.s4.s8 v25;
	v15 =	vsel vm15, v24, v15;
	v24 =	vimm.s32 $0x23120170  }
0x3c: {  	s15 =	simm.s32 $0xC000;
	s17 =	simm.s32 $0x4;
	s18 =	simm.s32 $0x0;
	v22 =	vcombine.low v26, v27;
	v28 =	vunpack.c.0.s8.s32 v62;
	v24 =	vunpack.c.0.s8.s32 v24  }
0x3d: {  	s4 =	sand.u32 $0x1, s4;
	s6 =	sshll.u32 s2, $0x1;
	[smem:$0x7FF] =	sst s3;
	v23 =	vcombine.low v30, v31;
	v34 =	vunpack.c.0.s8.s32 v14;
	v14 =	vunpack.c.0.s8.s32 v25  }
0x3e: {  	s16 =	sor.u32 s4, s6;
	_ =	strace $0x80000047;
	s4 =	ssub.s32 $0x2, s4;
	v33 =	vunpack.c.0.s8.s32 v13;
	v25 =	vunpack.c.0.s8.s32 v32;
	v13 =	vsel vm15, v28, v24  }
.Ltmp0:
0x3f: {  	s6 =	sshll.u32 s16, $0xB;
	s8 =	sshrl.u32 s4, $0x1;
	v24 =	vcombine.low v31, v30;
	v13 =	vcombine.low v13, v15;
	v15 =	vand.u32 $0xF, v14;
	(pc) =	sbr.rel .LBB2_1-.Ltmp0, $4  }
0x40: {  	s9 =	ssub.s32 $0xA0A, s16;
	s31 =	sshll.u32 s16, $0xA;
	p0 =	sne.s32 s16, $0x0;
	v9 =	vand.u32 $0xF, v9;
	v63 =	vcombine.low v34, v33;
	v15 =	vcombine.low v15, v25  }
0x41: {  	s16 =	simm.s32 $0x3;
	s6 =	sadd.s32 s6, s7;
	s8 =	ssub.s32 s4, s8;
	v25 =	vcombine.low v16, v17;
	v16 =	vand.u32 $0xF, v24;
	v24 =	vcombine.low v33, v34  }
0x42: {  	s4 =	sshrl.u32 s9, $0x5;
	s5 =	sadd.s32 s5, s31;
	s7 =	sadd.s32 $0x4F7400, s7;
	v22 =	vand.u32 $0xF, v22;
	v23 =	vand.u32 $0xF, v23;
	v14 =	vand.u32 $0xF, v29  }
0x43: {  	s9 =	simm.s32 $0x2000;
	s6 =	sadd.s32 $0x1C00, s6;
	s8 =	smax.u32 s8, $0x1;
	v17 =	vand.u32 $0xF, v63;
	v18 =	vand.u32 $0xF, v25;
	v24 =	vand.u32 $0xF, v24  }
.LBB2_11:
0x44: {  	_ =	swait.ge [sflag:s16], $0x4000  }
0x45: {  	[sflag:s16] =	ssyncset.done $0x0  }
0x46: {  	[sflag:s16] =	ssyncadd.s32 $0xFFFFC000  }
0x47: {  	_ =	swait.ge [sflag:s17], $0x4000  }
0x48: {  	s19 =	sshll.u32 @!p0 s2, $0x6;
	s18 =	sadd.s32 $0x1, s18;
	[sflag:s17] =	ssyncset.done $0x0  }
0x49: {  	s19 =	sor.u32 @!p0 $0x1C05, s19;
	p1 =	sne.s32 s18, s8;
	[sflag:s17] =	ssyncadd.s32 $0xFFFFC000  }
0x4a: {  	[hbm:s7], [sflag:s19] =	dma.local @!p0 [hbm:s0], $0x80  }
.Ltmp1:
0x4b: {  	_ = 	snop;
	(pc) =	sbr.rel @!p1 .LBB2_12-.Ltmp1, $4  }
0x4c: {  	s19 =	simm.s32 @!p0 $0x5  }
0x4d: {  	_ =	swait.ge @!p0 [sflag:s19], $0x80  }
0x4e: {  	[sflag:s19] =	ssyncset.done @!p0 $0x0  }
0x4f: {  	[sflag:s19] =	ssyncadd.s32 @!p0 $0xFFFFFF80  }
.LBB2_1:
.Ltmp2:
0x50: {  	(pc) =	sbr.rel .LBB2_2-.Ltmp2, $3  }
0x51: {  	_ =	sdelay $0x1  }
0x52: {  	[tilespmem:s3], [sflag:$0x1] =	stream.strided.gather [hbm4b:s5+s9], $0x4000, s10, s9, $0x38;
	[tilespmem:$0x10000] =	vst v63  }
0x53: {  	s19 =	simm.s32 $0x0  }
.LBB2_10:
0x54: {  	s19 =	sadd.s32 $0x1, s19  }
0x55: {  	p1 =	sne.s32 s19, $0x29  }
.Ltmp3:
0x56: {  	_ = 	snop;
	(pc) =	sbr.rel @!p1 .LBB2_11-.Ltmp3, $1  }
0x57: {  	_ =	sdelay $0x3  }
.LBB2_2:
0x58: {  	s21 =	sshll.u32 s19, $0x1  }
0x59: {  	p3 =	sge.u32 s21, s4  }
.Ltmp4:
0x5a: {  	s20 =	sshllo.u32 s19, $0x1;
	(pc) =	sbr.rel @p3 .LBB2_6-.Ltmp4, $4  }
0x5b: {  	p2 =	sge.u32 s20, s4  }
0x5c: {  	p1 =	seq.s32 s19, $0x0;
	s22 =	sshll.u32 @!p2 s20, $0xF;
	s23 =	simm.s32 @!p2 $0x2000  }
0x5d: {  	s24 =	simm.s32 @!p2 $0x13D6400;
	s25 =	simm.s32 @!p2 $0x4000;
	s22 =	sadd.s32 @!p2 s22, s5  }
0x5e: {  	[tilespmem:s25], [sflag:$0x2] =	stream.strided.gather @!p2 [hbm4b:s22+s23], $0x4000, s24, s23, $0x38;
	[tilespmem:$0x10000] =	vst v63  }
0x5f: {  	s22 =	simm.s32 $0x0  }
0x60: {  	v25 =	vmov s22  }
0x61: {  	v25 =	vshll.u32 v25, $0x3  }
0x62: {  	v26 =	vor.u32 s22, v1;
	v25 =	vand.u32 $0x1C00, v25  }
0x63: {  	_ =	swait.ge [sflag:s11], $0x4000;
	v27 =	vand.u32 $0x4F, v26;
	v25 =	vor.u32 v0, v25  }
0x64: {  	[sflag:s11] =	ssyncset.done $0x0;
	v27 =	vor.u32 v27, v25  }
0x65: {  	s23 =	simm.s32 @!p1 $0x3;
	[sflag:s11] =	ssyncadd.s32 $0xFFFFC000  }
0x66: {  	_ =	swait.ge @!p1 [sflag:s23], $0x4000  }
0x67: {  	v26 =	vshll.u32 v26, $0x4;
	[sflag:s23] =	ssyncset.done @!p1 $0x0  }
0x68: {  	v28 =	vor.u32 s22, v3;
	v26 =	vand.u32 $0x3C80, v26;
	[sflag:s23] =	ssyncadd.s32 @!p1 $0xFFFFC000  }
0x69: {  	v29 =	vand.u32 $0x4F, v28;
	v26 =	vor.u32 v2, v26;
	v27 =	vld.idx.msk [tilespmem:v27+s3+$0x0], $0xffff  }
0x6a: {  	v29 =	vor.u32 v29, v25;
	_ =	sdelay $0x2  }
0x6b: {  	v28 =	vshll.u32 v28, $0x4  }
0x6c: {  	[tilespmem:v26+s12+$0x0] =	vst.idx.msk $0xffff, v27;
	v26 =	vand.u32 $0x3C80, v28;
	v27 =	vor.u32 s22, v5  }
0x6d: {  	v28 =	vld.idx.msk [tilespmem:v29+s3+$0x0], $0xffff;
	v26 =	vor.u32 v4, v26;
	v29 =	vand.u32 $0x4F, v27  }
0x6e: {  	v29 =	vor.u32 v29, v25;
	_ =	sdelay $0x2  }
0x6f: {  	v27 =	vshll.u32 v27, $0x4  }
0x70: {  	[tilespmem:v26+s12+$0x0] =	vst.idx.msk $0xffff, v28;
	v26 =	vand.u32 $0x3C80, v27;
	v27 =	vor.u32 s22, v7  }
0x71: {  	v28 =	vld.idx.msk [tilespmem:v29+s3+$0x0], $0xffff;
	v26 =	vor.u32 v6, v26;
	v29 =	vand.u32 $0x4F, v27  }
0x72: {  	v29 =	vor.u32 v29, v25;
	_ =	sdelay $0x2  }
0x73: {  	v27 =	vshll.u32 v27, $0x4  }
0x74: {  	[tilespmem:v26+s12+$0x0] =	vst.idx.msk $0xffff, v28;
	v26 =	vand.u32 $0x3C80, v27;
	v27 =	vor.u32 s22, v9  }
0x75: {  	v28 =	vld.idx.msk [tilespmem:v29+s3+$0x0], $0xffff;
	v26 =	vor.u32 v8, v26;
	v29 =	vand.u32 $0x4F, v27  }
0x76: {  	v29 =	vor.u32 v29, v25;
	_ =	sdelay $0x2  }
0x77: {  	v27 =	vshll.u32 v27, $0x4  }
0x78: {  	[tilespmem:v26+s12+$0x0] =	vst.idx.msk $0xffff, v28;
	v26 =	vand.u32 $0x3C80, v27;
	v27 =	vor.u32 s22, v14  }
0x79: {  	v28 =	vld.idx.msk [tilespmem:v29+s3+$0x0], $0xffff;
	v26 =	vor.u32 v10, v26;
	v29 =	vand.u32 $0x4F, v27  }
0x7a: {  	v29 =	vor.u32 v29, v25;
	_ =	sdelay $0x2  }
0x7b: {  	v27 =	vshll.u32 v27, $0x4  }
0x7c: {  	[tilespmem:v26+s12+$0x0] =	vst.idx.msk $0xffff, v28;
	v26 =	vand.u32 $0x3C80, v27;
	v27 =	vor.u32 s22, v16  }
0x7d: {  	v28 =	vld.idx.msk [tilespmem:v29+s3+$0x0], $0xffff;
	v26 =	vor.u32 v11, v26;
	v29 =	vand.u32 $0x4F, v27  }
0x7e: {  	v29 =	vor.u32 v29, v25;
	_ =	sdelay $0x2  }
0x7f: {  	v27 =	vshll.u32 v27, $0x4  }
0x80: {  	[tilespmem:v26+s12+$0x0] =	vst.idx.msk $0xffff, v28;
	v26 =	vand.u32 $0x3C80, v27;
	v27 =	vor.u32 s22, v17  }
0x81: {  	v28 =	vld.idx.msk [tilespmem:v29+s3+$0x0], $0xffff;
	v26 =	vor.u32 v12, v26;
	v29 =	vand.u32 $0x4F, v27  }
0x82: {  	v29 =	vor.u32 v29, v25;
	_ =	sdelay $0x2  }
0x83: {  	v27 =	vshll.u32 v27, $0x4  }
0x84: {  	[tilespmem:v26+s12+$0x0] =	vst.idx.msk $0xffff, v28;
	v26 =	vand.u32 $0x3C80, v27;
	v27 =	vor.u32 s22, v15  }
0x85: {  	v28 =	vld.idx.msk [tilespmem:v29+s3+$0x0], $0xffff;
	v26 =	vor.u32 v13, v26;
	v29 =	vand.u32 $0x4F, v27  }
0x86: {  	v29 =	vor.u32 v29, v25;
	_ =	sdelay $0x2  }
0x87: {  	v27 =	vshll.u32 v27, $0x4  }
0x88: {  	[tilespmem:v26+s12+$0x0] =	vst.idx.msk $0xffff, v28;
	v26 =	vand.u32 $0x3C80, v27;
	v27 =	vor.u32 s22, v18  }
0x89: {  	v28 =	vld.idx.msk [tilespmem:v29+s3+$0x0], $0xffff;
	v26 =	vor.u32 v2, v26;
	v29 =	vand.u32 $0x4F, v27  }
0x8a: {  	v29 =	vor.u32 v29, v25;
	_ =	sdelay $0x2  }
0x8b: {  	v27 =	vshll.u32 v27, $0x4  }
0x8c: {  	[tilespmem:v26+s12+$0x0] =	vst.idx.msk $0xffff, v28;
	v26 =	vand.u32 $0x3C80, v27;
	v27 =	vor.u32 s22, v19  }
0x8d: {  	v28 =	vld.idx.msk [tilespmem:v29+s3+$0x0], $0xffff;
	v26 =	vor.u32 v4, v26;
	v29 =	vand.u32 $0x4F, v27  }
0x8e: {  	v29 =	vor.u32 v29, v25;
	_ =	sdelay $0x2  }
0x8f: {  	v27 =	vshll.u32 v27, $0x4  }
0x90: {  	[tilespmem:v26+s12+$0x0] =	vst.idx.msk $0xffff, v28;
	v26 =	vand.u32 $0x3C80, v27;
	v27 =	vor.u32 s22, v20  }
0x91: {  	v28 =	vld.idx.msk [tilespmem:v29+s3+$0x0], $0xffff;
	v26 =	vor.u32 v6, v26;
	v29 =	vand.u32 $0x4F, v27  }
0x92: {  	v29 =	vor.u32 v29, v25;
	_ =	sdelay $0x2  }
0x93: {  	v27 =	vshll.u32 v27, $0x4  }
0x94: {  	[tilespmem:v26+s12+$0x0] =	vst.idx.msk $0xffff, v28;
	v26 =	vand.u32 $0x3C80, v27;
	v27 =	vor.u32 s22, v21  }
0x95: {  	v28 =	vld.idx.msk [tilespmem:v29+s3+$0x0], $0xffff;
	v26 =	vor.u32 v8, v26;
	v29 =	vand.u32 $0x4F, v27  }
0x96: {  	v29 =	vor.u32 v29, v25;
	_ =	sdelay $0x2  }
0x97: {  	v27 =	vshll.u32 v27, $0x4  }
0x98: {  	[tilespmem:v26+s12+$0x0] =	vst.idx.msk $0xffff, v28;
	v26 =	vand.u32 $0x3C80, v27;
	v27 =	vor.u32 s22, v22  }
0x99: {  	v28 =	vld.idx.msk [tilespmem:v29+s3+$0x0], $0xffff;
	v26 =	vor.u32 v10, v26;
	v29 =	vand.u32 $0x4F, v27  }
0x9a: {  	v29 =	vor.u32 v29, v25;
	_ =	sdelay $0x2  }
0x9b: {  	v27 =	vshll.u32 v27, $0x4  }
0x9c: {  	[tilespmem:v26+s12+$0x0] =	vst.idx.msk $0xffff, v28;
	v26 =	vand.u32 $0x3C80, v27;
	v27 =	vor.u32 s22, v23  }
0x9d: {  	v28 =	vld.idx.msk [tilespmem:v29+s3+$0x0], $0xffff;
	v26 =	vor.u32 v11, v26;
	v29 =	vand.u32 $0x4F, v27  }
0x9e: {  	v29 =	vor.u32 v29, v25;
	_ =	sdelay $0x2  }
0x9f: {  	v27 =	vshll.u32 v27, $0x4  }
0xa0: {  	[tilespmem:v26+s12+$0x0] =	vst.idx.msk $0xffff, v28;
	v26 =	vand.u32 $0x3C80, v27;
	v27 =	vor.u32 s22, v24  }
0xa1: {  	v28 =	vld.idx.msk [tilespmem:v29+s3+$0x0], $0xffff;
	v26 =	vor.u32 v12, v26;
	v29 =	vand.u32 $0x4F, v27  }
0xa2: {  	v25 =	vor.u32 v29, v25  }
0xa3: {  	s29 =	simm.s32 $0x10  }
0xa4: {  	v29 =	vmov s29  }
0xa5: {  	v27 =	vshll.u32 v27, $0x4;
	v29 =	vshll.u32 v29, $0x3  }
0xa6: {  	[tilespmem:v26+s12+$0x0] =	vst.idx.msk $0xffff, v28;
	v26 =	vand.u32 $0x3C80, v27;
	v27 =	vor.u32 s29, v1;
	v28 =	vand.u32 $0x1C00, v29  }
0xa7: {  	v25 =	vld.idx.msk [tilespmem:v25+s3+$0x0], $0xffff;
	v26 =	vor.u32 v13, v26;
	v29 =	vand.u32 $0x5F, v27;
	v28 =	vor.u32 v0, v28  }
0xa8: {  	v29 =	vor.u32 v29, v28;
	_ =	sdelay $0x2  }
0xa9: {  	v27 =	vshll.u32 v27, $0x4  }
0xaa: {  	[tilespmem:v26+s12+$0x0] =	vst.idx.msk $0xffff, v25;
	v25 =	vand.u32 $0x7FFFFF80, v27;
	v26 =	vor.u32 s29, v3  }
0xab: {  	v27 =	vld.idx.msk [tilespmem:v29+s3+$0x0], $0xffff;
	v25 =	vor.u32 v2, v25;
	v29 =	vand.u32 $0x5F, v26  }
0xac: {  	v29 =	vor.u32 v29, v28;
	_ =	sdelay $0x2  }
0xad: {  	v26 =	vshll.u32 v26, $0x4  }
0xae: {  	[tilespmem:v25+s12+$0x0] =	vst.idx.msk $0xffff, v27;
	v25 =	vand.u32 $0x7FFFFF80, v26;
	v26 =	vor.u32 s29, v5  }
0xaf: {  	v27 =	vld.idx.msk [tilespmem:v29+s3+$0x0], $0xffff;
	v25 =	vor.u32 v4, v25;
	v29 =	vand.u32 $0x5F, v26  }
0xb0: {  	v29 =	vor.u32 v29, v28;
	_ =	sdelay $0x2  }
0xb1: {  	v26 =	vshll.u32 v26, $0x4  }
0xb2: {  	[tilespmem:v25+s12+$0x0] =	vst.idx.msk $0xffff, v27;
	v25 =	vand.u32 $0x7FFFFF80, v26;
	v26 =	vor.u32 s29, v7  }
0xb3: {  	v27 =	vld.idx.msk [tilespmem:v29+s3+$0x0], $0xffff;
	v25 =	vor.u32 v6, v25;
	v29 =	vand.u32 $0x5F, v26  }
0xb4: {  	v29 =	vor.u32 v29, v28;
	_ =	sdelay $0x2  }
0xb5: {  	v26 =	vshll.u32 v26, $0x4  }
0xb6: {  	[tilespmem:v25+s12+$0x0] =	vst.idx.msk $0xffff, v27;
	v25 =	vand.u32 $0x7FFFFF80, v26;
	v26 =	vor.u32 s29, v9  }
0xb7: {  	v27 =	vld.idx.msk [tilespmem:v29+s3+$0x0], $0xffff;
	v25 =	vor.u32 v8, v25;
	v29 =	vand.u32 $0x5F, v26  }
0xb8: {  	v29 =	vor.u32 v29, v28;
	_ =	sdelay $0x2  }
0xb9: {  	v26 =	vshll.u32 v26, $0x4  }
0xba: {  	[tilespmem:v25+s12+$0x0] =	vst.idx.msk $0xffff, v27;
	v25 =	vand.u32 $0x7FFFFF80, v26;
	v26 =	vor.u32 s29, v14  }
0xbb: {  	v27 =	vld.idx.msk [tilespmem:v29+s3+$0x0], $0xffff;
	v25 =	vor.u32 v10, v25;
	v29 =	vand.u32 $0x5F, v26  }
0xbc: {  	v29 =	vor.u32 v29, v28;
	_ =	sdelay $0x2  }
0xbd: {  	v26 =	vshll.u32 v26, $0x4  }
0xbe: {  	[tilespmem:v25+s12+$0x0] =	vst.idx.msk $0xffff, v27;
	v25 =	vand.u32 $0x7FFFFF80, v26;
	v26 =	vor.u32 s29, v16  }
0xbf: {  	v27 =	vld.idx.msk [tilespmem:v29+s3+$0x0], $0xffff;
	v25 =	vor.u32 v11, v25;
	v29 =	vand.u32 $0x5F, v26  }
0xc0: {  	v29 =	vor.u32 v29, v28;
	_ =	sdelay $0x2  }
0xc1: {  	v26 =	vshll.u32 v26, $0x4  }
0xc2: {  	[tilespmem:v25+s12+$0x0] =	vst.idx.msk $0xffff, v27;
	v25 =	vand.u32 $0x7FFFFF80, v26;
	v26 =	vor.u32 s29, v17  }
0xc3: {  	v27 =	vld.idx.msk [tilespmem:v29+s3+$0x0], $0xffff;
	v25 =	vor.u32 v12, v25;
	v29 =	vand.u32 $0x5F, v26  }
0xc4: {  	v29 =	vor.u32 v29, v28;
	_ =	sdelay $0x2  }
0xc5: {  	v26 =	vshll.u32 v26, $0x4  }
0xc6: {  	[tilespmem:v25+s12+$0x0] =	vst.idx.msk $0xffff, v27;
	v25 =	vand.u32 $0x7FFFFF80, v26;
	v26 =	vor.u32 s29, v15  }
0xc7: {  	v27 =	vld.idx.msk [tilespmem:v29+s3+$0x0], $0xffff;
	v25 =	vor.u32 v13, v25;
	v29 =	vand.u32 $0x5F, v26  }
0xc8: {  	v29 =	vor.u32 v29, v28;
	_ =	sdelay $0x2  }
0xc9: {  	v26 =	vshll.u32 v26, $0x4  }
0xca: {  	[tilespmem:v25+s12+$0x0] =	vst.idx.msk $0xffff, v27;
	v25 =	vand.u32 $0x7FFFFF80, v26;
	v26 =	vor.u32 s29, v18  }
0xcb: {  	v27 =	vld.idx.msk [tilespmem:v29+s3+$0x0], $0xffff;
	v25 =	vor.u32 v2, v25;
	v29 =	vand.u32 $0x5F, v26  }
0xcc: {  	v29 =	vor.u32 v29, v28;
	_ =	sdelay $0x2  }
0xcd: {  	v26 =	vshll.u32 v26, $0x4  }
0xce: {  	[tilespmem:v25+s12+$0x0] =	vst.idx.msk $0xffff, v27;
	v25 =	vand.u32 $0x7FFFFF80, v26;
	v26 =	vor.u32 s29, v19  }
0xcf: {  	v27 =	vld.idx.msk [tilespmem:v29+s3+$0x0], $0xffff;
	v25 =	vor.u32 v4, v25;
	v29 =	vand.u32 $0x5F, v26  }
0xd0: {  	v29 =	vor.u32 v29, v28;
	_ =	sdelay $0x2  }
0xd1: {  	v26 =	vshll.u32 v26, $0x4  }
0xd2: {  	[tilespmem:v25+s12+$0x0] =	vst.idx.msk $0xffff, v27;
	v25 =	vand.u32 $0x7FFFFF80, v26;
	v26 =	vor.u32 s29, v20  }
0xd3: {  	v27 =	vld.idx.msk [tilespmem:v29+s3+$0x0], $0xffff;
	v25 =	vor.u32 v6, v25;
	v29 =	vand.u32 $0x5F, v26  }
0xd4: {  	v29 =	vor.u32 v29, v28;
	_ =	sdelay $0x2  }
0xd5: {  	v26 =	vshll.u32 v26, $0x4  }
0xd6: {  	[tilespmem:v25+s12+$0x0] =	vst.idx.msk $0xffff, v27;
	v25 =	vand.u32 $0x7FFFFF80, v26;
	v26 =	vor.u32 s29, v21  }
0xd7: {  	v27 =	vld.idx.msk [tilespmem:v29+s3+$0x0], $0xffff;
	v25 =	vor.u32 v8, v25;
	v29 =	vand.u32 $0x5F, v26  }
0xd8: {  	v29 =	vor.u32 v29, v28;
	_ =	sdelay $0x2  }
0xd9: {  	v26 =	vshll.u32 v26, $0x4  }
0xda: {  	[tilespmem:v25+s12+$0x0] =	vst.idx.msk $0xffff, v27;
	v25 =	vand.u32 $0x7FFFFF80, v26;
	v26 =	vor.u32 s29, v22  }
0xdb: {  	v27 =	vld.idx.msk [tilespmem:v29+s3+$0x0], $0xffff;
	v25 =	vor.u32 v10, v25;
	v29 =	vand.u32 $0x5F, v26  }
0xdc: {  	v29 =	vor.u32 v29, v28;
	_ =	sdelay $0x2  }
0xdd: {  	v26 =	vshll.u32 v26, $0x4  }
0xde: {  	[tilespmem:v25+s12+$0x0] =	vst.idx.msk $0xffff, v27;
	v25 =	vand.u32 $0x7FFFFF80, v26;
	v26 =	vor.u32 s29, v23  }
0xdf: {  	v27 =	vld.idx.msk [tilespmem:v29+s3+$0x0], $0xffff;
	v25 =	vor.u32 v11, v25;
	v29 =	vand.u32 $0x5F, v26  }
0xe0: {  	v29 =	vor.u32 v29, v28;
	_ =	sdelay $0x2  }
0xe1: {  	v26 =	vshll.u32 v26, $0x4  }
0xe2: {  	[tilespmem:v25+s12+$0x0] =	vst.idx.msk $0xffff, v27;
	v25 =	vand.u32 $0x7FFFFF80, v26;
	v26 =	vor.u32 s29, v24  }
0xe3: {  	v27 =	vld.idx.msk [tilespmem:v29+s3+$0x0], $0xffff;
	v25 =	vor.u32 v12, v25;
	v29 =	vand.u32 $0x5F, v26  }
0xe4: {  	v28 =	vor.u32 v29, v28  }
0xe5: {  	s30 =	simm.s32 $0x20  }
0xe6: {  	v29 =	vmov s30  }
0xe7: {  	v26 =	vshll.u32 v26, $0x4;
	v29 =	vshll.u32 v29, $0x3  }
0xe8: {  	[tilespmem:v25+s12+$0x0] =	vst.idx.msk $0xffff, v27;
	v25 =	vand.u32 $0x7FFFFF80, v26;
	v26 =	vor.u32 s30, v1;
	v27 =	vand.u32 $0x1C00, v29  }
0xe9: {  	v28 =	vld.idx.msk [tilespmem:v28+s3+$0x0], $0xffff;
	v25 =	vor.u32 v13, v25;
	v29 =	vand.u32 $0x6F, v26;
	v27 =	vor.u32 v0, v27  }
0xea: {  	v29 =	vor.u32 v29, v27;
	_ =	sdelay $0x2  }
0xeb: {  	v26 =	vshll.u32 v26, $0x4  }
0xec: {  	[tilespmem:v25+s12+$0x0] =	vst.idx.msk $0xffff, v28;
	v25 =	vand.u32 $0x7FFFFF80, v26;
	v26 =	vor.u32 s30, v3  }
0xed: {  	v28 =	vld.idx.msk [tilespmem:v29+s3+$0x0], $0xffff;
	v25 =	vor.u32 v2, v25;
	v29 =	vand.u32 $0x6F, v26  }
0xee: {  	v29 =	vor.u32 v29, v27;
	_ =	sdelay $0x2  }
0xef: {  	v26 =	vshll.u32 v26, $0x4  }
0xf0: {  	[tilespmem:v25+s12+$0x0] =	vst.idx.msk $0xffff, v28;
	v25 =	vand.u32 $0x7FFFFF80, v26;
	v26 =	vor.u32 s30, v5  }
0xf1: {  	v28 =	vld.idx.msk [tilespmem:v29+s3+$0x0], $0xffff;
	v25 =	vor.u32 v4, v25;
	v29 =	vand.u32 $0x6F, v26  }
0xf2: {  	v29 =	vor.u32 v29, v27;
	_ =	sdelay $0x2  }
0xf3: {  	v26 =	vshll.u32 v26, $0x4  }
0xf4: {  	[tilespmem:v25+s12+$0x0] =	vst.idx.msk $0xffff, v28;
	v25 =	vand.u32 $0x7FFFFF80, v26;
	v26 =	vor.u32 s30, v7  }
0xf5: {  	v28 =	vld.idx.msk [tilespmem:v29+s3+$0x0], $0xffff;
	v25 =	vor.u32 v6, v25;
	v29 =	vand.u32 $0x6F, v26  }
0xf6: {  	v29 =	vor.u32 v29, v27;
	_ =	sdelay $0x2  }
0xf7: {  	v26 =	vshll.u32 v26, $0x4  }
0xf8: {  	[tilespmem:v25+s12+$0x0] =	vst.idx.msk $0xffff, v28;
	v25 =	vand.u32 $0x7FFFFF80, v26;
	v26 =	vor.u32 s30, v9  }
0xf9: {  	v28 =	vld.idx.msk [tilespmem:v29+s3+$0x0], $0xffff;
	v25 =	vor.u32 v8, v25;
	v29 =	vand.u32 $0x6F, v26  }
0xfa: {  	v29 =	vor.u32 v29, v27;
	_ =	sdelay $0x2  }
0xfb: {  	v26 =	vshll.u32 v26, $0x4  }
0xfc: {  	[tilespmem:v25+s12+$0x0] =	vst.idx.msk $0xffff, v28;
	v25 =	vand.u32 $0x7FFFFF80, v26;
	v26 =	vor.u32 s30, v14  }
0xfd: {  	v28 =	vld.idx.msk [tilespmem:v29+s3+$0x0], $0xffff;
	v25 =	vor.u32 v10, v25;
	v29 =	vand.u32 $0x6F, v26  }
0xfe: {  	v29 =	vor.u32 v29, v27;
	_ =	sdelay $0x2  }
0xff: {  	v26 =	vshll.u32 v26, $0x4  }
0x100: {  	[tilespmem:v25+s12+$0x0] =	vst.idx.msk $0xffff, v28;
	v25 =	vand.u32 $0x7FFFFF80, v26;
	v26 =	vor.u32 s30, v16  }
0x101: {  	v28 =	vld.idx.msk [tilespmem:v29+s3+$0x0], $0xffff;
	v25 =	vor.u32 v11, v25;
	v29 =	vand.u32 $0x6F, v26  }
0x102: {  	v29 =	vor.u32 v29, v27;
	_ =	sdelay $0x2  }
0x103: {  	v26 =	vshll.u32 v26, $0x4  }
0x104: {  	[tilespmem:v25+s12+$0x0] =	vst.idx.msk $0xffff, v28;
	v25 =	vand.u32 $0x7FFFFF80, v26;
	v26 =	vor.u32 s30, v17  }
0x105: {  	v28 =	vld.idx.msk [tilespmem:v29+s3+$0x0], $0xffff;
	v25 =	vor.u32 v12, v25;
	v29 =	vand.u32 $0x6F, v26  }
0x106: {  	v29 =	vor.u32 v29, v27;
	_ =	sdelay $0x2  }
0x107: {  	v26 =	vshll.u32 v26, $0x4  }
0x108: {  	[tilespmem:v25+s12+$0x0] =	vst.idx.msk $0xffff, v28;
	v25 =	vand.u32 $0x7FFFFF80, v26;
	v26 =	vor.u32 s30, v15  }
0x109: {  	v28 =	vld.idx.msk [tilespmem:v29+s3+$0x0], $0xffff;
	v25 =	vor.u32 v13, v25;
	v29 =	vand.u32 $0x6F, v26  }
0x10a: {  	v29 =	vor.u32 v29, v27;
	_ =	sdelay $0x2  }
0x10b: {  	v26 =	vshll.u32 v26, $0x4  }
0x10c: {  	[tilespmem:v25+s12+$0x0] =	vst.idx.msk $0xffff, v28;
	v25 =	vand.u32 $0x7FFFFF80, v26;
	v26 =	vor.u32 s30, v18  }
0x10d: {  	v28 =	vld.idx.msk [tilespmem:v29+s3+$0x0], $0xffff;
	v25 =	vor.u32 v2, v25;
	v29 =	vand.u32 $0x6F, v26  }
0x10e: {  	v29 =	vor.u32 v29, v27;
	_ =	sdelay $0x2  }
0x10f: {  	v26 =	vshll.u32 v26, $0x4  }
0x110: {  	[tilespmem:v25+s12+$0x0] =	vst.idx.msk $0xffff, v28;
	v25 =	vand.u32 $0x7FFFFF80, v26;
	v26 =	vor.u32 s30, v19  }
0x111: {  	v28 =	vld.idx.msk [tilespmem:v29+s3+$0x0], $0xffff;
	v25 =	vor.u32 v4, v25;
	v29 =	vand.u32 $0x6F, v26  }
0x112: {  	v29 =	vor.u32 v29, v27;
	_ =	sdelay $0x2  }
0x113: {  	v26 =	vshll.u32 v26, $0x4  }
0x114: {  	[tilespmem:v25+s12+$0x0] =	vst.idx.msk $0xffff, v28;
	v25 =	vand.u32 $0x7FFFFF80, v26;
	v26 =	vor.u32 s30, v20  }
0x115: {  	v28 =	vld.idx.msk [tilespmem:v29+s3+$0x0], $0xffff;
	v25 =	vor.u32 v6, v25;
	v29 =	vand.u32 $0x6F, v26  }
0x116: {  	v29 =	vor.u32 v29, v27;
	_ =	sdelay $0x2  }
0x117: {  	v26 =	vshll.u32 v26, $0x4  }
0x118: {  	[tilespmem:v25+s12+$0x0] =	vst.idx.msk $0xffff, v28;
	v25 =	vand.u32 $0x7FFFFF80, v26;
	v26 =	vor.u32 s30, v21  }
0x119: {  	v28 =	vld.idx.msk [tilespmem:v29+s3+$0x0], $0xffff;
	v25 =	vor.u32 v8, v25;
	v29 =	vand.u32 $0x6F, v26  }
0x11a: {  	v29 =	vor.u32 v29, v27;
	_ =	sdelay $0x2  }
0x11b: {  	v26 =	vshll.u32 v26, $0x4  }
0x11c: {  	[tilespmem:v25+s12+$0x0] =	vst.idx.msk $0xffff, v28;
	v25 =	vand.u32 $0x7FFFFF80, v26;
	v26 =	vor.u32 s30, v22  }
0x11d: {  	v28 =	vld.idx.msk [tilespmem:v29+s3+$0x0], $0xffff;
	v25 =	vor.u32 v10, v25;
	v29 =	vand.u32 $0x6F, v26  }
0x11e: {  	v29 =	vor.u32 v29, v27;
	_ =	sdelay $0x2  }
0x11f: {  	v26 =	vshll.u32 v26, $0x4  }
0x120: {  	[tilespmem:v25+s12+$0x0] =	vst.idx.msk $0xffff, v28;
	v25 =	vand.u32 $0x7FFFFF80, v26;
	v26 =	vor.u32 s30, v23  }
0x121: {  	v28 =	vld.idx.msk [tilespmem:v29+s3+$0x0], $0xffff;
	v25 =	vor.u32 v11, v25;
	v29 =	vand.u32 $0x6F, v26  }
0x122: {  	v29 =	vor.u32 v29, v27;
	_ =	sdelay $0x2  }
0x123: {  	v26 =	vshll.u32 v26, $0x4  }
0x124: {  	[tilespmem:v25+s12+$0x0] =	vst.idx.msk $0xffff, v28;
	v25 =	vand.u32 $0x7FFFFF80, v26;
	v26 =	vor.u32 s30, v24  }
0x125: {  	v28 =	vld.idx.msk [tilespmem:v29+s3+$0x0], $0xffff;
	v25 =	vor.u32 v12, v25;
	v29 =	vand.u32 $0x6F, v26  }
0x126: {  	v27 =	vor.u32 v29, v27  }
0x127: {  	s31 =	simm.s32 $0x30  }
0x128: {  	v29 =	vmov s31  }
0x129: {  	v26 =	vshll.u32 v26, $0x4;
	v29 =	vshll.u32 v29, $0x3  }
0x12a: {  	[tilespmem:v25+s12+$0x0] =	vst.idx.msk $0xffff, v28;
	v25 =	vand.u32 $0x7FFFFF80, v26;
	v26 =	vor.u32 s31, v1;
	v28 =	vand.u32 $0x1C00, v29  }
0x12b: {  	v27 =	vld.idx.msk [tilespmem:v27+s3+$0x0], $0xffff;
	v25 =	vor.u32 v13, v25;
	v29 =	vand.u32 $0x7F, v26;
	v30 =	vor.u32 v0, v28  }
0x12c: {  	v28 =	vor.u32 v29, v30;
	_ =	sdelay $0x2  }
0x12d: {  	v26 =	vshll.u32 v26, $0x4  }
0x12e: {  	[tilespmem:v25+s12+$0x0] =	vst.idx.msk $0xffff, v27;
	v25 =	vand.u32 $0x7FFFFF80, v26;
	v26 =	vor.u32 s31, v3  }
0x12f: {  	v27 =	vld.idx.msk [tilespmem:v28+s3+$0x0], $0xffff;
	v25 =	vor.u32 v2, v25;
	v28 =	vand.u32 $0x7F, v26  }
0x130: {  	v28 =	vor.u32 v28, v30;
	_ =	sdelay $0x2  }
0x131: {  	v26 =	vshll.u32 v26, $0x4  }
0x132: {  	[tilespmem:v25+s12+$0x0] =	vst.idx.msk $0xffff, v27;
	v25 =	vand.u32 $0x7FFFFF80, v26;
	v26 =	vor.u32 s31, v5  }
0x133: {  	v27 =	vld.idx.msk [tilespmem:v28+s3+$0x0], $0xffff;
	v25 =	vor.u32 v4, v25;
	v28 =	vand.u32 $0x7F, v26  }
0x134: {  	v28 =	vor.u32 v28, v30;
	_ =	sdelay $0x2  }
0x135: {  	v26 =	vshll.u32 v26, $0x4  }
0x136: {  	[tilespmem:v25+s12+$0x0] =	vst.idx.msk $0xffff, v27;
	v25 =	vand.u32 $0x7FFFFF80, v26;
	v26 =	vor.u32 s31, v7  }
0x137: {  	v27 =	vld.idx.msk [tilespmem:v28+s3+$0x0], $0xffff;
	v25 =	vor.u32 v6, v25;
	v28 =	vand.u32 $0x7F, v26  }
0x138: {  	v28 =	vor.u32 v28, v30;
	_ =	sdelay $0x2  }
0x139: {  	v26 =	vshll.u32 v26, $0x4  }
0x13a: {  	[tilespmem:v25+s12+$0x0] =	vst.idx.msk $0xffff, v27;
	v25 =	vand.u32 $0x7FFFFF80, v26;
	v26 =	vor.u32 s31, v9  }
0x13b: {  	v27 =	vld.idx.msk [tilespmem:v28+s3+$0x0], $0xffff;
	v25 =	vor.u32 v8, v25;
	v28 =	vand.u32 $0x7F, v26  }
0x13c: {  	v28 =	vor.u32 v28, v30;
	_ =	sdelay $0x2  }
0x13d: {  	v26 =	vshll.u32 v26, $0x4  }
0x13e: {  	[tilespmem:v25+s12+$0x0] =	vst.idx.msk $0xffff, v27;
	v25 =	vand.u32 $0x7FFFFF80, v26;
	v26 =	vor.u32 s31, v14  }
0x13f: {  	v27 =	vld.idx.msk [tilespmem:v28+s3+$0x0], $0xffff;
	v25 =	vor.u32 v10, v25;
	v28 =	vand.u32 $0x7F, v26  }
0x140: {  	v28 =	vor.u32 v28, v30;
	_ =	sdelay $0x2  }
0x141: {  	v26 =	vshll.u32 v26, $0x4  }
0x142: {  	[tilespmem:v25+s12+$0x0] =	vst.idx.msk $0xffff, v27;
	v25 =	vand.u32 $0x7FFFFF80, v26;
	v26 =	vor.u32 s31, v16  }
0x143: {  	v27 =	vld.idx.msk [tilespmem:v28+s3+$0x0], $0xffff;
	v25 =	vor.u32 v11, v25;
	v28 =	vand.u32 $0x7F, v26  }
0x144: {  	v28 =	vor.u32 v28, v30;
	_ =	sdelay $0x2  }
0x145: {  	v26 =	vshll.u32 v26, $0x4  }
0x146: {  	[tilespmem:v25+s12+$0x0] =	vst.idx.msk $0xffff, v27;
	v25 =	vand.u32 $0x7FFFFF80, v26;
	v26 =	vor.u32 s31, v17  }
0x147: {  	v27 =	vld.idx.msk [tilespmem:v28+s3+$0x0], $0xffff;
	v25 =	vor.u32 v12, v25;
	v28 =	vand.u32 $0x7F, v26  }
0x148: {  	v28 =	vor.u32 v28, v30;
	_ =	sdelay $0x2  }
0x149: {  	v26 =	vshll.u32 v26, $0x4  }
0x14a: {  	[tilespmem:v25+s12+$0x0] =	vst.idx.msk $0xffff, v27;
	v25 =	vand.u32 $0x7FFFFF80, v26;
	v26 =	vor.u32 s31, v15  }
0x14b: {  	v27 =	vld.idx.msk [tilespmem:v28+s3+$0x0], $0xffff;
	v25 =	vor.u32 v13, v25;
	v28 =	vand.u32 $0x7F, v26  }
0x14c: {  	v28 =	vor.u32 v28, v30;
	_ =	sdelay $0x2  }
0x14d: {  	v26 =	vshll.u32 v26, $0x4  }
0x14e: {  	[tilespmem:v25+s12+$0x0] =	vst.idx.msk $0xffff, v27;
	v25 =	vand.u32 $0x7FFFFF80, v26;
	v26 =	vor.u32 s31, v18  }
0x14f: {  	v27 =	vld.idx.msk [tilespmem:v28+s3+$0x0], $0xffff;
	v25 =	vor.u32 v2, v25;
	v28 =	vand.u32 $0x7F, v26  }
0x150: {  	v28 =	vor.u32 v28, v30;
	_ =	sdelay $0x2  }
0x151: {  	v26 =	vshll.u32 v26, $0x4  }
0x152: {  	[tilespmem:v25+s12+$0x0] =	vst.idx.msk $0xffff, v27;
	v25 =	vand.u32 $0x7FFFFF80, v26;
	v26 =	vor.u32 s31, v19  }
0x153: {  	v27 =	vld.idx.msk [tilespmem:v28+s3+$0x0], $0xffff;
	v25 =	vor.u32 v4, v25;
	v28 =	vand.u32 $0x7F, v26  }
0x154: {  	v28 =	vor.u32 v28, v30;
	_ =	sdelay $0x2  }
0x155: {  	v26 =	vshll.u32 v26, $0x4  }
0x156: {  	[tilespmem:v25+s12+$0x0] =	vst.idx.msk $0xffff, v27;
	v25 =	vand.u32 $0x7FFFFF80, v26;
	v26 =	vor.u32 s31, v20  }
0x157: {  	v27 =	vld.idx.msk [tilespmem:v28+s3+$0x0], $0xffff;
	v25 =	vor.u32 v6, v25;
	v28 =	vand.u32 $0x7F, v26  }
0x158: {  	v28 =	vor.u32 v28, v30;
	_ =	sdelay $0x2  }
0x159: {  	v26 =	vshll.u32 v26, $0x4  }
0x15a: {  	[tilespmem:v25+s12+$0x0] =	vst.idx.msk $0xffff, v27;
	v25 =	vand.u32 $0x7FFFFF80, v26;
	v26 =	vor.u32 s31, v21  }
0x15b: {  	v27 =	vld.idx.msk [tilespmem:v28+s3+$0x0], $0xffff;
	v25 =	vor.u32 v8, v25;
	v28 =	vand.u32 $0x7F, v26  }
0x15c: {  	v28 =	vor.u32 v28, v30;
	_ =	sdelay $0x2  }
0x15d: {  	v26 =	vshll.u32 v26, $0x4  }
0x15e: {  	[tilespmem:v25+s12+$0x0] =	vst.idx.msk $0xffff, v27;
	v25 =	vand.u32 $0x7FFFFF80, v26;
	v26 =	vor.u32 s31, v22  }
0x15f: {  	v27 =	vld.idx.msk [tilespmem:v28+s3+$0x0], $0xffff;
	v25 =	vor.u32 v10, v25;
	v28 =	vand.u32 $0x7F, v26  }
0x160: {  	v28 =	vor.u32 v28, v30;
	_ =	sdelay $0x2  }
0x161: {  	v26 =	vshll.u32 v26, $0x4  }
0x162: {  	[tilespmem:v25+s12+$0x0] =	vst.idx.msk $0xffff, v27;
	v25 =	vand.u32 $0x7FFFFF80, v26;
	v26 =	vor.u32 s31, v23  }
0x163: {  	v27 =	vld.idx.msk [tilespmem:v28+s3+$0x0], $0xffff;
	v25 =	vor.u32 v11, v25;
	v28 =	vand.u32 $0x7F, v26  }
0x164: {  	v28 =	vor.u32 v28, v30;
	_ =	sdelay $0x2  }
0x165: {  	v29 =	vshll.u32 v26, $0x4  }
0x166: {  	v26 =	vor.u32 s31, v24;
	[tilespmem:v25+s12+$0x0] =	vst.idx.msk $0xffff, v27;
	v25 =	vand.u32 $0x7FFFFF80, v29  }
0x167: {  	v29 =	vand.u32 $0x7F, v26;
	v27 =	vld.idx.msk [tilespmem:v28+s3+$0x0], $0xffff;
	v28 =	vor.u32 v12, v25  }
0x168: {  	v25 =	vor.u32 v29, v30  }
0x169: {  	s23 =	simm.s32 $0x70;
	s22 =	simm.s32 $0x0  }
.LBB2_4:
0x16a: {  	s24 =	sadd.s32 $0xFFFFFFD0, s23;
	s22 =	sadd.s32 $0x4, s22  }
0x16b: {  	v29 =	vmov s24;
	p3 =	slt.u32 s22, $0x3C  }
0x16c: {  	v26 =	vshll.u32 v26, $0x4;
	v29 =	vshll.u32 v29, $0x3;
	[tilespmem:v28+s12+$0x0] =	vst.idx.msk $0xffff, v27  }
0x16d: {  	v26 =	vand.u32 $0x7FFFFF80, v26;
	v27 =	vor.u32 s24, v1;
	v28 =	vand.u32 $0x1C00, v29;
	v29 =	vld.idx.msk [tilespmem:v25+s3+$0x0], $0xffff  }
0x16e: {  	v26 =	vor.u32 v13, v26;
	v30 =	vand.u32 $0x4F, v27;
	v25 =	vor.u32 v0, v28  }
0x16f: {  	v28 =	vor.u32 v30, v25;
	_ =	sdelay $0x3  }
0x170: {  	v27 =	vshll.u32 v27, $0x4;
	[tilespmem:v26+s12+$0x0] =	vst.idx.msk $0xffff, v29  }
0x171: {  	v27 =	vand.u32 $0x3C80, v27;
	v26 =	vld.idx.msk [tilespmem:v28+s3+$0x0], $0xffff;
	v28 =	vor.u32 s24, v3  }
0x172: {  	v27 =	vor.u32 v2, v27;
	v29 =	vand.u32 $0x4F, v28  }
0x173: {  	v29 =	vor.u32 v29, v25;
	_ =	sdelay $0x3  }
0x174: {  	[tilespmem:v27+s12+$0x0] =	vst.idx.msk $0xffff, v26;
	v26 =	vshll.u32 v28, $0x4  }
0x175: {  	v28 =	vor.u32 s24, v5;
	v27 =	vld.idx.msk [tilespmem:v29+s3+$0x0], $0xffff;
	v26 =	vand.u32 $0x3C80, v26  }
0x176: {  	v29 =	vand.u32 $0x4F, v28;
	v26 =	vor.u32 v4, v26  }
0x177: {  	v29 =	vor.u32 v29, v25;
	_ =	sdelay $0x3  }
0x178: {  	[tilespmem:v26+s12+$0x0] =	vst.idx.msk $0xffff, v27;
	v26 =	vshll.u32 v28, $0x4  }
0x179: {  	v28 =	vor.u32 s24, v7;
	v27 =	vld.idx.msk [tilespmem:v29+s3+$0x0], $0xffff;
	v26 =	vand.u32 $0x3C80, v26  }
0x17a: {  	v29 =	vand.u32 $0x4F, v28;
	v26 =	vor.u32 v6, v26  }
0x17b: {  	v29 =	vor.u32 v29, v25;
	_ =	sdelay $0x3  }
0x17c: {  	[tilespmem:v26+s12+$0x0] =	vst.idx.msk $0xffff, v27;
	v26 =	vshll.u32 v28, $0x4  }
0x17d: {  	v28 =	vor.u32 s24, v9;
	v27 =	vld.idx.msk [tilespmem:v29+s3+$0x0], $0xffff;
	v26 =	vand.u32 $0x3C80, v26  }
0x17e: {  	v29 =	vand.u32 $0x4F, v28;
	v26 =	vor.u32 v8, v26  }
0x17f: {  	v29 =	vor.u32 v29, v25;
	_ =	sdelay $0x3  }
0x180: {  	[tilespmem:v26+s12+$0x0] =	vst.idx.msk $0xffff, v27;
	v26 =	vshll.u32 v28, $0x4  }
0x181: {  	v28 =	vor.u32 s24, v14;
	v27 =	vld.idx.msk [tilespmem:v29+s3+$0x0], $0xffff;
	v26 =	vand.u32 $0x3C80, v26  }
0x182: {  	v29 =	vand.u32 $0x4F, v28;
	v26 =	vor.u32 v10, v26  }
0x183: {  	v29 =	vor.u32 v29, v25;
	_ =	sdelay $0x3  }
0x184: {  	[tilespmem:v26+s12+$0x0] =	vst.idx.msk $0xffff, v27;
	v26 =	vshll.u32 v28, $0x4  }
0x185: {  	v28 =	vor.u32 s24, v16;
	v27 =	vld.idx.msk [tilespmem:v29+s3+$0x0], $0xffff;
	v26 =	vand.u32 $0x3C80, v26  }
0x186: {  	v29 =	vand.u32 $0x4F, v28;
	v26 =	vor.u32 v11, v26  }
0x187: {  	v29 =	vor.u32 v29, v25;
	_ =	sdelay $0x3  }
0x188: {  	[tilespmem:v26+s12+$0x0] =	vst.idx.msk $0xffff, v27;
	v26 =	vshll.u32 v28, $0x4  }
0x189: {  	v28 =	vor.u32 s24, v17;
	v27 =	vld.idx.msk [tilespmem:v29+s3+$0x0], $0xffff;
	v26 =	vand.u32 $0x3C80, v26  }
0x18a: {  	v29 =	vand.u32 $0x4F, v28;
	v26 =	vor.u32 v12, v26  }
0x18b: {  	v29 =	vor.u32 v29, v25;
	_ =	sdelay $0x3  }
0x18c: {  	[tilespmem:v26+s12+$0x0] =	vst.idx.msk $0xffff, v27;
	v26 =	vshll.u32 v28, $0x4  }
0x18d: {  	v28 =	vor.u32 s24, v15;
	v27 =	vld.idx.msk [tilespmem:v29+s3+$0x0], $0xffff;
	v26 =	vand.u32 $0x3C80, v26  }
0x18e: {  	v29 =	vand.u32 $0x4F, v28;
	v26 =	vor.u32 v13, v26  }
0x18f: {  	v29 =	vor.u32 v29, v25;
	_ =	sdelay $0x3  }
0x190: {  	[tilespmem:v26+s12+$0x0] =	vst.idx.msk $0xffff, v27;
	v26 =	vshll.u32 v28, $0x4  }
0x191: {  	v28 =	vor.u32 s24, v18;
	v27 =	vld.idx.msk [tilespmem:v29+s3+$0x0], $0xffff;
	v26 =	vand.u32 $0x3C80, v26  }
0x192: {  	v29 =	vand.u32 $0x4F, v28;
	v26 =	vor.u32 v2, v26  }
0x193: {  	v29 =	vor.u32 v29, v25;
	_ =	sdelay $0x3  }
0x194: {  	[tilespmem:v26+s12+$0x0] =	vst.idx.msk $0xffff, v27;
	v26 =	vshll.u32 v28, $0x4  }
0x195: {  	v28 =	vor.u32 s24, v19;
	v27 =	vld.idx.msk [tilespmem:v29+s3+$0x0], $0xffff;
	v26 =	vand.u32 $0x3C80, v26  }
0x196: {  	v29 =	vand.u32 $0x4F, v28;
	v26 =	vor.u32 v4, v26  }
0x197: {  	v29 =	vor.u32 v29, v25;
	_ =	sdelay $0x3  }
0x198: {  	[tilespmem:v26+s12+$0x0] =	vst.idx.msk $0xffff, v27;
	v26 =	vshll.u32 v28, $0x4  }
0x199: {  	v28 =	vor.u32 s24, v20;
	v27 =	vld.idx.msk [tilespmem:v29+s3+$0x0], $0xffff;
	v26 =	vand.u32 $0x3C80, v26  }
0x19a: {  	v29 =	vand.u32 $0x4F, v28;
	v26 =	vor.u32 v6, v26  }
0x19b: {  	v29 =	vor.u32 v29, v25;
	_ =	sdelay $0x3  }
0x19c: {  	[tilespmem:v26+s12+$0x0] =	vst.idx.msk $0xffff, v27;
	v26 =	vshll.u32 v28, $0x4  }
0x19d: {  	v28 =	vor.u32 s24, v21;
	v27 =	vld.idx.msk [tilespmem:v29+s3+$0x0], $0xffff;
	v26 =	vand.u32 $0x3C80, v26  }
0x19e: {  	v29 =	vand.u32 $0x4F, v28;
	v26 =	vor.u32 v8, v26  }
0x19f: {  	v29 =	vor.u32 v29, v25;
	_ =	sdelay $0x3  }
0x1a0: {  	[tilespmem:v26+s12+$0x0] =	vst.idx.msk $0xffff, v27;
	v26 =	vshll.u32 v28, $0x4  }
0x1a1: {  	v28 =	vor.u32 s24, v22;
	v27 =	vld.idx.msk [tilespmem:v29+s3+$0x0], $0xffff;
	v26 =	vand.u32 $0x3C80, v26  }
0x1a2: {  	v29 =	vand.u32 $0x4F, v28;
	v26 =	vor.u32 v10, v26  }
0x1a3: {  	v29 =	vor.u32 v29, v25;
	_ =	sdelay $0x3  }
0x1a4: {  	[tilespmem:v26+s12+$0x0] =	vst.idx.msk $0xffff, v27;
	v26 =	vshll.u32 v28, $0x4  }
0x1a5: {  	v28 =	vor.u32 s24, v23;
	v27 =	vld.idx.msk [tilespmem:v29+s3+$0x0], $0xffff;
	v26 =	vand.u32 $0x3C80, v26  }
0x1a6: {  	v29 =	vand.u32 $0x4F, v28;
	v26 =	vor.u32 v11, v26  }
0x1a7: {  	v29 =	vor.u32 v29, v25;
	_ =	sdelay $0x3  }
0x1a8: {  	[tilespmem:v26+s12+$0x0] =	vst.idx.msk $0xffff, v27;
	v26 =	vshll.u32 v28, $0x4  }
0x1a9: {  	v28 =	vor.u32 s24, v24;
	v27 =	vld.idx.msk [tilespmem:v29+s3+$0x0], $0xffff;
	v26 =	vand.u32 $0x3C80, v26  }
0x1aa: {  	v29 =	vand.u32 $0x4F, v28;
	v26 =	vor.u32 v12, v26  }
0x1ab: {  	v25 =	vor.u32 v29, v25;
	_ =	sdelay $0x1  }
0x1ac: {  	s24 =	sadd.s32 $0xFFFFFFE0, s23  }
0x1ad: {  	v29 =	vmov s24  }
0x1ae: {  	[tilespmem:v26+s12+$0x0] =	vst.idx.msk $0xffff, v27;
	v26 =	vshll.u32 v28, $0x4;
	v27 =	vshll.u32 v29, $0x3  }
0x1af: {  	v28 =	vld.idx.msk [tilespmem:v25+s3+$0x0], $0xffff;
	v25 =	vand.u32 $0x3C80, v26;
	v26 =	vor.u32 s24, v1;
	v27 =	vand.u32 $0x1C00, v27  }
0x1b0: {  	v29 =	vor.u32 v13, v25;
	v30 =	vand.u32 $0x5F, v26;
	v25 =	vor.u32 v0, v27  }
0x1b1: {  	v27 =	vor.u32 v30, v25;
	_ =	sdelay $0x3  }
0x1b2: {  	v26 =	vshll.u32 v26, $0x4;
	[tilespmem:v29+s12+$0x0] =	vst.idx.msk $0xffff, v28  }
0x1b3: {  	v26 =	vand.u32 $0x7FFFFF80, v26;
	v28 =	vor.u32 s24, v3;
	v27 =	vld.idx.msk [tilespmem:v27+s3+$0x0], $0xffff  }
0x1b4: {  	v26 =	vor.u32 v2, v26;
	v29 =	vand.u32 $0x5F, v28  }
0x1b5: {  	v29 =	vor.u32 v29, v25;
	_ =	sdelay $0x3  }
0x1b6: {  	[tilespmem:v26+s12+$0x0] =	vst.idx.msk $0xffff, v27;
	v26 =	vshll.u32 v28, $0x4  }
0x1b7: {  	v28 =	vor.u32 s24, v5;
	v27 =	vld.idx.msk [tilespmem:v29+s3+$0x0], $0xffff;
	v26 =	vand.u32 $0x7FFFFF80, v26  }
0x1b8: {  	v29 =	vand.u32 $0x5F, v28;
	v26 =	vor.u32 v4, v26  }
0x1b9: {  	v29 =	vor.u32 v29, v25;
	_ =	sdelay $0x3  }
0x1ba: {  	[tilespmem:v26+s12+$0x0] =	vst.idx.msk $0xffff, v27;
	v26 =	vshll.u32 v28, $0x4  }
0x1bb: {  	v28 =	vor.u32 s24, v7;
	v27 =	vld.idx.msk [tilespmem:v29+s3+$0x0], $0xffff;
	v26 =	vand.u32 $0x7FFFFF80, v26  }
0x1bc: {  	v29 =	vand.u32 $0x5F, v28;
	v26 =	vor.u32 v6, v26  }
0x1bd: {  	v29 =	vor.u32 v29, v25;
	_ =	sdelay $0x3  }
0x1be: {  	[tilespmem:v26+s12+$0x0] =	vst.idx.msk $0xffff, v27;
	v26 =	vshll.u32 v28, $0x4  }
0x1bf: {  	v28 =	vor.u32 s24, v9;
	v27 =	vld.idx.msk [tilespmem:v29+s3+$0x0], $0xffff;
	v26 =	vand.u32 $0x7FFFFF80, v26  }
0x1c0: {  	v29 =	vand.u32 $0x5F, v28;
	v26 =	vor.u32 v8, v26  }
0x1c1: {  	v29 =	vor.u32 v29, v25;
	_ =	sdelay $0x3  }
0x1c2: {  	[tilespmem:v26+s12+$0x0] =	vst.idx.msk $0xffff, v27;
	v26 =	vshll.u32 v28, $0x4  }
0x1c3: {  	v28 =	vor.u32 s24, v14;
	v27 =	vld.idx.msk [tilespmem:v29+s3+$0x0], $0xffff;
	v26 =	vand.u32 $0x7FFFFF80, v26  }
0x1c4: {  	v29 =	vand.u32 $0x5F, v28;
	v26 =	vor.u32 v10, v26  }
0x1c5: {  	v29 =	vor.u32 v29, v25;
	_ =	sdelay $0x3  }
0x1c6: {  	[tilespmem:v26+s12+$0x0] =	vst.idx.msk $0xffff, v27;
	v26 =	vshll.u32 v28, $0x4  }
0x1c7: {  	v28 =	vor.u32 s24, v16;
	v27 =	vld.idx.msk [tilespmem:v29+s3+$0x0], $0xffff;
	v26 =	vand.u32 $0x7FFFFF80, v26  }
0x1c8: {  	v29 =	vand.u32 $0x5F, v28;
	v26 =	vor.u32 v11, v26  }
0x1c9: {  	v29 =	vor.u32 v29, v25;
	_ =	sdelay $0x3  }
0x1ca: {  	[tilespmem:v26+s12+$0x0] =	vst.idx.msk $0xffff, v27;
	v26 =	vshll.u32 v28, $0x4  }
0x1cb: {  	v28 =	vor.u32 s24, v17;
	v27 =	vld.idx.msk [tilespmem:v29+s3+$0x0], $0xffff;
	v26 =	vand.u32 $0x7FFFFF80, v26  }
0x1cc: {  	v29 =	vand.u32 $0x5F, v28;
	v26 =	vor.u32 v12, v26  }
0x1cd: {  	v29 =	vor.u32 v29, v25;
	_ =	sdelay $0x3  }
0x1ce: {  	[tilespmem:v26+s12+$0x0] =	vst.idx.msk $0xffff, v27;
	v26 =	vshll.u32 v28, $0x4  }
0x1cf: {  	v28 =	vor.u32 s24, v15;
	v27 =	vld.idx.msk [tilespmem:v29+s3+$0x0], $0xffff;
	v26 =	vand.u32 $0x7FFFFF80, v26  }
0x1d0: {  	v29 =	vand.u32 $0x5F, v28;
	v26 =	vor.u32 v13, v26  }
0x1d1: {  	v29 =	vor.u32 v29, v25;
	_ =	sdelay $0x3  }
0x1d2: {  	[tilespmem:v26+s12+$0x0] =	vst.idx.msk $0xffff, v27;
	v26 =	vshll.u32 v28, $0x4  }
0x1d3: {  	v28 =	vor.u32 s24, v18;
	v27 =	vld.idx.msk [tilespmem:v29+s3+$0x0], $0xffff;
	v26 =	vand.u32 $0x7FFFFF80, v26  }
0x1d4: {  	v29 =	vand.u32 $0x5F, v28;
	v26 =	vor.u32 v2, v26  }
0x1d5: {  	v29 =	vor.u32 v29, v25;
	_ =	sdelay $0x3  }
0x1d6: {  	[tilespmem:v26+s12+$0x0] =	vst.idx.msk $0xffff, v27;
	v26 =	vshll.u32 v28, $0x4  }
0x1d7: {  	v28 =	vor.u32 s24, v19;
	v27 =	vld.idx.msk [tilespmem:v29+s3+$0x0], $0xffff;
	v26 =	vand.u32 $0x7FFFFF80, v26  }
0x1d8: {  	v29 =	vand.u32 $0x5F, v28;
	v26 =	vor.u32 v4, v26  }
0x1d9: {  	v29 =	vor.u32 v29, v25;
	_ =	sdelay $0x3  }
0x1da: {  	[tilespmem:v26+s12+$0x0] =	vst.idx.msk $0xffff, v27;
	v26 =	vshll.u32 v28, $0x4  }
0x1db: {  	v28 =	vor.u32 s24, v20;
	v27 =	vld.idx.msk [tilespmem:v29+s3+$0x0], $0xffff;
	v26 =	vand.u32 $0x7FFFFF80, v26  }
0x1dc: {  	v29 =	vand.u32 $0x5F, v28;
	v26 =	vor.u32 v6, v26  }
0x1dd: {  	v29 =	vor.u32 v29, v25;
	_ =	sdelay $0x3  }
0x1de: {  	[tilespmem:v26+s12+$0x0] =	vst.idx.msk $0xffff, v27;
	v26 =	vshll.u32 v28, $0x4  }
0x1df: {  	v28 =	vor.u32 s24, v21;
	v27 =	vld.idx.msk [tilespmem:v29+s3+$0x0], $0xffff;
	v26 =	vand.u32 $0x7FFFFF80, v26  }
0x1e0: {  	v29 =	vand.u32 $0x5F, v28;
	v26 =	vor.u32 v8, v26  }
0x1e1: {  	v29 =	vor.u32 v29, v25;
	_ =	sdelay $0x3  }
0x1e2: {  	[tilespmem:v26+s12+$0x0] =	vst.idx.msk $0xffff, v27;
	v26 =	vshll.u32 v28, $0x4  }
0x1e3: {  	v28 =	vor.u32 s24, v22;
	v27 =	vld.idx.msk [tilespmem:v29+s3+$0x0], $0xffff;
	v26 =	vand.u32 $0x7FFFFF80, v26  }
0x1e4: {  	v29 =	vand.u32 $0x5F, v28;
	v26 =	vor.u32 v10, v26  }
0x1e5: {  	v29 =	vor.u32 v29, v25;
	_ =	sdelay $0x3  }
0x1e6: {  	[tilespmem:v26+s12+$0x0] =	vst.idx.msk $0xffff, v27;
	v26 =	vshll.u32 v28, $0x4  }
0x1e7: {  	v28 =	vor.u32 s24, v23;
	v27 =	vld.idx.msk [tilespmem:v29+s3+$0x0], $0xffff;
	v26 =	vand.u32 $0x7FFFFF80, v26  }
0x1e8: {  	v29 =	vand.u32 $0x5F, v28;
	v26 =	vor.u32 v11, v26  }
0x1e9: {  	v29 =	vor.u32 v29, v25;
	_ =	sdelay $0x3  }
0x1ea: {  	[tilespmem:v26+s12+$0x0] =	vst.idx.msk $0xffff, v27;
	v26 =	vshll.u32 v28, $0x4  }
0x1eb: {  	v28 =	vor.u32 s24, v24;
	v27 =	vld.idx.msk [tilespmem:v29+s3+$0x0], $0xffff;
	v26 =	vand.u32 $0x7FFFFF80, v26  }
0x1ec: {  	v29 =	vand.u32 $0x5F, v28;
	v26 =	vor.u32 v12, v26  }
0x1ed: {  	v25 =	vor.u32 v29, v25;
	_ =	sdelay $0x1  }
0x1ee: {  	s24 =	sadd.s32 $0xFFFFFFF0, s23  }
0x1ef: {  	v29 =	vmov s24  }
0x1f0: {  	[tilespmem:v26+s12+$0x0] =	vst.idx.msk $0xffff, v27;
	v26 =	vshll.u32 v28, $0x4;
	v27 =	vshll.u32 v29, $0x3  }
0x1f1: {  	v28 =	vld.idx.msk [tilespmem:v25+s3+$0x0], $0xffff;
	v25 =	vand.u32 $0x7FFFFF80, v26;
	v26 =	vor.u32 s24, v1;
	v27 =	vand.u32 $0x1C00, v27  }
0x1f2: {  	v29 =	vor.u32 v13, v25;
	v30 =	vand.u32 $0x6F, v26;
	v25 =	vor.u32 v0, v27  }
0x1f3: {  	v27 =	vor.u32 v30, v25;
	_ =	sdelay $0x3  }
0x1f4: {  	v26 =	vshll.u32 v26, $0x4;
	[tilespmem:v29+s12+$0x0] =	vst.idx.msk $0xffff, v28  }
0x1f5: {  	v26 =	vand.u32 $0x7FFFFF80, v26;
	v28 =	vor.u32 s24, v3;
	v27 =	vld.idx.msk [tilespmem:v27+s3+$0x0], $0xffff  }
0x1f6: {  	v26 =	vor.u32 v2, v26;
	v29 =	vand.u32 $0x6F, v28  }
0x1f7: {  	v29 =	vor.u32 v29, v25;
	_ =	sdelay $0x3  }
0x1f8: {  	[tilespmem:v26+s12+$0x0] =	vst.idx.msk $0xffff, v27;
	v26 =	vshll.u32 v28, $0x4  }
0x1f9: {  	v28 =	vor.u32 s24, v5;
	v27 =	vld.idx.msk [tilespmem:v29+s3+$0x0], $0xffff;
	v26 =	vand.u32 $0x7FFFFF80, v26  }
0x1fa: {  	v29 =	vand.u32 $0x6F, v28;
	v26 =	vor.u32 v4, v26  }
0x1fb: {  	v29 =	vor.u32 v29, v25;
	_ =	sdelay $0x3  }
0x1fc: {  	[tilespmem:v26+s12+$0x0] =	vst.idx.msk $0xffff, v27;
	v26 =	vshll.u32 v28, $0x4  }
0x1fd: {  	v28 =	vor.u32 s24, v7;
	v27 =	vld.idx.msk [tilespmem:v29+s3+$0x0], $0xffff;
	v26 =	vand.u32 $0x7FFFFF80, v26  }
0x1fe: {  	v29 =	vand.u32 $0x6F, v28;
	v26 =	vor.u32 v6, v26  }
0x1ff: {  	v29 =	vor.u32 v29, v25;
	_ =	sdelay $0x3  }
0x200: {  	[tilespmem:v26+s12+$0x0] =	vst.idx.msk $0xffff, v27;
	v26 =	vshll.u32 v28, $0x4  }
0x201: {  	v28 =	vor.u32 s24, v9;
	v27 =	vld.idx.msk [tilespmem:v29+s3+$0x0], $0xffff;
	v26 =	vand.u32 $0x7FFFFF80, v26  }
0x202: {  	v29 =	vand.u32 $0x6F, v28;
	v26 =	vor.u32 v8, v26  }
0x203: {  	v29 =	vor.u32 v29, v25;
	_ =	sdelay $0x3  }
0x204: {  	[tilespmem:v26+s12+$0x0] =	vst.idx.msk $0xffff, v27;
	v26 =	vshll.u32 v28, $0x4  }
0x205: {  	v28 =	vor.u32 s24, v14;
	v27 =	vld.idx.msk [tilespmem:v29+s3+$0x0], $0xffff;
	v26 =	vand.u32 $0x7FFFFF80, v26  }
0x206: {  	v29 =	vand.u32 $0x6F, v28;
	v26 =	vor.u32 v10, v26  }
0x207: {  	v29 =	vor.u32 v29, v25;
	_ =	sdelay $0x3  }
0x208: {  	[tilespmem:v26+s12+$0x0] =	vst.idx.msk $0xffff, v27;
	v26 =	vshll.u32 v28, $0x4  }
0x209: {  	v28 =	vor.u32 s24, v16;
	v27 =	vld.idx.msk [tilespmem:v29+s3+$0x0], $0xffff;
	v26 =	vand.u32 $0x7FFFFF80, v26  }
0x20a: {  	v29 =	vand.u32 $0x6F, v28;
	v26 =	vor.u32 v11, v26  }
0x20b: {  	v29 =	vor.u32 v29, v25;
	_ =	sdelay $0x3  }
0x20c: {  	[tilespmem:v26+s12+$0x0] =	vst.idx.msk $0xffff, v27;
	v26 =	vshll.u32 v28, $0x4  }
0x20d: {  	v28 =	vor.u32 s24, v17;
	v27 =	vld.idx.msk [tilespmem:v29+s3+$0x0], $0xffff;
	v26 =	vand.u32 $0x7FFFFF80, v26  }
0x20e: {  	v29 =	vand.u32 $0x6F, v28;
	v26 =	vor.u32 v12, v26  }
0x20f: {  	v29 =	vor.u32 v29, v25;
	_ =	sdelay $0x3  }
0x210: {  	[tilespmem:v26+s12+$0x0] =	vst.idx.msk $0xffff, v27;
	v26 =	vshll.u32 v28, $0x4  }
0x211: {  	v28 =	vor.u32 s24, v15;
	v27 =	vld.idx.msk [tilespmem:v29+s3+$0x0], $0xffff;
	v26 =	vand.u32 $0x7FFFFF80, v26  }
0x212: {  	v29 =	vand.u32 $0x6F, v28;
	v26 =	vor.u32 v13, v26  }
0x213: {  	v29 =	vor.u32 v29, v25;
	_ =	sdelay $0x3  }
0x214: {  	[tilespmem:v26+s12+$0x0] =	vst.idx.msk $0xffff, v27;
	v26 =	vshll.u32 v28, $0x4  }
0x215: {  	v28 =	vor.u32 s24, v18;
	v27 =	vld.idx.msk [tilespmem:v29+s3+$0x0], $0xffff;
	v26 =	vand.u32 $0x7FFFFF80, v26  }
0x216: {  	v29 =	vand.u32 $0x6F, v28;
	v26 =	vor.u32 v2, v26  }
0x217: {  	v29 =	vor.u32 v29, v25;
	_ =	sdelay $0x3  }
0x218: {  	[tilespmem:v26+s12+$0x0] =	vst.idx.msk $0xffff, v27;
	v26 =	vshll.u32 v28, $0x4  }
0x219: {  	v28 =	vor.u32 s24, v19;
	v27 =	vld.idx.msk [tilespmem:v29+s3+$0x0], $0xffff;
	v26 =	vand.u32 $0x7FFFFF80, v26  }
0x21a: {  	v29 =	vand.u32 $0x6F, v28;
	v26 =	vor.u32 v4, v26  }
0x21b: {  	v29 =	vor.u32 v29, v25;
	_ =	sdelay $0x3  }
0x21c: {  	[tilespmem:v26+s12+$0x0] =	vst.idx.msk $0xffff, v27;
	v26 =	vshll.u32 v28, $0x4  }
0x21d: {  	v28 =	vor.u32 s24, v20;
	v27 =	vld.idx.msk [tilespmem:v29+s3+$0x0], $0xffff;
	v26 =	vand.u32 $0x7FFFFF80, v26  }
0x21e: {  	v29 =	vand.u32 $0x6F, v28;
	v26 =	vor.u32 v6, v26  }
0x21f: {  	v29 =	vor.u32 v29, v25;
	_ =	sdelay $0x3  }
0x220: {  	[tilespmem:v26+s12+$0x0] =	vst.idx.msk $0xffff, v27;
	v26 =	vshll.u32 v28, $0x4  }
0x221: {  	v28 =	vor.u32 s24, v21;
	v27 =	vld.idx.msk [tilespmem:v29+s3+$0x0], $0xffff;
	v26 =	vand.u32 $0x7FFFFF80, v26  }
0x222: {  	v29 =	vand.u32 $0x6F, v28;
	v26 =	vor.u32 v8, v26  }
0x223: {  	v29 =	vor.u32 v29, v25;
	_ =	sdelay $0x3  }
0x224: {  	[tilespmem:v26+s12+$0x0] =	vst.idx.msk $0xffff, v27;
	v26 =	vshll.u32 v28, $0x4  }
0x225: {  	v28 =	vor.u32 s24, v22;
	v27 =	vld.idx.msk [tilespmem:v29+s3+$0x0], $0xffff;
	v26 =	vand.u32 $0x7FFFFF80, v26  }
0x226: {  	v29 =	vand.u32 $0x6F, v28;
	v26 =	vor.u32 v10, v26  }
0x227: {  	v29 =	vor.u32 v29, v25;
	_ =	sdelay $0x3  }
0x228: {  	[tilespmem:v26+s12+$0x0] =	vst.idx.msk $0xffff, v27;
	v26 =	vshll.u32 v28, $0x4  }
0x229: {  	v28 =	vor.u32 s24, v23;
	v27 =	vld.idx.msk [tilespmem:v29+s3+$0x0], $0xffff;
	v26 =	vand.u32 $0x7FFFFF80, v26  }
0x22a: {  	v29 =	vand.u32 $0x6F, v28;
	v26 =	vor.u32 v11, v26  }
0x22b: {  	v29 =	vor.u32 v29, v25;
	_ =	sdelay $0x3  }
0x22c: {  	[tilespmem:v26+s12+$0x0] =	vst.idx.msk $0xffff, v27;
	v26 =	vshll.u32 v28, $0x4  }
0x22d: {  	v28 =	vor.u32 s24, v24;
	v27 =	vld.idx.msk [tilespmem:v29+s3+$0x0], $0xffff;
	v26 =	vand.u32 $0x7FFFFF80, v26  }
0x22e: {  	v29 =	vand.u32 $0x6F, v28;
	v26 =	vor.u32 v12, v26  }
0x22f: {  	v25 =	vor.u32 v29, v25;
	_ =	sdelay $0x2  }
0x230: {  	v29 =	vmov s23  }
0x231: {  	[tilespmem:v26+s12+$0x0] =	vst.idx.msk $0xffff, v27;
	v26 =	vshll.u32 v28, $0x4;
	v27 =	vshll.u32 v29, $0x3  }
0x232: {  	v28 =	vld.idx.msk [tilespmem:v25+s3+$0x0], $0xffff;
	v25 =	vand.u32 $0x7FFFFF80, v26;
	v26 =	vor.u32 s23, v1;
	v27 =	vand.u32 $0x1C00, v27  }
0x233: {  	v29 =	vor.u32 v13, v25;
	v30 =	vand.u32 $0x7F, v26;
	v25 =	vor.u32 v0, v27  }
0x234: {  	v27 =	vor.u32 v30, v25;
	_ =	sdelay $0x3  }
0x235: {  	v26 =	vshll.u32 v26, $0x4;
	[tilespmem:v29+s12+$0x0] =	vst.idx.msk $0xffff, v28  }
0x236: {  	v26 =	vand.u32 $0x7FFFFF80, v26;
	v28 =	vor.u32 s23, v3;
	v27 =	vld.idx.msk [tilespmem:v27+s3+$0x0], $0xffff  }
0x237: {  	v26 =	vor.u32 v2, v26;
	v29 =	vand.u32 $0x7F, v28  }
0x238: {  	v29 =	vor.u32 v29, v25;
	_ =	sdelay $0x3  }
0x239: {  	[tilespmem:v26+s12+$0x0] =	vst.idx.msk $0xffff, v27;
	v26 =	vshll.u32 v28, $0x4  }
0x23a: {  	v28 =	vor.u32 s23, v5;
	v27 =	vld.idx.msk [tilespmem:v29+s3+$0x0], $0xffff;
	v26 =	vand.u32 $0x7FFFFF80, v26  }
0x23b: {  	v29 =	vand.u32 $0x7F, v28;
	v26 =	vor.u32 v4, v26  }
0x23c: {  	v29 =	vor.u32 v29, v25;
	_ =	sdelay $0x3  }
0x23d: {  	[tilespmem:v26+s12+$0x0] =	vst.idx.msk $0xffff, v27;
	v26 =	vshll.u32 v28, $0x4  }
0x23e: {  	v28 =	vor.u32 s23, v7;
	v27 =	vld.idx.msk [tilespmem:v29+s3+$0x0], $0xffff;
	v26 =	vand.u32 $0x7FFFFF80, v26  }
0x23f: {  	v29 =	vand.u32 $0x7F, v28;
	v26 =	vor.u32 v6, v26  }
0x240: {  	v29 =	vor.u32 v29, v25;
	_ =	sdelay $0x3  }
0x241: {  	[tilespmem:v26+s12+$0x0] =	vst.idx.msk $0xffff, v27;
	v26 =	vshll.u32 v28, $0x4  }
0x242: {  	v28 =	vor.u32 s23, v9;
	v27 =	vld.idx.msk [tilespmem:v29+s3+$0x0], $0xffff;
	v26 =	vand.u32 $0x7FFFFF80, v26  }
0x243: {  	v29 =	vand.u32 $0x7F, v28;
	v26 =	vor.u32 v8, v26  }
0x244: {  	v29 =	vor.u32 v29, v25;
	_ =	sdelay $0x3  }
0x245: {  	[tilespmem:v26+s12+$0x0] =	vst.idx.msk $0xffff, v27;
	v26 =	vshll.u32 v28, $0x4  }
0x246: {  	v28 =	vor.u32 s23, v14;
	v27 =	vld.idx.msk [tilespmem:v29+s3+$0x0], $0xffff;
	v26 =	vand.u32 $0x7FFFFF80, v26  }
0x247: {  	v29 =	vand.u32 $0x7F, v28;
	v26 =	vor.u32 v10, v26  }
0x248: {  	v29 =	vor.u32 v29, v25;
	_ =	sdelay $0x3  }
0x249: {  	[tilespmem:v26+s12+$0x0] =	vst.idx.msk $0xffff, v27;
	v26 =	vshll.u32 v28, $0x4  }
0x24a: {  	v28 =	vor.u32 s23, v16;
	v27 =	vld.idx.msk [tilespmem:v29+s3+$0x0], $0xffff;
	v26 =	vand.u32 $0x7FFFFF80, v26  }
0x24b: {  	v29 =	vand.u32 $0x7F, v28;
	v26 =	vor.u32 v11, v26  }
0x24c: {  	v29 =	vor.u32 v29, v25;
	_ =	sdelay $0x3  }
0x24d: {  	[tilespmem:v26+s12+$0x0] =	vst.idx.msk $0xffff, v27;
	v26 =	vshll.u32 v28, $0x4  }
0x24e: {  	v28 =	vor.u32 s23, v17;
	v27 =	vld.idx.msk [tilespmem:v29+s3+$0x0], $0xffff;
	v26 =	vand.u32 $0x7FFFFF80, v26  }
0x24f: {  	v29 =	vand.u32 $0x7F, v28;
	v26 =	vor.u32 v12, v26  }
0x250: {  	v29 =	vor.u32 v29, v25;
	_ =	sdelay $0x3  }
0x251: {  	[tilespmem:v26+s12+$0x0] =	vst.idx.msk $0xffff, v27;
	v26 =	vshll.u32 v28, $0x4  }
0x252: {  	v28 =	vor.u32 s23, v15;
	v27 =	vld.idx.msk [tilespmem:v29+s3+$0x0], $0xffff;
	v26 =	vand.u32 $0x7FFFFF80, v26  }
0x253: {  	v29 =	vand.u32 $0x7F, v28;
	v26 =	vor.u32 v13, v26  }
0x254: {  	v29 =	vor.u32 v29, v25;
	_ =	sdelay $0x3  }
0x255: {  	[tilespmem:v26+s12+$0x0] =	vst.idx.msk $0xffff, v27;
	v26 =	vshll.u32 v28, $0x4  }
0x256: {  	v28 =	vor.u32 s23, v18;
	v27 =	vld.idx.msk [tilespmem:v29+s3+$0x0], $0xffff;
	v26 =	vand.u32 $0x7FFFFF80, v26  }
0x257: {  	v29 =	vand.u32 $0x7F, v28;
	v26 =	vor.u32 v2, v26  }
0x258: {  	v29 =	vor.u32 v29, v25;
	_ =	sdelay $0x3  }
0x259: {  	[tilespmem:v26+s12+$0x0] =	vst.idx.msk $0xffff, v27;
	v26 =	vshll.u32 v28, $0x4  }
0x25a: {  	v28 =	vor.u32 s23, v19;
	v27 =	vld.idx.msk [tilespmem:v29+s3+$0x0], $0xffff;
	v26 =	vand.u32 $0x7FFFFF80, v26  }
0x25b: {  	v29 =	vand.u32 $0x7F, v28;
	v26 =	vor.u32 v4, v26  }
0x25c: {  	v29 =	vor.u32 v29, v25;
	_ =	sdelay $0x3  }
0x25d: {  	[tilespmem:v26+s12+$0x0] =	vst.idx.msk $0xffff, v27;
	v26 =	vshll.u32 v28, $0x4  }
0x25e: {  	v28 =	vor.u32 s23, v20;
	v27 =	vld.idx.msk [tilespmem:v29+s3+$0x0], $0xffff;
	v26 =	vand.u32 $0x7FFFFF80, v26  }
0x25f: {  	v29 =	vand.u32 $0x7F, v28;
	v26 =	vor.u32 v6, v26  }
0x260: {  	v29 =	vor.u32 v29, v25;
	_ =	sdelay $0x3  }
0x261: {  	[tilespmem:v26+s12+$0x0] =	vst.idx.msk $0xffff, v27;
	v26 =	vshll.u32 v28, $0x4  }
0x262: {  	v28 =	vor.u32 s23, v21;
	v27 =	vld.idx.msk [tilespmem:v29+s3+$0x0], $0xffff;
	v26 =	vand.u32 $0x7FFFFF80, v26  }
0x263: {  	v29 =	vand.u32 $0x7F, v28;
	v26 =	vor.u32 v8, v26  }
0x264: {  	v29 =	vor.u32 v29, v25;
	_ =	sdelay $0x3  }
0x265: {  	[tilespmem:v26+s12+$0x0] =	vst.idx.msk $0xffff, v27;
	v26 =	vshll.u32 v28, $0x4  }
0x266: {  	v28 =	vor.u32 s23, v22;
	v27 =	vld.idx.msk [tilespmem:v29+s3+$0x0], $0xffff;
	v26 =	vand.u32 $0x7FFFFF80, v26  }
0x267: {  	v29 =	vand.u32 $0x7F, v28;
	v26 =	vor.u32 v10, v26  }
0x268: {  	v29 =	vor.u32 v29, v25;
	_ =	sdelay $0x3  }
0x269: {  	[tilespmem:v26+s12+$0x0] =	vst.idx.msk $0xffff, v27;
	v26 =	vshll.u32 v28, $0x4  }
0x26a: {  	v28 =	vor.u32 s23, v23;
	v27 =	vld.idx.msk [tilespmem:v29+s3+$0x0], $0xffff;
	v26 =	vand.u32 $0x7FFFFF80, v26  }
0x26b: {  	v29 =	vand.u32 $0x7F, v28;
	v26 =	vor.u32 v11, v26  }
0x26c: {  	v29 =	vor.u32 v29, v25;
	_ =	sdelay $0x3  }
.Ltmp5:
0x26d: {  	[tilespmem:v26+s12+$0x0] =	vst.idx.msk $0xffff, v27;
	v26 =	vshll.u32 v28, $0x4;
	(pc) =	sbr.rel @p3 .LBB2_4-.Ltmp5, $4  }
0x26e: {  	v27 =	vld.idx.msk [tilespmem:v29+s3+$0x0], $0xffff;
	v28 =	vand.u32 $0x7FFFFF80, v26;
	v26 =	vor.u32 s23, v24  }
0x26f: {  	v28 =	vor.u32 v12, v28;
	v29 =	vand.u32 $0x7F, v26  }
0x270: {  	v25 =	vor.u32 v29, v25  }
0x271: {  	s23 =	sadd.s32 $0x40, s23  }
0x272: {  	_ =	sdelay $0x2  }
0x273: {  	v26 =	vshll.u32 v26, $0x4  }
0x274: {  	[tilespmem:v28+s12+$0x0] =	vst.idx.msk $0xffff, v27;
	v26 =	vand.u32 $0x7FFFFF80, v26  }
0x275: {  	v25 =	vld.idx.msk [tilespmem:v25+s3+$0x0], $0xffff;
	v26 =	vor.u32 v13, v26;
	_ =	sdelay $0x3  }
0x276: {  	s22 =	sshll.u32 s19, $0x11  }
0x277: {  	s22 =	sadd.s32 s22, s6;
	[tilespmem:v26+s12+$0x0] =	vst.idx.msk $0xffff, v25  }
0x278: {  	[hbm4b:s22+s3] =	stream.linear.scatter [tilespmem:s12], [sflag:$0x3], $0x4000, $0x38;
	[tilespmem:$0x10000] =	vst v63  }
.LBB2_6:
.Ltmp6:
0x279: {  	s21 =	sadd.s32 $0x2, s21;
	(pc) =	sbr.rel @p2 .LBB2_10-.Ltmp6, $4  }
0x27a: {  	p3 =	sge.u32 s21, s4  }
0x27b: {  	s21 =	sshll.u32 @!p3 s21, $0xF;
	s22 =	simm.s32 @!p3 $0x2000  }
0x27c: {  	s23 =	simm.s32 @!p3 $0x13D6400;
	s24 =	simm.s32 @!p3 $0x0;
	s21 =	sadd.s32 @!p3 s21, s5  }
0x27d: {  	[tilespmem:s24], [sflag:$0x1] =	stream.strided.gather @!p3 [hbm4b:s21+s22], $0x4000, s23, s22, $0x38;
	[tilespmem:$0x10000] =	vst v63  }
0x27e: {  	s21 =	simm.s32 $0x0  }
0x27f: {  	v25 =	vmov s21  }
0x280: {  	v25 =	vshll.u32 v25, $0x3  }
0x281: {  	v26 =	vor.u32 s21, v1;
	v25 =	vand.u32 $0x1C00, v25  }
0x282: {  	_ =	swait.ge [sflag:s13], $0x4000;
	v27 =	vand.u32 $0x4F, v26;
	v25 =	vor.u32 v0, v25  }
0x283: {  	[sflag:s13] =	ssyncset.done $0x0;
	v27 =	vor.u32 v27, v25  }
0x284: {  	s22 =	simm.s32 @!p1 $0x4;
	[sflag:s13] =	ssyncadd.s32 $0xFFFFC000  }
0x285: {  	_ =	swait.ge @!p1 [sflag:s22], $0x4000  }
0x286: {  	v26 =	vshll.u32 v26, $0x4;
	[sflag:s22] =	ssyncset.done @!p1 $0x0  }
0x287: {  	v28 =	vor.u32 s21, v3;
	v26 =	vand.u32 $0x3C80, v26;
	[sflag:s22] =	ssyncadd.s32 @!p1 $0xFFFFC000  }
0x288: {  	v29 =	vand.u32 $0x4F, v28;
	v26 =	vor.u32 v2, v26;
	v27 =	vld.idx.msk [tilespmem:v27+s14+$0x0], $0xffff  }
0x289: {  	v29 =	vor.u32 v29, v25;
	_ =	sdelay $0x2  }
0x28a: {  	v28 =	vshll.u32 v28, $0x4  }
0x28b: {  	[tilespmem:v26+s15+$0x0] =	vst.idx.msk $0xffff, v27;
	v26 =	vand.u32 $0x3C80, v28;
	v27 =	vor.u32 s21, v5  }
0x28c: {  	v28 =	vld.idx.msk [tilespmem:v29+s14+$0x0], $0xffff;
	v26 =	vor.u32 v4, v26;
	v29 =	vand.u32 $0x4F, v27  }
0x28d: {  	v29 =	vor.u32 v29, v25;
	_ =	sdelay $0x2  }
0x28e: {  	v27 =	vshll.u32 v27, $0x4  }
0x28f: {  	[tilespmem:v26+s15+$0x0] =	vst.idx.msk $0xffff, v28;
	v26 =	vand.u32 $0x3C80, v27;
	v27 =	vor.u32 s21, v7  }
0x290: {  	v28 =	vld.idx.msk [tilespmem:v29+s14+$0x0], $0xffff;
	v26 =	vor.u32 v6, v26;
	v29 =	vand.u32 $0x4F, v27  }
0x291: {  	v29 =	vor.u32 v29, v25;
	_ =	sdelay $0x2  }
0x292: {  	v27 =	vshll.u32 v27, $0x4  }
0x293: {  	[tilespmem:v26+s15+$0x0] =	vst.idx.msk $0xffff, v28;
	v26 =	vand.u32 $0x3C80, v27;
	v27 =	vor.u32 s21, v9  }
0x294: {  	v28 =	vld.idx.msk [tilespmem:v29+s14+$0x0], $0xffff;
	v26 =	vor.u32 v8, v26;
	v29 =	vand.u32 $0x4F, v27  }
0x295: {  	v29 =	vor.u32 v29, v25;
	_ =	sdelay $0x2  }
0x296: {  	v27 =	vshll.u32 v27, $0x4  }
0x297: {  	[tilespmem:v26+s15+$0x0] =	vst.idx.msk $0xffff, v28;
	v26 =	vand.u32 $0x3C80, v27;
	v27 =	vor.u32 s21, v14  }
0x298: {  	v28 =	vld.idx.msk [tilespmem:v29+s14+$0x0], $0xffff;
	v26 =	vor.u32 v10, v26;
	v29 =	vand.u32 $0x4F, v27  }
0x299: {  	v29 =	vor.u32 v29, v25;
	_ =	sdelay $0x2  }
0x29a: {  	v27 =	vshll.u32 v27, $0x4  }
0x29b: {  	[tilespmem:v26+s15+$0x0] =	vst.idx.msk $0xffff, v28;
	v26 =	vand.u32 $0x3C80, v27;
	v27 =	vor.u32 s21, v16  }
0x29c: {  	v28 =	vld.idx.msk [tilespmem:v29+s14+$0x0], $0xffff;
	v26 =	vor.u32 v11, v26;
	v29 =	vand.u32 $0x4F, v27  }
0x29d: {  	v29 =	vor.u32 v29, v25;
	_ =	sdelay $0x2  }
0x29e: {  	v27 =	vshll.u32 v27, $0x4  }
0x29f: {  	[tilespmem:v26+s15+$0x0] =	vst.idx.msk $0xffff, v28;
	v26 =	vand.u32 $0x3C80, v27;
	v27 =	vor.u32 s21, v17  }
0x2a0: {  	v28 =	vld.idx.msk [tilespmem:v29+s14+$0x0], $0xffff;
	v26 =	vor.u32 v12, v26;
	v29 =	vand.u32 $0x4F, v27  }
0x2a1: {  	v29 =	vor.u32 v29, v25;
	_ =	sdelay $0x2  }
0x2a2: {  	v27 =	vshll.u32 v27, $0x4  }
0x2a3: {  	[tilespmem:v26+s15+$0x0] =	vst.idx.msk $0xffff, v28;
	v26 =	vand.u32 $0x3C80, v27;
	v27 =	vor.u32 s21, v15  }
0x2a4: {  	v28 =	vld.idx.msk [tilespmem:v29+s14+$0x0], $0xffff;
	v26 =	vor.u32 v13, v26;
	v29 =	vand.u32 $0x4F, v27  }
0x2a5: {  	v29 =	vor.u32 v29, v25;
	_ =	sdelay $0x2  }
0x2a6: {  	v27 =	vshll.u32 v27, $0x4  }
0x2a7: {  	[tilespmem:v26+s15+$0x0] =	vst.idx.msk $0xffff, v28;
	v26 =	vand.u32 $0x3C80, v27;
	v27 =	vor.u32 s21, v18  }
0x2a8: {  	v28 =	vld.idx.msk [tilespmem:v29+s14+$0x0], $0xffff;
	v26 =	vor.u32 v2, v26;
	v29 =	vand.u32 $0x4F, v27  }
0x2a9: {  	v29 =	vor.u32 v29, v25;
	_ =	sdelay $0x2  }
0x2aa: {  	v27 =	vshll.u32 v27, $0x4  }
0x2ab: {  	[tilespmem:v26+s15+$0x0] =	vst.idx.msk $0xffff, v28;
	v26 =	vand.u32 $0x3C80, v27;
	v27 =	vor.u32 s21, v19  }
0x2ac: {  	v28 =	vld.idx.msk [tilespmem:v29+s14+$0x0], $0xffff;
	v26 =	vor.u32 v4, v26;
	v29 =	vand.u32 $0x4F, v27  }
0x2ad: {  	v29 =	vor.u32 v29, v25;
	_ =	sdelay $0x2  }
0x2ae: {  	v27 =	vshll.u32 v27, $0x4  }
0x2af: {  	[tilespmem:v26+s15+$0x0] =	vst.idx.msk $0xffff, v28;
	v26 =	vand.u32 $0x3C80, v27;
	v27 =	vor.u32 s21, v20  }
0x2b0: {  	v28 =	vld.idx.msk [tilespmem:v29+s14+$0x0], $0xffff;
	v26 =	vor.u32 v6, v26;
	v29 =	vand.u32 $0x4F, v27  }
0x2b1: {  	v29 =	vor.u32 v29, v25;
	_ =	sdelay $0x2  }
0x2b2: {  	v27 =	vshll.u32 v27, $0x4  }
0x2b3: {  	[tilespmem:v26+s15+$0x0] =	vst.idx.msk $0xffff, v28;
	v26 =	vand.u32 $0x3C80, v27;
	v27 =	vor.u32 s21, v21  }
0x2b4: {  	v28 =	vld.idx.msk [tilespmem:v29+s14+$0x0], $0xffff;
	v26 =	vor.u32 v8, v26;
	v29 =	vand.u32 $0x4F, v27  }
0x2b5: {  	v29 =	vor.u32 v29, v25;
	_ =	sdelay $0x2  }
0x2b6: {  	v27 =	vshll.u32 v27, $0x4  }
0x2b7: {  	[tilespmem:v26+s15+$0x0] =	vst.idx.msk $0xffff, v28;
	v26 =	vand.u32 $0x3C80, v27;
	v27 =	vor.u32 s21, v22  }
0x2b8: {  	v28 =	vld.idx.msk [tilespmem:v29+s14+$0x0], $0xffff;
	v26 =	vor.u32 v10, v26;
	v29 =	vand.u32 $0x4F, v27  }
0x2b9: {  	v29 =	vor.u32 v29, v25;
	_ =	sdelay $0x2  }
0x2ba: {  	v27 =	vshll.u32 v27, $0x4  }
0x2bb: {  	[tilespmem:v26+s15+$0x0] =	vst.idx.msk $0xffff, v28;
	v26 =	vand.u32 $0x3C80, v27;
	v27 =	vor.u32 s21, v23  }
0x2bc: {  	v28 =	vld.idx.msk [tilespmem:v29+s14+$0x0], $0xffff;
	v26 =	vor.u32 v11, v26;
	v29 =	vand.u32 $0x4F, v27  }
0x2bd: {  	v29 =	vor.u32 v29, v25;
	_ =	sdelay $0x2  }
0x2be: {  	v27 =	vshll.u32 v27, $0x4  }
0x2bf: {  	[tilespmem:v26+s15+$0x0] =	vst.idx.msk $0xffff, v28;
	v26 =	vand.u32 $0x3C80, v27;
	v27 =	vor.u32 s21, v24  }
0x2c0: {  	v28 =	vld.idx.msk [tilespmem:v29+s14+$0x0], $0xffff;
	v26 =	vor.u32 v12, v26;
	v29 =	vand.u32 $0x4F, v27  }
0x2c1: {  	v25 =	vor.u32 v29, v25  }
0x2c2: {  	s29 =	simm.s32 $0x10  }
0x2c3: {  	v29 =	vmov s29  }
0x2c4: {  	v27 =	vshll.u32 v27, $0x4;
	v29 =	vshll.u32 v29, $0x3  }
0x2c5: {  	[tilespmem:v26+s15+$0x0] =	vst.idx.msk $0xffff, v28;
	v26 =	vand.u32 $0x3C80, v27;
	v27 =	vor.u32 s29, v1;
	v28 =	vand.u32 $0x1C00, v29  }
0x2c6: {  	v25 =	vld.idx.msk [tilespmem:v25+s14+$0x0], $0xffff;
	v26 =	vor.u32 v13, v26;
	v29 =	vand.u32 $0x5F, v27;
	v28 =	vor.u32 v0, v28  }
0x2c7: {  	v29 =	vor.u32 v29, v28;
	_ =	sdelay $0x2  }
0x2c8: {  	v27 =	vshll.u32 v27, $0x4  }
0x2c9: {  	[tilespmem:v26+s15+$0x0] =	vst.idx.msk $0xffff, v25;
	v25 =	vand.u32 $0x7FFFFF80, v27;
	v26 =	vor.u32 s29, v3  }
0x2ca: {  	v27 =	vld.idx.msk [tilespmem:v29+s14+$0x0], $0xffff;
	v25 =	vor.u32 v2, v25;
	v29 =	vand.u32 $0x5F, v26  }
0x2cb: {  	v29 =	vor.u32 v29, v28;
	_ =	sdelay $0x2  }
0x2cc: {  	v26 =	vshll.u32 v26, $0x4  }
0x2cd: {  	[tilespmem:v25+s15+$0x0] =	vst.idx.msk $0xffff, v27;
	v25 =	vand.u32 $0x7FFFFF80, v26;
	v26 =	vor.u32 s29, v5  }
0x2ce: {  	v27 =	vld.idx.msk [tilespmem:v29+s14+$0x0], $0xffff;
	v25 =	vor.u32 v4, v25;
	v29 =	vand.u32 $0x5F, v26  }
0x2cf: {  	v29 =	vor.u32 v29, v28;
	_ =	sdelay $0x2  }
0x2d0: {  	v26 =	vshll.u32 v26, $0x4  }
0x2d1: {  	[tilespmem:v25+s15+$0x0] =	vst.idx.msk $0xffff, v27;
	v25 =	vand.u32 $0x7FFFFF80, v26;
	v26 =	vor.u32 s29, v7  }
0x2d2: {  	v27 =	vld.idx.msk [tilespmem:v29+s14+$0x0], $0xffff;
	v25 =	vor.u32 v6, v25;
	v29 =	vand.u32 $0x5F, v26  }
0x2d3: {  	v29 =	vor.u32 v29, v28;
	_ =	sdelay $0x2  }
0x2d4: {  	v26 =	vshll.u32 v26, $0x4  }
0x2d5: {  	[tilespmem:v25+s15+$0x0] =	vst.idx.msk $0xffff, v27;
	v25 =	vand.u32 $0x7FFFFF80, v26;
	v26 =	vor.u32 s29, v9  }
0x2d6: {  	v27 =	vld.idx.msk [tilespmem:v29+s14+$0x0], $0xffff;
	v25 =	vor.u32 v8, v25;
	v29 =	vand.u32 $0x5F, v26  }
0x2d7: {  	v29 =	vor.u32 v29, v28;
	_ =	sdelay $0x2  }
0x2d8: {  	v26 =	vshll.u32 v26, $0x4  }
0x2d9: {  	[tilespmem:v25+s15+$0x0] =	vst.idx.msk $0xffff, v27;
	v25 =	vand.u32 $0x7FFFFF80, v26;
	v26 =	vor.u32 s29, v14  }
0x2da: {  	v27 =	vld.idx.msk [tilespmem:v29+s14+$0x0], $0xffff;
	v25 =	vor.u32 v10, v25;
	v29 =	vand.u32 $0x5F, v26  }
0x2db: {  	v29 =	vor.u32 v29, v28;
	_ =	sdelay $0x2  }
0x2dc: {  	v26 =	vshll.u32 v26, $0x4  }
0x2dd: {  	[tilespmem:v25+s15+$0x0] =	vst.idx.msk $0xffff, v27;
	v25 =	vand.u32 $0x7FFFFF80, v26;
	v26 =	vor.u32 s29, v16  }
0x2de: {  	v27 =	vld.idx.msk [tilespmem:v29+s14+$0x0], $0xffff;
	v25 =	vor.u32 v11, v25;
	v29 =	vand.u32 $0x5F, v26  }
0x2df: {  	v29 =	vor.u32 v29, v28;
	_ =	sdelay $0x2  }
0x2e0: {  	v26 =	vshll.u32 v26, $0x4  }
0x2e1: {  	[tilespmem:v25+s15+$0x0] =	vst.idx.msk $0xffff, v27;
	v25 =	vand.u32 $0x7FFFFF80, v26;
	v26 =	vor.u32 s29, v17  }
0x2e2: {  	v27 =	vld.idx.msk [tilespmem:v29+s14+$0x0], $0xffff;
	v25 =	vor.u32 v12, v25;
	v29 =	vand.u32 $0x5F, v26  }
0x2e3: {  	v29 =	vor.u32 v29, v28;
	_ =	sdelay $0x2  }
0x2e4: {  	v26 =	vshll.u32 v26, $0x4  }
0x2e5: {  	[tilespmem:v25+s15+$0x0] =	vst.idx.msk $0xffff, v27;
	v25 =	vand.u32 $0x7FFFFF80, v26;
	v26 =	vor.u32 s29, v15  }
0x2e6: {  	v27 =	vld.idx.msk [tilespmem:v29+s14+$0x0], $0xffff;
	v25 =	vor.u32 v13, v25;
	v29 =	vand.u32 $0x5F, v26  }
0x2e7: {  	v29 =	vor.u32 v29, v28;
	_ =	sdelay $0x2  }
0x2e8: {  	v26 =	vshll.u32 v26, $0x4  }
0x2e9: {  	[tilespmem:v25+s15+$0x0] =	vst.idx.msk $0xffff, v27;
	v25 =	vand.u32 $0x7FFFFF80, v26;
	v26 =	vor.u32 s29, v18  }
0x2ea: {  	v27 =	vld.idx.msk [tilespmem:v29+s14+$0x0], $0xffff;
	v25 =	vor.u32 v2, v25;
	v29 =	vand.u32 $0x5F, v26  }
0x2eb: {  	v29 =	vor.u32 v29, v28;
	_ =	sdelay $0x2  }
0x2ec: {  	v26 =	vshll.u32 v26, $0x4  }
0x2ed: {  	[tilespmem:v25+s15+$0x0] =	vst.idx.msk $0xffff, v27;
	v25 =	vand.u32 $0x7FFFFF80, v26;
	v26 =	vor.u32 s29, v19  }
0x2ee: {  	v27 =	vld.idx.msk [tilespmem:v29+s14+$0x0], $0xffff;
	v25 =	vor.u32 v4, v25;
	v29 =	vand.u32 $0x5F, v26  }
0x2ef: {  	v29 =	vor.u32 v29, v28;
	_ =	sdelay $0x2  }
0x2f0: {  	v26 =	vshll.u32 v26, $0x4  }
0x2f1: {  	[tilespmem:v25+s15+$0x0] =	vst.idx.msk $0xffff, v27;
	v25 =	vand.u32 $0x7FFFFF80, v26;
	v26 =	vor.u32 s29, v20  }
0x2f2: {  	v27 =	vld.idx.msk [tilespmem:v29+s14+$0x0], $0xffff;
	v25 =	vor.u32 v6, v25;
	v29 =	vand.u32 $0x5F, v26  }
0x2f3: {  	v29 =	vor.u32 v29, v28;
	_ =	sdelay $0x2  }
0x2f4: {  	v26 =	vshll.u32 v26, $0x4  }
0x2f5: {  	[tilespmem:v25+s15+$0x0] =	vst.idx.msk $0xffff, v27;
	v25 =	vand.u32 $0x7FFFFF80, v26;
	v26 =	vor.u32 s29, v21  }
0x2f6: {  	v27 =	vld.idx.msk [tilespmem:v29+s14+$0x0], $0xffff;
	v25 =	vor.u32 v8, v25;
	v29 =	vand.u32 $0x5F, v26  }
0x2f7: {  	v29 =	vor.u32 v29, v28;
	_ =	sdelay $0x2  }
0x2f8: {  	v26 =	vshll.u32 v26, $0x4  }
0x2f9: {  	[tilespmem:v25+s15+$0x0] =	vst.idx.msk $0xffff, v27;
	v25 =	vand.u32 $0x7FFFFF80, v26;
	v26 =	vor.u32 s29, v22  }
0x2fa: {  	v27 =	vld.idx.msk [tilespmem:v29+s14+$0x0], $0xffff;
	v25 =	vor.u32 v10, v25;
	v29 =	vand.u32 $0x5F, v26  }
0x2fb: {  	v29 =	vor.u32 v29, v28;
	_ =	sdelay $0x2  }
0x2fc: {  	v26 =	vshll.u32 v26, $0x4  }
0x2fd: {  	[tilespmem:v25+s15+$0x0] =	vst.idx.msk $0xffff, v27;
	v25 =	vand.u32 $0x7FFFFF80, v26;
	v26 =	vor.u32 s29, v23  }
0x2fe: {  	v27 =	vld.idx.msk [tilespmem:v29+s14+$0x0], $0xffff;
	v25 =	vor.u32 v11, v25;
	v29 =	vand.u32 $0x5F, v26  }
0x2ff: {  	v29 =	vor.u32 v29, v28;
	_ =	sdelay $0x2  }
0x300: {  	v26 =	vshll.u32 v26, $0x4  }
0x301: {  	[tilespmem:v25+s15+$0x0] =	vst.idx.msk $0xffff, v27;
	v25 =	vand.u32 $0x7FFFFF80, v26;
	v26 =	vor.u32 s29, v24  }
0x302: {  	v27 =	vld.idx.msk [tilespmem:v29+s14+$0x0], $0xffff;
	v25 =	vor.u32 v12, v25;
	v29 =	vand.u32 $0x5F, v26  }
0x303: {  	v28 =	vor.u32 v29, v28  }
0x304: {  	s30 =	simm.s32 $0x20  }
0x305: {  	v29 =	vmov s30  }
0x306: {  	v26 =	vshll.u32 v26, $0x4;
	v29 =	vshll.u32 v29, $0x3  }
0x307: {  	[tilespmem:v25+s15+$0x0] =	vst.idx.msk $0xffff, v27;
	v25 =	vand.u32 $0x7FFFFF80, v26;
	v26 =	vor.u32 s30, v1;
	v27 =	vand.u32 $0x1C00, v29  }
0x308: {  	v28 =	vld.idx.msk [tilespmem:v28+s14+$0x0], $0xffff;
	v25 =	vor.u32 v13, v25;
	v29 =	vand.u32 $0x6F, v26;
	v27 =	vor.u32 v0, v27  }
0x309: {  	v29 =	vor.u32 v29, v27;
	_ =	sdelay $0x2  }
0x30a: {  	v26 =	vshll.u32 v26, $0x4  }
0x30b: {  	[tilespmem:v25+s15+$0x0] =	vst.idx.msk $0xffff, v28;
	v25 =	vand.u32 $0x7FFFFF80, v26;
	v26 =	vor.u32 s30, v3  }
0x30c: {  	v28 =	vld.idx.msk [tilespmem:v29+s14+$0x0], $0xffff;
	v25 =	vor.u32 v2, v25;
	v29 =	vand.u32 $0x6F, v26  }
0x30d: {  	v29 =	vor.u32 v29, v27;
	_ =	sdelay $0x2  }
0x30e: {  	v26 =	vshll.u32 v26, $0x4  }
0x30f: {  	[tilespmem:v25+s15+$0x0] =	vst.idx.msk $0xffff, v28;
	v25 =	vand.u32 $0x7FFFFF80, v26;
	v26 =	vor.u32 s30, v5  }
0x310: {  	v28 =	vld.idx.msk [tilespmem:v29+s14+$0x0], $0xffff;
	v25 =	vor.u32 v4, v25;
	v29 =	vand.u32 $0x6F, v26  }
0x311: {  	v29 =	vor.u32 v29, v27;
	_ =	sdelay $0x2  }
0x312: {  	v26 =	vshll.u32 v26, $0x4  }
0x313: {  	[tilespmem:v25+s15+$0x0] =	vst.idx.msk $0xffff, v28;
	v25 =	vand.u32 $0x7FFFFF80, v26;
	v26 =	vor.u32 s30, v7  }
0x314: {  	v28 =	vld.idx.msk [tilespmem:v29+s14+$0x0], $0xffff;
	v25 =	vor.u32 v6, v25;
	v29 =	vand.u32 $0x6F, v26  }
0x315: {  	v29 =	vor.u32 v29, v27;
	_ =	sdelay $0x2  }
0x316: {  	v26 =	vshll.u32 v26, $0x4  }
0x317: {  	[tilespmem:v25+s15+$0x0] =	vst.idx.msk $0xffff, v28;
	v25 =	vand.u32 $0x7FFFFF80, v26;
	v26 =	vor.u32 s30, v9  }
0x318: {  	v28 =	vld.idx.msk [tilespmem:v29+s14+$0x0], $0xffff;
	v25 =	vor.u32 v8, v25;
	v29 =	vand.u32 $0x6F, v26  }
0x319: {  	v29 =	vor.u32 v29, v27;
	_ =	sdelay $0x2  }
0x31a: {  	v26 =	vshll.u32 v26, $0x4  }
0x31b: {  	[tilespmem:v25+s15+$0x0] =	vst.idx.msk $0xffff, v28;
	v25 =	vand.u32 $0x7FFFFF80, v26;
	v26 =	vor.u32 s30, v14  }
0x31c: {  	v28 =	vld.idx.msk [tilespmem:v29+s14+$0x0], $0xffff;
	v25 =	vor.u32 v10, v25;
	v29 =	vand.u32 $0x6F, v26  }
0x31d: {  	v29 =	vor.u32 v29, v27;
	_ =	sdelay $0x2  }
0x31e: {  	v26 =	vshll.u32 v26, $0x4  }
0x31f: {  	[tilespmem:v25+s15+$0x0] =	vst.idx.msk $0xffff, v28;
	v25 =	vand.u32 $0x7FFFFF80, v26;
	v26 =	vor.u32 s30, v16  }
0x320: {  	v28 =	vld.idx.msk [tilespmem:v29+s14+$0x0], $0xffff;
	v25 =	vor.u32 v11, v25;
	v29 =	vand.u32 $0x6F, v26  }
0x321: {  	v29 =	vor.u32 v29, v27;
	_ =	sdelay $0x2  }
0x322: {  	v26 =	vshll.u32 v26, $0x4  }
0x323: {  	[tilespmem:v25+s15+$0x0] =	vst.idx.msk $0xffff, v28;
	v25 =	vand.u32 $0x7FFFFF80, v26;
	v26 =	vor.u32 s30, v17  }
0x324: {  	v28 =	vld.idx.msk [tilespmem:v29+s14+$0x0], $0xffff;
	v25 =	vor.u32 v12, v25;
	v29 =	vand.u32 $0x6F, v26  }
0x325: {  	v29 =	vor.u32 v29, v27;
	_ =	sdelay $0x2  }
0x326: {  	v26 =	vshll.u32 v26, $0x4  }
0x327: {  	[tilespmem:v25+s15+$0x0] =	vst.idx.msk $0xffff, v28;
	v25 =	vand.u32 $0x7FFFFF80, v26;
	v26 =	vor.u32 s30, v15  }
0x328: {  	v28 =	vld.idx.msk [tilespmem:v29+s14+$0x0], $0xffff;
	v25 =	vor.u32 v13, v25;
	v29 =	vand.u32 $0x6F, v26  }
0x329: {  	v29 =	vor.u32 v29, v27;
	_ =	sdelay $0x2  }
0x32a: {  	v26 =	vshll.u32 v26, $0x4  }
0x32b: {  	[tilespmem:v25+s15+$0x0] =	vst.idx.msk $0xffff, v28;
	v25 =	vand.u32 $0x7FFFFF80, v26;
	v26 =	vor.u32 s30, v18  }
0x32c: {  	v28 =	vld.idx.msk [tilespmem:v29+s14+$0x0], $0xffff;
	v25 =	vor.u32 v2, v25;
	v29 =	vand.u32 $0x6F, v26  }
0x32d: {  	v29 =	vor.u32 v29, v27;
	_ =	sdelay $0x2  }
0x32e: {  	v26 =	vshll.u32 v26, $0x4  }
0x32f: {  	[tilespmem:v25+s15+$0x0] =	vst.idx.msk $0xffff, v28;
	v25 =	vand.u32 $0x7FFFFF80, v26;
	v26 =	vor.u32 s30, v19  }
0x330: {  	v28 =	vld.idx.msk [tilespmem:v29+s14+$0x0], $0xffff;
	v25 =	vor.u32 v4, v25;
	v29 =	vand.u32 $0x6F, v26  }
0x331: {  	v29 =	vor.u32 v29, v27;
	_ =	sdelay $0x2  }
0x332: {  	v26 =	vshll.u32 v26, $0x4  }
0x333: {  	[tilespmem:v25+s15+$0x0] =	vst.idx.msk $0xffff, v28;
	v25 =	vand.u32 $0x7FFFFF80, v26;
	v26 =	vor.u32 s30, v20  }
0x334: {  	v28 =	vld.idx.msk [tilespmem:v29+s14+$0x0], $0xffff;
	v25 =	vor.u32 v6, v25;
	v29 =	vand.u32 $0x6F, v26  }
0x335: {  	v29 =	vor.u32 v29, v27;
	_ =	sdelay $0x2  }
0x336: {  	v26 =	vshll.u32 v26, $0x4  }
0x337: {  	[tilespmem:v25+s15+$0x0] =	vst.idx.msk $0xffff, v28;
	v25 =	vand.u32 $0x7FFFFF80, v26;
	v26 =	vor.u32 s30, v21  }
0x338: {  	v28 =	vld.idx.msk [tilespmem:v29+s14+$0x0], $0xffff;
	v25 =	vor.u32 v8, v25;
	v29 =	vand.u32 $0x6F, v26  }
0x339: {  	v29 =	vor.u32 v29, v27;
	_ =	sdelay $0x2  }
0x33a: {  	v26 =	vshll.u32 v26, $0x4  }
0x33b: {  	[tilespmem:v25+s15+$0x0] =	vst.idx.msk $0xffff, v28;
	v25 =	vand.u32 $0x7FFFFF80, v26;
	v26 =	vor.u32 s30, v22  }
0x33c: {  	v28 =	vld.idx.msk [tilespmem:v29+s14+$0x0], $0xffff;
	v25 =	vor.u32 v10, v25;
	v29 =	vand.u32 $0x6F, v26  }
0x33d: {  	v29 =	vor.u32 v29, v27;
	_ =	sdelay $0x2  }
0x33e: {  	v26 =	vshll.u32 v26, $0x4  }
0x33f: {  	[tilespmem:v25+s15+$0x0] =	vst.idx.msk $0xffff, v28;
	v25 =	vand.u32 $0x7FFFFF80, v26;
	v26 =	vor.u32 s30, v23  }
0x340: {  	v28 =	vld.idx.msk [tilespmem:v29+s14+$0x0], $0xffff;
	v25 =	vor.u32 v11, v25;
	v29 =	vand.u32 $0x6F, v26  }
0x341: {  	v29 =	vor.u32 v29, v27;
	_ =	sdelay $0x2  }
0x342: {  	v26 =	vshll.u32 v26, $0x4  }
0x343: {  	[tilespmem:v25+s15+$0x0] =	vst.idx.msk $0xffff, v28;
	v25 =	vand.u32 $0x7FFFFF80, v26;
	v26 =	vor.u32 s30, v24  }
0x344: {  	v28 =	vld.idx.msk [tilespmem:v29+s14+$0x0], $0xffff;
	v25 =	vor.u32 v12, v25;
	v29 =	vand.u32 $0x6F, v26  }
0x345: {  	v27 =	vor.u32 v29, v27  }
0x346: {  	s31 =	simm.s32 $0x30  }
0x347: {  	v29 =	vmov s31  }
0x348: {  	v26 =	vshll.u32 v26, $0x4;
	v29 =	vshll.u32 v29, $0x3  }
0x349: {  	[tilespmem:v25+s15+$0x0] =	vst.idx.msk $0xffff, v28;
	v25 =	vand.u32 $0x7FFFFF80, v26;
	v26 =	vor.u32 s31, v1;
	v28 =	vand.u32 $0x1C00, v29  }
0x34a: {  	v27 =	vld.idx.msk [tilespmem:v27+s14+$0x0], $0xffff;
	v25 =	vor.u32 v13, v25;
	v29 =	vand.u32 $0x7F, v26;
	v30 =	vor.u32 v0, v28  }
0x34b: {  	v28 =	vor.u32 v29, v30;
	_ =	sdelay $0x2  }
0x34c: {  	v26 =	vshll.u32 v26, $0x4  }
0x34d: {  	[tilespmem:v25+s15+$0x0] =	vst.idx.msk $0xffff, v27;
	v25 =	vand.u32 $0x7FFFFF80, v26;
	v26 =	vor.u32 s31, v3  }
0x34e: {  	v27 =	vld.idx.msk [tilespmem:v28+s14+$0x0], $0xffff;
	v25 =	vor.u32 v2, v25;
	v28 =	vand.u32 $0x7F, v26  }
0x34f: {  	v28 =	vor.u32 v28, v30;
	_ =	sdelay $0x2  }
0x350: {  	v26 =	vshll.u32 v26, $0x4  }
0x351: {  	[tilespmem:v25+s15+$0x0] =	vst.idx.msk $0xffff, v27;
	v25 =	vand.u32 $0x7FFFFF80, v26;
	v26 =	vor.u32 s31, v5  }
0x352: {  	v27 =	vld.idx.msk [tilespmem:v28+s14+$0x0], $0xffff;
	v25 =	vor.u32 v4, v25;
	v28 =	vand.u32 $0x7F, v26  }
0x353: {  	v28 =	vor.u32 v28, v30;
	_ =	sdelay $0x2  }
0x354: {  	v26 =	vshll.u32 v26, $0x4  }
0x355: {  	[tilespmem:v25+s15+$0x0] =	vst.idx.msk $0xffff, v27;
	v25 =	vand.u32 $0x7FFFFF80, v26;
	v26 =	vor.u32 s31, v7  }
0x356: {  	v27 =	vld.idx.msk [tilespmem:v28+s14+$0x0], $0xffff;
	v25 =	vor.u32 v6, v25;
	v28 =	vand.u32 $0x7F, v26  }
0x357: {  	v28 =	vor.u32 v28, v30;
	_ =	sdelay $0x2  }
0x358: {  	v26 =	vshll.u32 v26, $0x4  }
0x359: {  	[tilespmem:v25+s15+$0x0] =	vst.idx.msk $0xffff, v27;
	v25 =	vand.u32 $0x7FFFFF80, v26;
	v26 =	vor.u32 s31, v9  }
0x35a: {  	v27 =	vld.idx.msk [tilespmem:v28+s14+$0x0], $0xffff;
	v25 =	vor.u32 v8, v25;
	v28 =	vand.u32 $0x7F, v26  }
0x35b: {  	v28 =	vor.u32 v28, v30;
	_ =	sdelay $0x2  }
0x35c: {  	v26 =	vshll.u32 v26, $0x4  }
0x35d: {  	[tilespmem:v25+s15+$0x0] =	vst.idx.msk $0xffff, v27;
	v25 =	vand.u32 $0x7FFFFF80, v26;
	v26 =	vor.u32 s31, v14  }
0x35e: {  	v27 =	vld.idx.msk [tilespmem:v28+s14+$0x0], $0xffff;
	v25 =	vor.u32 v10, v25;
	v28 =	vand.u32 $0x7F, v26  }
0x35f: {  	v28 =	vor.u32 v28, v30;
	_ =	sdelay $0x2  }
0x360: {  	v26 =	vshll.u32 v26, $0x4  }
0x361: {  	[tilespmem:v25+s15+$0x0] =	vst.idx.msk $0xffff, v27;
	v25 =	vand.u32 $0x7FFFFF80, v26;
	v26 =	vor.u32 s31, v16  }
0x362: {  	v27 =	vld.idx.msk [tilespmem:v28+s14+$0x0], $0xffff;
	v25 =	vor.u32 v11, v25;
	v28 =	vand.u32 $0x7F, v26  }
0x363: {  	v28 =	vor.u32 v28, v30;
	_ =	sdelay $0x2  }
0x364: {  	v26 =	vshll.u32 v26, $0x4  }
0x365: {  	[tilespmem:v25+s15+$0x0] =	vst.idx.msk $0xffff, v27;
	v25 =	vand.u32 $0x7FFFFF80, v26;
	v26 =	vor.u32 s31, v17  }
0x366: {  	v27 =	vld.idx.msk [tilespmem:v28+s14+$0x0], $0xffff;
	v25 =	vor.u32 v12, v25;
	v28 =	vand.u32 $0x7F, v26  }
0x367: {  	v28 =	vor.u32 v28, v30;
	_ =	sdelay $0x2  }
0x368: {  	v26 =	vshll.u32 v26, $0x4  }
0x369: {  	[tilespmem:v25+s15+$0x0] =	vst.idx.msk $0xffff, v27;
	v25 =	vand.u32 $0x7FFFFF80, v26;
	v26 =	vor.u32 s31, v15  }
0x36a: {  	v27 =	vld.idx.msk [tilespmem:v28+s14+$0x0], $0xffff;
	v25 =	vor.u32 v13, v25;
	v28 =	vand.u32 $0x7F, v26  }
0x36b: {  	v28 =	vor.u32 v28, v30;
	_ =	sdelay $0x2  }
0x36c: {  	v26 =	vshll.u32 v26, $0x4  }
0x36d: {  	[tilespmem:v25+s15+$0x0] =	vst.idx.msk $0xffff, v27;
	v25 =	vand.u32 $0x7FFFFF80, v26;
	v26 =	vor.u32 s31, v18  }
0x36e: {  	v27 =	vld.idx.msk [tilespmem:v28+s14+$0x0], $0xffff;
	v25 =	vor.u32 v2, v25;
	v28 =	vand.u32 $0x7F, v26  }
0x36f: {  	v28 =	vor.u32 v28, v30;
	_ =	sdelay $0x2  }
0x370: {  	v26 =	vshll.u32 v26, $0x4  }
0x371: {  	[tilespmem:v25+s15+$0x0] =	vst.idx.msk $0xffff, v27;
	v25 =	vand.u32 $0x7FFFFF80, v26;
	v26 =	vor.u32 s31, v19  }
0x372: {  	v27 =	vld.idx.msk [tilespmem:v28+s14+$0x0], $0xffff;
	v25 =	vor.u32 v4, v25;
	v28 =	vand.u32 $0x7F, v26  }
0x373: {  	v28 =	vor.u32 v28, v30;
	_ =	sdelay $0x2  }
0x374: {  	v26 =	vshll.u32 v26, $0x4  }
0x375: {  	[tilespmem:v25+s15+$0x0] =	vst.idx.msk $0xffff, v27;
	v25 =	vand.u32 $0x7FFFFF80, v26;
	v26 =	vor.u32 s31, v20  }
0x376: {  	v27 =	vld.idx.msk [tilespmem:v28+s14+$0x0], $0xffff;
	v25 =	vor.u32 v6, v25;
	v28 =	vand.u32 $0x7F, v26  }
0x377: {  	v28 =	vor.u32 v28, v30;
	_ =	sdelay $0x2  }
0x378: {  	v26 =	vshll.u32 v26, $0x4  }
0x379: {  	[tilespmem:v25+s15+$0x0] =	vst.idx.msk $0xffff, v27;
	v25 =	vand.u32 $0x7FFFFF80, v26;
	v26 =	vor.u32 s31, v21  }
0x37a: {  	v27 =	vld.idx.msk [tilespmem:v28+s14+$0x0], $0xffff;
	v25 =	vor.u32 v8, v25;
	v28 =	vand.u32 $0x7F, v26  }
0x37b: {  	v28 =	vor.u32 v28, v30;
	_ =	sdelay $0x2  }
0x37c: {  	v26 =	vshll.u32 v26, $0x4  }
0x37d: {  	[tilespmem:v25+s15+$0x0] =	vst.idx.msk $0xffff, v27;
	v25 =	vand.u32 $0x7FFFFF80, v26;
	v26 =	vor.u32 s31, v22  }
0x37e: {  	v27 =	vld.idx.msk [tilespmem:v28+s14+$0x0], $0xffff;
	v25 =	vor.u32 v10, v25;
	v28 =	vand.u32 $0x7F, v26  }
0x37f: {  	v28 =	vor.u32 v28, v30;
	_ =	sdelay $0x2  }
0x380: {  	v26 =	vshll.u32 v26, $0x4  }
0x381: {  	[tilespmem:v25+s15+$0x0] =	vst.idx.msk $0xffff, v27;
	v25 =	vand.u32 $0x7FFFFF80, v26;
	v26 =	vor.u32 s31, v23  }
0x382: {  	v27 =	vld.idx.msk [tilespmem:v28+s14+$0x0], $0xffff;
	v25 =	vor.u32 v11, v25;
	v28 =	vand.u32 $0x7F, v26  }
0x383: {  	v28 =	vor.u32 v28, v30;
	_ =	sdelay $0x2  }
0x384: {  	v29 =	vshll.u32 v26, $0x4  }
0x385: {  	v26 =	vor.u32 s31, v24;
	[tilespmem:v25+s15+$0x0] =	vst.idx.msk $0xffff, v27;
	v25 =	vand.u32 $0x7FFFFF80, v29  }
0x386: {  	v29 =	vand.u32 $0x7F, v26;
	v27 =	vld.idx.msk [tilespmem:v28+s14+$0x0], $0xffff;
	v28 =	vor.u32 v12, v25  }
0x387: {  	v25 =	vor.u32 v29, v30  }
0x388: {  	s22 =	simm.s32 $0x70;
	s21 =	simm.s32 $0x0  }
.LBB2_8:
0x389: {  	s23 =	sadd.s32 $0xFFFFFFD0, s22;
	s21 =	sadd.s32 $0x4, s21  }
0x38a: {  	v29 =	vmov s23;
	p1 =	slt.u32 s21, $0x3C  }
0x38b: {  	v26 =	vshll.u32 v26, $0x4;
	v29 =	vshll.u32 v29, $0x3;
	[tilespmem:v28+s15+$0x0] =	vst.idx.msk $0xffff, v27  }
0x38c: {  	v26 =	vand.u32 $0x7FFFFF80, v26;
	v27 =	vor.u32 s23, v1;
	v28 =	vand.u32 $0x1C00, v29;
	v29 =	vld.idx.msk [tilespmem:v25+s14+$0x0], $0xffff  }
0x38d: {  	v26 =	vor.u32 v13, v26;
	v30 =	vand.u32 $0x4F, v27;
	v25 =	vor.u32 v0, v28  }
0x38e: {  	v28 =	vor.u32 v30, v25;
	_ =	sdelay $0x3  }
0x38f: {  	v27 =	vshll.u32 v27, $0x4;
	[tilespmem:v26+s15+$0x0] =	vst.idx.msk $0xffff, v29  }
0x390: {  	v27 =	vand.u32 $0x3C80, v27;
	v26 =	vld.idx.msk [tilespmem:v28+s14+$0x0], $0xffff;
	v28 =	vor.u32 s23, v3  }
0x391: {  	v27 =	vor.u32 v2, v27;
	v29 =	vand.u32 $0x4F, v28  }
0x392: {  	v29 =	vor.u32 v29, v25;
	_ =	sdelay $0x3  }
0x393: {  	[tilespmem:v27+s15+$0x0] =	vst.idx.msk $0xffff, v26;
	v26 =	vshll.u32 v28, $0x4  }
0x394: {  	v28 =	vor.u32 s23, v5;
	v27 =	vld.idx.msk [tilespmem:v29+s14+$0x0], $0xffff;
	v26 =	vand.u32 $0x3C80, v26  }
0x395: {  	v29 =	vand.u32 $0x4F, v28;
	v26 =	vor.u32 v4, v26  }
0x396: {  	v29 =	vor.u32 v29, v25;
	_ =	sdelay $0x3  }
0x397: {  	[tilespmem:v26+s15+$0x0] =	vst.idx.msk $0xffff, v27;
	v26 =	vshll.u32 v28, $0x4  }
0x398: {  	v28 =	vor.u32 s23, v7;
	v27 =	vld.idx.msk [tilespmem:v29+s14+$0x0], $0xffff;
	v26 =	vand.u32 $0x3C80, v26  }
0x399: {  	v29 =	vand.u32 $0x4F, v28;
	v26 =	vor.u32 v6, v26  }
0x39a: {  	v29 =	vor.u32 v29, v25;
	_ =	sdelay $0x3  }
0x39b: {  	[tilespmem:v26+s15+$0x0] =	vst.idx.msk $0xffff, v27;
	v26 =	vshll.u32 v28, $0x4  }
0x39c: {  	v28 =	vor.u32 s23, v9;
	v27 =	vld.idx.msk [tilespmem:v29+s14+$0x0], $0xffff;
	v26 =	vand.u32 $0x3C80, v26  }
0x39d: {  	v29 =	vand.u32 $0x4F, v28;
	v26 =	vor.u32 v8, v26  }
0x39e: {  	v29 =	vor.u32 v29, v25;
	_ =	sdelay $0x3  }
0x39f: {  	[tilespmem:v26+s15+$0x0] =	vst.idx.msk $0xffff, v27;
	v26 =	vshll.u32 v28, $0x4  }
0x3a0: {  	v28 =	vor.u32 s23, v14;
	v27 =	vld.idx.msk [tilespmem:v29+s14+$0x0], $0xffff;
	v26 =	vand.u32 $0x3C80, v26  }
0x3a1: {  	v29 =	vand.u32 $0x4F, v28;
	v26 =	vor.u32 v10, v26  }
0x3a2: {  	v29 =	vor.u32 v29, v25;
	_ =	sdelay $0x3  }
0x3a3: {  	[tilespmem:v26+s15+$0x0] =	vst.idx.msk $0xffff, v27;
	v26 =	vshll.u32 v28, $0x4  }
0x3a4: {  	v28 =	vor.u32 s23, v16;
	v27 =	vld.idx.msk [tilespmem:v29+s14+$0x0], $0xffff;
	v26 =	vand.u32 $0x3C80, v26  }
0x3a5: {  	v29 =	vand.u32 $0x4F, v28;
	v26 =	vor.u32 v11, v26  }
0x3a6: {  	v29 =	vor.u32 v29, v25;
	_ =	sdelay $0x3  }
0x3a7: {  	[tilespmem:v26+s15+$0x0] =	vst.idx.msk $0xffff, v27;
	v26 =	vshll.u32 v28, $0x4  }
0x3a8: {  	v28 =	vor.u32 s23, v17;
	v27 =	vld.idx.msk [tilespmem:v29+s14+$0x0], $0xffff;
	v26 =	vand.u32 $0x3C80, v26  }
0x3a9: {  	v29 =	vand.u32 $0x4F, v28;
	v26 =	vor.u32 v12, v26  }
0x3aa: {  	v29 =	vor.u32 v29, v25;
	_ =	sdelay $0x3  }
0x3ab: {  	[tilespmem:v26+s15+$0x0] =	vst.idx.msk $0xffff, v27;
	v26 =	vshll.u32 v28, $0x4  }
0x3ac: {  	v28 =	vor.u32 s23, v15;
	v27 =	vld.idx.msk [tilespmem:v29+s14+$0x0], $0xffff;
	v26 =	vand.u32 $0x3C80, v26  }
0x3ad: {  	v29 =	vand.u32 $0x4F, v28;
	v26 =	vor.u32 v13, v26  }
0x3ae: {  	v29 =	vor.u32 v29, v25;
	_ =	sdelay $0x3  }
0x3af: {  	[tilespmem:v26+s15+$0x0] =	vst.idx.msk $0xffff, v27;
	v26 =	vshll.u32 v28, $0x4  }
0x3b0: {  	v28 =	vor.u32 s23, v18;
	v27 =	vld.idx.msk [tilespmem:v29+s14+$0x0], $0xffff;
	v26 =	vand.u32 $0x3C80, v26  }
0x3b1: {  	v29 =	vand.u32 $0x4F, v28;
	v26 =	vor.u32 v2, v26  }
0x3b2: {  	v29 =	vor.u32 v29, v25;
	_ =	sdelay $0x3  }
0x3b3: {  	[tilespmem:v26+s15+$0x0] =	vst.idx.msk $0xffff, v27;
	v26 =	vshll.u32 v28, $0x4  }
0x3b4: {  	v28 =	vor.u32 s23, v19;
	v27 =	vld.idx.msk [tilespmem:v29+s14+$0x0], $0xffff;
	v26 =	vand.u32 $0x3C80, v26  }
0x3b5: {  	v29 =	vand.u32 $0x4F, v28;
	v26 =	vor.u32 v4, v26  }
0x3b6: {  	v29 =	vor.u32 v29, v25;
	_ =	sdelay $0x3  }
0x3b7: {  	[tilespmem:v26+s15+$0x0] =	vst.idx.msk $0xffff, v27;
	v26 =	vshll.u32 v28, $0x4  }
0x3b8: {  	v28 =	vor.u32 s23, v20;
	v27 =	vld.idx.msk [tilespmem:v29+s14+$0x0], $0xffff;
	v26 =	vand.u32 $0x3C80, v26  }
0x3b9: {  	v29 =	vand.u32 $0x4F, v28;
	v26 =	vor.u32 v6, v26  }
0x3ba: {  	v29 =	vor.u32 v29, v25;
	_ =	sdelay $0x3  }
0x3bb: {  	[tilespmem:v26+s15+$0x0] =	vst.idx.msk $0xffff, v27;
	v26 =	vshll.u32 v28, $0x4  }
0x3bc: {  	v28 =	vor.u32 s23, v21;
	v27 =	vld.idx.msk [tilespmem:v29+s14+$0x0], $0xffff;
	v26 =	vand.u32 $0x3C80, v26  }
0x3bd: {  	v29 =	vand.u32 $0x4F, v28;
	v26 =	vor.u32 v8, v26  }
0x3be: {  	v29 =	vor.u32 v29, v25;
	_ =	sdelay $0x3  }
0x3bf: {  	[tilespmem:v26+s15+$0x0] =	vst.idx.msk $0xffff, v27;
	v26 =	vshll.u32 v28, $0x4  }
0x3c0: {  	v28 =	vor.u32 s23, v22;
	v27 =	vld.idx.msk [tilespmem:v29+s14+$0x0], $0xffff;
	v26 =	vand.u32 $0x3C80, v26  }
0x3c1: {  	v29 =	vand.u32 $0x4F, v28;
	v26 =	vor.u32 v10, v26  }
0x3c2: {  	v29 =	vor.u32 v29, v25;
	_ =	sdelay $0x3  }
0x3c3: {  	[tilespmem:v26+s15+$0x0] =	vst.idx.msk $0xffff, v27;
	v26 =	vshll.u32 v28, $0x4  }
0x3c4: {  	v28 =	vor.u32 s23, v23;
	v27 =	vld.idx.msk [tilespmem:v29+s14+$0x0], $0xffff;
	v26 =	vand.u32 $0x3C80, v26  }
0x3c5: {  	v29 =	vand.u32 $0x4F, v28;
	v26 =	vor.u32 v11, v26  }
0x3c6: {  	v29 =	vor.u32 v29, v25;
	_ =	sdelay $0x3  }
0x3c7: {  	[tilespmem:v26+s15+$0x0] =	vst.idx.msk $0xffff, v27;
	v26 =	vshll.u32 v28, $0x4  }
0x3c8: {  	v28 =	vor.u32 s23, v24;
	v27 =	vld.idx.msk [tilespmem:v29+s14+$0x0], $0xffff;
	v26 =	vand.u32 $0x3C80, v26  }
0x3c9: {  	v29 =	vand.u32 $0x4F, v28;
	v26 =	vor.u32 v12, v26  }
0x3ca: {  	v25 =	vor.u32 v29, v25;
	_ =	sdelay $0x1  }
0x3cb: {  	s23 =	sadd.s32 $0xFFFFFFE0, s22  }
0x3cc: {  	v29 =	vmov s23  }
0x3cd: {  	[tilespmem:v26+s15+$0x0] =	vst.idx.msk $0xffff, v27;
	v26 =	vshll.u32 v28, $0x4;
	v27 =	vshll.u32 v29, $0x3  }
0x3ce: {  	v28 =	vld.idx.msk [tilespmem:v25+s14+$0x0], $0xffff;
	v25 =	vand.u32 $0x3C80, v26;
	v26 =	vor.u32 s23, v1;
	v27 =	vand.u32 $0x1C00, v27  }
0x3cf: {  	v29 =	vor.u32 v13, v25;
	v30 =	vand.u32 $0x5F, v26;
	v25 =	vor.u32 v0, v27  }
0x3d0: {  	v27 =	vor.u32 v30, v25;
	_ =	sdelay $0x3  }
0x3d1: {  	v26 =	vshll.u32 v26, $0x4;
	[tilespmem:v29+s15+$0x0] =	vst.idx.msk $0xffff, v28  }
0x3d2: {  	v26 =	vand.u32 $0x7FFFFF80, v26;
	v28 =	vor.u32 s23, v3;
	v27 =	vld.idx.msk [tilespmem:v27+s14+$0x0], $0xffff  }
0x3d3: {  	v26 =	vor.u32 v2, v26;
	v29 =	vand.u32 $0x5F, v28  }
0x3d4: {  	v29 =	vor.u32 v29, v25;
	_ =	sdelay $0x3  }
0x3d5: {  	[tilespmem:v26+s15+$0x0] =	vst.idx.msk $0xffff, v27;
	v26 =	vshll.u32 v28, $0x4  }
0x3d6: {  	v28 =	vor.u32 s23, v5;
	v27 =	vld.idx.msk [tilespmem:v29+s14+$0x0], $0xffff;
	v26 =	vand.u32 $0x7FFFFF80, v26  }
0x3d7: {  	v29 =	vand.u32 $0x5F, v28;
	v26 =	vor.u32 v4, v26  }
0x3d8: {  	v29 =	vor.u32 v29, v25;
	_ =	sdelay $0x3  }
0x3d9: {  	[tilespmem:v26+s15+$0x0] =	vst.idx.msk $0xffff, v27;
	v26 =	vshll.u32 v28, $0x4  }
0x3da: {  	v28 =	vor.u32 s23, v7;
	v27 =	vld.idx.msk [tilespmem:v29+s14+$0x0], $0xffff;
	v26 =	vand.u32 $0x7FFFFF80, v26  }
0x3db: {  	v29 =	vand.u32 $0x5F, v28;
	v26 =	vor.u32 v6, v26  }
0x3dc: {  	v29 =	vor.u32 v29, v25;
	_ =	sdelay $0x3  }
0x3dd: {  	[tilespmem:v26+s15+$0x0] =	vst.idx.msk $0xffff, v27;
	v26 =	vshll.u32 v28, $0x4  }
0x3de: {  	v28 =	vor.u32 s23, v9;
	v27 =	vld.idx.msk [tilespmem:v29+s14+$0x0], $0xffff;
	v26 =	vand.u32 $0x7FFFFF80, v26  }
0x3df: {  	v29 =	vand.u32 $0x5F, v28;
	v26 =	vor.u32 v8, v26  }
0x3e0: {  	v29 =	vor.u32 v29, v25;
	_ =	sdelay $0x3  }
0x3e1: {  	[tilespmem:v26+s15+$0x0] =	vst.idx.msk $0xffff, v27;
	v26 =	vshll.u32 v28, $0x4  }
0x3e2: {  	v28 =	vor.u32 s23, v14;
	v27 =	vld.idx.msk [tilespmem:v29+s14+$0x0], $0xffff;
	v26 =	vand.u32 $0x7FFFFF80, v26  }
0x3e3: {  	v29 =	vand.u32 $0x5F, v28;
	v26 =	vor.u32 v10, v26  }
0x3e4: {  	v29 =	vor.u32 v29, v25;
	_ =	sdelay $0x3  }
0x3e5: {  	[tilespmem:v26+s15+$0x0] =	vst.idx.msk $0xffff, v27;
	v26 =	vshll.u32 v28, $0x4  }
0x3e6: {  	v28 =	vor.u32 s23, v16;
	v27 =	vld.idx.msk [tilespmem:v29+s14+$0x0], $0xffff;
	v26 =	vand.u32 $0x7FFFFF80, v26  }
0x3e7: {  	v29 =	vand.u32 $0x5F, v28;
	v26 =	vor.u32 v11, v26  }
0x3e8: {  	v29 =	vor.u32 v29, v25;
	_ =	sdelay $0x3  }
0x3e9: {  	[tilespmem:v26+s15+$0x0] =	vst.idx.msk $0xffff, v27;
	v26 =	vshll.u32 v28, $0x4  }
0x3ea: {  	v28 =	vor.u32 s23, v17;
	v27 =	vld.idx.msk [tilespmem:v29+s14+$0x0], $0xffff;
	v26 =	vand.u32 $0x7FFFFF80, v26  }
0x3eb: {  	v29 =	vand.u32 $0x5F, v28;
	v26 =	vor.u32 v12, v26  }
0x3ec: {  	v29 =	vor.u32 v29, v25;
	_ =	sdelay $0x3  }
0x3ed: {  	[tilespmem:v26+s15+$0x0] =	vst.idx.msk $0xffff, v27;
	v26 =	vshll.u32 v28, $0x4  }
0x3ee: {  	v28 =	vor.u32 s23, v15;
	v27 =	vld.idx.msk [tilespmem:v29+s14+$0x0], $0xffff;
	v26 =	vand.u32 $0x7FFFFF80, v26  }
0x3ef: {  	v29 =	vand.u32 $0x5F, v28;
	v26 =	vor.u32 v13, v26  }
0x3f0: {  	v29 =	vor.u32 v29, v25;
	_ =	sdelay $0x3  }
0x3f1: {  	[tilespmem:v26+s15+$0x0] =	vst.idx.msk $0xffff, v27;
	v26 =	vshll.u32 v28, $0x4  }
0x3f2: {  	v28 =	vor.u32 s23, v18;
	v27 =	vld.idx.msk [tilespmem:v29+s14+$0x0], $0xffff;
	v26 =	vand.u32 $0x7FFFFF80, v26  }
0x3f3: {  	v29 =	vand.u32 $0x5F, v28;
	v26 =	vor.u32 v2, v26  }
0x3f4: {  	v29 =	vor.u32 v29, v25;
	_ =	sdelay $0x3  }
0x3f5: {  	[tilespmem:v26+s15+$0x0] =	vst.idx.msk $0xffff, v27;
	v26 =	vshll.u32 v28, $0x4  }
0x3f6: {  	v28 =	vor.u32 s23, v19;
	v27 =	vld.idx.msk [tilespmem:v29+s14+$0x0], $0xffff;
	v26 =	vand.u32 $0x7FFFFF80, v26  }
0x3f7: {  	v29 =	vand.u32 $0x5F, v28;
	v26 =	vor.u32 v4, v26  }
0x3f8: {  	v29 =	vor.u32 v29, v25;
	_ =	sdelay $0x3  }
0x3f9: {  	[tilespmem:v26+s15+$0x0] =	vst.idx.msk $0xffff, v27;
	v26 =	vshll.u32 v28, $0x4  }
0x3fa: {  	v28 =	vor.u32 s23, v20;
	v27 =	vld.idx.msk [tilespmem:v29+s14+$0x0], $0xffff;
	v26 =	vand.u32 $0x7FFFFF80, v26  }
0x3fb: {  	v29 =	vand.u32 $0x5F, v28;
	v26 =	vor.u32 v6, v26  }
0x3fc: {  	v29 =	vor.u32 v29, v25;
	_ =	sdelay $0x3  }
0x3fd: {  	[tilespmem:v26+s15+$0x0] =	vst.idx.msk $0xffff, v27;
	v26 =	vshll.u32 v28, $0x4  }
0x3fe: {  	v28 =	vor.u32 s23, v21;
	v27 =	vld.idx.msk [tilespmem:v29+s14+$0x0], $0xffff;
	v26 =	vand.u32 $0x7FFFFF80, v26  }
0x3ff: {  	v29 =	vand.u32 $0x5F, v28;
	v26 =	vor.u32 v8, v26  }
0x400: {  	v29 =	vor.u32 v29, v25;
	_ =	sdelay $0x3  }
0x401: {  	[tilespmem:v26+s15+$0x0] =	vst.idx.msk $0xffff, v27;
	v26 =	vshll.u32 v28, $0x4  }
0x402: {  	v28 =	vor.u32 s23, v22;
	v27 =	vld.idx.msk [tilespmem:v29+s14+$0x0], $0xffff;
	v26 =	vand.u32 $0x7FFFFF80, v26  }
0x403: {  	v29 =	vand.u32 $0x5F, v28;
	v26 =	vor.u32 v10, v26  }
0x404: {  	v29 =	vor.u32 v29, v25;
	_ =	sdelay $0x3  }
0x405: {  	[tilespmem:v26+s15+$0x0] =	vst.idx.msk $0xffff, v27;
	v26 =	vshll.u32 v28, $0x4  }
0x406: {  	v28 =	vor.u32 s23, v23;
	v27 =	vld.idx.msk [tilespmem:v29+s14+$0x0], $0xffff;
	v26 =	vand.u32 $0x7FFFFF80, v26  }
0x407: {  	v29 =	vand.u32 $0x5F, v28;
	v26 =	vor.u32 v11, v26  }
0x408: {  	v29 =	vor.u32 v29, v25;
	_ =	sdelay $0x3  }
0x409: {  	[tilespmem:v26+s15+$0x0] =	vst.idx.msk $0xffff, v27;
	v26 =	vshll.u32 v28, $0x4  }
0x40a: {  	v28 =	vor.u32 s23, v24;
	v27 =	vld.idx.msk [tilespmem:v29+s14+$0x0], $0xffff;
	v26 =	vand.u32 $0x7FFFFF80, v26  }
0x40b: {  	v29 =	vand.u32 $0x5F, v28;
	v26 =	vor.u32 v12, v26  }
0x40c: {  	v25 =	vor.u32 v29, v25;
	_ =	sdelay $0x1  }
0x40d: {  	s23 =	sadd.s32 $0xFFFFFFF0, s22  }
0x40e: {  	v29 =	vmov s23  }
0x40f: {  	[tilespmem:v26+s15+$0x0] =	vst.idx.msk $0xffff, v27;
	v26 =	vshll.u32 v28, $0x4;
	v27 =	vshll.u32 v29, $0x3  }
0x410: {  	v28 =	vld.idx.msk [tilespmem:v25+s14+$0x0], $0xffff;
	v25 =	vand.u32 $0x7FFFFF80, v26;
	v26 =	vor.u32 s23, v1;
	v27 =	vand.u32 $0x1C00, v27  }
0x411: {  	v29 =	vor.u32 v13, v25;
	v30 =	vand.u32 $0x6F, v26;
	v25 =	vor.u32 v0, v27  }
0x412: {  	v27 =	vor.u32 v30, v25;
	_ =	sdelay $0x3  }
0x413: {  	v26 =	vshll.u32 v26, $0x4;
	[tilespmem:v29+s15+$0x0] =	vst.idx.msk $0xffff, v28  }
0x414: {  	v26 =	vand.u32 $0x7FFFFF80, v26;
	v28 =	vor.u32 s23, v3;
	v27 =	vld.idx.msk [tilespmem:v27+s14+$0x0], $0xffff  }
0x415: {  	v26 =	vor.u32 v2, v26;
	v29 =	vand.u32 $0x6F, v28  }
0x416: {  	v29 =	vor.u32 v29, v25;
	_ =	sdelay $0x3  }
0x417: {  	[tilespmem:v26+s15+$0x0] =	vst.idx.msk $0xffff, v27;
	v26 =	vshll.u32 v28, $0x4  }
0x418: {  	v28 =	vor.u32 s23, v5;
	v27 =	vld.idx.msk [tilespmem:v29+s14+$0x0], $0xffff;
	v26 =	vand.u32 $0x7FFFFF80, v26  }
0x419: {  	v29 =	vand.u32 $0x6F, v28;
	v26 =	vor.u32 v4, v26  }
0x41a: {  	v29 =	vor.u32 v29, v25;
	_ =	sdelay $0x3  }
0x41b: {  	[tilespmem:v26+s15+$0x0] =	vst.idx.msk $0xffff, v27;
	v26 =	vshll.u32 v28, $0x4  }
0x41c: {  	v28 =	vor.u32 s23, v7;
	v27 =	vld.idx.msk [tilespmem:v29+s14+$0x0], $0xffff;
	v26 =	vand.u32 $0x7FFFFF80, v26  }
0x41d: {  	v29 =	vand.u32 $0x6F, v28;
	v26 =	vor.u32 v6, v26  }
0x41e: {  	v29 =	vor.u32 v29, v25;
	_ =	sdelay $0x3  }
0x41f: {  	[tilespmem:v26+s15+$0x0] =	vst.idx.msk $0xffff, v27;
	v26 =	vshll.u32 v28, $0x4  }
0x420: {  	v28 =	vor.u32 s23, v9;
	v27 =	vld.idx.msk [tilespmem:v29+s14+$0x0], $0xffff;
	v26 =	vand.u32 $0x7FFFFF80, v26  }
0x421: {  	v29 =	vand.u32 $0x6F, v28;
	v26 =	vor.u32 v8, v26  }
0x422: {  	v29 =	vor.u32 v29, v25;
	_ =	sdelay $0x3  }
0x423: {  	[tilespmem:v26+s15+$0x0] =	vst.idx.msk $0xffff, v27;
	v26 =	vshll.u32 v28, $0x4  }
0x424: {  	v28 =	vor.u32 s23, v14;
	v27 =	vld.idx.msk [tilespmem:v29+s14+$0x0], $0xffff;
	v26 =	vand.u32 $0x7FFFFF80, v26  }
0x425: {  	v29 =	vand.u32 $0x6F, v28;
	v26 =	vor.u32 v10, v26  }
0x426: {  	v29 =	vor.u32 v29, v25;
	_ =	sdelay $0x3  }
0x427: {  	[tilespmem:v26+s15+$0x0] =	vst.idx.msk $0xffff, v27;
	v26 =	vshll.u32 v28, $0x4  }
0x428: {  	v28 =	vor.u32 s23, v16;
	v27 =	vld.idx.msk [tilespmem:v29+s14+$0x0], $0xffff;
	v26 =	vand.u32 $0x7FFFFF80, v26  }
0x429: {  	v29 =	vand.u32 $0x6F, v28;
	v26 =	vor.u32 v11, v26  }
0x42a: {  	v29 =	vor.u32 v29, v25;
	_ =	sdelay $0x3  }
0x42b: {  	[tilespmem:v26+s15+$0x0] =	vst.idx.msk $0xffff, v27;
	v26 =	vshll.u32 v28, $0x4  }
0x42c: {  	v28 =	vor.u32 s23, v17;
	v27 =	vld.idx.msk [tilespmem:v29+s14+$0x0], $0xffff;
	v26 =	vand.u32 $0x7FFFFF80, v26  }
0x42d: {  	v29 =	vand.u32 $0x6F, v28;
	v26 =	vor.u32 v12, v26  }
0x42e: {  	v29 =	vor.u32 v29, v25;
	_ =	sdelay $0x3  }
0x42f: {  	[tilespmem:v26+s15+$0x0] =	vst.idx.msk $0xffff, v27;
	v26 =	vshll.u32 v28, $0x4  }
0x430: {  	v28 =	vor.u32 s23, v15;
	v27 =	vld.idx.msk [tilespmem:v29+s14+$0x0], $0xffff;
	v26 =	vand.u32 $0x7FFFFF80, v26  }
0x431: {  	v29 =	vand.u32 $0x6F, v28;
	v26 =	vor.u32 v13, v26  }
0x432: {  	v29 =	vor.u32 v29, v25;
	_ =	sdelay $0x3  }
0x433: {  	[tilespmem:v26+s15+$0x0] =	vst.idx.msk $0xffff, v27;
	v26 =	vshll.u32 v28, $0x4  }
0x434: {  	v28 =	vor.u32 s23, v18;
	v27 =	vld.idx.msk [tilespmem:v29+s14+$0x0], $0xffff;
	v26 =	vand.u32 $0x7FFFFF80, v26  }
0x435: {  	v29 =	vand.u32 $0x6F, v28;
	v26 =	vor.u32 v2, v26  }
0x436: {  	v29 =	vor.u32 v29, v25;
	_ =	sdelay $0x3  }
0x437: {  	[tilespmem:v26+s15+$0x0] =	vst.idx.msk $0xffff, v27;
	v26 =	vshll.u32 v28, $0x4  }
0x438: {  	v28 =	vor.u32 s23, v19;
	v27 =	vld.idx.msk [tilespmem:v29+s14+$0x0], $0xffff;
	v26 =	vand.u32 $0x7FFFFF80, v26  }
0x439: {  	v29 =	vand.u32 $0x6F, v28;
	v26 =	vor.u32 v4, v26  }
0x43a: {  	v29 =	vor.u32 v29, v25;
	_ =	sdelay $0x3  }
0x43b: {  	[tilespmem:v26+s15+$0x0] =	vst.idx.msk $0xffff, v27;
	v26 =	vshll.u32 v28, $0x4  }
0x43c: {  	v28 =	vor.u32 s23, v20;
	v27 =	vld.idx.msk [tilespmem:v29+s14+$0x0], $0xffff;
	v26 =	vand.u32 $0x7FFFFF80, v26  }
0x43d: {  	v29 =	vand.u32 $0x6F, v28;
	v26 =	vor.u32 v6, v26  }
0x43e: {  	v29 =	vor.u32 v29, v25;
	_ =	sdelay $0x3  }
0x43f: {  	[tilespmem:v26+s15+$0x0] =	vst.idx.msk $0xffff, v27;
	v26 =	vshll.u32 v28, $0x4  }
0x440: {  	v28 =	vor.u32 s23, v21;
	v27 =	vld.idx.msk [tilespmem:v29+s14+$0x0], $0xffff;
	v26 =	vand.u32 $0x7FFFFF80, v26  }
0x441: {  	v29 =	vand.u32 $0x6F, v28;
	v26 =	vor.u32 v8, v26  }
0x442: {  	v29 =	vor.u32 v29, v25;
	_ =	sdelay $0x3  }
0x443: {  	[tilespmem:v26+s15+$0x0] =	vst.idx.msk $0xffff, v27;
	v26 =	vshll.u32 v28, $0x4  }
0x444: {  	v28 =	vor.u32 s23, v22;
	v27 =	vld.idx.msk [tilespmem:v29+s14+$0x0], $0xffff;
	v26 =	vand.u32 $0x7FFFFF80, v26  }
0x445: {  	v29 =	vand.u32 $0x6F, v28;
	v26 =	vor.u32 v10, v26  }
0x446: {  	v29 =	vor.u32 v29, v25;
	_ =	sdelay $0x3  }
0x447: {  	[tilespmem:v26+s15+$0x0] =	vst.idx.msk $0xffff, v27;
	v26 =	vshll.u32 v28, $0x4  }
0x448: {  	v28 =	vor.u32 s23, v23;
	v27 =	vld.idx.msk [tilespmem:v29+s14+$0x0], $0xffff;
	v26 =	vand.u32 $0x7FFFFF80, v26  }
0x449: {  	v29 =	vand.u32 $0x6F, v28;
	v26 =	vor.u32 v11, v26  }
0x44a: {  	v29 =	vor.u32 v29, v25;
	_ =	sdelay $0x3  }
0x44b: {  	[tilespmem:v26+s15+$0x0] =	vst.idx.msk $0xffff, v27;
	v26 =	vshll.u32 v28, $0x4  }
0x44c: {  	v28 =	vor.u32 s23, v24;
	v27 =	vld.idx.msk [tilespmem:v29+s14+$0x0], $0xffff;
	v26 =	vand.u32 $0x7FFFFF80, v26  }
0x44d: {  	v29 =	vand.u32 $0x6F, v28;
	v26 =	vor.u32 v12, v26  }
0x44e: {  	v25 =	vor.u32 v29, v25;
	_ =	sdelay $0x2  }
0x44f: {  	v29 =	vmov s22  }
0x450: {  	[tilespmem:v26+s15+$0x0] =	vst.idx.msk $0xffff, v27;
	v26 =	vshll.u32 v28, $0x4;
	v27 =	vshll.u32 v29, $0x3  }
0x451: {  	v28 =	vld.idx.msk [tilespmem:v25+s14+$0x0], $0xffff;
	v25 =	vand.u32 $0x7FFFFF80, v26;
	v26 =	vor.u32 s22, v1;
	v27 =	vand.u32 $0x1C00, v27  }
0x452: {  	v29 =	vor.u32 v13, v25;
	v30 =	vand.u32 $0x7F, v26;
	v25 =	vor.u32 v0, v27  }
0x453: {  	v27 =	vor.u32 v30, v25;
	_ =	sdelay $0x3  }
0x454: {  	v26 =	vshll.u32 v26, $0x4;
	[tilespmem:v29+s15+$0x0] =	vst.idx.msk $0xffff, v28  }
0x455: {  	v26 =	vand.u32 $0x7FFFFF80, v26;
	v28 =	vor.u32 s22, v3;
	v27 =	vld.idx.msk [tilespmem:v27+s14+$0x0], $0xffff  }
0x456: {  	v26 =	vor.u32 v2, v26;
	v29 =	vand.u32 $0x7F, v28  }
0x457: {  	v29 =	vor.u32 v29, v25;
	_ =	sdelay $0x3  }
0x458: {  	[tilespmem:v26+s15+$0x0] =	vst.idx.msk $0xffff, v27;
	v26 =	vshll.u32 v28, $0x4  }
0x459: {  	v28 =	vor.u32 s22, v5;
	v27 =	vld.idx.msk [tilespmem:v29+s14+$0x0], $0xffff;
	v26 =	vand.u32 $0x7FFFFF80, v26  }
0x45a: {  	v29 =	vand.u32 $0x7F, v28;
	v26 =	vor.u32 v4, v26  }
0x45b: {  	v29 =	vor.u32 v29, v25;
	_ =	sdelay $0x3  }
0x45c: {  	[tilespmem:v26+s15+$0x0] =	vst.idx.msk $0xffff, v27;
	v26 =	vshll.u32 v28, $0x4  }
0x45d: {  	v28 =	vor.u32 s22, v7;
	v27 =	vld.idx.msk [tilespmem:v29+s14+$0x0], $0xffff;
	v26 =	vand.u32 $0x7FFFFF80, v26  }
0x45e: {  	v29 =	vand.u32 $0x7F, v28;
	v26 =	vor.u32 v6, v26  }
0x45f: {  	v29 =	vor.u32 v29, v25;
	_ =	sdelay $0x3  }
0x460: {  	[tilespmem:v26+s15+$0x0] =	vst.idx.msk $0xffff, v27;
	v26 =	vshll.u32 v28, $0x4  }
0x461: {  	v28 =	vor.u32 s22, v9;
	v27 =	vld.idx.msk [tilespmem:v29+s14+$0x0], $0xffff;
	v26 =	vand.u32 $0x7FFFFF80, v26  }
0x462: {  	v29 =	vand.u32 $0x7F, v28;
	v26 =	vor.u32 v8, v26  }
0x463: {  	v29 =	vor.u32 v29, v25;
	_ =	sdelay $0x3  }
0x464: {  	[tilespmem:v26+s15+$0x0] =	vst.idx.msk $0xffff, v27;
	v26 =	vshll.u32 v28, $0x4  }
0x465: {  	v28 =	vor.u32 s22, v14;
	v27 =	vld.idx.msk [tilespmem:v29+s14+$0x0], $0xffff;
	v26 =	vand.u32 $0x7FFFFF80, v26  }
0x466: {  	v29 =	vand.u32 $0x7F, v28;
	v26 =	vor.u32 v10, v26  }
0x467: {  	v29 =	vor.u32 v29, v25;
	_ =	sdelay $0x3  }
0x468: {  	[tilespmem:v26+s15+$0x0] =	vst.idx.msk $0xffff, v27;
	v26 =	vshll.u32 v28, $0x4  }
0x469: {  	v28 =	vor.u32 s22, v16;
	v27 =	vld.idx.msk [tilespmem:v29+s14+$0x0], $0xffff;
	v26 =	vand.u32 $0x7FFFFF80, v26  }
0x46a: {  	v29 =	vand.u32 $0x7F, v28;
	v26 =	vor.u32 v11, v26  }
0x46b: {  	v29 =	vor.u32 v29, v25;
	_ =	sdelay $0x3  }
0x46c: {  	[tilespmem:v26+s15+$0x0] =	vst.idx.msk $0xffff, v27;
	v26 =	vshll.u32 v28, $0x4  }
0x46d: {  	v28 =	vor.u32 s22, v17;
	v27 =	vld.idx.msk [tilespmem:v29+s14+$0x0], $0xffff;
	v26 =	vand.u32 $0x7FFFFF80, v26  }
0x46e: {  	v29 =	vand.u32 $0x7F, v28;
	v26 =	vor.u32 v12, v26  }
0x46f: {  	v29 =	vor.u32 v29, v25;
	_ =	sdelay $0x3  }
0x470: {  	[tilespmem:v26+s15+$0x0] =	vst.idx.msk $0xffff, v27;
	v26 =	vshll.u32 v28, $0x4  }
0x471: {  	v28 =	vor.u32 s22, v15;
	v27 =	vld.idx.msk [tilespmem:v29+s14+$0x0], $0xffff;
	v26 =	vand.u32 $0x7FFFFF80, v26  }
0x472: {  	v29 =	vand.u32 $0x7F, v28;
	v26 =	vor.u32 v13, v26  }
0x473: {  	v29 =	vor.u32 v29, v25;
	_ =	sdelay $0x3  }
0x474: {  	[tilespmem:v26+s15+$0x0] =	vst.idx.msk $0xffff, v27;
	v26 =	vshll.u32 v28, $0x4  }
0x475: {  	v28 =	vor.u32 s22, v18;
	v27 =	vld.idx.msk [tilespmem:v29+s14+$0x0], $0xffff;
	v26 =	vand.u32 $0x7FFFFF80, v26  }
0x476: {  	v29 =	vand.u32 $0x7F, v28;
	v26 =	vor.u32 v2, v26  }
0x477: {  	v29 =	vor.u32 v29, v25;
	_ =	sdelay $0x3  }
0x478: {  	[tilespmem:v26+s15+$0x0] =	vst.idx.msk $0xffff, v27;
	v26 =	vshll.u32 v28, $0x4  }
0x479: {  	v28 =	vor.u32 s22, v19;
	v27 =	vld.idx.msk [tilespmem:v29+s14+$0x0], $0xffff;
	v26 =	vand.u32 $0x7FFFFF80, v26  }
0x47a: {  	v29 =	vand.u32 $0x7F, v28;
	v26 =	vor.u32 v4, v26  }
0x47b: {  	v29 =	vor.u32 v29, v25;
	_ =	sdelay $0x3  }
0x47c: {  	[tilespmem:v26+s15+$0x0] =	vst.idx.msk $0xffff, v27;
	v26 =	vshll.u32 v28, $0x4  }
0x47d: {  	v28 =	vor.u32 s22, v20;
	v27 =	vld.idx.msk [tilespmem:v29+s14+$0x0], $0xffff;
	v26 =	vand.u32 $0x7FFFFF80, v26  }
0x47e: {  	v29 =	vand.u32 $0x7F, v28;
	v26 =	vor.u32 v6, v26  }
0x47f: {  	v29 =	vor.u32 v29, v25;
	_ =	sdelay $0x3  }
0x480: {  	[tilespmem:v26+s15+$0x0] =	vst.idx.msk $0xffff, v27;
	v26 =	vshll.u32 v28, $0x4  }
0x481: {  	v28 =	vor.u32 s22, v21;
	v27 =	vld.idx.msk [tilespmem:v29+s14+$0x0], $0xffff;
	v26 =	vand.u32 $0x7FFFFF80, v26  }
0x482: {  	v29 =	vand.u32 $0x7F, v28;
	v26 =	vor.u32 v8, v26  }
0x483: {  	v29 =	vor.u32 v29, v25;
	_ =	sdelay $0x3  }
0x484: {  	[tilespmem:v26+s15+$0x0] =	vst.idx.msk $0xffff, v27;
	v26 =	vshll.u32 v28, $0x4  }
0x485: {  	v28 =	vor.u32 s22, v22;
	v27 =	vld.idx.msk [tilespmem:v29+s14+$0x0], $0xffff;
	v26 =	vand.u32 $0x7FFFFF80, v26  }
0x486: {  	v29 =	vand.u32 $0x7F, v28;
	v26 =	vor.u32 v10, v26  }
0x487: {  	v29 =	vor.u32 v29, v25;
	_ =	sdelay $0x3  }
0x488: {  	[tilespmem:v26+s15+$0x0] =	vst.idx.msk $0xffff, v27;
	v26 =	vshll.u32 v28, $0x4  }
0x489: {  	v28 =	vor.u32 s22, v23;
	v27 =	vld.idx.msk [tilespmem:v29+s14+$0x0], $0xffff;
	v26 =	vand.u32 $0x7FFFFF80, v26  }
0x48a: {  	v29 =	vand.u32 $0x7F, v28;
	v26 =	vor.u32 v11, v26  }
0x48b: {  	v29 =	vor.u32 v29, v25;
	_ =	sdelay $0x3  }
.Ltmp7:
0x48c: {  	[tilespmem:v26+s15+$0x0] =	vst.idx.msk $0xffff, v27;
	v26 =	vshll.u32 v28, $0x4;
	(pc) =	sbr.rel @p1 .LBB2_8-.Ltmp7, $4  }
0x48d: {  	v27 =	vld.idx.msk [tilespmem:v29+s14+$0x0], $0xffff;
	v28 =	vand.u32 $0x7FFFFF80, v26;
	v26 =	vor.u32 s22, v24  }
0x48e: {  	v28 =	vor.u32 v12, v28;
	v29 =	vand.u32 $0x7F, v26  }
0x48f: {  	v25 =	vor.u32 v29, v25  }
0x490: {  	s22 =	sadd.s32 $0x40, s22  }
0x491: {  	_ =	sdelay $0x2  }
0x492: {  	v26 =	vshll.u32 v26, $0x4  }
0x493: {  	[tilespmem:v28+s15+$0x0] =	vst.idx.msk $0xffff, v27;
	v26 =	vand.u32 $0x7FFFFF80, v26  }
0x494: {  	v25 =	vld.idx.msk [tilespmem:v25+s14+$0x0], $0xffff;
	v26 =	vor.u32 v13, v26;
	_ =	sdelay $0x1  }
.Ltmp8:
0x495: {  	_ = 	snop;
	(pc) =	sbr.rel .LBB2_10-.Ltmp8, $4  }
0x496: {  	_ = 	snop  }
0x497: {  	s20 =	sshll.u32 s20, $0x10  }
0x498: {  	s20 =	sadd.s32 s20, s6;
	[tilespmem:v26+s15+$0x0] =	vst.idx.msk $0xffff, v25  }
0x499: {  	[hbm4b:s20+s3] =	stream.linear.scatter [tilespmem:s15], [sflag:$0x4], $0x4000, $0x38;
	[tilespmem:$0x10000] =	vst v63  }
.LBB2_12:
0x49a: {  	_ =	sfence.sel $0x180000  }
0x49b: {  	[bflag:$0x0] =	sbarrier.arrive $0xFFFF  }
0x49c: {  	p0 =	sne.s32 s2, $0x0;
	_ =	strace $0x90000047  }
0x49d: {  	s0 =	sadd.s32 @!p0 $0x100000, s1;
	[bflag:$0x2] =	sbarrier.arrive $0xFFFF  }
0x49e: {  	[sflag:s0] =	ssyncadd.tile.s32 @!p0 $0x1;
	_ =	shalt  }
.Lfunc_end2:
_tile_overlayer_lowered:
.L_overlay_start_2:
0x49f: {  	(tag) =	ssettag $0x2  }
0x4a0: {  	s0 =	rddreg [dreg:$0x0];
	s2 =	stileid.u32  }
0x4a1: {  	s1 =	rddreg [dreg:$0x1];
	p0 =	sne.s32 s2, $0x0  }
0x4a2: {  	s3 =	rddreg [dreg:$0x2];
	[bflag:$0x3] =	sbarrier.arrive $0xFFFF;
	s2 =	simm.s32 @!p0 $0x1C05  }
0x4a3: {  	[timem:s3], [sflag:s2] =	dma.local @!p0 [hbm:s0], s1  }
0x4a4: {  	s0 =	simm.s32 @!p0 $0x5  }
0x4a5: {  	_ =	swait.ge @!p0 [sflag:s0], s1  }
0x4a6: {  	s1 =	ssub.s32 @!p0 $0x0, s1;
	[sflag:s0] =	ssyncset.done @!p0 $0x0  }
0x4a7: {  	[sflag:s0] =	ssyncadd.s32 @!p0 s1  }
0x4a8: {  	[bflag:$0x3] =	sbarrier.arrive $0xFFFF  }
0x4a9: {  	_ =	shalt  }

// kernel: kernel.9.cloned.1.call-start
scs
__scs_entry_jumppad:
0x0: {  	(pc) =	sbr.rel $0x88, $3  }
0x1: {  	(tag) =	ssettag $0x0;
	lr =	simm.s32 $0x1  }
0x2: {  	[smem:$0x3F95] =	sst lr;
	_ =	strace $0xD0000000  }
0x3: {  	_ = 	snop  }
0x4: {  	_ = 	snop  }
0x5: {  	_ = 	snop  }
0x6: {  	_ = 	snop  }
0x7: {  	_ = 	snop  }
__scs_overlays_trampoline_lowered:
0x8: {  	[smem:$0x3FA4] =	sst s0  }
0x9: {  	[smem:$0x3FA5] =	sst s1  }
0xa: {  	[smem:$0x3FA6] =	sst s2  }
0xb: {  	[smem:$0x3FA7] =	sst s3  }
0xc: {  	[smem:$0x3FA8] =	sst s4  }
0xd: {  	[smem:$0x3FA9] =	sst s5  }
0xe: {  	[smem:$0x3FAA] =	sst s6  }
0xf: {  	[smem:$0x3FAB] =	sst s7  }
0x10: {  	[smem:$0x3FAC] =	sst s8  }
0x11: {  	[smem:$0x3FAD] =	sst s9;
	s0 =	simm.s32 @!p0 $0x0  }
0x12: {  	s1 =	sld [smem:$0x3F93];
	s0 =	simm.s32 @p0 $0x1  }
0x13: {  	[smem:$0x3FAE] =	sst s0;
	s0 =	simm.s32 @!p1 $0x0  }
0x14: {  	s2 =	sld [smem:$0x3F92];
	s0 =	simm.s32 @p1 $0x1  }
0x15: {  	[smem:$0x3FAF] =	sst s0;
	s0 =	simm.s32 @!p2 $0x0  }
0x16: {  	s3 =	sld [smem:$0x3FDB];
	s0 =	simm.s32 @p2 $0x1  }
0x17: {  	s4 =	simm.s32 $0x1BF5;
	[smem:$0x3FB1] =	sst s0  }
0x18: {  	s0 =	sld [smem:$0x3F94];
	_ =	swait.ge [sflag:s4], $0x0  }
0x19: {  	s7 =	sld [smem:$0x3F95]  }
0x1a: {  	s8 =	sadd.s32 $0xFFFFE003, lr  }
0x1b: {  	s9 =	sadd.s32 $0xFFFFFEF7, lr;
	s5 =	simm.s32 $0xFFFFFFFF;
	p2 =	slt.u32 s8, $0xFFFFF086  }
0x1c: {  	p1 =	slt.u32 s9, $0xF7A;
	s5 =	simm.s32 @!p2 $0x0  }
0x1d: {  	s5 =	simm.s32 @p1 $0x1;
	p0 =	seq.s32 s7, s2  }
0x1e: {  	s7 =	smul.u32 @!p0 $0xF7A, s2;
	p2 =	seq.s32 @!p0 s5, $0x0  }
0x1f: {  	s9 =	smul.u32 $0xF7A, s1;
	s8 =	simm.s32 @!p0 $0x1BF5;
	p2 =	por !p2, p0  }
0x20: {  	[sflag:s8] =	ssyncset.s32 @!p0 $0xFFFFF086;
	s6 =	sadd.s32 @!p0 s3, s7;
	s7 =	simm.s32 @!p0 $0x108  }
0x21: {  	s3 =	sadd.s32 s3, s9;
	s6 =	sadd.s32 @!p0 $0x88, s6;
	s7 =	simm.s32 @p2 $0x1082  }
0x22: {  	[simem:s7], [sflag:s8] =	dma.local @!p0 [hbm:s6], $0xF7A  }
0x23: {  	s9 =	sor.u32 $0xD0000000, s2;
	s6 =	simm.s32 $0x108;
	_ =	swait.ge @!p0 [sflag:s8], $0x0  }
0x24: {  	s3 =	sadd.s32 $0x88, s3;
	s6 =	simm.s32 @!p1 $0x1082;
	[sflag:s4] =	ssyncset.s32 $0xFFFFF086  }
0x25: {  	[simem:s6], [sflag:s4] =	dma.local [hbm:s3], $0xF7A  }
0x26: {  	[smem:$0x3F95] =	sst s1;
	(tag) =	ssettag s2;
	_ =	strace s9  }
0x27: {  	s1 =	sld [smem:$0x3FA5]  }
0x28: {  	s2 =	sld [smem:$0x3FA6]  }
0x29: {  	s4 =	sld [smem:$0x3FA8]  }
0x2a: {  	p0 =	seq.s32 s5, $0x0;
	s5 =	sld [smem:$0x3FA9]  }
0x2b: {  	s6 =	sld [smem:$0x3FAA]  }
0x2c: {  	s7 =	sld [smem:$0x3FAB]  }
0x2d: {  	s3 =	simm.s32 $0x108;
	s8 =	sld [smem:$0x3FAC]  }
0x2e: {  	s3 =	simm.s32 @!p0 $0x1082;
	s9 =	sld [smem:$0x3FAD]  }
0x2f: {  	lr =	sadd.s32 s0, s3;
	s0 =	sld [smem:$0x3FA4]  }
0x30: {  	s3 =	sld [smem:$0x3FA7]  }
0x31: {  	[smem:$0x3FB0] =	sst s10  }
0x32: {  	s10 =	sld [smem:$0x3FAE];
	_ =	sdelay $0x3  }
0x33: {  	p0 =	seq.s32 s10, $0x1;
	s10 =	sld [smem:$0x3FB0];
	_ =	sdelay $0x3  }
0x34: {  	[smem:$0x3FB0] =	sst s10  }
0x35: {  	s10 =	sld [smem:$0x3FAF];
	_ =	sdelay $0x3  }
0x36: {  	p1 =	seq.s32 s10, $0x1;
	s10 =	sld [smem:$0x3FB0];
	_ =	sdelay $0x3  }
0x37: {  	[smem:$0x3FB0] =	sst s10  }
0x38: {  	s10 =	sld [smem:$0x3FB1]  }
0x39: {  	_ = 	snop;
	(pc) =	sbr.ind lr, $3  }
0x3a: {  	_ = 	snop  }
0x3b: {  	_ = 	snop  }
0x3c: {  	p2 =	seq.s32 s10, $0x1;
	s10 =	sld [smem:$0x3FB0]  }
0x3d: {  	_ =	shalt  }
0x3e: {  	_ =	shalt  }
0x3f: {  	_ =	shalt  }
0x40: {  	_ =	shalt  }
0x41: {  	_ =	shalt  }
0x42: {  	_ =	shalt  }
0x43: {  	_ =	shalt  }
0x44: {  	_ =	shalt  }
0x45: {  	_ =	shalt  }
0x46: {  	_ =	shalt  }
0x47: {  	_ =	shalt  }
0x48: {  	_ =	shalt  }
0x49: {  	_ =	shalt  }
0x4a: {  	_ =	shalt  }
0x4b: {  	_ =	shalt  }
0x4c: {  	_ =	shalt  }
0x4d: {  	_ =	shalt  }
0x4e: {  	_ =	shalt  }
0x4f: {  	_ =	shalt  }
0x50: {  	_ =	shalt  }
0x51: {  	_ =	shalt  }
0x52: {  	_ =	shalt  }
0x53: {  	_ =	shalt  }
0x54: {  	_ =	shalt  }
0x55: {  	_ =	shalt  }
0x56: {  	_ =	shalt  }
0x57: {  	_ =	shalt  }
0x58: {  	_ =	shalt  }
0x59: {  	_ =	shalt  }
0x5a: {  	_ =	shalt  }
0x5b: {  	_ =	shalt  }
0x5c: {  	_ =	shalt  }
0x5d: {  	_ =	shalt  }
0x5e: {  	_ =	shalt  }
0x5f: {  	_ =	shalt  }
0x60: {  	_ =	shalt  }
0x61: {  	_ =	shalt  }
0x62: {  	_ =	shalt  }
0x63: {  	_ =	shalt  }
0x64: {  	_ =	shalt  }
0x65: {  	_ =	shalt  }
0x66: {  	_ =	shalt  }
0x67: {  	_ =	shalt  }
0x68: {  	_ =	shalt  }
0x69: {  	_ =	shalt  }
0x6a: {  	_ =	shalt  }
0x6b: {  	_ =	shalt  }
0x6c: {  	_ =	shalt  }
0x6d: {  	_ =	shalt  }
0x6e: {  	_ =	shalt  }
0x6f: {  	_ =	shalt  }
0x70: {  	_ =	shalt  }
0x71: {  	_ =	shalt  }
0x72: {  	_ =	shalt  }
0x73: {  	_ =	shalt  }
0x74: {  	_ =	shalt  }
0x75: {  	_ =	shalt  }
0x76: {  	_ =	shalt  }
0x77: {  	_ =	shalt  }
0x78: {  	_ =	shalt  }
0x79: {  	_ =	shalt  }
0x7a: {  	_ =	shalt  }
0x7b: {  	_ =	shalt  }
0x7c: {  	_ =	shalt  }
0x7d: {  	_ =	shalt  }
0x7e: {  	_ =	shalt  }
0x7f: {  	_ =	shalt  }
0x80: {  	_ =	shalt  }
0x81: {  	_ =	shalt  }
0x82: {  	_ =	shalt  }
0x83: {  	_ =	shalt  }
0x84: {  	_ =	shalt  }
0x85: {  	_ =	shalt  }
0x86: {  	_ =	shalt  }
0x87: {  	_ =	shalt  }
.Lfunc_end0:
.L_simem_size_0:
called_computation.1_lowered:
.L_overlay_start_0:
0x88: {  	s2 =	sld [smem:$0x3FD9]  }
0x89: {  	s3 =	sld [smem:$0x3FFE];
	_ =	sdelay $0x1  }
0x8a: {  	s1 =	srdreg.scid  }
0x8b: {  	s0 =	sand.u32 $0x1, s1  }
0x8c: {  	s17 =	sshll.u32 s0, $0xA;
	s2 =	sadd.s32 s3, s2  }
0x8d: {  	s2 =	sadd.s32 s2, s17  }
0x8e: {  	[smem:$0x3FBC] =	sst s2  }
0x8f: {  	_ = 	snop  }
0x90: {  	s2 =	sld [smem:$0x3FD0];
	(tm) =	ssettm $0x1  }
0x91: {  	s18 =	sld [smem:$0x3FFB];
	_ =	sdelay $0x3  }
0x92: {  	_ =	strace s18  }
0x93: {  	s3 =	sld [smem:$0x3FFC];
	_ =	sdelay $0x3  }
0x94: {  	_ =	strace s3  }
0x95: {  	s3 =	sld [smem:$0x3FFD];
	_ =	sdelay $0x3  }
0x96: {  	_ =	strace s3  }
0x97: {  	_ =	strace $0x8FFFFFFF  }
0x98: {  	s19 =	sld [smem:$0x3FDB];
	_ =	sdelay $0x1  }
0x99: {  	s4 =	simm.s32 $_scs_section_size  }
0x9a: {  	s5 =	simm.s32 $_size__tile_overlayer_lowered;
	s6 =	simm.s32 $_tile_overlayer_lowered  }
0x9b: {  	s22 =	simm.s32 $0x1BFF;
	s21 =	sshll.u32 s6, $0x1;
	s3 =	sadd.s32 s4, s19  }
0x9c: {  	s7 =	simm.s32 $0x0;
	s20 =	sshll.u32 s5, $0x1;
	s5 =	sadd.s32 s21, s3  }
0x9d: {  	[timem:s7], [sflag:s22] =	dma.local [hbm:s5], s20  }
0x9e: {  	_ =	swait.ge [sflag:s22], s20  }
0x9f: {  	s4 =	ssub.s32 $0x0, s20;
	[sflag:s22] =	ssyncset.done $0x0  }
0xa0: {  	[sflag:s22] =	ssyncadd.s32 s4;
	_ =	sdelay $0x1  }
0xa1: {  	s23 =	simm.s32 $0x1B8B  }
0xa2: {  	_ =	swait.ge [sflag:s23], $0x1  }
0xa3: {  	[sflag:s23] =	ssyncset.done $0x0  }
0xa4: {  	s25 =	simm.s32 $0x1B8E;
	s24 =	sld [smem:$0x3FFE];
	[sflag:s23] =	ssyncadd.s32 $0xFFFFFFFF  }
0xa5: {  	s26 =	simm.s32 $execute0_lowered;
	[smem:$0x3FD2] =	sst s25  }
0xa6: {  	s5 =	sshll.u32 s26, $0x1;
	_ =	strace $0x80000049;
	[dreg:$0x1] =	wrdreg $0xFFFFFFFF  }
0xa7: {  	s28 =	simm.s32 $_size_execute0_lowered;
	s3 =	sadd.s32 s3, s5;
	[dreg:$0x0] =	wrdreg $0x0  }
0xa8: {  	s5 =	sshll.u32 s28, $0x1;
	[dreg:$0x2] =	wrdreg s3  }
0xa9: {  	[dreg:$0x3] =	wrdreg s5  }
0xaa: {  	[dreg:$0x4] =	wrdreg $0xC0  }
0xab: {  	_ =	task [dreg:s7], $0x5FFFF  }
0xac: {  	[dreg:$0x1] =	wrdreg $0xFFFFFFFF  }
0xad: {  	[dreg:$0x0] =	wrdreg $0x60  }
0xae: {  	[dreg:$0x2] =	wrdreg s24  }
0xaf: {  	[dreg:$0x3] =	wrdreg s2  }
0xb0: {  	[dreg:$0x4] =	wrdreg $0x9  }
0xb1: {  	_ =	task.clear_ibuf [dreg:s7], $0x5FFFF;
	_ =	strace $0x90000049  }
0xb2: {  	s29 =	simm.s32 $0x9;
	_ =	strace $0x8000004B  }
0xb3: {  	_ =	swait.ge [sflag:s29], $0x1  }
0xb4: {  	[sflag:s29] =	ssyncadd.s32 $0xFFFFFFFF  }
0xb5: {  	_ =	strace $0x9000004B  }
0xb6: {  	_ =	sfence  }
0xb7: {  	s30 =	sld [smem:$0x0];
	_ =	sdelay $0x2  }
0xb8: {  	s31 =	sshll.u32 s1, $0xD;
	s1 =	sshrl.u32 s1, $0x2  }
0xb9: {  	s3 =	sand.u32 $0x4000, s31;
	s1 =	sadd.s32 s1, s30  }
0xba: {  	s0 =	sor.u32 s3, s0;
	s1 =	sshll.u32 s1, $0x11  }
0xbb: {  	s0 =	sor.u32 s1, s0  }
0xbc: {  	s0 =	sadd.s32 $0x8F2B, s0  }
0xbd: {  	[sflag:s0] =	ssyncadd.remote.s32 $0x1  }
0xbe: {  	_ =	sfence.sel $0xFFFF  }
0xbf: {  	[dreg:$0x0] =	wrdreg $0xFFFFFFFF;
	(pc) =	sbr.abs _section_cstart, $3  }
0xc0: {  	[dreg:$0x1] =	wrdreg $0xFFFFFFFF  }
0xc1: {  	_ =	task.clear_ibuf [dreg:s7], $0x2FFFF;
	_ =	strace $0x9FFFFFFF  }
0xc2: {  	(tm) =	ssettm $0x7FFFFFFF  }
0xc3: {  	_ =	shalt  }
tec
execute0_lowered:
.L_overlay_start_1:
0x0: {  	(tag) =	ssettag $0x1  }
0x1: {  	s7 =	rddreg [dreg:$0x0]  }
0x2: {  	s1 =	rddreg [dreg:$0x1]  }
0x3: {  	s0 =	rddreg [dreg:$0x2];
	s2 =	simm.s32 $0x0  }
0x4: {  	s3 =	srdreg.scid;
	s12 =	simm.s32 $0x1BA00;
	s13 =	simm.s32 $0x1  }
0x5: {  	s14 =	simm.s32 $0x2;
	s15 =	simm.s32 $0x1D400;
	s16 =	simm.s32 $0x1E400  }
0x6: {  	s17 =	simm.s32 $0x0;
	[smem:$0x7FF] =	sst s2;
	s4 =	sadd.s32 $0x4F7600, s7  }
0x7: {  	s5 =	sadd.s32 $0x1C00, s7;
	s8 =	sand.u32 $0x1, s3;
	s6 =	sadd.s32 $0x504600, s7  }
0x8: {  	s3 =	stileid.u32;
	s7 =	sadd.s32 $0x553C00, s7;
	s9 =	ssub.s32 $0x2, s8  }
0x9: {  	s11 =	sshll.u32 s3, $0xA;
	s8 =	sshll.u32 s8, $0x9;
	s10 =	sshrl.u32 s9, $0x1  }
0xa: {  	_ =	strace $0x8000004A;
	s8 =	sor.u32 s8, s11;
	s9 =	ssub.s32 s9, s10  }
0xb: {  	s11 =	simm.s32 $0x1A00;
	s10 =	simm.s32 $0x3;
	s9 =	smax.u32 s9, $0x1  }
.LBB2_1:
0xc: {  	p1 =	por $0x1, $0x1;
	s18 =	simm.s32 $0x0  }
.LBB2_2:
0xd: {  	s18 =	sor.u32 s8, s18  }
0xe: {  	s19 =	smul.u32 $0x1A, s18;
	_ =	sdelay $0x1  }
0xf: {  	s19 =	sshrl.u32 s19, $0x3  }
0x10: {  	s20 =	simm.s32 $0x0;
	s19 =	sadd.s32 s4, s19  }
0x11: {  	[tilespmem:s20], [sflag:$0x3] =	stream.linear.gather [hbm4b:s19+s20], $0x1A00, $0x38;
	[tilespmem:$0x1E500] =	vst v63  }
0x12: {  	_ =	swait.ge [sflag:s10], $0x1A00  }
0x13: {  	[sflag:s10] =	ssyncset.done $0x0  }
0x14: {  	[sflag:s10] =	ssyncadd.s32 $0xFFFFE600  }
0x15: {  	[tilespmem:s11], [sflag:$0x1] =	stream.indirect.gather [hbm4b:s5+s11], $0x10, s20, s11, $0xb8;
	[tilespmem:$0x1E500] =	vst v63  }
0x16: {  	_ = 	snop  }
0x17: {  	[tilespmem:s12], [sflag:$0x2] =	stream.indirect.gather [hbm4b:s6+s11], $0x1, s20, s11, $0xb8;
	[tilespmem:$0x1E500] =	vst v63  }
0x18: {  	_ =	swait.ge [sflag:s13], $0x1A000  }
0x19: {  	[sflag:s13] =	ssyncset.done $0x0  }
0x1a: {  	s20 =	simm.s32 $0x0;
	[sflag:s13] =	ssyncadd.s32 $0xFFFE6000  }
0x1b: {  	v0 =	vld [tilespmem:s20+$0x1A00]  }
0x1c: {  	v1 =	vld [tilespmem:s20+$0x2A00];
	_ =	sdelay $0x1  }
0x1d: {  	v2 =	vld [tilespmem:s20+$0x3A00];
	_ =	sdelay $0x1  }
0x1e: {  	v3 =	vld [tilespmem:s20+$0x4A00]  }
0x1f: {  	v4 =	vmul.f32 v0, v0;
	v0 =	vadd.f32 v1, v0;
	v1 =	vmul.f32 v1, v1  }
0x20: {  	v5 =	vld [tilespmem:s20+$0x5A00]  }
0x21: {  	v1 =	vadd.f32 v1, v4;
	v0 =	vadd.f32 v2, v0;
	v2 =	vmul.f32 v2, v2  }
0x22: {  	v4 =	vld [tilespmem:s20+$0x6A00]  }
0x23: {  	v1 =	vadd.f32 v2, v1;
	v0 =	vadd.f32 v3, v0;
	v2 =	vmul.f32 v3, v3  }
0x24: {  	v3 =	vld [tilespmem:s20+$0x7A00]  }
0x25: {  	v1 =	vadd.f32 v2, v1;
	v0 =	vadd.f32 v5, v0;
	v2 =	vmul.f32 v5, v5  }
0x26: {  	v5 =	vld [tilespmem:s20+$0x8A00]  }
0x27: {  	v1 =	vadd.f32 v2, v1;
	v0 =	vadd.f32 v4, v0;
	v2 =	vmul.f32 v4, v4  }
0x28: {  	v4 =	vld [tilespmem:s20+$0x9A00]  }
0x29: {  	v1 =	vadd.f32 v2, v1;
	v0 =	vadd.f32 v3, v0;
	v2 =	vmul.f32 v3, v3  }
0x2a: {  	v3 =	vld [tilespmem:s20+$0xAA00]  }
0x2b: {  	v1 =	vadd.f32 v2, v1;
	v0 =	vadd.f32 v5, v0;
	v2 =	vmul.f32 v5, v5  }
0x2c: {  	v5 =	vld [tilespmem:s20+$0xBA00]  }
0x2d: {  	v1 =	vadd.f32 v2, v1;
	v0 =	vadd.f32 v4, v0;
	v2 =	vmul.f32 v4, v4  }
0x2e: {  	v4 =	vld [tilespmem:s20+$0xCA00]  }
0x2f: {  	v1 =	vadd.f32 v2, v1;
	v0 =	vadd.f32 v3, v0;
	v2 =	vmul.f32 v3, v3  }
0x30: {  	v3 =	vld [tilespmem:s20+$0xDA00]  }
0x31: {  	v1 =	vadd.f32 v2, v1;
	v0 =	vadd.f32 v5, v0;
	v2 =	vmul.f32 v5, v5  }
0x32: {  	s19 =	simm.s32 $0x10;
	v5 =	vld [tilespmem:s20+$0xEA00]  }
0x33: {  	v6 =	vld [tilespmem:s19+$0x1A00];
	v1 =	vadd.f32 v2, v1;
	v0 =	vadd.f32 v4, v0;
	v2 =	vmul.f32 v4, v4  }
0x34: {  	v4 =	vld [tilespmem:s20+$0xFA00]  }
0x35: {  	v7 =	vld [tilespmem:s19+$0x2A00];
	v1 =	vadd.f32 v2, v1;
	v0 =	vadd.f32 v3, v0;
	v2 =	vmul.f32 v3, v3  }
0x36: {  	v3 =	vld [tilespmem:s20+$0x10A00]  }
0x37: {  	v8 =	vld [tilespmem:s19+$0x3A00];
	v1 =	vadd.f32 v2, v1;
	v0 =	vadd.f32 v5, v0;
	v2 =	vmul.f32 v5, v5  }
0x38: {  	v5 =	vld [tilespmem:s20+$0x11A00]  }
0x39: {  	v10 =	vld [tilespmem:s19+$0x4A00];
	v9 =	vmul.f32 v4, v4;
	v1 =	vadd.f32 v2, v1;
	v0 =	vadd.f32 v4, v0  }
0x3a: {  	v2 =	vmul.f32 v6, v6;
	v4 =	vadd.f32 v7, v6;
	v6 =	vmul.f32 v7, v7;
	v7 =	vld [tilespmem:s20+$0x12A00]  }
0x3b: {  	v11 =	vld [tilespmem:s19+$0x5A00];
	v1 =	vadd.f32 v9, v1;
	v0 =	vadd.f32 v3, v0;
	v3 =	vmul.f32 v3, v3  }
0x3c: {  	v2 =	vadd.f32 v6, v2;
	v4 =	vadd.f32 v8, v4;
	v6 =	vmul.f32 v8, v8;
	v8 =	vld [tilespmem:s20+$0x13A00]  }
0x3d: {  	v9 =	vld [tilespmem:s19+$0x6A00];
	v1 =	vadd.f32 v3, v1;
	v0 =	vadd.f32 v5, v0;
	v3 =	vmul.f32 v5, v5  }
0x3e: {  	v2 =	vadd.f32 v6, v2;
	v4 =	vadd.f32 v10, v4;
	v5 =	vmul.f32 v10, v10;
	v6 =	vld [tilespmem:s20+$0x14A00]  }
0x3f: {  	v10 =	vld [tilespmem:s19+$0x7A00];
	v1 =	vadd.f32 v3, v1;
	v0 =	vadd.f32 v7, v0;
	v3 =	vmul.f32 v7, v7  }
0x40: {  	v2 =	vadd.f32 v5, v2;
	v4 =	vadd.f32 v11, v4;
	v5 =	vmul.f32 v11, v11;
	v7 =	vld [tilespmem:s20+$0x15A00]  }
0x41: {  	v11 =	vld [tilespmem:s19+$0x8A00];
	v1 =	vadd.f32 v3, v1;
	v0 =	vadd.f32 v8, v0;
	v3 =	vmul.f32 v8, v8  }
0x42: {  	v2 =	vadd.f32 v5, v2;
	v4 =	vadd.f32 v9, v4;
	v5 =	vmul.f32 v9, v9;
	v8 =	vld [tilespmem:s20+$0x16A00]  }
0x43: {  	v9 =	vld [tilespmem:s19+$0x9A00];
	v1 =	vadd.f32 v3, v1;
	v0 =	vadd.f32 v6, v0;
	v3 =	vmul.f32 v6, v6  }
0x44: {  	v2 =	vadd.f32 v5, v2;
	v4 =	vadd.f32 v10, v4;
	v5 =	vmul.f32 v10, v10;
	v6 =	vld [tilespmem:s20+$0x17A00]  }
0x45: {  	v10 =	vld [tilespmem:s19+$0xAA00];
	v1 =	vadd.f32 v3, v1;
	v0 =	vadd.f32 v7, v0;
	v3 =	vmul.f32 v7, v7  }
0x46: {  	v2 =	vadd.f32 v5, v2;
	v4 =	vadd.f32 v11, v4;
	v5 =	vmul.f32 v11, v11;
	v7 =	vld [tilespmem:s20+$0x18A00]  }
0x47: {  	v11 =	vld [tilespmem:s19+$0xBA00];
	v1 =	vadd.f32 v3, v1;
	v0 =	vadd.f32 v8, v0;
	v3 =	vmul.f32 v8, v8  }
0x48: {  	v2 =	vadd.f32 v5, v2;
	v4 =	vadd.f32 v9, v4;
	v5 =	vmul.f32 v9, v9;
	v8 =	vld [tilespmem:s20+$0x19A00]  }
0x49: {  	v9 =	vld [tilespmem:s19+$0xCA00];
	v1 =	vadd.f32 v3, v1;
	v0 =	vadd.f32 v6, v0;
	v3 =	vmul.f32 v6, v6  }
0x4a: {  	v2 =	vadd.f32 v5, v2;
	v4 =	vadd.f32 v10, v4;
	v5 =	vmul.f32 v10, v10;
	v10 =	vld [tilespmem:s20+$0x1AA00]  }
0x4b: {  	v1 =	vadd.f32 v3, v1;
	v6 =	vadd.f32 v7, v0;
	v7 =	vmul.f32 v7, v7;
	v3 =	vld [tilespmem:s19+$0xDA00]  }
0x4c: {  	v2 =	vadd.f32 v5, v2;
	v5 =	vadd.f32 v11, v4;
	v4 =	vmul.f32 v11, v11  }
0x4d: {  	v0 =	vld [tilespmem:s19+$0xEA00];
	v7 =	vadd.f32 v7, v1;
	v11 =	vadd.f32 v8, v6;
	v8 =	vmul.f32 v8, v8  }
0x4e: {  	s21 =	simm.s32 $0x20;
	v4 =	vadd.f32 v4, v2;
	v5 =	vadd.f32 v9, v5;
	v6 =	vmul.f32 v9, v9;
	v1 =	vld [tilespmem:s19+$0xFA00]  }
0x4f: {  	p0 =	por p1, p1;
	s22 =	simm.s32 $0xC0;
	v2 =	vld [tilespmem:s21+$0x1A00];
	v9 =	vmul.f32 v10, v10;
	v7 =	vadd.f32 v8, v7;
	v8 =	vadd.f32 v10, v11  }
.LBB2_3:
0x50: {  	p1 =	sne.s32 s22, $0x3FC0;
	v10 =	vld [tilespmem:s21+$0x2A00];
	v4 =	vadd.f32 v6, v4;
	v5 =	vadd.f32 v3, v5;
	v3 =	vmul.f32 v3, v3  }
0x51: {  	v6 =	vld [tilespmem:s19+$0x10A00];
	v7 =	vadd.f32 v9, v7;
	v8 =	vmul.f32 v8, v8  }
0x52: {  	v9 =	vld [tilespmem:s21+$0x3A00];
	v3 =	vadd.f32 v3, v4;
	v4 =	vadd.f32 v0, v5;
	v0 =	vmul.f32 v0, v0  }
0x53: {  	v5 =	vmul.f32 v1, v1;
	v11 =	vld [tilespmem:s19+$0x11A00];
	v7 =	vsub.f32 v8, v7  }
0x54: {  	v8 =	vmul.f32 v2, v2;
	v12 =	vld [tilespmem:s21+$0x4A00];
	v0 =	vadd.f32 v0, v3;
	v1 =	vadd.f32 v1, v4  }
0x55: {  	v2 =	vadd.f32 v10, v2;
	v3 =	vmul.f32 v10, v10;
	v4 =	vld [tilespmem:s19+$0x12A00];
	v7 =	vmul.f32 $5.000000000e-01, v7  }
0x56: {  	v10 =	vld [tilespmem:s21+$0x5A00];
	v0 =	vadd.f32 v5, v0;
	v1 =	vadd.f32 v6, v1;
	v5 =	vmul.f32 v6, v6  }
0x57: {  	v3 =	vadd.f32 v3, v8;
	v2 =	vadd.f32 v9, v2;
	v6 =	vmul.f32 v9, v9;
	v8 =	vld [tilespmem:s19+$0x13A00];
	[tilespmem:s20+$0x1D400] =	vst v7;
	s20 =	smov.u32 s19;
	s19 =	smov.u32 s21  }
0x58: {  	v7 =	vld [tilespmem:s19+$0x6A00];
	v0 =	vadd.f32 v5, v0;
	v1 =	vadd.f32 v11, v1;
	v5 =	vmul.f32 v11, v11  }
0x59: {  	v3 =	vadd.f32 v6, v3;
	v2 =	vadd.f32 v12, v2;
	v6 =	vmul.f32 v12, v12;
	v9 =	vld [tilespmem:s20+$0x14A00]  }
0x5a: {  	v11 =	vld [tilespmem:s19+$0x7A00];
	v0 =	vadd.f32 v5, v0;
	v1 =	vadd.f32 v4, v1;
	v4 =	vmul.f32 v4, v4  }
0x5b: {  	v3 =	vadd.f32 v6, v3;
	v2 =	vadd.f32 v10, v2;
	v5 =	vmul.f32 v10, v10;
	v6 =	vld [tilespmem:s20+$0x15A00]  }
0x5c: {  	v10 =	vld [tilespmem:s19+$0x8A00];
	v0 =	vadd.f32 v4, v0;
	v1 =	vadd.f32 v8, v1;
	v4 =	vmul.f32 v8, v8  }
0x5d: {  	v3 =	vadd.f32 v5, v3;
	v2 =	vadd.f32 v7, v2;
	v5 =	vmul.f32 v7, v7;
	v7 =	vld [tilespmem:s20+$0x16A00]  }
0x5e: {  	v8 =	vld [tilespmem:s19+$0x9A00];
	v0 =	vadd.f32 v4, v0;
	v1 =	vadd.f32 v9, v1;
	v4 =	vmul.f32 v9, v9  }
0x5f: {  	v3 =	vadd.f32 v5, v3;
	v2 =	vadd.f32 v11, v2;
	v5 =	vmul.f32 v11, v11;
	v9 =	vld [tilespmem:s20+$0x17A00]  }
0x60: {  	v11 =	vld [tilespmem:s19+$0xAA00];
	v0 =	vadd.f32 v4, v0;
	v1 =	vadd.f32 v6, v1;
	v4 =	vmul.f32 v6, v6  }
0x61: {  	v3 =	vadd.f32 v5, v3;
	v2 =	vadd.f32 v10, v2;
	v5 =	vmul.f32 v10, v10;
	v6 =	vld [tilespmem:s20+$0x18A00]  }
0x62: {  	v10 =	vld [tilespmem:s19+$0xBA00];
	v0 =	vadd.f32 v4, v0;
	v1 =	vadd.f32 v7, v1;
	v4 =	vmul.f32 v7, v7  }
0x63: {  	v3 =	vadd.f32 v5, v3;
	v2 =	vadd.f32 v8, v2;
	v5 =	vmul.f32 v8, v8;
	v7 =	vld [tilespmem:s20+$0x19A00]  }
0x64: {  	v8 =	vld [tilespmem:s19+$0xCA00];
	v0 =	vadd.f32 v4, v0;
	v1 =	vadd.f32 v9, v1;
	v4 =	vmul.f32 v9, v9  }
0x65: {  	v5 =	vadd.f32 v5, v3;
	v2 =	vadd.f32 v11, v2;
	v9 =	vmul.f32 v11, v11;
	v11 =	vld [tilespmem:s20+$0x1AA00]  }
.Ltmp0:
0x66: {  	v3 =	vld [tilespmem:s19+$0xDA00];
	v4 =	vadd.f32 v4, v0;
	v1 =	vadd.f32 v6, v1;
	v6 =	vmul.f32 v6, v6;
	(pc) =	sbr.rel @p1 .LBB2_3-.Ltmp0, $4  }
0x67: {  	v5 =	vadd.f32 v9, v5;
	v2 =	vadd.f32 v10, v2;
	v9 =	vmul.f32 v10, v10  }
0x68: {  	v0 =	vld [tilespmem:s19+$0xEA00];
	v10 =	vadd.f32 v6, v4;
	v12 =	vadd.f32 v7, v1;
	v7 =	vmul.f32 v7, v7  }
0x69: {  	s21 =	sshra.s32 s22, $0x2;
	v4 =	vadd.f32 v9, v5;
	v5 =	vadd.f32 v8, v2;
	v6 =	vmul.f32 v8, v8;
	v1 =	vld [tilespmem:s19+$0xFA00]  }
0x6a: {  	s22 =	sadd.s32 $0x40, s22;
	v2 =	vld [tilespmem:s21+$0x1A00];
	v7 =	vadd.f32 v7, v10;
	v8 =	vadd.f32 v11, v12;
	v9 =	vmul.f32 v11, v11  }
0x6b: {  	v10 =	vld [tilespmem:s21+$0x2A00];
	v4 =	vadd.f32 v6, v4;
	v5 =	vadd.f32 v3, v5;
	v3 =	vmul.f32 v3, v3  }
0x6c: {  	v6 =	vld [tilespmem:s19+$0x10A00];
	v7 =	vadd.f32 v9, v7;
	v8 =	vmul.f32 v8, v8  }
0x6d: {  	v54 =	vld [tilespmem:s21+$0x3A00];
	v3 =	vadd.f32 v3, v4;
	v4 =	vadd.f32 v0, v5;
	v0 =	vmul.f32 v0, v0  }
0x6e: {  	v5 =	vld [tilespmem:s19+$0x11A00];
	v11 =	vmul.f32 v1, v1;
	v7 =	vsub.f32 v8, v7  }
0x6f: {  	v8 =	vld [tilespmem:s21+$0x4A00];
	v12 =	vmul.f32 v2, v2;
	v0 =	vadd.f32 v0, v3;
	v1 =	vadd.f32 v1, v4  }
0x70: {  	v3 =	vld [tilespmem:s19+$0x12A00];
	v2 =	vadd.f32 v10, v2;
	v4 =	vmul.f32 v10, v10;
	v7 =	vmul.f32 $5.000000000e-01, v7  }
0x71: {  	v55 =	vld [tilespmem:s21+$0x5A00];
	v0 =	vadd.f32 v11, v0;
	v1 =	vadd.f32 v6, v1;
	v6 =	vmul.f32 v6, v6  }
0x72: {  	v56 =	vld [tilespmem:s19+$0x13A00];
	v9 =	vmul.f32 v54, v54;
	v4 =	vadd.f32 v4, v12;
	v2 =	vadd.f32 v54, v2;
	[tilespmem:s20+$0x1D400] =	vst v7  }
0x73: {  	v7 =	vld [tilespmem:s21+$0x6A00];
	v0 =	vadd.f32 v6, v0;
	v1 =	vadd.f32 v5, v1;
	v5 =	vmul.f32 v5, v5  }
0x74: {  	v6 =	vmul.f32 v8, v8;
	v4 =	vadd.f32 v9, v4;
	v2 =	vadd.f32 v8, v2;
	v8 =	vld [tilespmem:s19+$0x14A00]  }
0x75: {  	v57 =	vld [tilespmem:s21+$0x7A00];
	v0 =	vadd.f32 v5, v0;
	v1 =	vadd.f32 v3, v1;
	v3 =	vmul.f32 v3, v3  }
0x76: {  	v5 =	vmul.f32 v55, v55;
	v4 =	vadd.f32 v6, v4;
	v2 =	vadd.f32 v55, v2;
	v6 =	vld [tilespmem:s19+$0x15A00]  }
0x77: {  	v58 =	vld [tilespmem:s21+$0x8A00];
	v0 =	vadd.f32 v3, v0;
	v1 =	vadd.f32 v56, v1;
	v3 =	vmul.f32 v56, v56  }
0x78: {  	v4 =	vadd.f32 v5, v4;
	v2 =	vadd.f32 v7, v2;
	v5 =	vmul.f32 v7, v7;
	v7 =	vld [tilespmem:s19+$0x16A00]  }
0x79: {  	v59 =	vld [tilespmem:s21+$0x9A00];
	v0 =	vadd.f32 v3, v0;
	v1 =	vadd.f32 v8, v1;
	v3 =	vmul.f32 v8, v8  }
0x7a: {  	v8 =	vld [tilespmem:s19+$0x17A00];
	v4 =	vadd.f32 v5, v4;
	v2 =	vadd.f32 v57, v2;
	v5 =	vmul.f32 v57, v57  }
0x7b: {  	v60 =	vld [tilespmem:s21+$0xAA00];
	v0 =	vadd.f32 v3, v0;
	v1 =	vadd.f32 v6, v1;
	v3 =	vmul.f32 v6, v6  }
0x7c: {  	v6 =	vld [tilespmem:s19+$0x18A00];
	v4 =	vadd.f32 v5, v4;
	v2 =	vadd.f32 v58, v2;
	v5 =	vmul.f32 v58, v58  }
0x7d: {  	v61 =	vld [tilespmem:s21+$0xBA00];
	v0 =	vadd.f32 v3, v0;
	v1 =	vadd.f32 v7, v1;
	v3 =	vmul.f32 v7, v7  }
0x7e: {  	v7 =	vld [tilespmem:s19+$0x19A00];
	v4 =	vadd.f32 v5, v4;
	v2 =	vadd.f32 v59, v2;
	v5 =	vmul.f32 v59, v59  }
0x7f: {  	v62 =	vld [tilespmem:s21+$0xCA00];
	v0 =	vadd.f32 v3, v0;
	v1 =	vadd.f32 v8, v1;
	v3 =	vmul.f32 v8, v8  }
0x80: {  	v8 =	vld [tilespmem:s19+$0x1AA00];
	v4 =	vadd.f32 v5, v4;
	v2 =	vadd.f32 v60, v2;
	v5 =	vmul.f32 v60, v60  }
0x81: {  	v63 =	vld [tilespmem:s21+$0xDA00];
	v0 =	vadd.f32 v3, v0;
	v1 =	vadd.f32 v6, v1;
	v3 =	vmul.f32 v6, v6  }
0x82: {  	v4 =	vadd.f32 v5, v4;
	v2 =	vadd.f32 v61, v2;
	v5 =	vmul.f32 v61, v61  }
0x83: {  	v6 =	vld [tilespmem:s21+$0xEA00];
	v0 =	vadd.f32 v3, v0;
	v1 =	vadd.f32 v7, v1;
	v3 =	vmul.f32 v7, v7  }
0x84: {  	v4 =	vadd.f32 v5, v4;
	v2 =	vadd.f32 v62, v2;
	v5 =	vmul.f32 v62, v62  }
0x85: {  	v7 =	vld [tilespmem:s21+$0xFA00];
	v0 =	vadd.f32 v3, v0;
	v1 =	vadd.f32 v8, v1;
	v3 =	vmul.f32 v8, v8  }
0x86: {  	v4 =	vadd.f32 v5, v4;
	v2 =	vadd.f32 v63, v2;
	v5 =	vmul.f32 v63, v63  }
0x87: {  	v8 =	vld [tilespmem:s21+$0x10A00];
	v0 =	vadd.f32 v3, v0;
	v1 =	vmul.f32 v1, v1  }
0x88: {  	v3 =	vadd.f32 v5, v4;
	v2 =	vadd.f32 v6, v2;
	v4 =	vmul.f32 v6, v6  }
0x89: {  	v5 =	vld [tilespmem:s21+$0x11A00];
	v0 =	vsub.f32 v1, v0  }
0x8a: {  	v1 =	vmul.f32 v7, v7;
	v3 =	vadd.f32 v4, v3;
	v2 =	vadd.f32 v7, v2  }
0x8b: {  	v4 =	vld [tilespmem:s21+$0x12A00];
	v0 =	vmul.f32 $5.000000000e-01, v0  }
0x8c: {  	v1 =	vadd.f32 v1, v3;
	v2 =	vadd.f32 v8, v2;
	v3 =	vmul.f32 v8, v8  }
0x8d: {  	v6 =	vld [tilespmem:s21+$0x13A00]  }
0x8e: {  	[tilespmem:s19+$0x1D400] =	vst v0;
	v0 =	vadd.f32 v3, v1;
	v1 =	vadd.f32 v5, v2;
	v2 =	vmul.f32 v5, v5  }
0x8f: {  	v3 =	vld [tilespmem:s21+$0x14A00]  }
0x90: {  	v0 =	vadd.f32 v2, v0;
	v1 =	vadd.f32 v4, v1;
	v2 =	vmul.f32 v4, v4  }
0x91: {  	v4 =	vld [tilespmem:s21+$0x15A00]  }
0x92: {  	v0 =	vadd.f32 v2, v0;
	v1 =	vadd.f32 v6, v1;
	v2 =	vmul.f32 v6, v6  }
0x93: {  	v5 =	vld [tilespmem:s21+$0x16A00]  }
0x94: {  	v0 =	vadd.f32 v2, v0;
	v1 =	vadd.f32 v3, v1;
	v2 =	vmul.f32 v3, v3  }
0x95: {  	v3 =	vld [tilespmem:s21+$0x17A00]  }
0x96: {  	v0 =	vadd.f32 v2, v0;
	v1 =	vadd.f32 v4, v1;
	v2 =	vmul.f32 v4, v4  }
0x97: {  	v4 =	vld [tilespmem:s21+$0x18A00]  }
0x98: {  	v0 =	vadd.f32 v2, v0;
	v1 =	vadd.f32 v5, v1;
	v2 =	vmul.f32 v5, v5  }
0x99: {  	v5 =	vld [tilespmem:s21+$0x19A00]  }
0x9a: {  	v0 =	vadd.f32 v2, v0;
	v1 =	vadd.f32 v3, v1;
	v2 =	vmul.f32 v3, v3  }
0x9b: {  	v3 =	vld [tilespmem:s21+$0x1AA00]  }
0x9c: {  	v0 =	vadd.f32 v2, v0;
	v1 =	vadd.f32 v4, v1;
	v2 =	vmul.f32 v4, v4;
	_ =	sdelay $0x1  }
0x9d: {  	v0 =	vadd.f32 v2, v0;
	v1 =	vadd.f32 v5, v1;
	v2 =	vmul.f32 v5, v5;
	_ =	sdelay $0x1  }
0x9e: {  	v0 =	vadd.f32 v2, v0;
	v1 =	vadd.f32 v3, v1;
	v2 =	vmul.f32 v3, v3;
	_ =	sdelay $0x1  }
0x9f: {  	v0 =	vadd.f32 v2, v0;
	v1 =	vmul.f32 v1, v1;
	_ =	sdelay $0x1  }
0xa0: {  	v0 =	vsub.f32 v1, v0;
	_ =	sdelay $0x1  }
0xa1: {  	v0 =	vmul.f32 $5.000000000e-01, v0;
	_ =	sdelay $0x1  }
0xa2: {  	[tilespmem:s21+$0x1D400] =	vst v0  }
0xa3: {  	_ =	swait.ge [sflag:s14], $0x1A00  }
0xa4: {  	[sflag:s14] =	ssyncset.done $0x0  }
0xa5: {  	s20 =	simm.s32 $0x0;
	[sflag:s14] =	ssyncadd.s32 $0xFFFFE600  }
0xa6: {  	v0 =	vld [tilespmem:s20+$0x1BA00]  }
0xa7: {  	v1 =	vld [tilespmem:s20+$0x1BB00];
	_ =	sdelay $0x1  }
0xa8: {  	v2 =	vld [tilespmem:s20+$0x1BC00];
	_ =	sdelay $0x1  }
0xa9: {  	v3 =	vld [tilespmem:s20+$0x1BD00]  }
0xaa: {  	v0 =	vadd.f32 v1, v0  }
0xab: {  	v1 =	vld [tilespmem:s20+$0x1BE00]  }
0xac: {  	v0 =	vadd.f32 v2, v0  }
0xad: {  	v2 =	vld [tilespmem:s20+$0x1BF00]  }
0xae: {  	v0 =	vadd.f32 v3, v0  }
0xaf: {  	v3 =	vld [tilespmem:s20+$0x1C000]  }
0xb0: {  	v0 =	vadd.f32 v1, v0  }
0xb1: {  	v1 =	vld [tilespmem:s20+$0x1C100]  }
0xb2: {  	v0 =	vadd.f32 v2, v0  }
0xb3: {  	v2 =	vld [tilespmem:s20+$0x1C200]  }
0xb4: {  	v0 =	vadd.f32 v3, v0  }
0xb5: {  	v3 =	vld [tilespmem:s20+$0x1C300]  }
0xb6: {  	v0 =	vadd.f32 v1, v0  }
0xb7: {  	v1 =	vld [tilespmem:s20+$0x1C400]  }
0xb8: {  	v0 =	vadd.f32 v2, v0  }
0xb9: {  	v2 =	vld [tilespmem:s20+$0x1C500]  }
0xba: {  	v0 =	vadd.f32 v3, v0  }
0xbb: {  	v3 =	vld [tilespmem:s20+$0x1C600]  }
0xbc: {  	s19 =	simm.s32 $0x10;
	v4 =	vld [tilespmem:s20+$0x1C700];
	v0 =	vadd.f32 v1, v0  }
0xbd: {  	v5 =	vld [tilespmem:s19+$0x1BA00]  }
0xbe: {  	v1 =	vld [tilespmem:s20+$0x1C800];
	v0 =	vadd.f32 v2, v0  }
0xbf: {  	v2 =	vld [tilespmem:s19+$0x1BB00]  }
0xc0: {  	v6 =	vld [tilespmem:s19+$0x1BC00];
	v0 =	vadd.f32 v3, v0  }
0xc1: {  	v3 =	vld [tilespmem:s20+$0x1C900]  }
0xc2: {  	v7 =	vld [tilespmem:s19+$0x1BD00];
	v0 =	vadd.f32 v4, v0  }
0xc3: {  	v4 =	vld [tilespmem:s20+$0x1CA00]  }
0xc4: {  	v2 =	vadd.f32 v2, v5;
	v5 =	vld [tilespmem:s19+$0x1BE00];
	v0 =	vadd.f32 v1, v0  }
0xc5: {  	v1 =	vld [tilespmem:s20+$0x1CB00]  }
0xc6: {  	v2 =	vadd.f32 v6, v2;
	v6 =	vld [tilespmem:s19+$0x1BF00];
	v0 =	vadd.f32 v3, v0  }
0xc7: {  	v3 =	vld [tilespmem:s20+$0x1CC00]  }
0xc8: {  	v2 =	vadd.f32 v7, v2;
	v7 =	vld [tilespmem:s19+$0x1C000];
	v0 =	vadd.f32 v4, v0  }
0xc9: {  	v4 =	vld [tilespmem:s20+$0x1CD00]  }
0xca: {  	v2 =	vadd.f32 v5, v2;
	v5 =	vld [tilespmem:s19+$0x1C100];
	v0 =	vadd.f32 v1, v0  }
0xcb: {  	v1 =	vld [tilespmem:s20+$0x1CE00]  }
0xcc: {  	v2 =	vadd.f32 v6, v2;
	v6 =	vld [tilespmem:s19+$0x1C200];
	v0 =	vadd.f32 v3, v0  }
0xcd: {  	v3 =	vld [tilespmem:s20+$0x1CF00]  }
0xce: {  	v2 =	vadd.f32 v7, v2;
	v7 =	vld [tilespmem:s19+$0x1C300];
	v0 =	vadd.f32 v4, v0  }
0xcf: {  	v4 =	vld [tilespmem:s20+$0x1D000]  }
0xd0: {  	v2 =	vadd.f32 v5, v2;
	v5 =	vld [tilespmem:s19+$0x1C400];
	v0 =	vadd.f32 v1, v0  }
0xd1: {  	v1 =	vld [tilespmem:s20+$0x1D100]  }
0xd2: {  	v8 =	vld [tilespmem:s19+$0x1C500];
	v2 =	vadd.f32 v6, v2;
	v0 =	vadd.f32 v3, v0  }
0xd3: {  	v6 =	vld [tilespmem:s20+$0x1D200]  }
0xd4: {  	v3 =	vld [tilespmem:s19+$0x1C600];
	v7 =	vadd.f32 v7, v2;
	v4 =	vadd.f32 v4, v0  }
0xd5: {  	v2 =	vld [tilespmem:s20+$0x1D300]  }
0xd6: {  	v0 =	vld [tilespmem:s19+$0x1C800];
	v5 =	vadd.f32 v5, v7;
	v7 =	vadd.f32 v1, v4  }
0xd7: {  	s21 =	simm.s32 $0x20;
	v4 =	vld [tilespmem:s19+$0x1C700]  }
0xd8: {  	s22 =	simm.s32 $0xC0;
	v1 =	vld [tilespmem:s21+$0x1BA00];
	v5 =	vadd.f32 v8, v5;
	v6 =	vadd.f32 v6, v7  }
.LBB2_5:
0xd9: {  	p1 =	sne.s32 s22, $0x3C0;
	v7 =	vld [tilespmem:s21+$0x1BB00]  }
0xda: {  	v3 =	vadd.f32 v3, v5;
	v5 =	vld [tilespmem:s19+$0x1C900];
	v2 =	vadd.f32 v2, v6  }
0xdb: {  	v6 =	vld [tilespmem:s21+$0x1BC00]  }
0xdc: {  	v3 =	vadd.f32 v4, v3;
	v4 =	vld [tilespmem:s19+$0x1CA00];
	[tilespmem:s20+$0x1E400] =	vst v2;
	s20 =	smov.u32 s19;
	s19 =	smov.u32 s21  }
0xdd: {  	v2 =	vld [tilespmem:s19+$0x1BD00]  }
0xde: {  	v1 =	vadd.f32 v7, v1;
	v0 =	vadd.f32 v0, v3;
	v3 =	vld [tilespmem:s20+$0x1CB00]  }
0xdf: {  	v7 =	vld [tilespmem:s19+$0x1BE00]  }
0xe0: {  	v1 =	vadd.f32 v6, v1;
	v0 =	vadd.f32 v5, v0;
	v5 =	vld [tilespmem:s20+$0x1CC00]  }
0xe1: {  	v6 =	vld [tilespmem:s19+$0x1BF00]  }
0xe2: {  	v1 =	vadd.f32 v2, v1;
	v0 =	vadd.f32 v4, v0;
	v2 =	vld [tilespmem:s20+$0x1CD00]  }
0xe3: {  	v4 =	vld [tilespmem:s19+$0x1C000]  }
0xe4: {  	v1 =	vadd.f32 v7, v1;
	v0 =	vadd.f32 v3, v0;
	v3 =	vld [tilespmem:s20+$0x1CE00]  }
0xe5: {  	v7 =	vld [tilespmem:s19+$0x1C100]  }
0xe6: {  	v1 =	vadd.f32 v6, v1;
	v0 =	vadd.f32 v5, v0;
	v5 =	vld [tilespmem:s20+$0x1CF00]  }
0xe7: {  	v6 =	vld [tilespmem:s19+$0x1C200]  }
0xe8: {  	v1 =	vadd.f32 v4, v1;
	v0 =	vadd.f32 v2, v0;
	v2 =	vld [tilespmem:s20+$0x1D000]  }
0xe9: {  	v4 =	vld [tilespmem:s19+$0x1C300]  }
0xea: {  	v1 =	vadd.f32 v7, v1;
	v0 =	vadd.f32 v3, v0;
	v7 =	vld [tilespmem:s20+$0x1D100]  }
0xeb: {  	v8 =	vld [tilespmem:s19+$0x1C400]  }
0xec: {  	v1 =	vadd.f32 v6, v1;
	v0 =	vadd.f32 v5, v0;
	v6 =	vld [tilespmem:s20+$0x1D200]  }
0xed: {  	v5 =	vld [tilespmem:s19+$0x1C500]  }
.Ltmp1:
0xee: {  	v1 =	vadd.f32 v4, v1;
	v4 =	vadd.f32 v2, v0;
	v2 =	vld [tilespmem:s20+$0x1D300];
	(pc) =	sbr.rel @p1 .LBB2_5-.Ltmp1, $4  }
0xef: {  	v3 =	vld [tilespmem:s19+$0x1C600]  }
0xf0: {  	v8 =	vadd.f32 v8, v1;
	v0 =	vld [tilespmem:s19+$0x1C800];
	v7 =	vadd.f32 v7, v4  }
0xf1: {  	s21 =	sshra.s32 s22, $0x2;
	v4 =	vld [tilespmem:s19+$0x1C700]  }
0xf2: {  	s22 =	sadd.s32 $0x40, s22;
	v1 =	vld [tilespmem:s21+$0x1BA00];
	v5 =	vadd.f32 v5, v8;
	v6 =	vadd.f32 v6, v7  }
0xf3: {  	v7 =	vld [tilespmem:s21+$0x1BB00]  }
0xf4: {  	v8 =	vld [tilespmem:s19+$0x1C900];
	v2 =	vadd.f32 v2, v6  }
0xf5: {  	v31 =	vld [tilespmem:s21+$0x1BC00]  }
0xf6: {  	v9 =	vld [tilespmem:s19+$0x1CA00];
	v3 =	vadd.f32 v3, v5;
	[tilespmem:s20+$0x1E400] =	vst v2  }
0xf7: {  	v2 =	vld [tilespmem:s21+$0x1BD00]  }
0xf8: {  	v3 =	vadd.f32 v4, v3;
	v1 =	vadd.f32 v7, v1  }
0xf9: {  	v32 =	vld [tilespmem:s21+$0x1BE00]  }
0xfa: {  	v33 =	vld [tilespmem:s19+$0x1CB00];
	v0 =	vadd.f32 v0, v3;
	v1 =	vadd.f32 v31, v1  }
0xfb: {  	v34 =	vld [tilespmem:s21+$0x1BF00]  }
0xfc: {  	v35 =	vld [tilespmem:s19+$0x1CC00];
	v0 =	vadd.f32 v8, v0;
	v1 =	vadd.f32 v2, v1  }
0xfd: {  	v36 =	vld [tilespmem:s21+$0x1C000]  }
0xfe: {  	v37 =	vld [tilespmem:s19+$0x1CD00];
	v0 =	vadd.f32 v9, v0;
	v1 =	vadd.f32 v32, v1  }
0xff: {  	v38 =	vld [tilespmem:s21+$0x1C100]  }
0x100: {  	v39 =	vld [tilespmem:s19+$0x1CE00];
	v0 =	vadd.f32 v33, v0;
	v1 =	vadd.f32 v34, v1  }
0x101: {  	v40 =	vld [tilespmem:s21+$0x1C200]  }
0x102: {  	v41 =	vld [tilespmem:s19+$0x1CF00];
	v0 =	vadd.f32 v35, v0;
	v1 =	vadd.f32 v36, v1  }
0x103: {  	v42 =	vld [tilespmem:s21+$0x1C300]  }
0x104: {  	v43 =	vld [tilespmem:s19+$0x1D000];
	v0 =	vadd.f32 v37, v0;
	v1 =	vadd.f32 v38, v1  }
0x105: {  	v44 =	vld [tilespmem:s21+$0x1C400]  }
0x106: {  	v45 =	vld [tilespmem:s19+$0x1D100];
	v0 =	vadd.f32 v39, v0;
	v1 =	vadd.f32 v40, v1  }
0x107: {  	v46 =	vld [tilespmem:s21+$0x1C500]  }
0x108: {  	v47 =	vld [tilespmem:s19+$0x1D200];
	v0 =	vadd.f32 v41, v0;
	v1 =	vadd.f32 v42, v1  }
0x109: {  	v48 =	vld [tilespmem:s21+$0x1C600]  }
0x10a: {  	v49 =	vld [tilespmem:s19+$0x1D300];
	v0 =	vadd.f32 v43, v0;
	v1 =	vadd.f32 v44, v1  }
0x10b: {  	v50 =	vld [tilespmem:s21+$0x1C700]  }
0x10c: {  	v0 =	vadd.f32 v45, v0;
	v1 =	vadd.f32 v46, v1  }
0x10d: {  	v51 =	vld [tilespmem:s21+$0x1C800]  }
0x10e: {  	v0 =	vadd.f32 v47, v0;
	v1 =	vadd.f32 v48, v1  }
0x10f: {  	v52 =	vld [tilespmem:s21+$0x1C900]  }
0x110: {  	v0 =	vadd.f32 v49, v0;
	v1 =	vadd.f32 v50, v1  }
0x111: {  	v53 =	vld [tilespmem:s21+$0x1CA00]  }
0x112: {  	[tilespmem:s19+$0x1E400] =	vst v0;
	v54 =	vadd.f32 v51, v1  }
0x113: {  	v55 =	vld [tilespmem:s21+$0x1CB00]  }
0x114: {  	v0 =	vadd.f32 v52, v54  }
0x115: {  	v56 =	vld [tilespmem:s21+$0x1CC00]  }
0x116: {  	v0 =	vadd.f32 v53, v0  }
0x117: {  	v57 =	vld [tilespmem:s21+$0x1CD00]  }
0x118: {  	v0 =	vadd.f32 v55, v0  }
0x119: {  	v58 =	vld [tilespmem:s21+$0x1CE00]  }
0x11a: {  	v0 =	vadd.f32 v56, v0  }
0x11b: {  	v59 =	vld [tilespmem:s21+$0x1CF00]  }
0x11c: {  	v0 =	vadd.f32 v57, v0  }
0x11d: {  	v60 =	vld [tilespmem:s21+$0x1D000]  }
0x11e: {  	v0 =	vadd.f32 v58, v0  }
0x11f: {  	v61 =	vld [tilespmem:s21+$0x1D100]  }
0x120: {  	v0 =	vadd.f32 v59, v0  }
0x121: {  	v62 =	vld [tilespmem:s21+$0x1D200]  }
0x122: {  	v0 =	vadd.f32 v60, v0  }
0x123: {  	v63 =	vld [tilespmem:s21+$0x1D300]  }
0x124: {  	v0 =	vadd.f32 v61, v0;
	_ =	sdelay $0x1  }
0x125: {  	v0 =	vadd.f32 v62, v0;
	_ =	sdelay $0x1  }
0x126: {  	v0 =	vadd.f32 v63, v0  }
0x127: {  	s30 =	sshll.u32 s18, $0x1  }
0x128: {  	s19 =	sadd.s32 s7, s30;
	[tilespmem:s21+$0x1E400] =	vst v0  }
0x129: {  	[hbm4b:s19+s2] =	stream.linear.scatter [tilespmem:s15], [sflag:$0x3], $0x1000, $0x38;
	[tilespmem:$0x1E500] =	vst v63  }
0x12a: {  	_ =	swait.ge [sflag:s10], $0x1000  }
0x12b: {  	s31 =	sshrl.u32 s18, $0x3;
	[sflag:s10] =	ssyncset.done $0x0  }
.Ltmp2:
0x12c: {  	s18 =	sadd.s32 s1, s31;
	[sflag:s10] =	ssyncadd.s32 $0xFFFFF000;
	(pc) =	sbr.rel @p0 .LBB2_2-.Ltmp2, $4  }
0x12d: {  	[hbm4b:s18+s2] =	stream.linear.scatter [tilespmem:s16], [sflag:$0x3], $0x100, $0x38;
	[tilespmem:$0x1E500] =	vst v63  }
0x12e: {  	_ =	swait.ge [sflag:s10], $0x100  }
0x12f: {  	[sflag:s10] =	ssyncset.done $0x0  }
0x130: {  	p1 =	por $0x0, $0x0;
	s18 =	simm.s32 $0x100;
	[sflag:s10] =	ssyncadd.s32 $0xFFFFFF00  }
0x131: {  	s17 =	sadd.s32 $0x1, s17  }
0x132: {  	p0 =	sne.s32 s17, s9  }
.Ltmp3:
0x133: {  	_ = 	snop;
	(pc) =	sbr.rel @p0 .LBB2_1-.Ltmp3, $1  }
0x134: {  	_ =	sdelay $0x3  }
0x135: {  	_ =	sfence.sel $0x180000  }
0x136: {  	[bflag:$0x0] =	sbarrier.arrive $0xFFFF  }
0x137: {  	p0 =	sne.s32 s3, $0x0;
	_ =	strace $0x9000004A  }
0x138: {  	s0 =	sadd.s32 @!p0 $0x100000, s0;
	[bflag:$0x2] =	sbarrier.arrive $0xFFFF  }
0x139: {  	[sflag:s0] =	ssyncadd.tile.s32 @!p0 $0x1;
	_ =	shalt  }
.Lfunc_end2:
_tile_overlayer_lowered:
.L_overlay_start_2:
0x13a: {  	(tag) =	ssettag $0x2  }
0x13b: {  	s0 =	rddreg [dreg:$0x0];
	s2 =	stileid.u32  }
0x13c: {  	s1 =	rddreg [dreg:$0x1];
	p0 =	sne.s32 s2, $0x0  }
0x13d: {  	s3 =	rddreg [dreg:$0x2];
	[bflag:$0x3] =	sbarrier.arrive $0xFFFF;
	s2 =	simm.s32 @!p0 $0x1C03  }
0x13e: {  	[timem:s3], [sflag:s2] =	dma.local @!p0 [hbm:s0], s1  }
0x13f: {  	s0 =	simm.s32 @!p0 $0x3  }
0x140: {  	_ =	swait.ge @!p0 [sflag:s0], s1  }
0x141: {  	s1 =	ssub.s32 @!p0 $0x0, s1;
	[sflag:s0] =	ssyncset.done @!p0 $0x0  }
0x142: {  	[sflag:s0] =	ssyncadd.s32 @!p0 s1  }
0x143: {  	[bflag:$0x3] =	sbarrier.arrive $0xFFFF  }
0x144: {  	_ =	shalt  }

</sc_bundles>
